<compile_context>
chip_gen: v7x
topology: tpu7x:2x2x1
jax: 0.10.2.dev20260603
libtpu: 0.0.44.dev20260713+nightly
codegen_flags: <defaults>
</compile_context>

<pallas_src>
import functools

import jax
import jax.numpy as jnp
from jax import lax
from jax.experimental import pallas as pl
from jax.experimental.pallas import tpu as pltpu
from jax.experimental.pallas import tpu_sc as plsc

N = 20000
PL = 20480
ROWS = 8
COLS = 4096
NPAD = ROWS * COLS
NC = 80
MAX_WH = 7680.0
GB = 20480
GCHUNK = 128
GROWS = GB // GCHUNK
W_CHUNKS = 5


def _roll1(a, s):
    s %= COLS
    if s == 0:
        return a
    return jnp.concatenate([a[:, COLS - s:], a[:, :COLS - s]], axis=1)


def _roll0(a, s):
    s %= ROWS
    if s == 0:
        return a
    return jnp.concatenate([a[ROWS - s:, :], a[:ROWS - s, :]], axis=0)


def _sort_kernel(x_ref, tbl_ref, idx_ref):
    x = x_ref[...]
    cls = x[4:84, :]
    conf = jnp.max(cls, axis=0, keepdims=True)
    row80 = lax.broadcasted_iota(jnp.int32, (NC, PL), 0).astype(jnp.float32)
    j = jnp.min(jnp.where(cls == conf, row80, 1e9), axis=0, keepdims=True)
    xy = x[0:2, :]
    half = x[2:4, :] * 0.5
    box = jnp.concatenate([xy - half, xy + half], axis=0)
    boxes = box + j * MAX_WH
    tbl_ref[...] = jnp.concatenate(
        [box, conf, j, boxes, jnp.zeros((6, PL), jnp.float32)], axis=0)

    lane = lax.broadcasted_iota(jnp.int32, (1, PL), 1)
    confm = jnp.where(lane < N, conf, -jnp.inf)
    parts = [confm[:, r * COLS:(r + 1) * COLS] for r in range(5)]
    parts.extend(jnp.full((1, COLS), -jnp.inf, jnp.float32) for _ in range(3))
    kk = jnp.concatenate(parts, axis=0)
    li = (COLS * lax.broadcasted_iota(jnp.int32, (ROWS, COLS), 0)
          + lax.broadcasted_iota(jnp.int32, (ROWS, COLS), 1))
    vv = li.astype(jnp.float32)

    for m in range(1, 16):
        k = 1 << m
        for t in range(m):
            jd = k >> (t + 1)
            if jd < COLS:
                up_k, dn_k = _roll1(kk, -jd), _roll1(kk, jd)
                up_v, dn_v = _roll1(vv, -jd), _roll1(vv, jd)
            else:
                sr = jd // COLS
                up_k, dn_k = _roll0(kk, -sr), _roll0(kk, sr)
                up_v, dn_v = _roll0(vv, -sr), _roll0(vv, sr)
            is_up = (li & jd) != 0
            flip = (li & k) != 0
            pk = jnp.where(is_up, dn_k, up_k)
            pv = jnp.where(is_up, dn_v, up_v)
            before = (pk > kk) | ((pk == kk) & (pv < vv))
            take = before ^ is_up ^ flip
            kk = jnp.where(take, pk, kk)
            vv = jnp.where(take, pv, vv)

    idx_ref[...] = jnp.minimum(vv.astype(jnp.int32), N - 1)


def _sc_gather(table_t, idx_rows):
    mesh = plsc.VectorSubcoreMesh(core_axis_name="c", subcore_axis_name="s")

    @functools.partial(
        pl.kernel, mesh=mesh,
        out_type=jax.ShapeDtypeStruct((GB, 16), jnp.float32),
        compiler_params=pltpu.CompilerParams(use_tc_tiling_on_sc=False),
        scratch_types=[
            pltpu.VMEM((GCHUNK,), jnp.int32),
            pltpu.VMEM((GCHUNK, 16), jnp.float32),
            pltpu.SemaphoreType.DMA,
        ],
    )
    def gather(tbl_hbm, idx_hbm, out_hbm, idx_v, rows_v, sem):
        w = lax.axis_index("s") * 2 + lax.axis_index("c")
        for r in range(W_CHUNKS):
            row = w * W_CHUNKS + r
            pltpu.sync_copy(idx_hbm.at[row], idx_v)
            pltpu.async_copy(tbl_hbm.at[idx_v], rows_v, sem).wait()
            pltpu.sync_copy(rows_v, out_hbm.at[pl.ds(row * GCHUNK, GCHUNK)])

    return gather(table_t, idx_rows)


def kernel(input_tensor, conf_thres=0.25):
    del conf_thres
    xin = jnp.pad(input_tensor[0], ((0, 0), (0, PL - N)))
    table, sidx = pl.pallas_call(
        _sort_kernel,
        out_shape=[jax.ShapeDtypeStruct((16, PL), jnp.float32),
                   jax.ShapeDtypeStruct((ROWS, COLS), jnp.int32)],
        grid=(1,),
        in_specs=[pl.BlockSpec((84, PL), lambda i: (0, 0))],
        out_specs=[pl.BlockSpec((16, PL), lambda i: (0, 0)),
                   pl.BlockSpec((ROWS, COLS), lambda i: (0, 0))],
    )(xin)
    table_t = table[:, :N].T
    idx_rows = sidx.reshape(NPAD)[:GB].reshape(GROWS, GCHUNK)
    g = _sc_gather(table_t, idx_rows)
    x = g[:N, 0:6]
    boxes = g[:N, 6:10]
    scores = g[:N, 4]
    return (x, boxes, scores)

# --- scband reference (transcript-rebuilt; emitter-appended) ---
"""Pipeline reference for scband-wrapper-model2-22462678958524 (READ-ONLY COPY).

The authoritative reference and input builder live on the scoring server;
editing this copy changes nothing except your own understanding.
"""

import jax, jax.numpy as jnp
import numpy as np


def xywh2xyxy(x):
    x1 = x[..., 0] - x[..., 2] / 2
    y1 = x[..., 1] - x[..., 3] / 2
    x2 = x[..., 0] + x[..., 2] / 2
    y2 = x[..., 1] + x[..., 3] / 2
    return jnp.stack([x1, y1, x2, y2], axis=-1)


def setup_inputs(seed: int = 0) -> dict:
    key = jax.random.key(seed)
    # wrapped torchscript model is treated as identity: input_tensor IS the raw prediction
    pred = jax.random.normal(key, (16, 84, 20000), dtype=jnp.float32)
    # shift the first class logit up so every anchor deterministically passes conf_thres=0.25
    pred = pred.at[:, 4, :].add(5.0)
    return {"input_tensor": pred, "conf_thres": jnp.asarray(0.25, dtype=jnp.float32)}


def reference(input_tensor, conf_thres=0.25):
    max_nms = 30000
    max_wh = 7680
    agnostic = False
    prediction = input_tensor  # model = identity
    bs = prediction.shape[0]
    nc = prediction.shape[1] - 4
    nm = prediction.shape[1] - nc - 4
    mi = 4 + nc
    xc = jnp.max(prediction[:, 4:mi], axis=1) > conf_thres  # [bs, N]
    for xi in range(bs):
        x = prediction[xi].T  # [N, 4+nc+nm]
        sel = jnp.argsort(jnp.logical_not(xc[xi]), stable=True)
        x = x[sel]
        if x.shape[0] == 0:
            continue
        box = x[:, :4]
        cls = x[:, 4:4 + nc]
        mask = x[:, 4 + nc:]
        box = xywh2xyxy(box)
        conf = jnp.max(cls, axis=1, keepdims=True)
        j = jnp.argmax(cls, axis=1)[:, None].astype(jnp.float32)
        x = jnp.concatenate([box, conf, j, mask], axis=1)
        keep = conf.reshape(-1) > conf_thres
        keep_sel = jnp.argsort(jnp.logical_not(keep), stable=True)
        x = x[keep_sel]
        n = x.shape[0]
        if n == 0:
            continue
        order = jnp.argsort(-x[:, 4])[:max_nms]
        x = x[order]
        c = x[:, 5:6] * (0 if agnostic else max_wh)
        boxes = x[:, :4] + c
        scores = x[:, 4]
        return (x, boxes, scores)
    return (jnp.zeros((0, 6 + nm), dtype=jnp.float32),
            jnp.zeros((0, 4), dtype=jnp.float32),
            jnp.zeros((0,), dtype=jnp.float32))

if __name__ == "__main__":
    import jax
    _d = setup_inputs()
    print(jax.jit(kernel)(*tuple(_d.values())))

</pallas_src>

<mosaic_0001>
#map = affine_map<(d0, d1) -> (0, 0)>
module attributes {stable_mosaic.version = 14 : i64} {
  func.func @gather(%arg0: i32, %arg1: i32, %arg2: memref<20000x16xf32, #tpu.memory_space<hbm>>, %arg3: memref<160x128xi32, #tpu.memory_space<hbm>>, %arg4: memref<20480x16xf32, #tpu.memory_space<hbm>>, %arg5: memref<128xi32, #tpu.memory_space<vmem>>, %arg6: memref<128x16xf32, #tpu.memory_space<vmem>>, %arg7: memref<!tpu.dma_semaphore, #tpu.memory_space<semaphore_mem>>) attributes {dimension_semantics = [#tpu.dimension_semantics<core_parallel>, #tpu.dimension_semantics<subcore_parallel>], iteration_bounds = array<i64: 2, 16>, scalar_prefetch = 0 : i64, scratch_operands = 3 : i64, tpu.core_type = #tpu.core_type<sc_vector_subcore>, window_params = [{transform_indices = #map}, {transform_indices = #map}, {transform_indices = #map}]} {
    %mul3A = arith.constant 2 : i32
    %mul3A_0 = arith.muli %arg1, %mul3A : i32
    %add3A = arith.addi %mul3A_0, %arg0 : i32
    %mul3A_1 = arith.constant 5 : i32
    %mul3A_2 = arith.muli %add3A, %mul3A_1 : i32
    %add3A_3 = arith.constant 0 : i32
    %add3A_4 = arith.addi %mul3A_2, %add3A_3 : i32
    "tpu.region"() ({
      %run_scoped3A = tpu.sem_alloc : memref<!tpu.dma_semaphore, #tpu.memory_space<semaphore_mem>>
      %dma_start3A_59 = arith.constant 0 : i32
      %dma_start3A_60 = tpu.memref_slice %arg3[%add3A_4, %dma_start3A_59] : memref<160x128xi32, #tpu.memory_space<hbm>> -> memref<1x128xi32, #tpu.memory_space<hbm>>
      %dma_start3A_61 = tpu.memref_squeeze %dma_start3A_60 : memref<1x128xi32, #tpu.memory_space<hbm>> -> memref<128xi32, #tpu.memory_space<hbm>>
      %dma_start3A_62 = arith.constant 0 : i32
      %dma_start3A_63 = tpu.memref_slice %arg3[%add3A_4, %dma_start3A_62] : memref<160x128xi32, #tpu.memory_space<hbm>> -> memref<1x128xi32, #tpu.memory_space<hbm>>
      %dma_start3A_64 = tpu.memref_squeeze %dma_start3A_63 : memref<1x128xi32, #tpu.memory_space<hbm>> -> memref<128xi32, #tpu.memory_space<hbm>>
      tpu.enqueue_dma source(%dma_start3A_64 : memref<128xi32, #tpu.memory_space<hbm>>) target(%arg5 : memref<128xi32, #tpu.memory_space<vmem>>) target_semaphore(%run_scoped3A : memref<!tpu.dma_semaphore, #tpu.memory_space<semaphore_mem>>)
      %dma_wait3A_65 = arith.constant 0 : i32
      %dma_wait3A_66 = tpu.memref_slice %arg3[%add3A_4, %dma_wait3A_65] : memref<160x128xi32, #tpu.memory_space<hbm>> -> memref<1x128xi32, #tpu.memory_space<hbm>>
      %dma_wait3A_67 = tpu.memref_squeeze %dma_wait3A_66 : memref<1x128xi32, #tpu.memory_space<hbm>> -> memref<128xi32, #tpu.memory_space<hbm>>
      %dma_wait3A_68 = arith.constant 0 : i32
      %dma_wait3A_69 = tpu.memref_slice %arg3[%add3A_4, %dma_wait3A_68] : memref<160x128xi32, #tpu.memory_space<hbm>> -> memref<1x128xi32, #tpu.memory_space<hbm>>
      %dma_wait3A_70 = tpu.memref_squeeze %dma_wait3A_69 : memref<1x128xi32, #tpu.memory_space<hbm>> -> memref<128xi32, #tpu.memory_space<hbm>>
      tpu.wait_dma2 semaphore(%run_scoped3A : memref<!tpu.dma_semaphore, #tpu.memory_space<semaphore_mem>>) src(%dma_wait3A_70 : memref<128xi32, #tpu.memory_space<hbm>>) dst(%arg5 : memref<128xi32, #tpu.memory_space<vmem>>)
      tpu.yield
    }) : () -> ()
    %dma_start3A = arith.constant 0 : i32
    %dma_start3A_5 = arith.constant 0 : i32
    %dma_start3A_6 = tpu.memref_slice %arg2[%dma_start3A, %dma_start3A_5] : memref<20000x16xf32, #tpu.memory_space<hbm>> -> memref<20000x16xf32, #tpu.memory_space<hbm>>
    tpu.enqueue_indirect_dma source(%dma_start3A_6 : memref<20000x16xf32, #tpu.memory_space<hbm>>) target(%arg6 : memref<128x16xf32, #tpu.memory_space<vmem>>) offsets(%arg5 : memref<128xi32, #tpu.memory_space<vmem>>) semaphore(%arg7 : memref<!tpu.dma_semaphore, #tpu.memory_space<semaphore_mem>>)
    %dma_wait3A = arith.constant 0 : i32
    %dma_wait3A_7 = arith.constant 0 : i32
    %dma_wait3A_8 = tpu.memref_slice %arg2[%dma_wait3A, %dma_wait3A_7] : memref<20000x16xf32, #tpu.memory_space<hbm>> -> memref<20000x16xf32, #tpu.memory_space<hbm>>
    tpu.wait_indirect_dma semaphore(%arg7 : memref<!tpu.dma_semaphore, #tpu.memory_space<semaphore_mem>>) src(%dma_wait3A_8 : memref<20000x16xf32, #tpu.memory_space<hbm>>) dst(%arg6 : memref<128x16xf32, #tpu.memory_space<vmem>>)
    %mul3A_9 = arith.constant 128 : i32
    %mul3A_10 = arith.muli %add3A_4, %mul3A_9 : i32
    "tpu.region"() ({
      %run_scoped3A = tpu.sem_alloc : memref<!tpu.dma_semaphore, #tpu.memory_space<semaphore_mem>>
      %dma_start3A_59 = arith.constant 0 : i32
      %dma_start3A_60 = tpu.memref_slice %arg4[%mul3A_10, %dma_start3A_59] : memref<20480x16xf32, #tpu.memory_space<hbm>> -> memref<128x16xf32, #tpu.memory_space<hbm>>
      %dma_start3A_61 = arith.constant 0 : i32
      %dma_start3A_62 = tpu.memref_slice %arg4[%mul3A_10, %dma_start3A_61] : memref<20480x16xf32, #tpu.memory_space<hbm>> -> memref<128x16xf32, #tpu.memory_space<hbm>>
      tpu.enqueue_dma source(%arg6 : memref<128x16xf32, #tpu.memory_space<vmem>>) target(%dma_start3A_62 : memref<128x16xf32, #tpu.memory_space<hbm>>) target_semaphore(%run_scoped3A : memref<!tpu.dma_semaphore, #tpu.memory_space<semaphore_mem>>)
      %dma_wait3A_63 = arith.constant 0 : i32
      %dma_wait3A_64 = tpu.memref_slice %arg4[%mul3A_10, %dma_wait3A_63] : memref<20480x16xf32, #tpu.memory_space<hbm>> -> memref<128x16xf32, #tpu.memory_space<hbm>>
      %dma_wait3A_65 = arith.constant 0 : i32
      %dma_wait3A_66 = tpu.memref_slice %arg4[%mul3A_10, %dma_wait3A_65] : memref<20480x16xf32, #tpu.memory_space<hbm>> -> memref<128x16xf32, #tpu.memory_space<hbm>>
      tpu.wait_dma2 semaphore(%run_scoped3A : memref<!tpu.dma_semaphore, #tpu.memory_space<semaphore_mem>>) src(%arg6 : memref<128x16xf32, #tpu.memory_space<vmem>>) dst(%dma_wait3A_66 : memref<128x16xf32, #tpu.memory_space<hbm>>)
      tpu.yield
    }) : () -> ()
    %mul3A_11 = arith.constant 5 : i32
    %mul3A_12 = arith.muli %add3A, %mul3A_11 : i32
    %add3A_13 = arith.constant 1 : i32
    %add3A_14 = arith.addi %mul3A_12, %add3A_13 : i32
    "tpu.region"() ({
      %run_scoped3A = tpu.sem_alloc : memref<!tpu.dma_semaphore, #tpu.memory_space<semaphore_mem>>
      %dma_start3A_59 = arith.constant 0 : i32
      %dma_start3A_60 = tpu.memref_slice %arg3[%add3A_14, %dma_start3A_59] : memref<160x128xi32, #tpu.memory_space<hbm>> -> memref<1x128xi32, #tpu.memory_space<hbm>>
      %dma_start3A_61 = tpu.memref_squeeze %dma_start3A_60 : memref<1x128xi32, #tpu.memory_space<hbm>> -> memref<128xi32, #tpu.memory_space<hbm>>
      %dma_start3A_62 = arith.constant 0 : i32
      %dma_start3A_63 = tpu.memref_slice %arg3[%add3A_14, %dma_start3A_62] : memref<160x128xi32, #tpu.memory_space<hbm>> -> memref<1x128xi32, #tpu.memory_space<hbm>>
      %dma_start3A_64 = tpu.memref_squeeze %dma_start3A_63 : memref<1x128xi32, #tpu.memory_space<hbm>> -> memref<128xi32, #tpu.memory_space<hbm>>
      tpu.enqueue_dma source(%dma_start3A_64 : memref<128xi32, #tpu.memory_space<hbm>>) target(%arg5 : memref<128xi32, #tpu.memory_space<vmem>>) target_semaphore(%run_scoped3A : memref<!tpu.dma_semaphore, #tpu.memory_space<semaphore_mem>>)
      %dma_wait3A_65 = arith.constant 0 : i32
      %dma_wait3A_66 = tpu.memref_slice %arg3[%add3A_14, %dma_wait3A_65] : memref<160x128xi32, #tpu.memory_space<hbm>> -> memref<1x128xi32, #tpu.memory_space<hbm>>
      %dma_wait3A_67 = tpu.memref_squeeze %dma_wait3A_66 : memref<1x128xi32, #tpu.memory_space<hbm>> -> memref<128xi32, #tpu.memory_space<hbm>>
      %dma_wait3A_68 = arith.constant 0 : i32
      %dma_wait3A_69 = tpu.memref_slice %arg3[%add3A_14, %dma_wait3A_68] : memref<160x128xi32, #tpu.memory_space<hbm>> -> memref<1x128xi32, #tpu.memory_space<hbm>>
      %dma_wait3A_70 = tpu.memref_squeeze %dma_wait3A_69 : memref<1x128xi32, #tpu.memory_space<hbm>> -> memref<128xi32, #tpu.memory_space<hbm>>
      tpu.wait_dma2 semaphore(%run_scoped3A : memref<!tpu.dma_semaphore, #tpu.memory_space<semaphore_mem>>) src(%dma_wait3A_70 : memref<128xi32, #tpu.memory_space<hbm>>) dst(%arg5 : memref<128xi32, #tpu.memory_space<vmem>>)
      tpu.yield
    }) : () -> ()
    %dma_start3A_15 = arith.constant 0 : i32
    %dma_start3A_16 = arith.constant 0 : i32
    %dma_start3A_17 = tpu.memref_slice %arg2[%dma_start3A_15, %dma_start3A_16] : memref<20000x16xf32, #tpu.memory_space<hbm>> -> memref<20000x16xf32, #tpu.memory_space<hbm>>
    tpu.enqueue_indirect_dma source(%dma_start3A_17 : memref<20000x16xf32, #tpu.memory_space<hbm>>) target(%arg6 : memref<128x16xf32, #tpu.memory_space<vmem>>) offsets(%arg5 : memref<128xi32, #tpu.memory_space<vmem>>) semaphore(%arg7 : memref<!tpu.dma_semaphore, #tpu.memory_space<semaphore_mem>>)
    %dma_wait3A_18 = arith.constant 0 : i32
    %dma_wait3A_19 = arith.constant 0 : i32
    %dma_wait3A_20 = tpu.memref_slice %arg2[%dma_wait3A_18, %dma_wait3A_19] : memref<20000x16xf32, #tpu.memory_space<hbm>> -> memref<20000x16xf32, #tpu.memory_space<hbm>>
    tpu.wait_indirect_dma semaphore(%arg7 : memref<!tpu.dma_semaphore, #tpu.memory_space<semaphore_mem>>) src(%dma_wait3A_20 : memref<20000x16xf32, #tpu.memory_space<hbm>>) dst(%arg6 : memref<128x16xf32, #tpu.memory_space<vmem>>)
    %mul3A_21 = arith.constant 128 : i32
    %mul3A_22 = arith.muli %add3A_14, %mul3A_21 : i32
    "tpu.region"() ({
      %run_scoped3A = tpu.sem_alloc : memref<!tpu.dma_semaphore, #tpu.memory_space<semaphore_mem>>
      %dma_start3A_59 = arith.constant 0 : i32
      %dma_start3A_60 = tpu.memref_slice %arg4[%mul3A_22, %dma_start3A_59] : memref<20480x16xf32, #tpu.memory_space<hbm>> -> memref<128x16xf32, #tpu.memory_space<hbm>>
      %dma_start3A_61 = arith.constant 0 : i32
      %dma_start3A_62 = tpu.memref_slice %arg4[%mul3A_22, %dma_start3A_61] : memref<20480x16xf32, #tpu.memory_space<hbm>> -> memref<128x16xf32, #tpu.memory_space<hbm>>
      tpu.enqueue_dma source(%arg6 : memref<128x16xf32, #tpu.memory_space<vmem>>) target(%dma_start3A_62 : memref<128x16xf32, #tpu.memory_space<hbm>>) target_semaphore(%run_scoped3A : memref<!tpu.dma_semaphore, #tpu.memory_space<semaphore_mem>>)
      %dma_wait3A_63 = arith.constant 0 : i32
      %dma_wait3A_64 = tpu.memref_slice %arg4[%mul3A_22, %dma_wait3A_63] : memref<20480x16xf32, #tpu.memory_space<hbm>> -> memref<128x16xf32, #tpu.memory_space<hbm>>
      %dma_wait3A_65 = arith.constant 0 : i32
      %dma_wait3A_66 = tpu.memref_slice %arg4[%mul3A_22, %dma_wait3A_65] : memref<20480x16xf32, #tpu.memory_space<hbm>> -> memref<128x16xf32, #tpu.memory_space<hbm>>
      tpu.wait_dma2 semaphore(%run_scoped3A : memref<!tpu.dma_semaphore, #tpu.memory_space<semaphore_mem>>) src(%arg6 : memref<128x16xf32, #tpu.memory_space<vmem>>) dst(%dma_wait3A_66 : memref<128x16xf32, #tpu.memory_space<hbm>>)
      tpu.yield
    }) : () -> ()
    %mul3A_23 = arith.constant 5 : i32
    %mul3A_24 = arith.muli %add3A, %mul3A_23 : i32
    %add3A_25 = arith.constant 2 : i32
    %add3A_26 = arith.addi %mul3A_24, %add3A_25 : i32
    "tpu.region"() ({
      %run_scoped3A = tpu.sem_alloc : memref<!tpu.dma_semaphore, #tpu.memory_space<semaphore_mem>>
      %dma_start3A_59 = arith.constant 0 : i32
      %dma_start3A_60 = tpu.memref_slice %arg3[%add3A_26, %dma_start3A_59] : memref<160x128xi32, #tpu.memory_space<hbm>> -> memref<1x128xi32, #tpu.memory_space<hbm>>
      %dma_start3A_61 = tpu.memref_squeeze %dma_start3A_60 : memref<1x128xi32, #tpu.memory_space<hbm>> -> memref<128xi32, #tpu.memory_space<hbm>>
      %dma_start3A_62 = arith.constant 0 : i32
      %dma_start3A_63 = tpu.memref_slice %arg3[%add3A_26, %dma_start3A_62] : memref<160x128xi32, #tpu.memory_space<hbm>> -> memref<1x128xi32, #tpu.memory_space<hbm>>
      %dma_start3A_64 = tpu.memref_squeeze %dma_start3A_63 : memref<1x128xi32, #tpu.memory_space<hbm>> -> memref<128xi32, #tpu.memory_space<hbm>>
      tpu.enqueue_dma source(%dma_start3A_64 : memref<128xi32, #tpu.memory_space<hbm>>) target(%arg5 : memref<128xi32, #tpu.memory_space<vmem>>) target_semaphore(%run_scoped3A : memref<!tpu.dma_semaphore, #tpu.memory_space<semaphore_mem>>)
      %dma_wait3A_65 = arith.constant 0 : i32
      %dma_wait3A_66 = tpu.memref_slice %arg3[%add3A_26, %dma_wait3A_65] : memref<160x128xi32, #tpu.memory_space<hbm>> -> memref<1x128xi32, #tpu.memory_space<hbm>>
      %dma_wait3A_67 = tpu.memref_squeeze %dma_wait3A_66 : memref<1x128xi32, #tpu.memory_space<hbm>> -> memref<128xi32, #tpu.memory_space<hbm>>
      %dma_wait3A_68 = arith.constant 0 : i32
      %dma_wait3A_69 = tpu.memref_slice %arg3[%add3A_26, %dma_wait3A_68] : memref<160x128xi32, #tpu.memory_space<hbm>> -> memref<1x128xi32, #tpu.memory_space<hbm>>
      %dma_wait3A_70 = tpu.memref_squeeze %dma_wait3A_69 : memref<1x128xi32, #tpu.memory_space<hbm>> -> memref<128xi32, #tpu.memory_space<hbm>>
      tpu.wait_dma2 semaphore(%run_scoped3A : memref<!tpu.dma_semaphore, #tpu.memory_space<semaphore_mem>>) src(%dma_wait3A_70 : memref<128xi32, #tpu.memory_space<hbm>>) dst(%arg5 : memref<128xi32, #tpu.memory_space<vmem>>)
      tpu.yield
    }) : () -> ()
    %dma_start3A_27 = arith.constant 0 : i32
    %dma_start3A_28 = arith.constant 0 : i32
    %dma_start3A_29 = tpu.memref_slice %arg2[%dma_start3A_27, %dma_start3A_28] : memref<20000x16xf32, #tpu.memory_space<hbm>> -> memref<20000x16xf32, #tpu.memory_space<hbm>>
    tpu.enqueue_indirect_dma source(%dma_start3A_29 : memref<20000x16xf32, #tpu.memory_space<hbm>>) target(%arg6 : memref<128x16xf32, #tpu.memory_space<vmem>>) offsets(%arg5 : memref<128xi32, #tpu.memory_space<vmem>>) semaphore(%arg7 : memref<!tpu.dma_semaphore, #tpu.memory_space<semaphore_mem>>)
    %dma_wait3A_30 = arith.constant 0 : i32
    %dma_wait3A_31 = arith.constant 0 : i32
    %dma_wait3A_32 = tpu.memref_slice %arg2[%dma_wait3A_30, %dma_wait3A_31] : memref<20000x16xf32, #tpu.memory_space<hbm>> -> memref<20000x16xf32, #tpu.memory_space<hbm>>
    tpu.wait_indirect_dma semaphore(%arg7 : memref<!tpu.dma_semaphore, #tpu.memory_space<semaphore_mem>>) src(%dma_wait3A_32 : memref<20000x16xf32, #tpu.memory_space<hbm>>) dst(%arg6 : memref<128x16xf32, #tpu.memory_space<vmem>>)
    %mul3A_33 = arith.constant 128 : i32
    %mul3A_34 = arith.muli %add3A_26, %mul3A_33 : i32
    "tpu.region"() ({
      %run_scoped3A = tpu.sem_alloc : memref<!tpu.dma_semaphore, #tpu.memory_space<semaphore_mem>>
      %dma_start3A_59 = arith.constant 0 : i32
      %dma_start3A_60 = tpu.memref_slice %arg4[%mul3A_34, %dma_start3A_59] : memref<20480x16xf32, #tpu.memory_space<hbm>> -> memref<128x16xf32, #tpu.memory_space<hbm>>
      %dma_start3A_61 = arith.constant 0 : i32
      %dma_start3A_62 = tpu.memref_slice %arg4[%mul3A_34, %dma_start3A_61] : memref<20480x16xf32, #tpu.memory_space<hbm>> -> memref<128x16xf32, #tpu.memory_space<hbm>>
      tpu.enqueue_dma source(%arg6 : memref<128x16xf32, #tpu.memory_space<vmem>>) target(%dma_start3A_62 : memref<128x16xf32, #tpu.memory_space<hbm>>) target_semaphore(%run_scoped3A : memref<!tpu.dma_semaphore, #tpu.memory_space<semaphore_mem>>)
      %dma_wait3A_63 = arith.constant 0 : i32
      %dma_wait3A_64 = tpu.memref_slice %arg4[%mul3A_34, %dma_wait3A_63] : memref<20480x16xf32, #tpu.memory_space<hbm>> -> memref<128x16xf32, #tpu.memory_space<hbm>>
      %dma_wait3A_65 = arith.constant 0 : i32
      %dma_wait3A_66 = tpu.memref_slice %arg4[%mul3A_34, %dma_wait3A_65] : memref<20480x16xf32, #tpu.memory_space<hbm>> -> memref<128x16xf32, #tpu.memory_space<hbm>>
      tpu.wait_dma2 semaphore(%run_scoped3A : memref<!tpu.dma_semaphore, #tpu.memory_space<semaphore_mem>>) src(%arg6 : memref<128x16xf32, #tpu.memory_space<vmem>>) dst(%dma_wait3A_66 : memref<128x16xf32, #tpu.memory_space<hbm>>)
      tpu.yield
    }) : () -> ()
    %mul3A_35 = arith.constant 5 : i32
    %mul3A_36 = arith.muli %add3A, %mul3A_35 : i32
    %add3A_37 = arith.constant 3 : i32
    %add3A_38 = arith.addi %mul3A_36, %add3A_37 : i32
    "tpu.region"() ({
      %run_scoped3A = tpu.sem_alloc : memref<!tpu.dma_semaphore, #tpu.memory_space<semaphore_mem>>
      %dma_start3A_59 = arith.constant 0 : i32
      %dma_start3A_60 = tpu.memref_slice %arg3[%add3A_38, %dma_start3A_59] : memref<160x128xi32, #tpu.memory_space<hbm>> -> memref<1x128xi32, #tpu.memory_space<hbm>>
      %dma_start3A_61 = tpu.memref_squeeze %dma_start3A_60 : memref<1x128xi32, #tpu.memory_space<hbm>> -> memref<128xi32, #tpu.memory_space<hbm>>
      %dma_start3A_62 = arith.constant 0 : i32
      %dma_start3A_63 = tpu.memref_slice %arg3[%add3A_38, %dma_start3A_62] : memref<160x128xi32, #tpu.memory_space<hbm>> -> memref<1x128xi32, #tpu.memory_space<hbm>>
      %dma_start3A_64 = tpu.memref_squeeze %dma_start3A_63 : memref<1x128xi32, #tpu.memory_space<hbm>> -> memref<128xi32, #tpu.memory_space<hbm>>
      tpu.enqueue_dma source(%dma_start3A_64 : memref<128xi32, #tpu.memory_space<hbm>>) target(%arg5 : memref<128xi32, #tpu.memory_space<vmem>>) target_semaphore(%run_scoped3A : memref<!tpu.dma_semaphore, #tpu.memory_space<semaphore_mem>>)
      %dma_wait3A_65 = arith.constant 0 : i32
      %dma_wait3A_66 = tpu.memref_slice %arg3[%add3A_38, %dma_wait3A_65] : memref<160x128xi32, #tpu.memory_space<hbm>> -> memref<1x128xi32, #tpu.memory_space<hbm>>
      %dma_wait3A_67 = tpu.memref_squeeze %dma_wait3A_66 : memref<1x128xi32, #tpu.memory_space<hbm>> -> memref<128xi32, #tpu.memory_space<hbm>>
      %dma_wait3A_68 = arith.constant 0 : i32
      %dma_wait3A_69 = tpu.memref_slice %arg3[%add3A_38, %dma_wait3A_68] : memref<160x128xi32, #tpu.memory_space<hbm>> -> memref<1x128xi32, #tpu.memory_space<hbm>>
      %dma_wait3A_70 = tpu.memref_squeeze %dma_wait3A_69 : memref<1x128xi32, #tpu.memory_space<hbm>> -> memref<128xi32, #tpu.memory_space<hbm>>
      tpu.wait_dma2 semaphore(%run_scoped3A : memref<!tpu.dma_semaphore, #tpu.memory_space<semaphore_mem>>) src(%dma_wait3A_70 : memref<128xi32, #tpu.memory_space<hbm>>) dst(%arg5 : memref<128xi32, #tpu.memory_space<vmem>>)
      tpu.yield
    }) : () -> ()
    %dma_start3A_39 = arith.constant 0 : i32
    %dma_start3A_40 = arith.constant 0 : i32
    %dma_start3A_41 = tpu.memref_slice %arg2[%dma_start3A_39, %dma_start3A_40] : memref<20000x16xf32, #tpu.memory_space<hbm>> -> memref<20000x16xf32, #tpu.memory_space<hbm>>
    tpu.enqueue_indirect_dma source(%dma_start3A_41 : memref<20000x16xf32, #tpu.memory_space<hbm>>) target(%arg6 : memref<128x16xf32, #tpu.memory_space<vmem>>) offsets(%arg5 : memref<128xi32, #tpu.memory_space<vmem>>) semaphore(%arg7 : memref<!tpu.dma_semaphore, #tpu.memory_space<semaphore_mem>>)
    %dma_wait3A_42 = arith.constant 0 : i32
    %dma_wait3A_43 = arith.constant 0 : i32
    %dma_wait3A_44 = tpu.memref_slice %arg2[%dma_wait3A_42, %dma_wait3A_43] : memref<20000x16xf32, #tpu.memory_space<hbm>> -> memref<20000x16xf32, #tpu.memory_space<hbm>>
    tpu.wait_indirect_dma semaphore(%arg7 : memref<!tpu.dma_semaphore, #tpu.memory_space<semaphore_mem>>) src(%dma_wait3A_44 : memref<20000x16xf32, #tpu.memory_space<hbm>>) dst(%arg6 : memref<128x16xf32, #tpu.memory_space<vmem>>)
    %mul3A_45 = arith.constant 128 : i32
    %mul3A_46 = arith.muli %add3A_38, %mul3A_45 : i32
    "tpu.region"() ({
      %run_scoped3A = tpu.sem_alloc : memref<!tpu.dma_semaphore, #tpu.memory_space<semaphore_mem>>
      %dma_start3A_59 = arith.constant 0 : i32
      %dma_start3A_60 = tpu.memref_slice %arg4[%mul3A_46, %dma_start3A_59] : memref<20480x16xf32, #tpu.memory_space<hbm>> -> memref<128x16xf32, #tpu.memory_space<hbm>>
      %dma_start3A_61 = arith.constant 0 : i32
      %dma_start3A_62 = tpu.memref_slice %arg4[%mul3A_46, %dma_start3A_61] : memref<20480x16xf32, #tpu.memory_space<hbm>> -> memref<128x16xf32, #tpu.memory_space<hbm>>
      tpu.enqueue_dma source(%arg6 : memref<128x16xf32, #tpu.memory_space<vmem>>) target(%dma_start3A_62 : memref<128x16xf32, #tpu.memory_space<hbm>>) target_semaphore(%run_scoped3A : memref<!tpu.dma_semaphore, #tpu.memory_space<semaphore_mem>>)
      %dma_wait3A_63 = arith.constant 0 : i32
      %dma_wait3A_64 = tpu.memref_slice %arg4[%mul3A_46, %dma_wait3A_63] : memref<20480x16xf32, #tpu.memory_space<hbm>> -> memref<128x16xf32, #tpu.memory_space<hbm>>
      %dma_wait3A_65 = arith.constant 0 : i32
      %dma_wait3A_66 = tpu.memref_slice %arg4[%mul3A_46, %dma_wait3A_65] : memref<20480x16xf32, #tpu.memory_space<hbm>> -> memref<128x16xf32, #tpu.memory_space<hbm>>
      tpu.wait_dma2 semaphore(%run_scoped3A : memref<!tpu.dma_semaphore, #tpu.memory_space<semaphore_mem>>) src(%arg6 : memref<128x16xf32, #tpu.memory_space<vmem>>) dst(%dma_wait3A_66 : memref<128x16xf32, #tpu.memory_space<hbm>>)
      tpu.yield
    }) : () -> ()
    %mul3A_47 = arith.constant 5 : i32
    %mul3A_48 = arith.muli %add3A, %mul3A_47 : i32
    %add3A_49 = arith.constant 4 : i32
    %add3A_50 = arith.addi %mul3A_48, %add3A_49 : i32
    "tpu.region"() ({
      %run_scoped3A = tpu.sem_alloc : memref<!tpu.dma_semaphore, #tpu.memory_space<semaphore_mem>>
      %dma_start3A_59 = arith.constant 0 : i32
      %dma_start3A_60 = tpu.memref_slice %arg3[%add3A_50, %dma_start3A_59] : memref<160x128xi32, #tpu.memory_space<hbm>> -> memref<1x128xi32, #tpu.memory_space<hbm>>
      %dma_start3A_61 = tpu.memref_squeeze %dma_start3A_60 : memref<1x128xi32, #tpu.memory_space<hbm>> -> memref<128xi32, #tpu.memory_space<hbm>>
      %dma_start3A_62 = arith.constant 0 : i32
      %dma_start3A_63 = tpu.memref_slice %arg3[%add3A_50, %dma_start3A_62] : memref<160x128xi32, #tpu.memory_space<hbm>> -> memref<1x128xi32, #tpu.memory_space<hbm>>
      %dma_start3A_64 = tpu.memref_squeeze %dma_start3A_63 : memref<1x128xi32, #tpu.memory_space<hbm>> -> memref<128xi32, #tpu.memory_space<hbm>>
      tpu.enqueue_dma source(%dma_start3A_64 : memref<128xi32, #tpu.memory_space<hbm>>) target(%arg5 : memref<128xi32, #tpu.memory_space<vmem>>) target_semaphore(%run_scoped3A : memref<!tpu.dma_semaphore, #tpu.memory_space<semaphore_mem>>)
      %dma_wait3A_65 = arith.constant 0 : i32
      %dma_wait3A_66 = tpu.memref_slice %arg3[%add3A_50, %dma_wait3A_65] : memref<160x128xi32, #tpu.memory_space<hbm>> -> memref<1x128xi32, #tpu.memory_space<hbm>>
      %dma_wait3A_67 = tpu.memref_squeeze %dma_wait3A_66 : memref<1x128xi32, #tpu.memory_space<hbm>> -> memref<128xi32, #tpu.memory_space<hbm>>
      %dma_wait3A_68 = arith.constant 0 : i32
      %dma_wait3A_69 = tpu.memref_slice %arg3[%add3A_50, %dma_wait3A_68] : memref<160x128xi32, #tpu.memory_space<hbm>> -> memref<1x128xi32, #tpu.memory_space<hbm>>
      %dma_wait3A_70 = tpu.memref_squeeze %dma_wait3A_69 : memref<1x128xi32, #tpu.memory_space<hbm>> -> memref<128xi32, #tpu.memory_space<hbm>>
      tpu.wait_dma2 semaphore(%run_scoped3A : memref<!tpu.dma_semaphore, #tpu.memory_space<semaphore_mem>>) src(%dma_wait3A_70 : memref<128xi32, #tpu.memory_space<hbm>>) dst(%arg5 : memref<128xi32, #tpu.memory_space<vmem>>)
      tpu.yield
    }) : () -> ()
    %dma_start3A_51 = arith.constant 0 : i32
    %dma_start3A_52 = arith.constant 0 : i32
    %dma_start3A_53 = tpu.memref_slice %arg2[%dma_start3A_51, %dma_start3A_52] : memref<20000x16xf32, #tpu.memory_space<hbm>> -> memref<20000x16xf32, #tpu.memory_space<hbm>>
    tpu.enqueue_indirect_dma source(%dma_start3A_53 : memref<20000x16xf32, #tpu.memory_space<hbm>>) target(%arg6 : memref<128x16xf32, #tpu.memory_space<vmem>>) offsets(%arg5 : memref<128xi32, #tpu.memory_space<vmem>>) semaphore(%arg7 : memref<!tpu.dma_semaphore, #tpu.memory_space<semaphore_mem>>)
    %dma_wait3A_54 = arith.constant 0 : i32
    %dma_wait3A_55 = arith.constant 0 : i32
    %dma_wait3A_56 = tpu.memref_slice %arg2[%dma_wait3A_54, %dma_wait3A_55] : memref<20000x16xf32, #tpu.memory_space<hbm>> -> memref<20000x16xf32, #tpu.memory_space<hbm>>
    tpu.wait_indirect_dma semaphore(%arg7 : memref<!tpu.dma_semaphore, #tpu.memory_space<semaphore_mem>>) src(%dma_wait3A_56 : memref<20000x16xf32, #tpu.memory_space<hbm>>) dst(%arg6 : memref<128x16xf32, #tpu.memory_space<vmem>>)
    %mul3A_57 = arith.constant 128 : i32
    %mul3A_58 = arith.muli %add3A_50, %mul3A_57 : i32
    "tpu.region"() ({
      %run_scoped3A = tpu.sem_alloc : memref<!tpu.dma_semaphore, #tpu.memory_space<semaphore_mem>>
      %dma_start3A_59 = arith.constant 0 : i32
      %dma_start3A_60 = tpu.memref_slice %arg4[%mul3A_58, %dma_start3A_59] : memref<20480x16xf32, #tpu.memory_space<hbm>> -> memref<128x16xf32, #tpu.memory_space<hbm>>
      %dma_start3A_61 = arith.constant 0 : i32
      %dma_start3A_62 = tpu.memref_slice %arg4[%mul3A_58, %dma_start3A_61] : memref<20480x16xf32, #tpu.memory_space<hbm>> -> memref<128x16xf32, #tpu.memory_space<hbm>>
      tpu.enqueue_dma source(%arg6 : memref<128x16xf32, #tpu.memory_space<vmem>>) target(%dma_start3A_62 : memref<128x16xf32, #tpu.memory_space<hbm>>) target_semaphore(%run_scoped3A : memref<!tpu.dma_semaphore, #tpu.memory_space<semaphore_mem>>)
      %dma_wait3A_63 = arith.constant 0 : i32
      %dma_wait3A_64 = tpu.memref_slice %arg4[%mul3A_58, %dma_wait3A_63] : memref<20480x16xf32, #tpu.memory_space<hbm>> -> memref<128x16xf32, #tpu.memory_space<hbm>>
      %dma_wait3A_65 = arith.constant 0 : i32
      %dma_wait3A_66 = tpu.memref_slice %arg4[%mul3A_58, %dma_wait3A_65] : memref<20480x16xf32, #tpu.memory_space<hbm>> -> memref<128x16xf32, #tpu.memory_space<hbm>>
      tpu.wait_dma2 semaphore(%run_scoped3A : memref<!tpu.dma_semaphore, #tpu.memory_space<semaphore_mem>>) src(%arg6 : memref<128x16xf32, #tpu.memory_space<vmem>>) dst(%dma_wait3A_66 : memref<128x16xf32, #tpu.memory_space<hbm>>)
      tpu.yield
    }) : () -> ()
    return
  }
}

module attributes {stable_mosaic.version = 14 : i64} {
  func.func @_sort_kernel(%arg0: i32, %arg1: memref<84x20480xf32, #tpu.memory_space<vmem>>, %arg2: memref<16x20480xf32, #tpu.memory_space<vmem>>, %arg3: memref<8x4096xi32, #tpu.memory_space<vmem>>) attributes {dimension_semantics = [#tpu.dimension_semantics<arbitrary>], iteration_bounds = array<i64: 1>, scalar_prefetch = 0 : i64, scratch_operands = 0 : i64, tpu.core_type = #tpu.core_type<tc>, window_params = [{pipeline_mode = #tpu.pipeline_mode<synchronous>, transform_indices = @transform_0, window_bounds = array<i64: 84, 20480>}, {pipeline_mode = #tpu.pipeline_mode<synchronous>, transform_indices = @transform_1, window_bounds = array<i64: 16, 20480>}, {pipeline_mode = #tpu.pipeline_mode<synchronous>, transform_indices = @transform_2, window_bounds = array<i64: 8, 4096>}]} {
    %get3A = arith.constant 0 : index
    %get3A_0 = arith.constant 0 : index
    %get3A_1 = vector.load %arg1[%get3A, %get3A_0] : memref<84x20480xf32, #tpu.memory_space<vmem>>, vector<84x20480xf32>
    %slice3A = vector.extract_strided_slice %get3A_1 {offsets = [4, 0], sizes = [80, 20480], strides = [1, 1]} : vector<84x20480xf32> to vector<80x20480xf32>
    %reduce_max3A = arith.constant dense<0xFF800000> : vector<20480xf32>
    %reduce_max3A_2 = vector.multi_reduction <maximumf>, %slice3A, %reduce_max3A [0] : vector<80x20480xf32> to vector<20480xf32>
    %broadcast_in_dim3A = vector.shape_cast %reduce_max3A_2 : vector<20480xf32> to vector<1x20480xf32>
    %iota3A = tpu.iota {dimensions = array<i32: 0>} : vector<80x20480xi32>
    %convert_element_type3A = arith.sitofp %iota3A : vector<80x20480xi32> to vector<80x20480xf32>
    %eq3A = vector.broadcast %broadcast_in_dim3A : vector<1x20480xf32> to vector<80x20480xf32>
    %eq3A_3 = arith.cmpf oeq, %slice3A, %eq3A : vector<80x20480xf32>
    %jit3A = arith.constant 1.000000e+09 : f32
    %broadcast_in_dim3A_4 = vector.broadcast %jit3A : f32 to vector<80x20480xf32>
    %select_n3A = arith.select %eq3A_3, %convert_element_type3A, %broadcast_in_dim3A_4 : vector<80x20480xi1>, vector<80x20480xf32>
    %reduce_min3A = arith.constant dense<0x7F800000> : vector<20480xf32>
    %reduce_min3A_5 = vector.multi_reduction <minimumf>, %select_n3A, %reduce_min3A [0] : vector<80x20480xf32> to vector<20480xf32>
    %broadcast_in_dim3A_6 = vector.shape_cast %reduce_min3A_5 : vector<20480xf32> to vector<1x20480xf32>
    %slice3A_7 = vector.extract_strided_slice %get3A_1 {offsets = [0, 0], sizes = [2, 20480], strides = [1, 1]} : vector<84x20480xf32> to vector<2x20480xf32>
    %slice3A_8 = vector.extract_strided_slice %get3A_1 {offsets = [2, 0], sizes = [2, 20480], strides = [1, 1]} : vector<84x20480xf32> to vector<2x20480xf32>
    %mul3A = arith.constant 5.000000e-01 : f32
    %mul3A_9 = vector.broadcast %mul3A : f32 to vector<2x20480xf32>
    %mul3A_10 = arith.mulf %slice3A_8, %mul3A_9 : vector<2x20480xf32>
    %sub3A = arith.subf %slice3A_7, %mul3A_10 : vector<2x20480xf32>
    %add3A = arith.addf %slice3A_7, %mul3A_10 : vector<2x20480xf32>
    %concatenate3A = tpu.concatenate %sub3A, %add3A in 0 : vector<2x20480xf32>, vector<2x20480xf32> -> vector<4x20480xf32>
    %mul3A_11 = arith.constant 7.680000e+03 : f32
    %mul3A_12 = vector.broadcast %mul3A_11 : f32 to vector<1x20480xf32>
    %mul3A_13 = arith.mulf %broadcast_in_dim3A_6, %mul3A_12 : vector<1x20480xf32>
    %add3A_14 = vector.broadcast %mul3A_13 : vector<1x20480xf32> to vector<4x20480xf32>
    %add3A_15 = arith.addf %concatenate3A, %add3A_14 : vector<4x20480xf32>
    %broadcast_in_dim3A_16 = arith.constant 0.000000e+00 : f32
    %broadcast_in_dim3A_17 = vector.broadcast %broadcast_in_dim3A_16 : f32 to vector<6x20480xf32>
    %concatenate3A_18 = tpu.concatenate %concatenate3A, %broadcast_in_dim3A, %broadcast_in_dim3A_6, %add3A_15, %broadcast_in_dim3A_17 in 0 : vector<4x20480xf32>, vector<1x20480xf32>, vector<1x20480xf32>, vector<4x20480xf32>, vector<6x20480xf32> -> vector<16x20480xf32>
    %swap3A = arith.constant 0 : index
    %swap3A_19 = arith.constant 0 : index
    %swap3A_20 = vector.load %arg2[%swap3A, %swap3A_19] : memref<16x20480xf32, #tpu.memory_space<vmem>>, vector<16x20480xf32>
    tpu.vector_store %arg2[%swap3A, %swap3A_19], %concatenate3A_18 {strides = array<i32>} : memref<16x20480xf32, #tpu.memory_space<vmem>>, vector<16x20480xf32>,
    %iota3A_21 = tpu.iota {dimensions = array<i32: 1>} : vector<1x20480xi32>
    %lt3A = arith.constant 20000 : i32
    %lt3A_22 = vector.broadcast %lt3A : i32 to vector<1x20480xi32>
    %lt3A_23 = arith.cmpi slt, %iota3A_21, %lt3A_22 : vector<1x20480xi32>
    %jit3A_24 = arith.constant 0xFF800000 : f32
    %broadcast_in_dim3A_25 = vector.broadcast %jit3A_24 : f32 to vector<1x20480xf32>
    %select_n3A_26 = arith.select %lt3A_23, %broadcast_in_dim3A, %broadcast_in_dim3A_25 : vector<1x20480xi1>, vector<1x20480xf32>
    %slice3A_27 = vector.extract_strided_slice %select_n3A_26 {offsets = [0, 0], sizes = [1, 4096], strides = [1, 1]} : vector<1x20480xf32> to vector<1x4096xf32>
    %slice3A_28 = vector.extract_strided_slice %select_n3A_26 {offsets = [0, 4096], sizes = [1, 4096], strides = [1, 1]} : vector<1x20480xf32> to vector<1x4096xf32>
    %slice3A_29 = vector.extract_strided_slice %select_n3A_26 {offsets = [0, 8192], sizes = [1, 4096], strides = [1, 1]} : vector<1x20480xf32> to vector<1x4096xf32>
    %slice3A_30 = vector.extract_strided_slice %select_n3A_26 {offsets = [0, 12288], sizes = [1, 4096], strides = [1, 1]} : vector<1x20480xf32> to vector<1x4096xf32>
    %slice3A_31 = vector.extract_strided_slice %select_n3A_26 {offsets = [0, 16384], sizes = [1, 4096], strides = [1, 1]} : vector<1x20480xf32> to vector<1x4096xf32>
    %broadcast_in_dim3A_32 = arith.constant 0xFF800000 : f32
    %broadcast_in_dim3A_33 = vector.broadcast %broadcast_in_dim3A_32 : f32 to vector<1x4096xf32>
    %broadcast_in_dim3A_34 = arith.constant 0xFF800000 : f32
    %broadcast_in_dim3A_35 = vector.broadcast %broadcast_in_dim3A_34 : f32 to vector<1x4096xf32>
    %broadcast_in_dim3A_36 = arith.constant 0xFF800000 : f32
    %broadcast_in_dim3A_37 = vector.broadcast %broadcast_in_dim3A_36 : f32 to vector<1x4096xf32>
    %concatenate3A_38 = tpu.concatenate %slice3A_27, %slice3A_28, %slice3A_29, %slice3A_30, %slice3A_31, %broadcast_in_dim3A_33, %broadcast_in_dim3A_35, %broadcast_in_dim3A_37 in 0 : vector<1x4096xf32>, vector<1x4096xf32>, vector<1x4096xf32>, vector<1x4096xf32>, vector<1x4096xf32>, vector<1x4096xf32>, vector<1x4096xf32>, vector<1x4096xf32> -> vector<8x4096xf32>
    %iota3A_39 = tpu.iota {dimensions = array<i32: 0>} : vector<8x4096xi32>
    %mul3A_40 = arith.constant 4096 : i32
    %mul3A_41 = vector.broadcast %mul3A_40 : i32 to vector<8x4096xi32>
    %mul3A_42 = arith.muli %mul3A_41, %iota3A_39 : vector<8x4096xi32>
    %iota3A_43 = tpu.iota {dimensions = array<i32: 1>} : vector<8x4096xi32>
    %add3A_44 = arith.addi %mul3A_42, %iota3A_43 : vector<8x4096xi32>
    %convert_element_type3A_45 = arith.sitofp %add3A_44 : vector<8x4096xi32> to vector<8x4096xf32>
    %slice3A_46 = vector.extract_strided_slice %concatenate3A_38 {offsets = [0, 1], sizes = [8, 4095], strides = [1, 1]} : vector<8x4096xf32> to vector<8x4095xf32>
    %slice3A_47 = vector.extract_strided_slice %concatenate3A_38 {offsets = [0, 0], sizes = [8, 1], strides = [1, 1]} : vector<8x4096xf32> to vector<8x1xf32>
    %concatenate3A_48 = tpu.concatenate %slice3A_46, %slice3A_47 in 1 : vector<8x4095xf32>, vector<8x1xf32> -> vector<8x4096xf32>
    %slice3A_49 = vector.extract_strided_slice %concatenate3A_38 {offsets = [0, 4095], sizes = [8, 1], strides = [1, 1]} : vector<8x4096xf32> to vector<8x1xf32>
    %slice3A_50 = vector.extract_strided_slice %concatenate3A_38 {offsets = [0, 0], sizes = [8, 4095], strides = [1, 1]} : vector<8x4096xf32> to vector<8x4095xf32>
    %concatenate3A_51 = tpu.concatenate %slice3A_49, %slice3A_50 in 1 : vector<8x1xf32>, vector<8x4095xf32> -> vector<8x4096xf32>
    %slice3A_52 = vector.extract_strided_slice %convert_element_type3A_45 {offsets = [0, 1], sizes = [8, 4095], strides = [1, 1]} : vector<8x4096xf32> to vector<8x4095xf32>
    %slice3A_53 = vector.extract_strided_slice %convert_element_type3A_45 {offsets = [0, 0], sizes = [8, 1], strides = [1, 1]} : vector<8x4096xf32> to vector<8x1xf32>
    %concatenate3A_54 = tpu.concatenate %slice3A_52, %slice3A_53 in 1 : vector<8x4095xf32>, vector<8x1xf32> -> vector<8x4096xf32>
    %slice3A_55 = vector.extract_strided_slice %convert_element_type3A_45 {offsets = [0, 4095], sizes = [8, 1], strides = [1, 1]} : vector<8x4096xf32> to vector<8x1xf32>
    %slice3A_56 = vector.extract_strided_slice %convert_element_type3A_45 {offsets = [0, 0], sizes = [8, 4095], strides = [1, 1]} : vector<8x4096xf32> to vector<8x4095xf32>
    %concatenate3A_57 = tpu.concatenate %slice3A_55, %slice3A_56 in 1 : vector<8x1xf32>, vector<8x4095xf32> -> vector<8x4096xf32>
    %and3A = arith.constant 1 : i32
    %and3A_58 = vector.broadcast %and3A : i32 to vector<8x4096xi32>
    %and3A_59 = arith.andi %add3A_44, %and3A_58 : vector<8x4096xi32>
    %ne3A = arith.constant 0 : i32
    %ne3A_60 = vector.broadcast %ne3A : i32 to vector<8x4096xi32>
    %ne3A_61 = arith.cmpi ne, %and3A_59, %ne3A_60 : vector<8x4096xi32>
    %and3A_62 = arith.constant 2 : i32
    %and3A_63 = vector.broadcast %and3A_62 : i32 to vector<8x4096xi32>
    %and3A_64 = arith.andi %add3A_44, %and3A_63 : vector<8x4096xi32>
    %ne3A_65 = arith.constant 0 : i32
    %ne3A_66 = vector.broadcast %ne3A_65 : i32 to vector<8x4096xi32>
    %ne3A_67 = arith.cmpi ne, %and3A_64, %ne3A_66 : vector<8x4096xi32>
    %select_n3A_68 = arith.select %ne3A_61, %concatenate3A_51, %concatenate3A_48 : vector<8x4096xi1>, vector<8x4096xf32>
    %select_n3A_69 = arith.select %ne3A_61, %concatenate3A_57, %concatenate3A_54 : vector<8x4096xi1>, vector<8x4096xf32>
    %gt3A = arith.cmpf ogt, %select_n3A_68, %concatenate3A_38 : vector<8x4096xf32>
    %eq3A_70 = arith.cmpf oeq, %select_n3A_68, %concatenate3A_38 : vector<8x4096xf32>
    %lt3A_71 = arith.cmpf olt, %select_n3A_69, %convert_element_type3A_45 : vector<8x4096xf32>
    %and3A_72 = arith.andi %eq3A_70, %lt3A_71 : vector<8x4096xi1>
    %or3A = arith.ori %gt3A, %and3A_72 : vector<8x4096xi1>
    %xor3A = arith.xori %or3A, %ne3A_61 : vector<8x4096xi1>
    %xor3A_73 = arith.xori %xor3A, %ne3A_67 : vector<8x4096xi1>
    %select_n3A_74 = arith.select %xor3A_73, %select_n3A_68, %concatenate3A_38 : vector<8x4096xi1>, vector<8x4096xf32>
    %select_n3A_75 = arith.select %xor3A_73, %select_n3A_69, %convert_element_type3A_45 : vector<8x4096xi1>, vector<8x4096xf32>
    %slice3A_76 = vector.extract_strided_slice %select_n3A_74 {offsets = [0, 2], sizes = [8, 4094], strides = [1, 1]} : vector<8x4096xf32> to vector<8x4094xf32>
    %slice3A_77 = vector.extract_strided_slice %select_n3A_74 {offsets = [0, 0], sizes = [8, 2], strides = [1, 1]} : vector<8x4096xf32> to vector<8x2xf32>
    %concatenate3A_78 = tpu.concatenate %slice3A_76, %slice3A_77 in 1 : vector<8x4094xf32>, vector<8x2xf32> -> vector<8x4096xf32>
    %slice3A_79 = vector.extract_strided_slice %select_n3A_74 {offsets = [0, 4094], sizes = [8, 2], strides = [1, 1]} : vector<8x4096xf32> to vector<8x2xf32>
    %slice3A_80 = vector.extract_strided_slice %select_n3A_74 {offsets = [0, 0], sizes = [8, 4094], strides = [1, 1]} : vector<8x4096xf32> to vector<8x4094xf32>
    %concatenate3A_81 = tpu.concatenate %slice3A_79, %slice3A_80 in 1 : vector<8x2xf32>, vector<8x4094xf32> -> vector<8x4096xf32>
    %slice3A_82 = vector.extract_strided_slice %select_n3A_75 {offsets = [0, 2], sizes = [8, 4094], strides = [1, 1]} : vector<8x4096xf32> to vector<8x4094xf32>
    %slice3A_83 = vector.extract_strided_slice %select_n3A_75 {offsets = [0, 0], sizes = [8, 2], strides = [1, 1]} : vector<8x4096xf32> to vector<8x2xf32>
    %concatenate3A_84 = tpu.concatenate %slice3A_82, %slice3A_83 in 1 : vector<8x4094xf32>, vector<8x2xf32> -> vector<8x4096xf32>
    %slice3A_85 = vector.extract_strided_slice %select_n3A_75 {offsets = [0, 4094], sizes = [8, 2], strides = [1, 1]} : vector<8x4096xf32> to vector<8x2xf32>
    %slice3A_86 = vector.extract_strided_slice %select_n3A_75 {offsets = [0, 0], sizes = [8, 4094], strides = [1, 1]} : vector<8x4096xf32> to vector<8x4094xf32>
    %concatenate3A_87 = tpu.concatenate %slice3A_85, %slice3A_86 in 1 : vector<8x2xf32>, vector<8x4094xf32> -> vector<8x4096xf32>
    %and3A_88 = arith.constant 2 : i32
    %and3A_89 = vector.broadcast %and3A_88 : i32 to vector<8x4096xi32>
    %and3A_90 = arith.andi %add3A_44, %and3A_89 : vector<8x4096xi32>
    %ne3A_91 = arith.constant 0 : i32
    %ne3A_92 = vector.broadcast %ne3A_91 : i32 to vector<8x4096xi32>
    %ne3A_93 = arith.cmpi ne, %and3A_90, %ne3A_92 : vector<8x4096xi32>
    %and3A_94 = arith.constant 4 : i32
    %and3A_95 = vector.broadcast %and3A_94 : i32 to vector<8x4096xi32>
    %and3A_96 = arith.andi %add3A_44, %and3A_95 : vector<8x4096xi32>
    %ne3A_97 = arith.constant 0 : i32
    %ne3A_98 = vector.broadcast %ne3A_97 : i32 to vector<8x4096xi32>
    %ne3A_99 = arith.cmpi ne, %and3A_96, %ne3A_98 : vector<8x4096xi32>
    %select_n3A_100 = arith.select %ne3A_93, %concatenate3A_81, %concatenate3A_78 : vector<8x4096xi1>, vector<8x4096xf32>
    %select_n3A_101 = arith.select %ne3A_93, %concatenate3A_87, %concatenate3A_84 : vector<8x4096xi1>, vector<8x4096xf32>
    %gt3A_102 = arith.cmpf ogt, %select_n3A_100, %select_n3A_74 : vector<8x4096xf32>
    %eq3A_103 = arith.cmpf oeq, %select_n3A_100, %select_n3A_74 : vector<8x4096xf32>
    %lt3A_104 = arith.cmpf olt, %select_n3A_101, %select_n3A_75 : vector<8x4096xf32>
    %and3A_105 = arith.andi %eq3A_103, %lt3A_104 : vector<8x4096xi1>
    %or3A_106 = arith.ori %gt3A_102, %and3A_105 : vector<8x4096xi1>
    %xor3A_107 = arith.xori %or3A_106, %ne3A_93 : vector<8x4096xi1>
    %xor3A_108 = arith.xori %xor3A_107, %ne3A_99 : vector<8x4096xi1>
    %select_n3A_109 = arith.select %xor3A_108, %select_n3A_100, %select_n3A_74 : vector<8x4096xi1>, vector<8x4096xf32>
    %select_n3A_110 = arith.select %xor3A_108, %select_n3A_101, %select_n3A_75 : vector<8x4096xi1>, vector<8x4096xf32>
    %slice3A_111 = vector.extract_strided_slice %select_n3A_109 {offsets = [0, 1], sizes = [8, 4095], strides = [1, 1]} : vector<8x4096xf32> to vector<8x4095xf32>
    %slice3A_112 = vector.extract_strided_slice %select_n3A_109 {offsets = [0, 0], sizes = [8, 1], strides = [1, 1]} : vector<8x4096xf32> to vector<8x1xf32>
    %concatenate3A_113 = tpu.concatenate %slice3A_111, %slice3A_112 in 1 : vector<8x4095xf32>, vector<8x1xf32> -> vector<8x4096xf32>
    %slice3A_114 = vector.extract_strided_slice %select_n3A_109 {offsets = [0, 4095], sizes = [8, 1], strides = [1, 1]} : vector<8x4096xf32> to vector<8x1xf32>
    %slice3A_115 = vector.extract_strided_slice %select_n3A_109 {offsets = [0, 0], sizes = [8, 4095], strides = [1, 1]} : vector<8x4096xf32> to vector<8x4095xf32>
    %concatenate3A_116 = tpu.concatenate %slice3A_114, %slice3A_115 in 1 : vector<8x1xf32>, vector<8x4095xf32> -> vector<8x4096xf32>
    %slice3A_117 = vector.extract_strided_slice %select_n3A_110 {offsets = [0, 1], sizes = [8, 4095], strides = [1, 1]} : vector<8x4096xf32> to vector<8x4095xf32>
    %slice3A_118 = vector.extract_strided_slice %select_n3A_110 {offsets = [0, 0], sizes = [8, 1], strides = [1, 1]} : vector<8x4096xf32> to vector<8x1xf32>
    %concatenate3A_119 = tpu.concatenate %slice3A_117, %slice3A_118 in 1 : vector<8x4095xf32>, vector<8x1xf32> -> vector<8x4096xf32>
    %slice3A_120 = vector.extract_strided_slice %select_n3A_110 {offsets = [0, 4095], sizes = [8, 1], strides = [1, 1]} : vector<8x4096xf32> to vector<8x1xf32>
    %slice3A_121 = vector.extract_strided_slice %select_n3A_110 {offsets = [0, 0], sizes = [8, 4095], strides = [1, 1]} : vector<8x4096xf32> to vector<8x4095xf32>
    %concatenate3A_122 = tpu.concatenate %slice3A_120, %slice3A_121 in 1 : vector<8x1xf32>, vector<8x4095xf32> -> vector<8x4096xf32>
    %and3A_123 = arith.constant 1 : i32
    %and3A_124 = vector.broadcast %and3A_123 : i32 to vector<8x4096xi32>
    %and3A_125 = arith.andi %add3A_44, %and3A_124 : vector<8x4096xi32>
    %ne3A_126 = arith.constant 0 : i32
    %ne3A_127 = vector.broadcast %ne3A_126 : i32 to vector<8x4096xi32>
    %ne3A_128 = arith.cmpi ne, %and3A_125, %ne3A_127 : vector<8x4096xi32>
    %and3A_129 = arith.constant 4 : i32
    %and3A_130 = vector.broadcast %and3A_129 : i32 to vector<8x4096xi32>
    %and3A_131 = arith.andi %add3A_44, %and3A_130 : vector<8x4096xi32>
    %ne3A_132 = arith.constant 0 : i32
    %ne3A_133 = vector.broadcast %ne3A_132 : i32 to vector<8x4096xi32>
    %ne3A_134 = arith.cmpi ne, %and3A_131, %ne3A_133 : vector<8x4096xi32>
    %select_n3A_135 = arith.select %ne3A_128, %concatenate3A_116, %concatenate3A_113 : vector<8x4096xi1>, vector<8x4096xf32>
    %select_n3A_136 = arith.select %ne3A_128, %concatenate3A_122, %concatenate3A_119 : vector<8x4096xi1>, vector<8x4096xf32>
    %gt3A_137 = arith.cmpf ogt, %select_n3A_135, %select_n3A_109 : vector<8x4096xf32>
    %eq3A_138 = arith.cmpf oeq, %select_n3A_135, %select_n3A_109 : vector<8x4096xf32>
    %lt3A_139 = arith.cmpf olt, %select_n3A_136, %select_n3A_110 : vector<8x4096xf32>
    %and3A_140 = arith.andi %eq3A_138, %lt3A_139 : vector<8x4096xi1>
    %or3A_141 = arith.ori %gt3A_137, %and3A_140 : vector<8x4096xi1>
    %xor3A_142 = arith.xori %or3A_141, %ne3A_128 : vector<8x4096xi1>
    %xor3A_143 = arith.xori %xor3A_142, %ne3A_134 : vector<8x4096xi1>
    %select_n3A_144 = arith.select %xor3A_143, %select_n3A_135, %select_n3A_109 : vector<8x4096xi1>, vector<8x4096xf32>
    %select_n3A_145 = arith.select %xor3A_143, %select_n3A_136, %select_n3A_110 : vector<8x4096xi1>, vector<8x4096xf32>
    %slice3A_146 = vector.extract_strided_slice %select_n3A_144 {offsets = [0, 4], sizes = [8, 4092], strides = [1, 1]} : vector<8x4096xf32> to vector<8x4092xf32>
    %slice3A_147 = vector.extract_strided_slice %select_n3A_144 {offsets = [0, 0], sizes = [8, 4], strides = [1, 1]} : vector<8x4096xf32> to vector<8x4xf32>
    %concatenate3A_148 = tpu.concatenate %slice3A_146, %slice3A_147 in 1 : vector<8x4092xf32>, vector<8x4xf32> -> vector<8x4096xf32>
    %slice3A_149 = vector.extract_strided_slice %select_n3A_144 {offsets = [0, 4092], sizes = [8, 4], strides = [1, 1]} : vector<8x4096xf32> to vector<8x4xf32>
    %slice3A_150 = vector.extract_strided_slice %select_n3A_144 {offsets = [0, 0], sizes = [8, 4092], strides = [1, 1]} : vector<8x4096xf32> to vector<8x4092xf32>
    %concatenate3A_151 = tpu.concatenate %slice3A_149, %slice3A_150 in 1 : vector<8x4xf32>, vector<8x4092xf32> -> vector<8x4096xf32>
    %slice3A_152 = vector.extract_strided_slice %select_n3A_145 {offsets = [0, 4], sizes = [8, 4092], strides = [1, 1]} : vector<8x4096xf32> to vector<8x4092xf32>
    %slice3A_153 = vector.extract_strided_slice %select_n3A_145 {offsets = [0, 0], sizes = [8, 4], strides = [1, 1]} : vector<8x4096xf32> to vector<8x4xf32>
    %concatenate3A_154 = tpu.concatenate %slice3A_152, %slice3A_153 in 1 : vector<8x4092xf32>, vector<8x4xf32> -> vector<8x4096xf32>
    %slice3A_155 = vector.extract_strided_slice %select_n3A_145 {offsets = [0, 4092], sizes = [8, 4], strides = [1, 1]} : vector<8x4096xf32> to vector<8x4xf32>
    %slice3A_156 = vector.extract_strided_slice %select_n3A_145 {offsets = [0, 0], sizes = [8, 4092], strides = [1, 1]} : vector<8x4096xf32> to vector<8x4092xf32>
    %concatenate3A_157 = tpu.concatenate %slice3A_155, %slice3A_156 in 1 : vector<8x4xf32>, vector<8x4092xf32> -> vector<8x4096xf32>
    %and3A_158 = arith.constant 4 : i32
    %and3A_159 = vector.broadcast %and3A_158 : i32 to vector<8x4096xi32>
    %and3A_160 = arith.andi %add3A_44, %and3A_159 : vector<8x4096xi32>
    %ne3A_161 = arith.constant 0 : i32
    %ne3A_162 = vector.broadcast %ne3A_161 : i32 to vector<8x4096xi32>
    %ne3A_163 = arith.cmpi ne, %and3A_160, %ne3A_162 : vector<8x4096xi32>
    %and3A_164 = arith.constant 8 : i32
    %and3A_165 = vector.broadcast %and3A_164 : i32 to vector<8x4096xi32>
    %and3A_166 = arith.andi %add3A_44, %and3A_165 : vector<8x4096xi32>
    %ne3A_167 = arith.constant 0 : i32
    %ne3A_168 = vector.broadcast %ne3A_167 : i32 to vector<8x4096xi32>
    %ne3A_169 = arith.cmpi ne, %and3A_166, %ne3A_168 : vector<8x4096xi32>
    %select_n3A_170 = arith.select %ne3A_163, %concatenate3A_151, %concatenate3A_148 : vector<8x4096xi1>, vector<8x4096xf32>
    %select_n3A_171 = arith.select %ne3A_163, %concatenate3A_157, %concatenate3A_154 : vector<8x4096xi1>, vector<8x4096xf32>
    %gt3A_172 = arith.cmpf ogt, %select_n3A_170, %select_n3A_144 : vector<8x4096xf32>
    %eq3A_173 = arith.cmpf oeq, %select_n3A_170, %select_n3A_144 : vector<8x4096xf32>
    %lt3A_174 = arith.cmpf olt, %select_n3A_171, %select_n3A_145 : vector<8x4096xf32>
    %and3A_175 = arith.andi %eq3A_173, %lt3A_174 : vector<8x4096xi1>
    %or3A_176 = arith.ori %gt3A_172, %and3A_175 : vector<8x4096xi1>
    %xor3A_177 = arith.xori %or3A_176, %ne3A_163 : vector<8x4096xi1>
    %xor3A_178 = arith.xori %xor3A_177, %ne3A_169 : vector<8x4096xi1>
    %select_n3A_179 = arith.select %xor3A_178, %select_n3A_170, %select_n3A_144 : vector<8x4096xi1>, vector<8x4096xf32>
    %select_n3A_180 = arith.select %xor3A_178, %select_n3A_171, %select_n3A_145 : vector<8x4096xi1>, vector<8x4096xf32>
    %slice3A_181 = vector.extract_strided_slice %select_n3A_179 {offsets = [0, 2], sizes = [8, 4094], strides = [1, 1]} : vector<8x4096xf32> to vector<8x4094xf32>
    %slice3A_182 = vector.extract_strided_slice %select_n3A_179 {offsets = [0, 0], sizes = [8, 2], strides = [1, 1]} : vector<8x4096xf32> to vector<8x2xf32>
    %concatenate3A_183 = tpu.concatenate %slice3A_181, %slice3A_182 in 1 : vector<8x4094xf32>, vector<8x2xf32> -> vector<8x4096xf32>
    %slice3A_184 = vector.extract_strided_slice %select_n3A_179 {offsets = [0, 4094], sizes = [8, 2], strides = [1, 1]} : vector<8x4096xf32> to vector<8x2xf32>
    %slice3A_185 = vector.extract_strided_slice %select_n3A_179 {offsets = [0, 0], sizes = [8, 4094], strides = [1, 1]} : vector<8x4096xf32> to vector<8x4094xf32>
    %concatenate3A_186 = tpu.concatenate %slice3A_184, %slice3A_185 in 1 : vector<8x2xf32>, vector<8x4094xf32> -> vector<8x4096xf32>
    %slice3A_187 = vector.extract_strided_slice %select_n3A_180 {offsets = [0, 2], sizes = [8, 4094], strides = [1, 1]} : vector<8x4096xf32> to vector<8x4094xf32>
    %slice3A_188 = vector.extract_strided_slice %select_n3A_180 {offsets = [0, 0], sizes = [8, 2], strides = [1, 1]} : vector<8x4096xf32> to vector<8x2xf32>
    %concatenate3A_189 = tpu.concatenate %slice3A_187, %slice3A_188 in 1 : vector<8x4094xf32>, vector<8x2xf32> -> vector<8x4096xf32>
    %slice3A_190 = vector.extract_strided_slice %select_n3A_180 {offsets = [0, 4094], sizes = [8, 2], strides = [1, 1]} : vector<8x4096xf32> to vector<8x2xf32>
    %slice3A_191 = vector.extract_strided_slice %select_n3A_180 {offsets = [0, 0], sizes = [8, 4094], strides = [1, 1]} : vector<8x4096xf32> to vector<8x4094xf32>
    %concatenate3A_192 = tpu.concatenate %slice3A_190, %slice3A_191 in 1 : vector<8x2xf32>, vector<8x4094xf32> -> vector<8x4096xf32>
    %and3A_193 = arith.constant 2 : i32
    %and3A_194 = vector.broadcast %and3A_193 : i32 to vector<8x4096xi32>
    %and3A_195 = arith.andi %add3A_44, %and3A_194 : vector<8x4096xi32>
    %ne3A_196 = arith.constant 0 : i32
    %ne3A_197 = vector.broadcast %ne3A_196 : i32 to vector<8x4096xi32>
    %ne3A_198 = arith.cmpi ne, %and3A_195, %ne3A_197 : vector<8x4096xi32>
    %and3A_199 = arith.constant 8 : i32
    %and3A_200 = vector.broadcast %and3A_199 : i32 to vector<8x4096xi32>
    %and3A_201 = arith.andi %add3A_44, %and3A_200 : vector<8x4096xi32>
    %ne3A_202 = arith.constant 0 : i32
    %ne3A_203 = vector.broadcast %ne3A_202 : i32 to vector<8x4096xi32>
    %ne3A_204 = arith.cmpi ne, %and3A_201, %ne3A_203 : vector<8x4096xi32>
    %select_n3A_205 = arith.select %ne3A_198, %concatenate3A_186, %concatenate3A_183 : vector<8x4096xi1>, vector<8x4096xf32>
    %select_n3A_206 = arith.select %ne3A_198, %concatenate3A_192, %concatenate3A_189 : vector<8x4096xi1>, vector<8x4096xf32>
    %gt3A_207 = arith.cmpf ogt, %select_n3A_205, %select_n3A_179 : vector<8x4096xf32>
    %eq3A_208 = arith.cmpf oeq, %select_n3A_205, %select_n3A_179 : vector<8x4096xf32>
    %lt3A_209 = arith.cmpf olt, %select_n3A_206, %select_n3A_180 : vector<8x4096xf32>
    %and3A_210 = arith.andi %eq3A_208, %lt3A_209 : vector<8x4096xi1>
    %or3A_211 = arith.ori %gt3A_207, %and3A_210 : vector<8x4096xi1>
    %xor3A_212 = arith.xori %or3A_211, %ne3A_198 : vector<8x4096xi1>
    %xor3A_213 = arith.xori %xor3A_212, %ne3A_204 : vector<8x4096xi1>
    %select_n3A_214 = arith.select %xor3A_213, %select_n3A_205, %select_n3A_179 : vector<8x4096xi1>, vector<8x4096xf32>
    %select_n3A_215 = arith.select %xor3A_213, %select_n3A_206, %select_n3A_180 : vector<8x4096xi1>, vector<8x4096xf32>
    %slice3A_216 = vector.extract_strided_slice %select_n3A_214 {offsets = [0, 1], sizes = [8, 4095], strides = [1, 1]} : vector<8x4096xf32> to vector<8x4095xf32>
    %slice3A_217 = vector.extract_strided_slice %select_n3A_214 {offsets = [0, 0], sizes = [8, 1], strides = [1, 1]} : vector<8x4096xf32> to vector<8x1xf32>
    %concatenate3A_218 = tpu.concatenate %slice3A_216, %slice3A_217 in 1 : vector<8x4095xf32>, vector<8x1xf32> -> vector<8x4096xf32>
    %slice3A_219 = vector.extract_strided_slice %select_n3A_214 {offsets = [0, 4095], sizes = [8, 1], strides = [1, 1]} : vector<8x4096xf32> to vector<8x1xf32>
    %slice3A_220 = vector.extract_strided_slice %select_n3A_214 {offsets = [0, 0], sizes = [8, 4095], strides = [1, 1]} : vector<8x4096xf32> to vector<8x4095xf32>
    %concatenate3A_221 = tpu.concatenate %slice3A_219, %slice3A_220 in 1 : vector<8x1xf32>, vector<8x4095xf32> -> vector<8x4096xf32>
    %slice3A_222 = vector.extract_strided_slice %select_n3A_215 {offsets = [0, 1], sizes = [8, 4095], strides = [1, 1]} : vector<8x4096xf32> to vector<8x4095xf32>
    %slice3A_223 = vector.extract_strided_slice %select_n3A_215 {offsets = [0, 0], sizes = [8, 1], strides = [1, 1]} : vector<8x4096xf32> to vector<8x1xf32>
    %concatenate3A_224 = tpu.concatenate %slice3A_222, %slice3A_223 in 1 : vector<8x4095xf32>, vector<8x1xf32> -> vector<8x4096xf32>
    %slice3A_225 = vector.extract_strided_slice %select_n3A_215 {offsets = [0, 4095], sizes = [8, 1], strides = [1, 1]} : vector<8x4096xf32> to vector<8x1xf32>
    %slice3A_226 = vector.extract_strided_slice %select_n3A_215 {offsets = [0, 0], sizes = [8, 4095], strides = [1, 1]} : vector<8x4096xf32> to vector<8x4095xf32>
    %concatenate3A_227 = tpu.concatenate %slice3A_225, %slice3A_226 in 1 : vector<8x1xf32>, vector<8x4095xf32> -> vector<8x4096xf32>
    %and3A_228 = arith.constant 1 : i32
    %and3A_229 = vector.broadcast %and3A_228 : i32 to vector<8x4096xi32>
    %and3A_230 = arith.andi %add3A_44, %and3A_229 : vector<8x4096xi32>
    %ne3A_231 = arith.constant 0 : i32
    %ne3A_232 = vector.broadcast %ne3A_231 : i32 to vector<8x4096xi32>
    %ne3A_233 = arith.cmpi ne, %and3A_230, %ne3A_232 : vector<8x4096xi32>
    %and3A_234 = arith.constant 8 : i32
    %and3A_235 = vector.broadcast %and3A_234 : i32 to vector<8x4096xi32>
    %and3A_236 = arith.andi %add3A_44, %and3A_235 : vector<8x4096xi32>
    %ne3A_237 = arith.constant 0 : i32
    %ne3A_238 = vector.broadcast %ne3A_237 : i32 to vector<8x4096xi32>
    %ne3A_239 = arith.cmpi ne, %and3A_236, %ne3A_238 : vector<8x4096xi32>
    %select_n3A_240 = arith.select %ne3A_233, %concatenate3A_221, %concatenate3A_218 : vector<8x4096xi1>, vector<8x4096xf32>
    %select_n3A_241 = arith.select %ne3A_233, %concatenate3A_227, %concatenate3A_224 : vector<8x4096xi1>, vector<8x4096xf32>
    %gt3A_242 = arith.cmpf ogt, %select_n3A_240, %select_n3A_214 : vector<8x4096xf32>
    %eq3A_243 = arith.cmpf oeq, %select_n3A_240, %select_n3A_214 : vector<8x4096xf32>
    %lt3A_244 = arith.cmpf olt, %select_n3A_241, %select_n3A_215 : vector<8x4096xf32>
    %and3A_245 = arith.andi %eq3A_243, %lt3A_244 : vector<8x4096xi1>
    %or3A_246 = arith.ori %gt3A_242, %and3A_245 : vector<8x4096xi1>
    %xor3A_247 = arith.xori %or3A_246, %ne3A_233 : vector<8x4096xi1>
    %xor3A_248 = arith.xori %xor3A_247, %ne3A_239 : vector<8x4096xi1>
    %select_n3A_249 = arith.select %xor3A_248, %select_n3A_240, %select_n3A_214 : vector<8x4096xi1>, vector<8x4096xf32>
    %select_n3A_250 = arith.select %xor3A_248, %select_n3A_241, %select_n3A_215 : vector<8x4096xi1>, vector<8x4096xf32>
    %slice3A_251 = vector.extract_strided_slice %select_n3A_249 {offsets = [0, 8], sizes = [8, 4088], strides = [1, 1]} : vector<8x4096xf32> to vector<8x4088xf32>
    %slice3A_252 = vector.extract_strided_slice %select_n3A_249 {offsets = [0, 0], sizes = [8, 8], strides = [1, 1]} : vector<8x4096xf32> to vector<8x8xf32>
    %concatenate3A_253 = tpu.concatenate %slice3A_251, %slice3A_252 in 1 : vector<8x4088xf32>, vector<8x8xf32> -> vector<8x4096xf32>
    %slice3A_254 = vector.extract_strided_slice %select_n3A_249 {offsets = [0, 4088], sizes = [8, 8], strides = [1, 1]} : vector<8x4096xf32> to vector<8x8xf32>
    %slice3A_255 = vector.extract_strided_slice %select_n3A_249 {offsets = [0, 0], sizes = [8, 4088], strides = [1, 1]} : vector<8x4096xf32> to vector<8x4088xf32>
    %concatenate3A_256 = tpu.concatenate %slice3A_254, %slice3A_255 in 1 : vector<8x8xf32>, vector<8x4088xf32> -> vector<8x4096xf32>
    %slice3A_257 = vector.extract_strided_slice %select_n3A_250 {offsets = [0, 8], sizes = [8, 4088], strides = [1, 1]} : vector<8x4096xf32> to vector<8x4088xf32>
    %slice3A_258 = vector.extract_strided_slice %select_n3A_250 {offsets = [0, 0], sizes = [8, 8], strides = [1, 1]} : vector<8x4096xf32> to vector<8x8xf32>
    %concatenate3A_259 = tpu.concatenate %slice3A_257, %slice3A_258 in 1 : vector<8x4088xf32>, vector<8x8xf32> -> vector<8x4096xf32>
    %slice3A_260 = vector.extract_strided_slice %select_n3A_250 {offsets = [0, 4088], sizes = [8, 8], strides = [1, 1]} : vector<8x4096xf32> to vector<8x8xf32>
    %slice3A_261 = vector.extract_strided_slice %select_n3A_250 {offsets = [0, 0], sizes = [8, 4088], strides = [1, 1]} : vector<8x4096xf32> to vector<8x4088xf32>
    %concatenate3A_262 = tpu.concatenate %slice3A_260, %slice3A_261 in 1 : vector<8x8xf32>, vector<8x4088xf32> -> vector<8x4096xf32>
    %and3A_263 = arith.constant 8 : i32
    %and3A_264 = vector.broadcast %and3A_263 : i32 to vector<8x4096xi32>
    %and3A_265 = arith.andi %add3A_44, %and3A_264 : vector<8x4096xi32>
    %ne3A_266 = arith.constant 0 : i32
    %ne3A_267 = vector.broadcast %ne3A_266 : i32 to vector<8x4096xi32>
    %ne3A_268 = arith.cmpi ne, %and3A_265, %ne3A_267 : vector<8x4096xi32>
    %and3A_269 = arith.constant 16 : i32
    %and3A_270 = vector.broadcast %and3A_269 : i32 to vector<8x4096xi32>
    %and3A_271 = arith.andi %add3A_44, %and3A_270 : vector<8x4096xi32>
    %ne3A_272 = arith.constant 0 : i32
    %ne3A_273 = vector.broadcast %ne3A_272 : i32 to vector<8x4096xi32>
    %ne3A_274 = arith.cmpi ne, %and3A_271, %ne3A_273 : vector<8x4096xi32>
    %select_n3A_275 = arith.select %ne3A_268, %concatenate3A_256, %concatenate3A_253 : vector<8x4096xi1>, vector<8x4096xf32>
    %select_n3A_276 = arith.select %ne3A_268, %concatenate3A_262, %concatenate3A_259 : vector<8x4096xi1>, vector<8x4096xf32>
    %gt3A_277 = arith.cmpf ogt, %select_n3A_275, %select_n3A_249 : vector<8x4096xf32>
    %eq3A_278 = arith.cmpf oeq, %select_n3A_275, %select_n3A_249 : vector<8x4096xf32>
    %lt3A_279 = arith.cmpf olt, %select_n3A_276, %select_n3A_250 : vector<8x4096xf32>
    %and3A_280 = arith.andi %eq3A_278, %lt3A_279 : vector<8x4096xi1>
    %or3A_281 = arith.ori %gt3A_277, %and3A_280 : vector<8x4096xi1>
    %xor3A_282 = arith.xori %or3A_281, %ne3A_268 : vector<8x4096xi1>
    %xor3A_283 = arith.xori %xor3A_282, %ne3A_274 : vector<8x4096xi1>
    %select_n3A_284 = arith.select %xor3A_283, %select_n3A_275, %select_n3A_249 : vector<8x4096xi1>, vector<8x4096xf32>
    %select_n3A_285 = arith.select %xor3A_283, %select_n3A_276, %select_n3A_250 : vector<8x4096xi1>, vector<8x4096xf32>
    %slice3A_286 = vector.extract_strided_slice %select_n3A_284 {offsets = [0, 4], sizes = [8, 4092], strides = [1, 1]} : vector<8x4096xf32> to vector<8x4092xf32>
    %slice3A_287 = vector.extract_strided_slice %select_n3A_284 {offsets = [0, 0], sizes = [8, 4], strides = [1, 1]} : vector<8x4096xf32> to vector<8x4xf32>
    %concatenate3A_288 = tpu.concatenate %slice3A_286, %slice3A_287 in 1 : vector<8x4092xf32>, vector<8x4xf32> -> vector<8x4096xf32>
    %slice3A_289 = vector.extract_strided_slice %select_n3A_284 {offsets = [0, 4092], sizes = [8, 4], strides = [1, 1]} : vector<8x4096xf32> to vector<8x4xf32>
    %slice3A_290 = vector.extract_strided_slice %select_n3A_284 {offsets = [0, 0], sizes = [8, 4092], strides = [1, 1]} : vector<8x4096xf32> to vector<8x4092xf32>
    %concatenate3A_291 = tpu.concatenate %slice3A_289, %slice3A_290 in 1 : vector<8x4xf32>, vector<8x4092xf32> -> vector<8x4096xf32>
    %slice3A_292 = vector.extract_strided_slice %select_n3A_285 {offsets = [0, 4], sizes = [8, 4092], strides = [1, 1]} : vector<8x4096xf32> to vector<8x4092xf32>
    %slice3A_293 = vector.extract_strided_slice %select_n3A_285 {offsets = [0, 0], sizes = [8, 4], strides = [1, 1]} : vector<8x4096xf32> to vector<8x4xf32>
    %concatenate3A_294 = tpu.concatenate %slice3A_292, %slice3A_293 in 1 : vector<8x4092xf32>, vector<8x4xf32> -> vector<8x4096xf32>
    %slice3A_295 = vector.extract_strided_slice %select_n3A_285 {offsets = [0, 4092], sizes = [8, 4], strides = [1, 1]} : vector<8x4096xf32> to vector<8x4xf32>
    %slice3A_296 = vector.extract_strided_slice %select_n3A_285 {offsets = [0, 0], sizes = [8, 4092], strides = [1, 1]} : vector<8x4096xf32> to vector<8x4092xf32>
    %concatenate3A_297 = tpu.concatenate %slice3A_295, %slice3A_296 in 1 : vector<8x4xf32>, vector<8x4092xf32> -> vector<8x4096xf32>
    %and3A_298 = arith.constant 4 : i32
    %and3A_299 = vector.broadcast %and3A_298 : i32 to vector<8x4096xi32>
    %and3A_300 = arith.andi %add3A_44, %and3A_299 : vector<8x4096xi32>
    %ne3A_301 = arith.constant 0 : i32
    %ne3A_302 = vector.broadcast %ne3A_301 : i32 to vector<8x4096xi32>
    %ne3A_303 = arith.cmpi ne, %and3A_300, %ne3A_302 : vector<8x4096xi32>
    %and3A_304 = arith.constant 16 : i32
    %and3A_305 = vector.broadcast %and3A_304 : i32 to vector<8x4096xi32>
    %and3A_306 = arith.andi %add3A_44, %and3A_305 : vector<8x4096xi32>
    %ne3A_307 = arith.constant 0 : i32
    %ne3A_308 = vector.broadcast %ne3A_307 : i32 to vector<8x4096xi32>
    %ne3A_309 = arith.cmpi ne, %and3A_306, %ne3A_308 : vector<8x4096xi32>
    %select_n3A_310 = arith.select %ne3A_303, %concatenate3A_291, %concatenate3A_288 : vector<8x4096xi1>, vector<8x4096xf32>
    %select_n3A_311 = arith.select %ne3A_303, %concatenate3A_297, %concatenate3A_294 : vector<8x4096xi1>, vector<8x4096xf32>
    %gt3A_312 = arith.cmpf ogt, %select_n3A_310, %select_n3A_284 : vector<8x4096xf32>
    %eq3A_313 = arith.cmpf oeq, %select_n3A_310, %select_n3A_284 : vector<8x4096xf32>
    %lt3A_314 = arith.cmpf olt, %select_n3A_311, %select_n3A_285 : vector<8x4096xf32>
    %and3A_315 = arith.andi %eq3A_313, %lt3A_314 : vector<8x4096xi1>
    %or3A_316 = arith.ori %gt3A_312, %and3A_315 : vector<8x4096xi1>
    %xor3A_317 = arith.xori %or3A_316, %ne3A_303 : vector<8x4096xi1>
    %xor3A_318 = arith.xori %xor3A_317, %ne3A_309 : vector<8x4096xi1>
    %select_n3A_319 = arith.select %xor3A_318, %select_n3A_310, %select_n3A_284 : vector<8x4096xi1>, vector<8x4096xf32>
    %select_n3A_320 = arith.select %xor3A_318, %select_n3A_311, %select_n3A_285 : vector<8x4096xi1>, vector<8x4096xf32>
    %slice3A_321 = vector.extract_strided_slice %select_n3A_319 {offsets = [0, 2], sizes = [8, 4094], strides = [1, 1]} : vector<8x4096xf32> to vector<8x4094xf32>
    %slice3A_322 = vector.extract_strided_slice %select_n3A_319 {offsets = [0, 0], sizes = [8, 2], strides = [1, 1]} : vector<8x4096xf32> to vector<8x2xf32>
    %concatenate3A_323 = tpu.concatenate %slice3A_321, %slice3A_322 in 1 : vector<8x4094xf32>, vector<8x2xf32> -> vector<8x4096xf32>
    %slice3A_324 = vector.extract_strided_slice %select_n3A_319 {offsets = [0, 4094], sizes = [8, 2], strides = [1, 1]} : vector<8x4096xf32> to vector<8x2xf32>
    %slice3A_325 = vector.extract_strided_slice %select_n3A_319 {offsets = [0, 0], sizes = [8, 4094], strides = [1, 1]} : vector<8x4096xf32> to vector<8x4094xf32>
    %concatenate3A_326 = tpu.concatenate %slice3A_324, %slice3A_325 in 1 : vector<8x2xf32>, vector<8x4094xf32> -> vector<8x4096xf32>
    %slice3A_327 = vector.extract_strided_slice %select_n3A_320 {offsets = [0, 2], sizes = [8, 4094], strides = [1, 1]} : vector<8x4096xf32> to vector<8x4094xf32>
    %slice3A_328 = vector.extract_strided_slice %select_n3A_320 {offsets = [0, 0], sizes = [8, 2], strides = [1, 1]} : vector<8x4096xf32> to vector<8x2xf32>
    %concatenate3A_329 = tpu.concatenate %slice3A_327, %slice3A_328 in 1 : vector<8x4094xf32>, vector<8x2xf32> -> vector<8x4096xf32>
    %slice3A_330 = vector.extract_strided_slice %select_n3A_320 {offsets = [0, 4094], sizes = [8, 2], strides = [1, 1]} : vector<8x4096xf32> to vector<8x2xf32>
    %slice3A_331 = vector.extract_strided_slice %select_n3A_320 {offsets = [0, 0], sizes = [8, 4094], strides = [1, 1]} : vector<8x4096xf32> to vector<8x4094xf32>
    %concatenate3A_332 = tpu.concatenate %slice3A_330, %slice3A_331 in 1 : vector<8x2xf32>, vector<8x4094xf32> -> vector<8x4096xf32>
    %and3A_333 = arith.constant 2 : i32
    %and3A_334 = vector.broadcast %and3A_333 : i32 to vector<8x4096xi32>
    %and3A_335 = arith.andi %add3A_44, %and3A_334 : vector<8x4096xi32>
    %ne3A_336 = arith.constant 0 : i32
    %ne3A_337 = vector.broadcast %ne3A_336 : i32 to vector<8x4096xi32>
    %ne3A_338 = arith.cmpi ne, %and3A_335, %ne3A_337 : vector<8x4096xi32>
    %and3A_339 = arith.constant 16 : i32
    %and3A_340 = vector.broadcast %and3A_339 : i32 to vector<8x4096xi32>
    %and3A_341 = arith.andi %add3A_44, %and3A_340 : vector<8x4096xi32>
    %ne3A_342 = arith.constant 0 : i32
    %ne3A_343 = vector.broadcast %ne3A_342 : i32 to vector<8x4096xi32>
    %ne3A_344 = arith.cmpi ne, %and3A_341, %ne3A_343 : vector<8x4096xi32>
    %select_n3A_345 = arith.select %ne3A_338, %concatenate3A_326, %concatenate3A_323 : vector<8x4096xi1>, vector<8x4096xf32>
    %select_n3A_346 = arith.select %ne3A_338, %concatenate3A_332, %concatenate3A_329 : vector<8x4096xi1>, vector<8x4096xf32>
    %gt3A_347 = arith.cmpf ogt, %select_n3A_345, %select_n3A_319 : vector<8x4096xf32>
    %eq3A_348 = arith.cmpf oeq, %select_n3A_345, %select_n3A_319 : vector<8x4096xf32>
    %lt3A_349 = arith.cmpf olt, %select_n3A_346, %select_n3A_320 : vector<8x4096xf32>
    %and3A_350 = arith.andi %eq3A_348, %lt3A_349 : vector<8x4096xi1>
    %or3A_351 = arith.ori %gt3A_347, %and3A_350 : vector<8x4096xi1>
    %xor3A_352 = arith.xori %or3A_351, %ne3A_338 : vector<8x4096xi1>
    %xor3A_353 = arith.xori %xor3A_352, %ne3A_344 : vector<8x4096xi1>
    %select_n3A_354 = arith.select %xor3A_353, %select_n3A_345, %select_n3A_319 : vector<8x4096xi1>, vector<8x4096xf32>
    %select_n3A_355 = arith.select %xor3A_353, %select_n3A_346, %select_n3A_320 : vector<8x4096xi1>, vector<8x4096xf32>
    %slice3A_356 = vector.extract_strided_slice %select_n3A_354 {offsets = [0, 1], sizes = [8, 4095], strides = [1, 1]} : vector<8x4096xf32> to vector<8x4095xf32>
    %slice3A_357 = vector.extract_strided_slice %select_n3A_354 {offsets = [0, 0], sizes = [8, 1], strides = [1, 1]} : vector<8x4096xf32> to vector<8x1xf32>
    %concatenate3A_358 = tpu.concatenate %slice3A_356, %slice3A_357 in 1 : vector<8x4095xf32>, vector<8x1xf32> -> vector<8x4096xf32>
    %slice3A_359 = vector.extract_strided_slice %select_n3A_354 {offsets = [0, 4095], sizes = [8, 1], strides = [1, 1]} : vector<8x4096xf32> to vector<8x1xf32>
    %slice3A_360 = vector.extract_strided_slice %select_n3A_354 {offsets = [0, 0], sizes = [8, 4095], strides = [1, 1]} : vector<8x4096xf32> to vector<8x4095xf32>
    %concatenate3A_361 = tpu.concatenate %slice3A_359, %slice3A_360 in 1 : vector<8x1xf32>, vector<8x4095xf32> -> vector<8x4096xf32>
    %slice3A_362 = vector.extract_strided_slice %select_n3A_355 {offsets = [0, 1], sizes = [8, 4095], strides = [1, 1]} : vector<8x4096xf32> to vector<8x4095xf32>
    %slice3A_363 = vector.extract_strided_slice %select_n3A_355 {offsets = [0, 0], sizes = [8, 1], strides = [1, 1]} : vector<8x4096xf32> to vector<8x1xf32>
    %concatenate3A_364 = tpu.concatenate %slice3A_362, %slice3A_363 in 1 : vector<8x4095xf32>, vector<8x1xf32> -> vector<8x4096xf32>
    %slice3A_365 = vector.extract_strided_slice %select_n3A_355 {offsets = [0, 4095], sizes = [8, 1], strides = [1, 1]} : vector<8x4096xf32> to vector<8x1xf32>
    %slice3A_366 = vector.extract_strided_slice %select_n3A_355 {offsets = [0, 0], sizes = [8, 4095], strides = [1, 1]} : vector<8x4096xf32> to vector<8x4095xf32>
    %concatenate3A_367 = tpu.concatenate %slice3A_365, %slice3A_366 in 1 : vector<8x1xf32>, vector<8x4095xf32> -> vector<8x4096xf32>
    %and3A_368 = arith.constant 1 : i32
    %and3A_369 = vector.broadcast %and3A_368 : i32 to vector<8x4096xi32>
    %and3A_370 = arith.andi %add3A_44, %and3A_369 : vector<8x4096xi32>
    %ne3A_371 = arith.constant 0 : i32
    %ne3A_372 = vector.broadcast %ne3A_371 : i32 to vector<8x4096xi32>
    %ne3A_373 = arith.cmpi ne, %and3A_370, %ne3A_372 : vector<8x4096xi32>
    %and3A_374 = arith.constant 16 : i32
    %and3A_375 = vector.broadcast %and3A_374 : i32 to vector<8x4096xi32>
    %and3A_376 = arith.andi %add3A_44, %and3A_375 : vector<8x4096xi32>
    %ne3A_377 = arith.constant 0 : i32
    %ne3A_378 = vector.broadcast %ne3A_377 : i32 to vector<8x4096xi32>
    %ne3A_379 = arith.cmpi ne, %and3A_376, %ne3A_378 : vector<8x4096xi32>
    %select_n3A_380 = arith.select %ne3A_373, %concatenate3A_361, %concatenate3A_358 : vector<8x4096xi1>, vector<8x4096xf32>
    %select_n3A_381 = arith.select %ne3A_373, %concatenate3A_367, %concatenate3A_364 : vector<8x4096xi1>, vector<8x4096xf32>
    %gt3A_382 = arith.cmpf ogt, %select_n3A_380, %select_n3A_354 : vector<8x4096xf32>
    %eq3A_383 = arith.cmpf oeq, %select_n3A_380, %select_n3A_354 : vector<8x4096xf32>
    %lt3A_384 = arith.cmpf olt, %select_n3A_381, %select_n3A_355 : vector<8x4096xf32>
    %and3A_385 = arith.andi %eq3A_383, %lt3A_384 : vector<8x4096xi1>
    %or3A_386 = arith.ori %gt3A_382, %and3A_385 : vector<8x4096xi1>
    %xor3A_387 = arith.xori %or3A_386, %ne3A_373 : vector<8x4096xi1>
    %xor3A_388 = arith.xori %xor3A_387, %ne3A_379 : vector<8x4096xi1>
    %select_n3A_389 = arith.select %xor3A_388, %select_n3A_380, %select_n3A_354 : vector<8x4096xi1>, vector<8x4096xf32>
    %select_n3A_390 = arith.select %xor3A_388, %select_n3A_381, %select_n3A_355 : vector<8x4096xi1>, vector<8x4096xf32>
    %slice3A_391 = vector.extract_strided_slice %select_n3A_389 {offsets = [0, 16], sizes = [8, 4080], strides = [1, 1]} : vector<8x4096xf32> to vector<8x4080xf32>
    %slice3A_392 = vector.extract_strided_slice %select_n3A_389 {offsets = [0, 0], sizes = [8, 16], strides = [1, 1]} : vector<8x4096xf32> to vector<8x16xf32>
    %concatenate3A_393 = tpu.concatenate %slice3A_391, %slice3A_392 in 1 : vector<8x4080xf32>, vector<8x16xf32> -> vector<8x4096xf32>
    %slice3A_394 = vector.extract_strided_slice %select_n3A_389 {offsets = [0, 4080], sizes = [8, 16], strides = [1, 1]} : vector<8x4096xf32> to vector<8x16xf32>
    %slice3A_395 = vector.extract_strided_slice %select_n3A_389 {offsets = [0, 0], sizes = [8, 4080], strides = [1, 1]} : vector<8x4096xf32> to vector<8x4080xf32>
    %concatenate3A_396 = tpu.concatenate %slice3A_394, %slice3A_395 in 1 : vector<8x16xf32>, vector<8x4080xf32> -> vector<8x4096xf32>
    %slice3A_397 = vector.extract_strided_slice %select_n3A_390 {offsets = [0, 16], sizes = [8, 4080], strides = [1, 1]} : vector<8x4096xf32> to vector<8x4080xf32>
    %slice3A_398 = vector.extract_strided_slice %select_n3A_390 {offsets = [0, 0], sizes = [8, 16], strides = [1, 1]} : vector<8x4096xf32> to vector<8x16xf32>
    %concatenate3A_399 = tpu.concatenate %slice3A_397, %slice3A_398 in 1 : vector<8x4080xf32>, vector<8x16xf32> -> vector<8x4096xf32>
    %slice3A_400 = vector.extract_strided_slice %select_n3A_390 {offsets = [0, 4080], sizes = [8, 16], strides = [1, 1]} : vector<8x4096xf32> to vector<8x16xf32>
    %slice3A_401 = vector.extract_strided_slice %select_n3A_390 {offsets = [0, 0], sizes = [8, 4080], strides = [1, 1]} : vector<8x4096xf32> to vector<8x4080xf32>
    %concatenate3A_402 = tpu.concatenate %slice3A_400, %slice3A_401 in 1 : vector<8x16xf32>, vector<8x4080xf32> -> vector<8x4096xf32>
    %and3A_403 = arith.constant 16 : i32
    %and3A_404 = vector.broadcast %and3A_403 : i32 to vector<8x4096xi32>
    %and3A_405 = arith.andi %add3A_44, %and3A_404 : vector<8x4096xi32>
    %ne3A_406 = arith.constant 0 : i32
    %ne3A_407 = vector.broadcast %ne3A_406 : i32 to vector<8x4096xi32>
    %ne3A_408 = arith.cmpi ne, %and3A_405, %ne3A_407 : vector<8x4096xi32>
    %and3A_409 = arith.constant 32 : i32
    %and3A_410 = vector.broadcast %and3A_409 : i32 to vector<8x4096xi32>
    %and3A_411 = arith.andi %add3A_44, %and3A_410 : vector<8x4096xi32>
    %ne3A_412 = arith.constant 0 : i32
    %ne3A_413 = vector.broadcast %ne3A_412 : i32 to vector<8x4096xi32>
    %ne3A_414 = arith.cmpi ne, %and3A_411, %ne3A_413 : vector<8x4096xi32>
    %select_n3A_415 = arith.select %ne3A_408, %concatenate3A_396, %concatenate3A_393 : vector<8x4096xi1>, vector<8x4096xf32>
    %select_n3A_416 = arith.select %ne3A_408, %concatenate3A_402, %concatenate3A_399 : vector<8x4096xi1>, vector<8x4096xf32>
    %gt3A_417 = arith.cmpf ogt, %select_n3A_415, %select_n3A_389 : vector<8x4096xf32>
    %eq3A_418 = arith.cmpf oeq, %select_n3A_415, %select_n3A_389 : vector<8x4096xf32>
    %lt3A_419 = arith.cmpf olt, %select_n3A_416, %select_n3A_390 : vector<8x4096xf32>
    %and3A_420 = arith.andi %eq3A_418, %lt3A_419 : vector<8x4096xi1>
    %or3A_421 = arith.ori %gt3A_417, %and3A_420 : vector<8x4096xi1>
    %xor3A_422 = arith.xori %or3A_421, %ne3A_408 : vector<8x4096xi1>
    %xor3A_423 = arith.xori %xor3A_422, %ne3A_414 : vector<8x4096xi1>
    %select_n3A_424 = arith.select %xor3A_423, %select_n3A_415, %select_n3A_389 : vector<8x4096xi1>, vector<8x4096xf32>
    %select_n3A_425 = arith.select %xor3A_423, %select_n3A_416, %select_n3A_390 : vector<8x4096xi1>, vector<8x4096xf32>
    %slice3A_426 = vector.extract_strided_slice %select_n3A_424 {offsets = [0, 8], sizes = [8, 4088], strides = [1, 1]} : vector<8x4096xf32> to vector<8x4088xf32>
    %slice3A_427 = vector.extract_strided_slice %select_n3A_424 {offsets = [0, 0], sizes = [8, 8], strides = [1, 1]} : vector<8x4096xf32> to vector<8x8xf32>
    %concatenate3A_428 = tpu.concatenate %slice3A_426, %slice3A_427 in 1 : vector<8x4088xf32>, vector<8x8xf32> -> vector<8x4096xf32>
    %slice3A_429 = vector.extract_strided_slice %select_n3A_424 {offsets = [0, 4088], sizes = [8, 8], strides = [1, 1]} : vector<8x4096xf32> to vector<8x8xf32>
    %slice3A_430 = vector.extract_strided_slice %select_n3A_424 {offsets = [0, 0], sizes = [8, 4088], strides = [1, 1]} : vector<8x4096xf32> to vector<8x4088xf32>
    %concatenate3A_431 = tpu.concatenate %slice3A_429, %slice3A_430 in 1 : vector<8x8xf32>, vector<8x4088xf32> -> vector<8x4096xf32>
    %slice3A_432 = vector.extract_strided_slice %select_n3A_425 {offsets = [0, 8], sizes = [8, 4088], strides = [1, 1]} : vector<8x4096xf32> to vector<8x4088xf32>
    %slice3A_433 = vector.extract_strided_slice %select_n3A_425 {offsets = [0, 0], sizes = [8, 8], strides = [1, 1]} : vector<8x4096xf32> to vector<8x8xf32>
    %concatenate3A_434 = tpu.concatenate %slice3A_432, %slice3A_433 in 1 : vector<8x4088xf32>, vector<8x8xf32> -> vector<8x4096xf32>
    %slice3A_435 = vector.extract_strided_slice %select_n3A_425 {offsets = [0, 4088], sizes = [8, 8], strides = [1, 1]} : vector<8x4096xf32> to vector<8x8xf32>
    %slice3A_436 = vector.extract_strided_slice %select_n3A_425 {offsets = [0, 0], sizes = [8, 4088], strides = [1, 1]} : vector<8x4096xf32> to vector<8x4088xf32>
    %concatenate3A_437 = tpu.concatenate %slice3A_435, %slice3A_436 in 1 : vector<8x8xf32>, vector<8x4088xf32> -> vector<8x4096xf32>
    %and3A_438 = arith.constant 8 : i32
    %and3A_439 = vector.broadcast %and3A_438 : i32 to vector<8x4096xi32>
    %and3A_440 = arith.andi %add3A_44, %and3A_439 : vector<8x4096xi32>
    %ne3A_441 = arith.constant 0 : i32
    %ne3A_442 = vector.broadcast %ne3A_441 : i32 to vector<8x4096xi32>
    %ne3A_443 = arith.cmpi ne, %and3A_440, %ne3A_442 : vector<8x4096xi32>
    %and3A_444 = arith.constant 32 : i32
    %and3A_445 = vector.broadcast %and3A_444 : i32 to vector<8x4096xi32>
    %and3A_446 = arith.andi %add3A_44, %and3A_445 : vector<8x4096xi32>
    %ne3A_447 = arith.constant 0 : i32
    %ne3A_448 = vector.broadcast %ne3A_447 : i32 to vector<8x4096xi32>
    %ne3A_449 = arith.cmpi ne, %and3A_446, %ne3A_448 : vector<8x4096xi32>
    %select_n3A_450 = arith.select %ne3A_443, %concatenate3A_431, %concatenate3A_428 : vector<8x4096xi1>, vector<8x4096xf32>
    %select_n3A_451 = arith.select %ne3A_443, %concatenate3A_437, %concatenate3A_434 : vector<8x4096xi1>, vector<8x4096xf32>
    %gt3A_452 = arith.cmpf ogt, %select_n3A_450, %select_n3A_424 : vector<8x4096xf32>
    %eq3A_453 = arith.cmpf oeq, %select_n3A_450, %select_n3A_424 : vector<8x4096xf32>
    %lt3A_454 = arith.cmpf olt, %select_n3A_451, %select_n3A_425 : vector<8x4096xf32>
    %and3A_455 = arith.andi %eq3A_453, %lt3A_454 : vector<8x4096xi1>
    %or3A_456 = arith.ori %gt3A_452, %and3A_455 : vector<8x4096xi1>
    %xor3A_457 = arith.xori %or3A_456, %ne3A_443 : vector<8x4096xi1>
    %xor3A_458 = arith.xori %xor3A_457, %ne3A_449 : vector<8x4096xi1>
    %select_n3A_459 = arith.select %xor3A_458, %select_n3A_450, %select_n3A_424 : vector<8x4096xi1>, vector<8x4096xf32>
    %select_n3A_460 = arith.select %xor3A_458, %select_n3A_451, %select_n3A_425 : vector<8x4096xi1>, vector<8x4096xf32>
    %slice3A_461 = vector.extract_strided_slice %select_n3A_459 {offsets = [0, 4], sizes = [8, 4092], strides = [1, 1]} : vector<8x4096xf32> to vector<8x4092xf32>
    %slice3A_462 = vector.extract_strided_slice %select_n3A_459 {offsets = [0, 0], sizes = [8, 4], strides = [1, 1]} : vector<8x4096xf32> to vector<8x4xf32>
    %concatenate3A_463 = tpu.concatenate %slice3A_461, %slice3A_462 in 1 : vector<8x4092xf32>, vector<8x4xf32> -> vector<8x4096xf32>
    %slice3A_464 = vector.extract_strided_slice %select_n3A_459 {offsets = [0, 4092], sizes = [8, 4], strides = [1, 1]} : vector<8x4096xf32> to vector<8x4xf32>
    %slice3A_465 = vector.extract_strided_slice %select_n3A_459 {offsets = [0, 0], sizes = [8, 4092], strides = [1, 1]} : vector<8x4096xf32> to vector<8x4092xf32>
    %concatenate3A_466 = tpu.concatenate %slice3A_464, %slice3A_465 in 1 : vector<8x4xf32>, vector<8x4092xf32> -> vector<8x4096xf32>
    %slice3A_467 = vector.extract_strided_slice %select_n3A_460 {offsets = [0, 4], sizes = [8, 4092], strides = [1, 1]} : vector<8x4096xf32> to vector<8x4092xf32>
    %slice3A_468 = vector.extract_strided_slice %select_n3A_460 {offsets = [0, 0], sizes = [8, 4], strides = [1, 1]} : vector<8x4096xf32> to vector<8x4xf32>
    %concatenate3A_469 = tpu.concatenate %slice3A_467, %slice3A_468 in 1 : vector<8x4092xf32>, vector<8x4xf32> -> vector<8x4096xf32>
    %slice3A_470 = vector.extract_strided_slice %select_n3A_460 {offsets = [0, 4092], sizes = [8, 4], strides = [1, 1]} : vector<8x4096xf32> to vector<8x4xf32>
    %slice3A_471 = vector.extract_strided_slice %select_n3A_460 {offsets = [0, 0], sizes = [8, 4092], strides = [1, 1]} : vector<8x4096xf32> to vector<8x4092xf32>
    %concatenate3A_472 = tpu.concatenate %slice3A_470, %slice3A_471 in 1 : vector<8x4xf32>, vector<8x4092xf32> -> vector<8x4096xf32>
    %and3A_473 = arith.constant 4 : i32
    %and3A_474 = vector.broadcast %and3A_473 : i32 to vector<8x4096xi32>
    %and3A_475 = arith.andi %add3A_44, %and3A_474 : vector<8x4096xi32>
    %ne3A_476 = arith.constant 0 : i32
    %ne3A_477 = vector.broadcast %ne3A_476 : i32 to vector<8x4096xi32>
    %ne3A_478 = arith.cmpi ne, %and3A_475, %ne3A_477 : vector<8x4096xi32>
    %and3A_479 = arith.constant 32 : i32
    %and3A_480 = vector.broadcast %and3A_479 : i32 to vector<8x4096xi32>
    %and3A_481 = arith.andi %add3A_44, %and3A_480 : vector<8x4096xi32>
    %ne3A_482 = arith.constant 0 : i32
    %ne3A_483 = vector.broadcast %ne3A_482 : i32 to vector<8x4096xi32>
    %ne3A_484 = arith.cmpi ne, %and3A_481, %ne3A_483 : vector<8x4096xi32>
    %select_n3A_485 = arith.select %ne3A_478, %concatenate3A_466, %concatenate3A_463 : vector<8x4096xi1>, vector<8x4096xf32>
    %select_n3A_486 = arith.select %ne3A_478, %concatenate3A_472, %concatenate3A_469 : vector<8x4096xi1>, vector<8x4096xf32>
    %gt3A_487 = arith.cmpf ogt, %select_n3A_485, %select_n3A_459 : vector<8x4096xf32>
    %eq3A_488 = arith.cmpf oeq, %select_n3A_485, %select_n3A_459 : vector<8x4096xf32>
    %lt3A_489 = arith.cmpf olt, %select_n3A_486, %select_n3A_460 : vector<8x4096xf32>
    %and3A_490 = arith.andi %eq3A_488, %lt3A_489 : vector<8x4096xi1>
    %or3A_491 = arith.ori %gt3A_487, %and3A_490 : vector<8x4096xi1>
    %xor3A_492 = arith.xori %or3A_491, %ne3A_478 : vector<8x4096xi1>
    %xor3A_493 = arith.xori %xor3A_492, %ne3A_484 : vector<8x4096xi1>
    %select_n3A_494 = arith.select %xor3A_493, %select_n3A_485, %select_n3A_459 : vector<8x4096xi1>, vector<8x4096xf32>
    %select_n3A_495 = arith.select %xor3A_493, %select_n3A_486, %select_n3A_460 : vector<8x4096xi1>, vector<8x4096xf32>
    %slice3A_496 = vector.extract_strided_slice %select_n3A_494 {offsets = [0, 2], sizes = [8, 4094], strides = [1, 1]} : vector<8x4096xf32> to vector<8x4094xf32>
    %slice3A_497 = vector.extract_strided_slice %select_n3A_494 {offsets = [0, 0], sizes = [8, 2], strides = [1, 1]} : vector<8x4096xf32> to vector<8x2xf32>
    %concatenate3A_498 = tpu.concatenate %slice3A_496, %slice3A_497 in 1 : vector<8x4094xf32>, vector<8x2xf32> -> vector<8x4096xf32>
    %slice3A_499 = vector.extract_strided_slice %select_n3A_494 {offsets = [0, 4094], sizes = [8, 2], strides = [1, 1]} : vector<8x4096xf32> to vector<8x2xf32>
    %slice3A_500 = vector.extract_strided_slice %select_n3A_494 {offsets = [0, 0], sizes = [8, 4094], strides = [1, 1]} : vector<8x4096xf32> to vector<8x4094xf32>
    %concatenate3A_501 = tpu.concatenate %slice3A_499, %slice3A_500 in 1 : vector<8x2xf32>, vector<8x4094xf32> -> vector<8x4096xf32>
    %slice3A_502 = vector.extract_strided_slice %select_n3A_495 {offsets = [0, 2], sizes = [8, 4094], strides = [1, 1]} : vector<8x4096xf32> to vector<8x4094xf32>
    %slice3A_503 = vector.extract_strided_slice %select_n3A_495 {offsets = [0, 0], sizes = [8, 2], strides = [1, 1]} : vector<8x4096xf32> to vector<8x2xf32>
    %concatenate3A_504 = tpu.concatenate %slice3A_502, %slice3A_503 in 1 : vector<8x4094xf32>, vector<8x2xf32> -> vector<8x4096xf32>
    %slice3A_505 = vector.extract_strided_slice %select_n3A_495 {offsets = [0, 4094], sizes = [8, 2], strides = [1, 1]} : vector<8x4096xf32> to vector<8x2xf32>
    %slice3A_506 = vector.extract_strided_slice %select_n3A_495 {offsets = [0, 0], sizes = [8, 4094], strides = [1, 1]} : vector<8x4096xf32> to vector<8x4094xf32>
    %concatenate3A_507 = tpu.concatenate %slice3A_505, %slice3A_506 in 1 : vector<8x2xf32>, vector<8x4094xf32> -> vector<8x4096xf32>
    %and3A_508 = arith.constant 2 : i32
    %and3A_509 = vector.broadcast %and3A_508 : i32 to vector<8x4096xi32>
    %and3A_510 = arith.andi %add3A_44, %and3A_509 : vector<8x4096xi32>
    %ne3A_511 = arith.constant 0 : i32
    %ne3A_512 = vector.broadcast %ne3A_511 : i32 to vector<8x4096xi32>
    %ne3A_513 = arith.cmpi ne, %and3A_510, %ne3A_512 : vector<8x4096xi32>
    %and3A_514 = arith.constant 32 : i32
    %and3A_515 = vector.broadcast %and3A_514 : i32 to vector<8x4096xi32>
    %and3A_516 = arith.andi %add3A_44, %and3A_515 : vector<8x4096xi32>
    %ne3A_517 = arith.constant 0 : i32
    %ne3A_518 = vector.broadcast %ne3A_517 : i32 to vector<8x4096xi32>
    %ne3A_519 = arith.cmpi ne, %and3A_516, %ne3A_518 : vector<8x4096xi32>
    %select_n3A_520 = arith.select %ne3A_513, %concatenate3A_501, %concatenate3A_498 : vector<8x4096xi1>, vector<8x4096xf32>
    %select_n3A_521 = arith.select %ne3A_513, %concatenate3A_507, %concatenate3A_504 : vector<8x4096xi1>, vector<8x4096xf32>
    %gt3A_522 = arith.cmpf ogt, %select_n3A_520, %select_n3A_494 : vector<8x4096xf32>
    %eq3A_523 = arith.cmpf oeq, %select_n3A_520, %select_n3A_494 : vector<8x4096xf32>
    %lt3A_524 = arith.cmpf olt, %select_n3A_521, %select_n3A_495 : vector<8x4096xf32>
    %and3A_525 = arith.andi %eq3A_523, %lt3A_524 : vector<8x4096xi1>
    %or3A_526 = arith.ori %gt3A_522, %and3A_525 : vector<8x4096xi1>
    %xor3A_527 = arith.xori %or3A_526, %ne3A_513 : vector<8x4096xi1>
    %xor3A_528 = arith.xori %xor3A_527, %ne3A_519 : vector<8x4096xi1>
    %select_n3A_529 = arith.select %xor3A_528, %select_n3A_520, %select_n3A_494 : vector<8x4096xi1>, vector<8x4096xf32>
    %select_n3A_530 = arith.select %xor3A_528, %select_n3A_521, %select_n3A_495 : vector<8x4096xi1>, vector<8x4096xf32>
    %slice3A_531 = vector.extract_strided_slice %select_n3A_529 {offsets = [0, 1], sizes = [8, 4095], strides = [1, 1]} : vector<8x4096xf32> to vector<8x4095xf32>
    %slice3A_532 = vector.extract_strided_slice %select_n3A_529 {offsets = [0, 0], sizes = [8, 1], strides = [1, 1]} : vector<8x4096xf32> to vector<8x1xf32>
    %concatenate3A_533 = tpu.concatenate %slice3A_531, %slice3A_532 in 1 : vector<8x4095xf32>, vector<8x1xf32> -> vector<8x4096xf32>
    %slice3A_534 = vector.extract_strided_slice %select_n3A_529 {offsets = [0, 4095], sizes = [8, 1], strides = [1, 1]} : vector<8x4096xf32> to vector<8x1xf32>
    %slice3A_535 = vector.extract_strided_slice %select_n3A_529 {offsets = [0, 0], sizes = [8, 4095], strides = [1, 1]} : vector<8x4096xf32> to vector<8x4095xf32>
    %concatenate3A_536 = tpu.concatenate %slice3A_534, %slice3A_535 in 1 : vector<8x1xf32>, vector<8x4095xf32> -> vector<8x4096xf32>
    %slice3A_537 = vector.extract_strided_slice %select_n3A_530 {offsets = [0, 1], sizes = [8, 4095], strides = [1, 1]} : vector<8x4096xf32> to vector<8x4095xf32>
    %slice3A_538 = vector.extract_strided_slice %select_n3A_530 {offsets = [0, 0], sizes = [8, 1], strides = [1, 1]} : vector<8x4096xf32> to vector<8x1xf32>
    %concatenate3A_539 = tpu.concatenate %slice3A_537, %slice3A_538 in 1 : vector<8x4095xf32>, vector<8x1xf32> -> vector<8x4096xf32>
    %slice3A_540 = vector.extract_strided_slice %select_n3A_530 {offsets = [0, 4095], sizes = [8, 1], strides = [1, 1]} : vector<8x4096xf32> to vector<8x1xf32>
    %slice3A_541 = vector.extract_strided_slice %select_n3A_530 {offsets = [0, 0], sizes = [8, 4095], strides = [1, 1]} : vector<8x4096xf32> to vector<8x4095xf32>
    %concatenate3A_542 = tpu.concatenate %slice3A_540, %slice3A_541 in 1 : vector<8x1xf32>, vector<8x4095xf32> -> vector<8x4096xf32>
    %and3A_543 = arith.constant 1 : i32
    %and3A_544 = vector.broadcast %and3A_543 : i32 to vector<8x4096xi32>
    %and3A_545 = arith.andi %add3A_44, %and3A_544 : vector<8x4096xi32>
    %ne3A_546 = arith.constant 0 : i32
    %ne3A_547 = vector.broadcast %ne3A_546 : i32 to vector<8x4096xi32>
    %ne3A_548 = arith.cmpi ne, %and3A_545, %ne3A_547 : vector<8x4096xi32>
    %and3A_549 = arith.constant 32 : i32
    %and3A_550 = vector.broadcast %and3A_549 : i32 to vector<8x4096xi32>
    %and3A_551 = arith.andi %add3A_44, %and3A_550 : vector<8x4096xi32>
    %ne3A_552 = arith.constant 0 : i32
    %ne3A_553 = vector.broadcast %ne3A_552 : i32 to vector<8x4096xi32>
    %ne3A_554 = arith.cmpi ne, %and3A_551, %ne3A_553 : vector<8x4096xi32>
    %select_n3A_555 = arith.select %ne3A_548, %concatenate3A_536, %concatenate3A_533 : vector<8x4096xi1>, vector<8x4096xf32>
    %select_n3A_556 = arith.select %ne3A_548, %concatenate3A_542, %concatenate3A_539 : vector<8x4096xi1>, vector<8x4096xf32>
    %gt3A_557 = arith.cmpf ogt, %select_n3A_555, %select_n3A_529 : vector<8x4096xf32>
    %eq3A_558 = arith.cmpf oeq, %select_n3A_555, %select_n3A_529 : vector<8x4096xf32>
    %lt3A_559 = arith.cmpf olt, %select_n3A_556, %select_n3A_530 : vector<8x4096xf32>
    %and3A_560 = arith.andi %eq3A_558, %lt3A_559 : vector<8x4096xi1>
    %or3A_561 = arith.ori %gt3A_557, %and3A_560 : vector<8x4096xi1>
    %xor3A_562 = arith.xori %or3A_561, %ne3A_548 : vector<8x4096xi1>
    %xor3A_563 = arith.xori %xor3A_562, %ne3A_554 : vector<8x4096xi1>
    %select_n3A_564 = arith.select %xor3A_563, %select_n3A_555, %select_n3A_529 : vector<8x4096xi1>, vector<8x4096xf32>
    %select_n3A_565 = arith.select %xor3A_563, %select_n3A_556, %select_n3A_530 : vector<8x4096xi1>, vector<8x4096xf32>
    %slice3A_566 = vector.extract_strided_slice %select_n3A_564 {offsets = [0, 32], sizes = [8, 4064], strides = [1, 1]} : vector<8x4096xf32> to vector<8x4064xf32>
    %slice3A_567 = vector.extract_strided_slice %select_n3A_564 {offsets = [0, 0], sizes = [8, 32], strides = [1, 1]} : vector<8x4096xf32> to vector<8x32xf32>
    %concatenate3A_568 = tpu.concatenate %slice3A_566, %slice3A_567 in 1 : vector<8x4064xf32>, vector<8x32xf32> -> vector<8x4096xf32>
    %slice3A_569 = vector.extract_strided_slice %select_n3A_564 {offsets = [0, 4064], sizes = [8, 32], strides = [1, 1]} : vector<8x4096xf32> to vector<8x32xf32>
    %slice3A_570 = vector.extract_strided_slice %select_n3A_564 {offsets = [0, 0], sizes = [8, 4064], strides = [1, 1]} : vector<8x4096xf32> to vector<8x4064xf32>
    %concatenate3A_571 = tpu.concatenate %slice3A_569, %slice3A_570 in 1 : vector<8x32xf32>, vector<8x4064xf32> -> vector<8x4096xf32>
    %slice3A_572 = vector.extract_strided_slice %select_n3A_565 {offsets = [0, 32], sizes = [8, 4064], strides = [1, 1]} : vector<8x4096xf32> to vector<8x4064xf32>
    %slice3A_573 = vector.extract_strided_slice %select_n3A_565 {offsets = [0, 0], sizes = [8, 32], strides = [1, 1]} : vector<8x4096xf32> to vector<8x32xf32>
    %concatenate3A_574 = tpu.concatenate %slice3A_572, %slice3A_573 in 1 : vector<8x4064xf32>, vector<8x32xf32> -> vector<8x4096xf32>
    %slice3A_575 = vector.extract_strided_slice %select_n3A_565 {offsets = [0, 4064], sizes = [8, 32], strides = [1, 1]} : vector<8x4096xf32> to vector<8x32xf32>
    %slice3A_576 = vector.extract_strided_slice %select_n3A_565 {offsets = [0, 0], sizes = [8, 4064], strides = [1, 1]} : vector<8x4096xf32> to vector<8x4064xf32>
    %concatenate3A_577 = tpu.concatenate %slice3A_575, %slice3A_576 in 1 : vector<8x32xf32>, vector<8x4064xf32> -> vector<8x4096xf32>
    %and3A_578 = arith.constant 32 : i32
    %and3A_579 = vector.broadcast %and3A_578 : i32 to vector<8x4096xi32>
    %and3A_580 = arith.andi %add3A_44, %and3A_579 : vector<8x4096xi32>
    %ne3A_581 = arith.constant 0 : i32
    %ne3A_582 = vector.broadcast %ne3A_581 : i32 to vector<8x4096xi32>
    %ne3A_583 = arith.cmpi ne, %and3A_580, %ne3A_582 : vector<8x4096xi32>
    %and3A_584 = arith.constant 64 : i32
    %and3A_585 = vector.broadcast %and3A_584 : i32 to vector<8x4096xi32>
    %and3A_586 = arith.andi %add3A_44, %and3A_585 : vector<8x4096xi32>
    %ne3A_587 = arith.constant 0 : i32
    %ne3A_588 = vector.broadcast %ne3A_587 : i32 to vector<8x4096xi32>
    %ne3A_589 = arith.cmpi ne, %and3A_586, %ne3A_588 : vector<8x4096xi32>
    %select_n3A_590 = arith.select %ne3A_583, %concatenate3A_571, %concatenate3A_568 : vector<8x4096xi1>, vector<8x4096xf32>
    %select_n3A_591 = arith.select %ne3A_583, %concatenate3A_577, %concatenate3A_574 : vector<8x4096xi1>, vector<8x4096xf32>
    %gt3A_592 = arith.cmpf ogt, %select_n3A_590, %select_n3A_564 : vector<8x4096xf32>
    %eq3A_593 = arith.cmpf oeq, %select_n3A_590, %select_n3A_564 : vector<8x4096xf32>
    %lt3A_594 = arith.cmpf olt, %select_n3A_591, %select_n3A_565 : vector<8x4096xf32>
    %and3A_595 = arith.andi %eq3A_593, %lt3A_594 : vector<8x4096xi1>
    %or3A_596 = arith.ori %gt3A_592, %and3A_595 : vector<8x4096xi1>
    %xor3A_597 = arith.xori %or3A_596, %ne3A_583 : vector<8x4096xi1>
    %xor3A_598 = arith.xori %xor3A_597, %ne3A_589 : vector<8x4096xi1>
    %select_n3A_599 = arith.select %xor3A_598, %select_n3A_590, %select_n3A_564 : vector<8x4096xi1>, vector<8x4096xf32>
    %select_n3A_600 = arith.select %xor3A_598, %select_n3A_591, %select_n3A_565 : vector<8x4096xi1>, vector<8x4096xf32>
    %slice3A_601 = vector.extract_strided_slice %select_n3A_599 {offsets = [0, 16], sizes = [8, 4080], strides = [1, 1]} : vector<8x4096xf32> to vector<8x4080xf32>
    %slice3A_602 = vector.extract_strided_slice %select_n3A_599 {offsets = [0, 0], sizes = [8, 16], strides = [1, 1]} : vector<8x4096xf32> to vector<8x16xf32>
    %concatenate3A_603 = tpu.concatenate %slice3A_601, %slice3A_602 in 1 : vector<8x4080xf32>, vector<8x16xf32> -> vector<8x4096xf32>
    %slice3A_604 = vector.extract_strided_slice %select_n3A_599 {offsets = [0, 4080], sizes = [8, 16], strides = [1, 1]} : vector<8x4096xf32> to vector<8x16xf32>
    %slice3A_605 = vector.extract_strided_slice %select_n3A_599 {offsets = [0, 0], sizes = [8, 4080], strides = [1, 1]} : vector<8x4096xf32> to vector<8x4080xf32>
    %concatenate3A_606 = tpu.concatenate %slice3A_604, %slice3A_605 in 1 : vector<8x16xf32>, vector<8x4080xf32> -> vector<8x4096xf32>
    %slice3A_607 = vector.extract_strided_slice %select_n3A_600 {offsets = [0, 16], sizes = [8, 4080], strides = [1, 1]} : vector<8x4096xf32> to vector<8x4080xf32>
    %slice3A_608 = vector.extract_strided_slice %select_n3A_600 {offsets = [0, 0], sizes = [8, 16], strides = [1, 1]} : vector<8x4096xf32> to vector<8x16xf32>
    %concatenate3A_609 = tpu.concatenate %slice3A_607, %slice3A_608 in 1 : vector<8x4080xf32>, vector<8x16xf32> -> vector<8x4096xf32>
    %slice3A_610 = vector.extract_strided_slice %select_n3A_600 {offsets = [0, 4080], sizes = [8, 16], strides = [1, 1]} : vector<8x4096xf32> to vector<8x16xf32>
    %slice3A_611 = vector.extract_strided_slice %select_n3A_600 {offsets = [0, 0], sizes = [8, 4080], strides = [1, 1]} : vector<8x4096xf32> to vector<8x4080xf32>
    %concatenate3A_612 = tpu.concatenate %slice3A_610, %slice3A_611 in 1 : vector<8x16xf32>, vector<8x4080xf32> -> vector<8x4096xf32>
    %and3A_613 = arith.constant 16 : i32
    %and3A_614 = vector.broadcast %and3A_613 : i32 to vector<8x4096xi32>
    %and3A_615 = arith.andi %add3A_44, %and3A_614 : vector<8x4096xi32>
    %ne3A_616 = arith.constant 0 : i32
    %ne3A_617 = vector.broadcast %ne3A_616 : i32 to vector<8x4096xi32>
    %ne3A_618 = arith.cmpi ne, %and3A_615, %ne3A_617 : vector<8x4096xi32>
    %and3A_619 = arith.constant 64 : i32
    %and3A_620 = vector.broadcast %and3A_619 : i32 to vector<8x4096xi32>
    %and3A_621 = arith.andi %add3A_44, %and3A_620 : vector<8x4096xi32>
    %ne3A_622 = arith.constant 0 : i32
    %ne3A_623 = vector.broadcast %ne3A_622 : i32 to vector<8x4096xi32>
    %ne3A_624 = arith.cmpi ne, %and3A_621, %ne3A_623 : vector<8x4096xi32>
    %select_n3A_625 = arith.select %ne3A_618, %concatenate3A_606, %concatenate3A_603 : vector<8x4096xi1>, vector<8x4096xf32>
    %select_n3A_626 = arith.select %ne3A_618, %concatenate3A_612, %concatenate3A_609 : vector<8x4096xi1>, vector<8x4096xf32>
    %gt3A_627 = arith.cmpf ogt, %select_n3A_625, %select_n3A_599 : vector<8x4096xf32>
    %eq3A_628 = arith.cmpf oeq, %select_n3A_625, %select_n3A_599 : vector<8x4096xf32>
    %lt3A_629 = arith.cmpf olt, %select_n3A_626, %select_n3A_600 : vector<8x4096xf32>
    %and3A_630 = arith.andi %eq3A_628, %lt3A_629 : vector<8x4096xi1>
    %or3A_631 = arith.ori %gt3A_627, %and3A_630 : vector<8x4096xi1>
    %xor3A_632 = arith.xori %or3A_631, %ne3A_618 : vector<8x4096xi1>
    %xor3A_633 = arith.xori %xor3A_632, %ne3A_624 : vector<8x4096xi1>
    %select_n3A_634 = arith.select %xor3A_633, %select_n3A_625, %select_n3A_599 : vector<8x4096xi1>, vector<8x4096xf32>
    %select_n3A_635 = arith.select %xor3A_633, %select_n3A_626, %select_n3A_600 : vector<8x4096xi1>, vector<8x4096xf32>
    %slice3A_636 = vector.extract_strided_slice %select_n3A_634 {offsets = [0, 8], sizes = [8, 4088], strides = [1, 1]} : vector<8x4096xf32> to vector<8x4088xf32>
    %slice3A_637 = vector.extract_strided_slice %select_n3A_634 {offsets = [0, 0], sizes = [8, 8], strides = [1, 1]} : vector<8x4096xf32> to vector<8x8xf32>
    %concatenate3A_638 = tpu.concatenate %slice3A_636, %slice3A_637 in 1 : vector<8x4088xf32>, vector<8x8xf32> -> vector<8x4096xf32>
    %slice3A_639 = vector.extract_strided_slice %select_n3A_634 {offsets = [0, 4088], sizes = [8, 8], strides = [1, 1]} : vector<8x4096xf32> to vector<8x8xf32>
    %slice3A_640 = vector.extract_strided_slice %select_n3A_634 {offsets = [0, 0], sizes = [8, 4088], strides = [1, 1]} : vector<8x4096xf32> to vector<8x4088xf32>
    %concatenate3A_641 = tpu.concatenate %slice3A_639, %slice3A_640 in 1 : vector<8x8xf32>, vector<8x4088xf32> -> vector<8x4096xf32>
    %slice3A_642 = vector.extract_strided_slice %select_n3A_635 {offsets = [0, 8], sizes = [8, 4088], strides = [1, 1]} : vector<8x4096xf32> to vector<8x4088xf32>
    %slice3A_643 = vector.extract_strided_slice %select_n3A_635 {offsets = [0, 0], sizes = [8, 8], strides = [1, 1]} : vector<8x4096xf32> to vector<8x8xf32>
    %concatenate3A_644 = tpu.concatenate %slice3A_642, %slice3A_643 in 1 : vector<8x4088xf32>, vector<8x8xf32> -> vector<8x4096xf32>
    %slice3A_645 = vector.extract_strided_slice %select_n3A_635 {offsets = [0, 4088], sizes = [8, 8], strides = [1, 1]} : vector<8x4096xf32> to vector<8x8xf32>
    %slice3A_646 = vector.extract_strided_slice %select_n3A_635 {offsets = [0, 0], sizes = [8, 4088], strides = [1, 1]} : vector<8x4096xf32> to vector<8x4088xf32>
    %concatenate3A_647 = tpu.concatenate %slice3A_645, %slice3A_646 in 1 : vector<8x8xf32>, vector<8x4088xf32> -> vector<8x4096xf32>
    %and3A_648 = arith.constant 8 : i32
    %and3A_649 = vector.broadcast %and3A_648 : i32 to vector<8x4096xi32>
    %and3A_650 = arith.andi %add3A_44, %and3A_649 : vector<8x4096xi32>
    %ne3A_651 = arith.constant 0 : i32
    %ne3A_652 = vector.broadcast %ne3A_651 : i32 to vector<8x4096xi32>
    %ne3A_653 = arith.cmpi ne, %and3A_650, %ne3A_652 : vector<8x4096xi32>
    %and3A_654 = arith.constant 64 : i32
    %and3A_655 = vector.broadcast %and3A_654 : i32 to vector<8x4096xi32>
    %and3A_656 = arith.andi %add3A_44, %and3A_655 : vector<8x4096xi32>
    %ne3A_657 = arith.constant 0 : i32
    %ne3A_658 = vector.broadcast %ne3A_657 : i32 to vector<8x4096xi32>
    %ne3A_659 = arith.cmpi ne, %and3A_656, %ne3A_658 : vector<8x4096xi32>
    %select_n3A_660 = arith.select %ne3A_653, %concatenate3A_641, %concatenate3A_638 : vector<8x4096xi1>, vector<8x4096xf32>
    %select_n3A_661 = arith.select %ne3A_653, %concatenate3A_647, %concatenate3A_644 : vector<8x4096xi1>, vector<8x4096xf32>
    %gt3A_662 = arith.cmpf ogt, %select_n3A_660, %select_n3A_634 : vector<8x4096xf32>
    %eq3A_663 = arith.cmpf oeq, %select_n3A_660, %select_n3A_634 : vector<8x4096xf32>
    %lt3A_664 = arith.cmpf olt, %select_n3A_661, %select_n3A_635 : vector<8x4096xf32>
    %and3A_665 = arith.andi %eq3A_663, %lt3A_664 : vector<8x4096xi1>
    %or3A_666 = arith.ori %gt3A_662, %and3A_665 : vector<8x4096xi1>
    %xor3A_667 = arith.xori %or3A_666, %ne3A_653 : vector<8x4096xi1>
    %xor3A_668 = arith.xori %xor3A_667, %ne3A_659 : vector<8x4096xi1>
    %select_n3A_669 = arith.select %xor3A_668, %select_n3A_660, %select_n3A_634 : vector<8x4096xi1>, vector<8x4096xf32>
    %select_n3A_670 = arith.select %xor3A_668, %select_n3A_661, %select_n3A_635 : vector<8x4096xi1>, vector<8x4096xf32>
    %slice3A_671 = vector.extract_strided_slice %select_n3A_669 {offsets = [0, 4], sizes = [8, 4092], strides = [1, 1]} : vector<8x4096xf32> to vector<8x4092xf32>
    %slice3A_672 = vector.extract_strided_slice %select_n3A_669 {offsets = [0, 0], sizes = [8, 4], strides = [1, 1]} : vector<8x4096xf32> to vector<8x4xf32>
    %concatenate3A_673 = tpu.concatenate %slice3A_671, %slice3A_672 in 1 : vector<8x4092xf32>, vector<8x4xf32> -> vector<8x4096xf32>
    %slice3A_674 = vector.extract_strided_slice %select_n3A_669 {offsets = [0, 4092], sizes = [8, 4], strides = [1, 1]} : vector<8x4096xf32> to vector<8x4xf32>
    %slice3A_675 = vector.extract_strided_slice %select_n3A_669 {offsets = [0, 0], sizes = [8, 4092], strides = [1, 1]} : vector<8x4096xf32> to vector<8x4092xf32>
    %concatenate3A_676 = tpu.concatenate %slice3A_674, %slice3A_675 in 1 : vector<8x4xf32>, vector<8x4092xf32> -> vector<8x4096xf32>
    %slice3A_677 = vector.extract_strided_slice %select_n3A_670 {offsets = [0, 4], sizes = [8, 4092], strides = [1, 1]} : vector<8x4096xf32> to vector<8x4092xf32>
    %slice3A_678 = vector.extract_strided_slice %select_n3A_670 {offsets = [0, 0], sizes = [8, 4], strides = [1, 1]} : vector<8x4096xf32> to vector<8x4xf32>
    %concatenate3A_679 = tpu.concatenate %slice3A_677, %slice3A_678 in 1 : vector<8x4092xf32>, vector<8x4xf32> -> vector<8x4096xf32>
    %slice3A_680 = vector.extract_strided_slice %select_n3A_670 {offsets = [0, 4092], sizes = [8, 4], strides = [1, 1]} : vector<8x4096xf32> to vector<8x4xf32>
    %slice3A_681 = vector.extract_strided_slice %select_n3A_670 {offsets = [0, 0], sizes = [8, 4092], strides = [1, 1]} : vector<8x4096xf32> to vector<8x4092xf32>
    %concatenate3A_682 = tpu.concatenate %slice3A_680, %slice3A_681 in 1 : vector<8x4xf32>, vector<8x4092xf32> -> vector<8x4096xf32>
    %and3A_683 = arith.constant 4 : i32
    %and3A_684 = vector.broadcast %and3A_683 : i32 to vector<8x4096xi32>
    %and3A_685 = arith.andi %add3A_44, %and3A_684 : vector<8x4096xi32>
    %ne3A_686 = arith.constant 0 : i32
    %ne3A_687 = vector.broadcast %ne3A_686 : i32 to vector<8x4096xi32>
    %ne3A_688 = arith.cmpi ne, %and3A_685, %ne3A_687 : vector<8x4096xi32>
    %and3A_689 = arith.constant 64 : i32
    %and3A_690 = vector.broadcast %and3A_689 : i32 to vector<8x4096xi32>
    %and3A_691 = arith.andi %add3A_44, %and3A_690 : vector<8x4096xi32>
    %ne3A_692 = arith.constant 0 : i32
    %ne3A_693 = vector.broadcast %ne3A_692 : i32 to vector<8x4096xi32>
    %ne3A_694 = arith.cmpi ne, %and3A_691, %ne3A_693 : vector<8x4096xi32>
    %select_n3A_695 = arith.select %ne3A_688, %concatenate3A_676, %concatenate3A_673 : vector<8x4096xi1>, vector<8x4096xf32>
    %select_n3A_696 = arith.select %ne3A_688, %concatenate3A_682, %concatenate3A_679 : vector<8x4096xi1>, vector<8x4096xf32>
    %gt3A_697 = arith.cmpf ogt, %select_n3A_695, %select_n3A_669 : vector<8x4096xf32>
    %eq3A_698 = arith.cmpf oeq, %select_n3A_695, %select_n3A_669 : vector<8x4096xf32>
    %lt3A_699 = arith.cmpf olt, %select_n3A_696, %select_n3A_670 : vector<8x4096xf32>
    %and3A_700 = arith.andi %eq3A_698, %lt3A_699 : vector<8x4096xi1>
    %or3A_701 = arith.ori %gt3A_697, %and3A_700 : vector<8x4096xi1>
    %xor3A_702 = arith.xori %or3A_701, %ne3A_688 : vector<8x4096xi1>
    %xor3A_703 = arith.xori %xor3A_702, %ne3A_694 : vector<8x4096xi1>
    %select_n3A_704 = arith.select %xor3A_703, %select_n3A_695, %select_n3A_669 : vector<8x4096xi1>, vector<8x4096xf32>
    %select_n3A_705 = arith.select %xor3A_703, %select_n3A_696, %select_n3A_670 : vector<8x4096xi1>, vector<8x4096xf32>
    %slice3A_706 = vector.extract_strided_slice %select_n3A_704 {offsets = [0, 2], sizes = [8, 4094], strides = [1, 1]} : vector<8x4096xf32> to vector<8x4094xf32>
    %slice3A_707 = vector.extract_strided_slice %select_n3A_704 {offsets = [0, 0], sizes = [8, 2], strides = [1, 1]} : vector<8x4096xf32> to vector<8x2xf32>
    %concatenate3A_708 = tpu.concatenate %slice3A_706, %slice3A_707 in 1 : vector<8x4094xf32>, vector<8x2xf32> -> vector<8x4096xf32>
    %slice3A_709 = vector.extract_strided_slice %select_n3A_704 {offsets = [0, 4094], sizes = [8, 2], strides = [1, 1]} : vector<8x4096xf32> to vector<8x2xf32>
    %slice3A_710 = vector.extract_strided_slice %select_n3A_704 {offsets = [0, 0], sizes = [8, 4094], strides = [1, 1]} : vector<8x4096xf32> to vector<8x4094xf32>
    %concatenate3A_711 = tpu.concatenate %slice3A_709, %slice3A_710 in 1 : vector<8x2xf32>, vector<8x4094xf32> -> vector<8x4096xf32>
    %slice3A_712 = vector.extract_strided_slice %select_n3A_705 {offsets = [0, 2], sizes = [8, 4094], strides = [1, 1]} : vector<8x4096xf32> to vector<8x4094xf32>
    %slice3A_713 = vector.extract_strided_slice %select_n3A_705 {offsets = [0, 0], sizes = [8, 2], strides = [1, 1]} : vector<8x4096xf32> to vector<8x2xf32>
    %concatenate3A_714 = tpu.concatenate %slice3A_712, %slice3A_713 in 1 : vector<8x4094xf32>, vector<8x2xf32> -> vector<8x4096xf32>
    %slice3A_715 = vector.extract_strided_slice %select_n3A_705 {offsets = [0, 4094], sizes = [8, 2], strides = [1, 1]} : vector<8x4096xf32> to vector<8x2xf32>
    %slice3A_716 = vector.extract_strided_slice %select_n3A_705 {offsets = [0, 0], sizes = [8, 4094], strides = [1, 1]} : vector<8x4096xf32> to vector<8x4094xf32>
    %concatenate3A_717 = tpu.concatenate %slice3A_715, %slice3A_716 in 1 : vector<8x2xf32>, vector<8x4094xf32> -> vector<8x4096xf32>
    %and3A_718 = arith.constant 2 : i32
    %and3A_719 = vector.broadcast %and3A_718 : i32 to vector<8x4096xi32>
    %and3A_720 = arith.andi %add3A_44, %and3A_719 : vector<8x4096xi32>
    %ne3A_721 = arith.constant 0 : i32
    %ne3A_722 = vector.broadcast %ne3A_721 : i32 to vector<8x4096xi32>
    %ne3A_723 = arith.cmpi ne, %and3A_720, %ne3A_722 : vector<8x4096xi32>
    %and3A_724 = arith.constant 64 : i32
    %and3A_725 = vector.broadcast %and3A_724 : i32 to vector<8x4096xi32>
    %and3A_726 = arith.andi %add3A_44, %and3A_725 : vector<8x4096xi32>
    %ne3A_727 = arith.constant 0 : i32
    %ne3A_728 = vector.broadcast %ne3A_727 : i32 to vector<8x4096xi32>
    %ne3A_729 = arith.cmpi ne, %and3A_726, %ne3A_728 : vector<8x4096xi32>
    %select_n3A_730 = arith.select %ne3A_723, %concatenate3A_711, %concatenate3A_708 : vector<8x4096xi1>, vector<8x4096xf32>
    %select_n3A_731 = arith.select %ne3A_723, %concatenate3A_717, %concatenate3A_714 : vector<8x4096xi1>, vector<8x4096xf32>
    %gt3A_732 = arith.cmpf ogt, %select_n3A_730, %select_n3A_704 : vector<8x4096xf32>
    %eq3A_733 = arith.cmpf oeq, %select_n3A_730, %select_n3A_704 : vector<8x4096xf32>
    %lt3A_734 = arith.cmpf olt, %select_n3A_731, %select_n3A_705 : vector<8x4096xf32>
    %and3A_735 = arith.andi %eq3A_733, %lt3A_734 : vector<8x4096xi1>
    %or3A_736 = arith.ori %gt3A_732, %and3A_735 : vector<8x4096xi1>
    %xor3A_737 = arith.xori %or3A_736, %ne3A_723 : vector<8x4096xi1>
    %xor3A_738 = arith.xori %xor3A_737, %ne3A_729 : vector<8x4096xi1>
    %select_n3A_739 = arith.select %xor3A_738, %select_n3A_730, %select_n3A_704 : vector<8x4096xi1>, vector<8x4096xf32>
    %select_n3A_740 = arith.select %xor3A_738, %select_n3A_731, %select_n3A_705 : vector<8x4096xi1>, vector<8x4096xf32>
    %slice3A_741 = vector.extract_strided_slice %select_n3A_739 {offsets = [0, 1], sizes = [8, 4095], strides = [1, 1]} : vector<8x4096xf32> to vector<8x4095xf32>
    %slice3A_742 = vector.extract_strided_slice %select_n3A_739 {offsets = [0, 0], sizes = [8, 1], strides = [1, 1]} : vector<8x4096xf32> to vector<8x1xf32>
    %concatenate3A_743 = tpu.concatenate %slice3A_741, %slice3A_742 in 1 : vector<8x4095xf32>, vector<8x1xf32> -> vector<8x4096xf32>
    %slice3A_744 = vector.extract_strided_slice %select_n3A_739 {offsets = [0, 4095], sizes = [8, 1], strides = [1, 1]} : vector<8x4096xf32> to vector<8x1xf32>
    %slice3A_745 = vector.extract_strided_slice %select_n3A_739 {offsets = [0, 0], sizes = [8, 4095], strides = [1, 1]} : vector<8x4096xf32> to vector<8x4095xf32>
    %concatenate3A_746 = tpu.concatenate %slice3A_744, %slice3A_745 in 1 : vector<8x1xf32>, vector<8x4095xf32> -> vector<8x4096xf32>
    %slice3A_747 = vector.extract_strided_slice %select_n3A_740 {offsets = [0, 1], sizes = [8, 4095], strides = [1, 1]} : vector<8x4096xf32> to vector<8x4095xf32>
    %slice3A_748 = vector.extract_strided_slice %select_n3A_740 {offsets = [0, 0], sizes = [8, 1], strides = [1, 1]} : vector<8x4096xf32> to vector<8x1xf32>
    %concatenate3A_749 = tpu.concatenate %slice3A_747, %slice3A_748 in 1 : vector<8x4095xf32>, vector<8x1xf32> -> vector<8x4096xf32>
    %slice3A_750 = vector.extract_strided_slice %select_n3A_740 {offsets = [0, 4095], sizes = [8, 1], strides = [1, 1]} : vector<8x4096xf32> to vector<8x1xf32>
    %slice3A_751 = vector.extract_strided_slice %select_n3A_740 {offsets = [0, 0], sizes = [8, 4095], strides = [1, 1]} : vector<8x4096xf32> to vector<8x4095xf32>
    %concatenate3A_752 = tpu.concatenate %slice3A_750, %slice3A_751 in 1 : vector<8x1xf32>, vector<8x4095xf32> -> vector<8x4096xf32>
    %and3A_753 = arith.constant 1 : i32
    %and3A_754 = vector.broadcast %and3A_753 : i32 to vector<8x4096xi32>
    %and3A_755 = arith.andi %add3A_44, %and3A_754 : vector<8x4096xi32>
    %ne3A_756 = arith.constant 0 : i32
    %ne3A_757 = vector.broadcast %ne3A_756 : i32 to vector<8x4096xi32>
    %ne3A_758 = arith.cmpi ne, %and3A_755, %ne3A_757 : vector<8x4096xi32>
    %and3A_759 = arith.constant 64 : i32
    %and3A_760 = vector.broadcast %and3A_759 : i32 to vector<8x4096xi32>
    %and3A_761 = arith.andi %add3A_44, %and3A_760 : vector<8x4096xi32>
    %ne3A_762 = arith.constant 0 : i32
    %ne3A_763 = vector.broadcast %ne3A_762 : i32 to vector<8x4096xi32>
    %ne3A_764 = arith.cmpi ne, %and3A_761, %ne3A_763 : vector<8x4096xi32>
    %select_n3A_765 = arith.select %ne3A_758, %concatenate3A_746, %concatenate3A_743 : vector<8x4096xi1>, vector<8x4096xf32>
    %select_n3A_766 = arith.select %ne3A_758, %concatenate3A_752, %concatenate3A_749 : vector<8x4096xi1>, vector<8x4096xf32>
    %gt3A_767 = arith.cmpf ogt, %select_n3A_765, %select_n3A_739 : vector<8x4096xf32>
    %eq3A_768 = arith.cmpf oeq, %select_n3A_765, %select_n3A_739 : vector<8x4096xf32>
    %lt3A_769 = arith.cmpf olt, %select_n3A_766, %select_n3A_740 : vector<8x4096xf32>
    %and3A_770 = arith.andi %eq3A_768, %lt3A_769 : vector<8x4096xi1>
    %or3A_771 = arith.ori %gt3A_767, %and3A_770 : vector<8x4096xi1>
    %xor3A_772 = arith.xori %or3A_771, %ne3A_758 : vector<8x4096xi1>
    %xor3A_773 = arith.xori %xor3A_772, %ne3A_764 : vector<8x4096xi1>
    %select_n3A_774 = arith.select %xor3A_773, %select_n3A_765, %select_n3A_739 : vector<8x4096xi1>, vector<8x4096xf32>
    %select_n3A_775 = arith.select %xor3A_773, %select_n3A_766, %select_n3A_740 : vector<8x4096xi1>, vector<8x4096xf32>
    %slice3A_776 = vector.extract_strided_slice %select_n3A_774 {offsets = [0, 64], sizes = [8, 4032], strides = [1, 1]} : vector<8x4096xf32> to vector<8x4032xf32>
    %slice3A_777 = vector.extract_strided_slice %select_n3A_774 {offsets = [0, 0], sizes = [8, 64], strides = [1, 1]} : vector<8x4096xf32> to vector<8x64xf32>
    %concatenate3A_778 = tpu.concatenate %slice3A_776, %slice3A_777 in 1 : vector<8x4032xf32>, vector<8x64xf32> -> vector<8x4096xf32>
    %slice3A_779 = vector.extract_strided_slice %select_n3A_774 {offsets = [0, 4032], sizes = [8, 64], strides = [1, 1]} : vector<8x4096xf32> to vector<8x64xf32>
    %slice3A_780 = vector.extract_strided_slice %select_n3A_774 {offsets = [0, 0], sizes = [8, 4032], strides = [1, 1]} : vector<8x4096xf32> to vector<8x4032xf32>
    %concatenate3A_781 = tpu.concatenate %slice3A_779, %slice3A_780 in 1 : vector<8x64xf32>, vector<8x4032xf32> -> vector<8x4096xf32>
    %slice3A_782 = vector.extract_strided_slice %select_n3A_775 {offsets = [0, 64], sizes = [8, 4032], strides = [1, 1]} : vector<8x4096xf32> to vector<8x4032xf32>
    %slice3A_783 = vector.extract_strided_slice %select_n3A_775 {offsets = [0, 0], sizes = [8, 64], strides = [1, 1]} : vector<8x4096xf32> to vector<8x64xf32>
    %concatenate3A_784 = tpu.concatenate %slice3A_782, %slice3A_783 in 1 : vector<8x4032xf32>, vector<8x64xf32> -> vector<8x4096xf32>
    %slice3A_785 = vector.extract_strided_slice %select_n3A_775 {offsets = [0, 4032], sizes = [8, 64], strides = [1, 1]} : vector<8x4096xf32> to vector<8x64xf32>
    %slice3A_786 = vector.extract_strided_slice %select_n3A_775 {offsets = [0, 0], sizes = [8, 4032], strides = [1, 1]} : vector<8x4096xf32> to vector<8x4032xf32>
    %concatenate3A_787 = tpu.concatenate %slice3A_785, %slice3A_786 in 1 : vector<8x64xf32>, vector<8x4032xf32> -> vector<8x4096xf32>
    %and3A_788 = arith.constant 64 : i32
    %and3A_789 = vector.broadcast %and3A_788 : i32 to vector<8x4096xi32>
    %and3A_790 = arith.andi %add3A_44, %and3A_789 : vector<8x4096xi32>
    %ne3A_791 = arith.constant 0 : i32
    %ne3A_792 = vector.broadcast %ne3A_791 : i32 to vector<8x4096xi32>
    %ne3A_793 = arith.cmpi ne, %and3A_790, %ne3A_792 : vector<8x4096xi32>
    %and3A_794 = arith.constant 128 : i32
    %and3A_795 = vector.broadcast %and3A_794 : i32 to vector<8x4096xi32>
    %and3A_796 = arith.andi %add3A_44, %and3A_795 : vector<8x4096xi32>
    %ne3A_797 = arith.constant 0 : i32
    %ne3A_798 = vector.broadcast %ne3A_797 : i32 to vector<8x4096xi32>
    %ne3A_799 = arith.cmpi ne, %and3A_796, %ne3A_798 : vector<8x4096xi32>
    %select_n3A_800 = arith.select %ne3A_793, %concatenate3A_781, %concatenate3A_778 : vector<8x4096xi1>, vector<8x4096xf32>
    %select_n3A_801 = arith.select %ne3A_793, %concatenate3A_787, %concatenate3A_784 : vector<8x4096xi1>, vector<8x4096xf32>
    %gt3A_802 = arith.cmpf ogt, %select_n3A_800, %select_n3A_774 : vector<8x4096xf32>
    %eq3A_803 = arith.cmpf oeq, %select_n3A_800, %select_n3A_774 : vector<8x4096xf32>
    %lt3A_804 = arith.cmpf olt, %select_n3A_801, %select_n3A_775 : vector<8x4096xf32>
    %and3A_805 = arith.andi %eq3A_803, %lt3A_804 : vector<8x4096xi1>
    %or3A_806 = arith.ori %gt3A_802, %and3A_805 : vector<8x4096xi1>
    %xor3A_807 = arith.xori %or3A_806, %ne3A_793 : vector<8x4096xi1>
    %xor3A_808 = arith.xori %xor3A_807, %ne3A_799 : vector<8x4096xi1>
    %select_n3A_809 = arith.select %xor3A_808, %select_n3A_800, %select_n3A_774 : vector<8x4096xi1>, vector<8x4096xf32>
    %select_n3A_810 = arith.select %xor3A_808, %select_n3A_801, %select_n3A_775 : vector<8x4096xi1>, vector<8x4096xf32>
    %slice3A_811 = vector.extract_strided_slice %select_n3A_809 {offsets = [0, 32], sizes = [8, 4064], strides = [1, 1]} : vector<8x4096xf32> to vector<8x4064xf32>
    %slice3A_812 = vector.extract_strided_slice %select_n3A_809 {offsets = [0, 0], sizes = [8, 32], strides = [1, 1]} : vector<8x4096xf32> to vector<8x32xf32>
    %concatenate3A_813 = tpu.concatenate %slice3A_811, %slice3A_812 in 1 : vector<8x4064xf32>, vector<8x32xf32> -> vector<8x4096xf32>
    %slice3A_814 = vector.extract_strided_slice %select_n3A_809 {offsets = [0, 4064], sizes = [8, 32], strides = [1, 1]} : vector<8x4096xf32> to vector<8x32xf32>
    %slice3A_815 = vector.extract_strided_slice %select_n3A_809 {offsets = [0, 0], sizes = [8, 4064], strides = [1, 1]} : vector<8x4096xf32> to vector<8x4064xf32>
    %concatenate3A_816 = tpu.concatenate %slice3A_814, %slice3A_815 in 1 : vector<8x32xf32>, vector<8x4064xf32> -> vector<8x4096xf32>
    %slice3A_817 = vector.extract_strided_slice %select_n3A_810 {offsets = [0, 32], sizes = [8, 4064], strides = [1, 1]} : vector<8x4096xf32> to vector<8x4064xf32>
    %slice3A_818 = vector.extract_strided_slice %select_n3A_810 {offsets = [0, 0], sizes = [8, 32], strides = [1, 1]} : vector<8x4096xf32> to vector<8x32xf32>
    %concatenate3A_819 = tpu.concatenate %slice3A_817, %slice3A_818 in 1 : vector<8x4064xf32>, vector<8x32xf32> -> vector<8x4096xf32>
    %slice3A_820 = vector.extract_strided_slice %select_n3A_810 {offsets = [0, 4064], sizes = [8, 32], strides = [1, 1]} : vector<8x4096xf32> to vector<8x32xf32>
    %slice3A_821 = vector.extract_strided_slice %select_n3A_810 {offsets = [0, 0], sizes = [8, 4064], strides = [1, 1]} : vector<8x4096xf32> to vector<8x4064xf32>
    %concatenate3A_822 = tpu.concatenate %slice3A_820, %slice3A_821 in 1 : vector<8x32xf32>, vector<8x4064xf32> -> vector<8x4096xf32>
    %and3A_823 = arith.constant 32 : i32
    %and3A_824 = vector.broadcast %and3A_823 : i32 to vector<8x4096xi32>
    %and3A_825 = arith.andi %add3A_44, %and3A_824 : vector<8x4096xi32>
    %ne3A_826 = arith.constant 0 : i32
    %ne3A_827 = vector.broadcast %ne3A_826 : i32 to vector<8x4096xi32>
    %ne3A_828 = arith.cmpi ne, %and3A_825, %ne3A_827 : vector<8x4096xi32>
    %and3A_829 = arith.constant 128 : i32
    %and3A_830 = vector.broadcast %and3A_829 : i32 to vector<8x4096xi32>
    %and3A_831 = arith.andi %add3A_44, %and3A_830 : vector<8x4096xi32>
    %ne3A_832 = arith.constant 0 : i32
    %ne3A_833 = vector.broadcast %ne3A_832 : i32 to vector<8x4096xi32>
    %ne3A_834 = arith.cmpi ne, %and3A_831, %ne3A_833 : vector<8x4096xi32>
    %select_n3A_835 = arith.select %ne3A_828, %concatenate3A_816, %concatenate3A_813 : vector<8x4096xi1>, vector<8x4096xf32>
    %select_n3A_836 = arith.select %ne3A_828, %concatenate3A_822, %concatenate3A_819 : vector<8x4096xi1>, vector<8x4096xf32>
    %gt3A_837 = arith.cmpf ogt, %select_n3A_835, %select_n3A_809 : vector<8x4096xf32>
    %eq3A_838 = arith.cmpf oeq, %select_n3A_835, %select_n3A_809 : vector<8x4096xf32>
    %lt3A_839 = arith.cmpf olt, %select_n3A_836, %select_n3A_810 : vector<8x4096xf32>
    %and3A_840 = arith.andi %eq3A_838, %lt3A_839 : vector<8x4096xi1>
    %or3A_841 = arith.ori %gt3A_837, %and3A_840 : vector<8x4096xi1>
    %xor3A_842 = arith.xori %or3A_841, %ne3A_828 : vector<8x4096xi1>
    %xor3A_843 = arith.xori %xor3A_842, %ne3A_834 : vector<8x4096xi1>
    %select_n3A_844 = arith.select %xor3A_843, %select_n3A_835, %select_n3A_809 : vector<8x4096xi1>, vector<8x4096xf32>
    %select_n3A_845 = arith.select %xor3A_843, %select_n3A_836, %select_n3A_810 : vector<8x4096xi1>, vector<8x4096xf32>
    %slice3A_846 = vector.extract_strided_slice %select_n3A_844 {offsets = [0, 16], sizes = [8, 4080], strides = [1, 1]} : vector<8x4096xf32> to vector<8x4080xf32>
    %slice3A_847 = vector.extract_strided_slice %select_n3A_844 {offsets = [0, 0], sizes = [8, 16], strides = [1, 1]} : vector<8x4096xf32> to vector<8x16xf32>
    %concatenate3A_848 = tpu.concatenate %slice3A_846, %slice3A_847 in 1 : vector<8x4080xf32>, vector<8x16xf32> -> vector<8x4096xf32>
    %slice3A_849 = vector.extract_strided_slice %select_n3A_844 {offsets = [0, 4080], sizes = [8, 16], strides = [1, 1]} : vector<8x4096xf32> to vector<8x16xf32>
    %slice3A_850 = vector.extract_strided_slice %select_n3A_844 {offsets = [0, 0], sizes = [8, 4080], strides = [1, 1]} : vector<8x4096xf32> to vector<8x4080xf32>
    %concatenate3A_851 = tpu.concatenate %slice3A_849, %slice3A_850 in 1 : vector<8x16xf32>, vector<8x4080xf32> -> vector<8x4096xf32>
    %slice3A_852 = vector.extract_strided_slice %select_n3A_845 {offsets = [0, 16], sizes = [8, 4080], strides = [1, 1]} : vector<8x4096xf32> to vector<8x4080xf32>
    %slice3A_853 = vector.extract_strided_slice %select_n3A_845 {offsets = [0, 0], sizes = [8, 16], strides = [1, 1]} : vector<8x4096xf32> to vector<8x16xf32>
    %concatenate3A_854 = tpu.concatenate %slice3A_852, %slice3A_853 in 1 : vector<8x4080xf32>, vector<8x16xf32> -> vector<8x4096xf32>
    %slice3A_855 = vector.extract_strided_slice %select_n3A_845 {offsets = [0, 4080], sizes = [8, 16], strides = [1, 1]} : vector<8x4096xf32> to vector<8x16xf32>
    %slice3A_856 = vector.extract_strided_slice %select_n3A_845 {offsets = [0, 0], sizes = [8, 4080], strides = [1, 1]} : vector<8x4096xf32> to vector<8x4080xf32>
    %concatenate3A_857 = tpu.concatenate %slice3A_855, %slice3A_856 in 1 : vector<8x16xf32>, vector<8x4080xf32> -> vector<8x4096xf32>
    %and3A_858 = arith.constant 16 : i32
    %and3A_859 = vector.broadcast %and3A_858 : i32 to vector<8x4096xi32>
    %and3A_860 = arith.andi %add3A_44, %and3A_859 : vector<8x4096xi32>
    %ne3A_861 = arith.constant 0 : i32
    %ne3A_862 = vector.broadcast %ne3A_861 : i32 to vector<8x4096xi32>
    %ne3A_863 = arith.cmpi ne, %and3A_860, %ne3A_862 : vector<8x4096xi32>
    %and3A_864 = arith.constant 128 : i32
    %and3A_865 = vector.broadcast %and3A_864 : i32 to vector<8x4096xi32>
    %and3A_866 = arith.andi %add3A_44, %and3A_865 : vector<8x4096xi32>
    %ne3A_867 = arith.constant 0 : i32
    %ne3A_868 = vector.broadcast %ne3A_867 : i32 to vector<8x4096xi32>
    %ne3A_869 = arith.cmpi ne, %and3A_866, %ne3A_868 : vector<8x4096xi32>
    %select_n3A_870 = arith.select %ne3A_863, %concatenate3A_851, %concatenate3A_848 : vector<8x4096xi1>, vector<8x4096xf32>
    %select_n3A_871 = arith.select %ne3A_863, %concatenate3A_857, %concatenate3A_854 : vector<8x4096xi1>, vector<8x4096xf32>
    %gt3A_872 = arith.cmpf ogt, %select_n3A_870, %select_n3A_844 : vector<8x4096xf32>
    %eq3A_873 = arith.cmpf oeq, %select_n3A_870, %select_n3A_844 : vector<8x4096xf32>
    %lt3A_874 = arith.cmpf olt, %select_n3A_871, %select_n3A_845 : vector<8x4096xf32>
    %and3A_875 = arith.andi %eq3A_873, %lt3A_874 : vector<8x4096xi1>
    %or3A_876 = arith.ori %gt3A_872, %and3A_875 : vector<8x4096xi1>
    %xor3A_877 = arith.xori %or3A_876, %ne3A_863 : vector<8x4096xi1>
    %xor3A_878 = arith.xori %xor3A_877, %ne3A_869 : vector<8x4096xi1>
    %select_n3A_879 = arith.select %xor3A_878, %select_n3A_870, %select_n3A_844 : vector<8x4096xi1>, vector<8x4096xf32>
    %select_n3A_880 = arith.select %xor3A_878, %select_n3A_871, %select_n3A_845 : vector<8x4096xi1>, vector<8x4096xf32>
    %slice3A_881 = vector.extract_strided_slice %select_n3A_879 {offsets = [0, 8], sizes = [8, 4088], strides = [1, 1]} : vector<8x4096xf32> to vector<8x4088xf32>
    %slice3A_882 = vector.extract_strided_slice %select_n3A_879 {offsets = [0, 0], sizes = [8, 8], strides = [1, 1]} : vector<8x4096xf32> to vector<8x8xf32>
    %concatenate3A_883 = tpu.concatenate %slice3A_881, %slice3A_882 in 1 : vector<8x4088xf32>, vector<8x8xf32> -> vector<8x4096xf32>
    %slice3A_884 = vector.extract_strided_slice %select_n3A_879 {offsets = [0, 4088], sizes = [8, 8], strides = [1, 1]} : vector<8x4096xf32> to vector<8x8xf32>
    %slice3A_885 = vector.extract_strided_slice %select_n3A_879 {offsets = [0, 0], sizes = [8, 4088], strides = [1, 1]} : vector<8x4096xf32> to vector<8x4088xf32>
    %concatenate3A_886 = tpu.concatenate %slice3A_884, %slice3A_885 in 1 : vector<8x8xf32>, vector<8x4088xf32> -> vector<8x4096xf32>
    %slice3A_887 = vector.extract_strided_slice %select_n3A_880 {offsets = [0, 8], sizes = [8, 4088], strides = [1, 1]} : vector<8x4096xf32> to vector<8x4088xf32>
    %slice3A_888 = vector.extract_strided_slice %select_n3A_880 {offsets = [0, 0], sizes = [8, 8], strides = [1, 1]} : vector<8x4096xf32> to vector<8x8xf32>
    %concatenate3A_889 = tpu.concatenate %slice3A_887, %slice3A_888 in 1 : vector<8x4088xf32>, vector<8x8xf32> -> vector<8x4096xf32>
    %slice3A_890 = vector.extract_strided_slice %select_n3A_880 {offsets = [0, 4088], sizes = [8, 8], strides = [1, 1]} : vector<8x4096xf32> to vector<8x8xf32>
    %slice3A_891 = vector.extract_strided_slice %select_n3A_880 {offsets = [0, 0], sizes = [8, 4088], strides = [1, 1]} : vector<8x4096xf32> to vector<8x4088xf32>
    %concatenate3A_892 = tpu.concatenate %slice3A_890, %slice3A_891 in 1 : vector<8x8xf32>, vector<8x4088xf32> -> vector<8x4096xf32>
    %and3A_893 = arith.constant 8 : i32
    %and3A_894 = vector.broadcast %and3A_893 : i32 to vector<8x4096xi32>
    %and3A_895 = arith.andi %add3A_44, %and3A_894 : vector<8x4096xi32>
    %ne3A_896 = arith.constant 0 : i32
    %ne3A_897 = vector.broadcast %ne3A_896 : i32 to vector<8x4096xi32>
    %ne3A_898 = arith.cmpi ne, %and3A_895, %ne3A_897 : vector<8x4096xi32>
    %and3A_899 = arith.constant 128 : i32
    %and3A_900 = vector.broadcast %and3A_899 : i32 to vector<8x4096xi32>
    %and3A_901 = arith.andi %add3A_44, %and3A_900 : vector<8x4096xi32>
    %ne3A_902 = arith.constant 0 : i32
    %ne3A_903 = vector.broadcast %ne3A_902 : i32 to vector<8x4096xi32>
    %ne3A_904 = arith.cmpi ne, %and3A_901, %ne3A_903 : vector<8x4096xi32>
    %select_n3A_905 = arith.select %ne3A_898, %concatenate3A_886, %concatenate3A_883 : vector<8x4096xi1>, vector<8x4096xf32>
    %select_n3A_906 = arith.select %ne3A_898, %concatenate3A_892, %concatenate3A_889 : vector<8x4096xi1>, vector<8x4096xf32>
    %gt3A_907 = arith.cmpf ogt, %select_n3A_905, %select_n3A_879 : vector<8x4096xf32>
    %eq3A_908 = arith.cmpf oeq, %select_n3A_905, %select_n3A_879 : vector<8x4096xf32>
    %lt3A_909 = arith.cmpf olt, %select_n3A_906, %select_n3A_880 : vector<8x4096xf32>
    %and3A_910 = arith.andi %eq3A_908, %lt3A_909 : vector<8x4096xi1>
    %or3A_911 = arith.ori %gt3A_907, %and3A_910 : vector<8x4096xi1>
    %xor3A_912 = arith.xori %or3A_911, %ne3A_898 : vector<8x4096xi1>
    %xor3A_913 = arith.xori %xor3A_912, %ne3A_904 : vector<8x4096xi1>
    %select_n3A_914 = arith.select %xor3A_913, %select_n3A_905, %select_n3A_879 : vector<8x4096xi1>, vector<8x4096xf32>
    %select_n3A_915 = arith.select %xor3A_913, %select_n3A_906, %select_n3A_880 : vector<8x4096xi1>, vector<8x4096xf32>
    %slice3A_916 = vector.extract_strided_slice %select_n3A_914 {offsets = [0, 4], sizes = [8, 4092], strides = [1, 1]} : vector<8x4096xf32> to vector<8x4092xf32>
    %slice3A_917 = vector.extract_strided_slice %select_n3A_914 {offsets = [0, 0], sizes = [8, 4], strides = [1, 1]} : vector<8x4096xf32> to vector<8x4xf32>
    %concatenate3A_918 = tpu.concatenate %slice3A_916, %slice3A_917 in 1 : vector<8x4092xf32>, vector<8x4xf32> -> vector<8x4096xf32>
    %slice3A_919 = vector.extract_strided_slice %select_n3A_914 {offsets = [0, 4092], sizes = [8, 4], strides = [1, 1]} : vector<8x4096xf32> to vector<8x4xf32>
    %slice3A_920 = vector.extract_strided_slice %select_n3A_914 {offsets = [0, 0], sizes = [8, 4092], strides = [1, 1]} : vector<8x4096xf32> to vector<8x4092xf32>
    %concatenate3A_921 = tpu.concatenate %slice3A_919, %slice3A_920 in 1 : vector<8x4xf32>, vector<8x4092xf32> -> vector<8x4096xf32>
    %slice3A_922 = vector.extract_strided_slice %select_n3A_915 {offsets = [0, 4], sizes = [8, 4092], strides = [1, 1]} : vector<8x4096xf32> to vector<8x4092xf32>
    %slice3A_923 = vector.extract_strided_slice %select_n3A_915 {offsets = [0, 0], sizes = [8, 4], strides = [1, 1]} : vector<8x4096xf32> to vector<8x4xf32>
    %concatenate3A_924 = tpu.concatenate %slice3A_922, %slice3A_923 in 1 : vector<8x4092xf32>, vector<8x4xf32> -> vector<8x4096xf32>
    %slice3A_925 = vector.extract_strided_slice %select_n3A_915 {offsets = [0, 4092], sizes = [8, 4], strides = [1, 1]} : vector<8x4096xf32> to vector<8x4xf32>
    %slice3A_926 = vector.extract_strided_slice %select_n3A_915 {offsets = [0, 0], sizes = [8, 4092], strides = [1, 1]} : vector<8x4096xf32> to vector<8x4092xf32>
    %concatenate3A_927 = tpu.concatenate %slice3A_925, %slice3A_926 in 1 : vector<8x4xf32>, vector<8x4092xf32> -> vector<8x4096xf32>
    %and3A_928 = arith.constant 4 : i32
    %and3A_929 = vector.broadcast %and3A_928 : i32 to vector<8x4096xi32>
    %and3A_930 = arith.andi %add3A_44, %and3A_929 : vector<8x4096xi32>
    %ne3A_931 = arith.constant 0 : i32
    %ne3A_932 = vector.broadcast %ne3A_931 : i32 to vector<8x4096xi32>
    %ne3A_933 = arith.cmpi ne, %and3A_930, %ne3A_932 : vector<8x4096xi32>
    %and3A_934 = arith.constant 128 : i32
    %and3A_935 = vector.broadcast %and3A_934 : i32 to vector<8x4096xi32>
    %and3A_936 = arith.andi %add3A_44, %and3A_935 : vector<8x4096xi32>
    %ne3A_937 = arith.constant 0 : i32
    %ne3A_938 = vector.broadcast %ne3A_937 : i32 to vector<8x4096xi32>
    %ne3A_939 = arith.cmpi ne, %and3A_936, %ne3A_938 : vector<8x4096xi32>
    %select_n3A_940 = arith.select %ne3A_933, %concatenate3A_921, %concatenate3A_918 : vector<8x4096xi1>, vector<8x4096xf32>
    %select_n3A_941 = arith.select %ne3A_933, %concatenate3A_927, %concatenate3A_924 : vector<8x4096xi1>, vector<8x4096xf32>
    %gt3A_942 = arith.cmpf ogt, %select_n3A_940, %select_n3A_914 : vector<8x4096xf32>
    %eq3A_943 = arith.cmpf oeq, %select_n3A_940, %select_n3A_914 : vector<8x4096xf32>
    %lt3A_944 = arith.cmpf olt, %select_n3A_941, %select_n3A_915 : vector<8x4096xf32>
    %and3A_945 = arith.andi %eq3A_943, %lt3A_944 : vector<8x4096xi1>
    %or3A_946 = arith.ori %gt3A_942, %and3A_945 : vector<8x4096xi1>
    %xor3A_947 = arith.xori %or3A_946, %ne3A_933 : vector<8x4096xi1>
    %xor3A_948 = arith.xori %xor3A_947, %ne3A_939 : vector<8x4096xi1>
    %select_n3A_949 = arith.select %xor3A_948, %select_n3A_940, %select_n3A_914 : vector<8x4096xi1>, vector<8x4096xf32>
    %select_n3A_950 = arith.select %xor3A_948, %select_n3A_941, %select_n3A_915 : vector<8x4096xi1>, vector<8x4096xf32>
    %slice3A_951 = vector.extract_strided_slice %select_n3A_949 {offsets = [0, 2], sizes = [8, 4094], strides = [1, 1]} : vector<8x4096xf32> to vector<8x4094xf32>
    %slice3A_952 = vector.extract_strided_slice %select_n3A_949 {offsets = [0, 0], sizes = [8, 2], strides = [1, 1]} : vector<8x4096xf32> to vector<8x2xf32>
    %concatenate3A_953 = tpu.concatenate %slice3A_951, %slice3A_952 in 1 : vector<8x4094xf32>, vector<8x2xf32> -> vector<8x4096xf32>
    %slice3A_954 = vector.extract_strided_slice %select_n3A_949 {offsets = [0, 4094], sizes = [8, 2], strides = [1, 1]} : vector<8x4096xf32> to vector<8x2xf32>
    %slice3A_955 = vector.extract_strided_slice %select_n3A_949 {offsets = [0, 0], sizes = [8, 4094], strides = [1, 1]} : vector<8x4096xf32> to vector<8x4094xf32>
    %concatenate3A_956 = tpu.concatenate %slice3A_954, %slice3A_955 in 1 : vector<8x2xf32>, vector<8x4094xf32> -> vector<8x4096xf32>
    %slice3A_957 = vector.extract_strided_slice %select_n3A_950 {offsets = [0, 2], sizes = [8, 4094], strides = [1, 1]} : vector<8x4096xf32> to vector<8x4094xf32>
    %slice3A_958 = vector.extract_strided_slice %select_n3A_950 {offsets = [0, 0], sizes = [8, 2], strides = [1, 1]} : vector<8x4096xf32> to vector<8x2xf32>
    %concatenate3A_959 = tpu.concatenate %slice3A_957, %slice3A_958 in 1 : vector<8x4094xf32>, vector<8x2xf32> -> vector<8x4096xf32>
    %slice3A_960 = vector.extract_strided_slice %select_n3A_950 {offsets = [0, 4094], sizes = [8, 2], strides = [1, 1]} : vector<8x4096xf32> to vector<8x2xf32>
    %slice3A_961 = vector.extract_strided_slice %select_n3A_950 {offsets = [0, 0], sizes = [8, 4094], strides = [1, 1]} : vector<8x4096xf32> to vector<8x4094xf32>
    %concatenate3A_962 = tpu.concatenate %slice3A_960, %slice3A_961 in 1 : vector<8x2xf32>, vector<8x4094xf32> -> vector<8x4096xf32>
    %and3A_963 = arith.constant 2 : i32
    %and3A_964 = vector.broadcast %and3A_963 : i32 to vector<8x4096xi32>
    %and3A_965 = arith.andi %add3A_44, %and3A_964 : vector<8x4096xi32>
    %ne3A_966 = arith.constant 0 : i32
    %ne3A_967 = vector.broadcast %ne3A_966 : i32 to vector<8x4096xi32>
    %ne3A_968 = arith.cmpi ne, %and3A_965, %ne3A_967 : vector<8x4096xi32>
    %and3A_969 = arith.constant 128 : i32
    %and3A_970 = vector.broadcast %and3A_969 : i32 to vector<8x4096xi32>
    %and3A_971 = arith.andi %add3A_44, %and3A_970 : vector<8x4096xi32>
    %ne3A_972 = arith.constant 0 : i32
    %ne3A_973 = vector.broadcast %ne3A_972 : i32 to vector<8x4096xi32>
    %ne3A_974 = arith.cmpi ne, %and3A_971, %ne3A_973 : vector<8x4096xi32>
    %select_n3A_975 = arith.select %ne3A_968, %concatenate3A_956, %concatenate3A_953 : vector<8x4096xi1>, vector<8x4096xf32>
    %select_n3A_976 = arith.select %ne3A_968, %concatenate3A_962, %concatenate3A_959 : vector<8x4096xi1>, vector<8x4096xf32>
    %gt3A_977 = arith.cmpf ogt, %select_n3A_975, %select_n3A_949 : vector<8x4096xf32>
    %eq3A_978 = arith.cmpf oeq, %select_n3A_975, %select_n3A_949 : vector<8x4096xf32>
    %lt3A_979 = arith.cmpf olt, %select_n3A_976, %select_n3A_950 : vector<8x4096xf32>
    %and3A_980 = arith.andi %eq3A_978, %lt3A_979 : vector<8x4096xi1>
    %or3A_981 = arith.ori %gt3A_977, %and3A_980 : vector<8x4096xi1>
    %xor3A_982 = arith.xori %or3A_981, %ne3A_968 : vector<8x4096xi1>
    %xor3A_983 = arith.xori %xor3A_982, %ne3A_974 : vector<8x4096xi1>
    %select_n3A_984 = arith.select %xor3A_983, %select_n3A_975, %select_n3A_949 : vector<8x4096xi1>, vector<8x4096xf32>
    %select_n3A_985 = arith.select %xor3A_983, %select_n3A_976, %select_n3A_950 : vector<8x4096xi1>, vector<8x4096xf32>
    %slice3A_986 = vector.extract_strided_slice %select_n3A_984 {offsets = [0, 1], sizes = [8, 4095], strides = [1, 1]} : vector<8x4096xf32> to vector<8x4095xf32>
    %slice3A_987 = vector.extract_strided_slice %select_n3A_984 {offsets = [0, 0], sizes = [8, 1], strides = [1, 1]} : vector<8x4096xf32> to vector<8x1xf32>
    %concatenate3A_988 = tpu.concatenate %slice3A_986, %slice3A_987 in 1 : vector<8x4095xf32>, vector<8x1xf32> -> vector<8x4096xf32>
    %slice3A_989 = vector.extract_strided_slice %select_n3A_984 {offsets = [0, 4095], sizes = [8, 1], strides = [1, 1]} : vector<8x4096xf32> to vector<8x1xf32>
    %slice3A_990 = vector.extract_strided_slice %select_n3A_984 {offsets = [0, 0], sizes = [8, 4095], strides = [1, 1]} : vector<8x4096xf32> to vector<8x4095xf32>
    %concatenate3A_991 = tpu.concatenate %slice3A_989, %slice3A_990 in 1 : vector<8x1xf32>, vector<8x4095xf32> -> vector<8x4096xf32>
    %slice3A_992 = vector.extract_strided_slice %select_n3A_985 {offsets = [0, 1], sizes = [8, 4095], strides = [1, 1]} : vector<8x4096xf32> to vector<8x4095xf32>
    %slice3A_993 = vector.extract_strided_slice %select_n3A_985 {offsets = [0, 0], sizes = [8, 1], strides = [1, 1]} : vector<8x4096xf32> to vector<8x1xf32>
    %concatenate3A_994 = tpu.concatenate %slice3A_992, %slice3A_993 in 1 : vector<8x4095xf32>, vector<8x1xf32> -> vector<8x4096xf32>
    %slice3A_995 = vector.extract_strided_slice %select_n3A_985 {offsets = [0, 4095], sizes = [8, 1], strides = [1, 1]} : vector<8x4096xf32> to vector<8x1xf32>
    %slice3A_996 = vector.extract_strided_slice %select_n3A_985 {offsets = [0, 0], sizes = [8, 4095], strides = [1, 1]} : vector<8x4096xf32> to vector<8x4095xf32>
    %concatenate3A_997 = tpu.concatenate %slice3A_995, %slice3A_996 in 1 : vector<8x1xf32>, vector<8x4095xf32> -> vector<8x4096xf32>
    %and3A_998 = arith.constant 1 : i32
    %and3A_999 = vector.broadcast %and3A_998 : i32 to vector<8x4096xi32>
    %and3A_1000 = arith.andi %add3A_44, %and3A_999 : vector<8x4096xi32>
    %ne3A_1001 = arith.constant 0 : i32
    %ne3A_1002 = vector.broadcast %ne3A_1001 : i32 to vector<8x4096xi32>
    %ne3A_1003 = arith.cmpi ne, %and3A_1000, %ne3A_1002 : vector<8x4096xi32>
    %and3A_1004 = arith.constant 128 : i32
    %and3A_1005 = vector.broadcast %and3A_1004 : i32 to vector<8x4096xi32>
    %and3A_1006 = arith.andi %add3A_44, %and3A_1005 : vector<8x4096xi32>
    %ne3A_1007 = arith.constant 0 : i32
    %ne3A_1008 = vector.broadcast %ne3A_1007 : i32 to vector<8x4096xi32>
    %ne3A_1009 = arith.cmpi ne, %and3A_1006, %ne3A_1008 : vector<8x4096xi32>
    %select_n3A_1010 = arith.select %ne3A_1003, %concatenate3A_991, %concatenate3A_988 : vector<8x4096xi1>, vector<8x4096xf32>
    %select_n3A_1011 = arith.select %ne3A_1003, %concatenate3A_997, %concatenate3A_994 : vector<8x4096xi1>, vector<8x4096xf32>
    %gt3A_1012 = arith.cmpf ogt, %select_n3A_1010, %select_n3A_984 : vector<8x4096xf32>
    %eq3A_1013 = arith.cmpf oeq, %select_n3A_1010, %select_n3A_984 : vector<8x4096xf32>
    %lt3A_1014 = arith.cmpf olt, %select_n3A_1011, %select_n3A_985 : vector<8x4096xf32>
    %and3A_1015 = arith.andi %eq3A_1013, %lt3A_1014 : vector<8x4096xi1>
    %or3A_1016 = arith.ori %gt3A_1012, %and3A_1015 : vector<8x4096xi1>
    %xor3A_1017 = arith.xori %or3A_1016, %ne3A_1003 : vector<8x4096xi1>
    %xor3A_1018 = arith.xori %xor3A_1017, %ne3A_1009 : vector<8x4096xi1>
    %select_n3A_1019 = arith.select %xor3A_1018, %select_n3A_1010, %select_n3A_984 : vector<8x4096xi1>, vector<8x4096xf32>
    %select_n3A_1020 = arith.select %xor3A_1018, %select_n3A_1011, %select_n3A_985 : vector<8x4096xi1>, vector<8x4096xf32>
    %slice3A_1021 = vector.extract_strided_slice %select_n3A_1019 {offsets = [0, 128], sizes = [8, 3968], strides = [1, 1]} : vector<8x4096xf32> to vector<8x3968xf32>
    %slice3A_1022 = vector.extract_strided_slice %select_n3A_1019 {offsets = [0, 0], sizes = [8, 128], strides = [1, 1]} : vector<8x4096xf32> to vector<8x128xf32>
    %concatenate3A_1023 = tpu.concatenate %slice3A_1021, %slice3A_1022 in 1 : vector<8x3968xf32>, vector<8x128xf32> -> vector<8x4096xf32>
    %slice3A_1024 = vector.extract_strided_slice %select_n3A_1019 {offsets = [0, 3968], sizes = [8, 128], strides = [1, 1]} : vector<8x4096xf32> to vector<8x128xf32>
    %slice3A_1025 = vector.extract_strided_slice %select_n3A_1019 {offsets = [0, 0], sizes = [8, 3968], strides = [1, 1]} : vector<8x4096xf32> to vector<8x3968xf32>
    %concatenate3A_1026 = tpu.concatenate %slice3A_1024, %slice3A_1025 in 1 : vector<8x128xf32>, vector<8x3968xf32> -> vector<8x4096xf32>
    %slice3A_1027 = vector.extract_strided_slice %select_n3A_1020 {offsets = [0, 128], sizes = [8, 3968], strides = [1, 1]} : vector<8x4096xf32> to vector<8x3968xf32>
    %slice3A_1028 = vector.extract_strided_slice %select_n3A_1020 {offsets = [0, 0], sizes = [8, 128], strides = [1, 1]} : vector<8x4096xf32> to vector<8x128xf32>
    %concatenate3A_1029 = tpu.concatenate %slice3A_1027, %slice3A_1028 in 1 : vector<8x3968xf32>, vector<8x128xf32> -> vector<8x4096xf32>
    %slice3A_1030 = vector.extract_strided_slice %select_n3A_1020 {offsets = [0, 3968], sizes = [8, 128], strides = [1, 1]} : vector<8x4096xf32> to vector<8x128xf32>
    %slice3A_1031 = vector.extract_strided_slice %select_n3A_1020 {offsets = [0, 0], sizes = [8, 3968], strides = [1, 1]} : vector<8x4096xf32> to vector<8x3968xf32>
    %concatenate3A_1032 = tpu.concatenate %slice3A_1030, %slice3A_1031 in 1 : vector<8x128xf32>, vector<8x3968xf32> -> vector<8x4096xf32>
    %and3A_1033 = arith.constant 128 : i32
    %and3A_1034 = vector.broadcast %and3A_1033 : i32 to vector<8x4096xi32>
    %and3A_1035 = arith.andi %add3A_44, %and3A_1034 : vector<8x4096xi32>
    %ne3A_1036 = arith.constant 0 : i32
    %ne3A_1037 = vector.broadcast %ne3A_1036 : i32 to vector<8x4096xi32>
    %ne3A_1038 = arith.cmpi ne, %and3A_1035, %ne3A_1037 : vector<8x4096xi32>
    %and3A_1039 = arith.constant 256 : i32
    %and3A_1040 = vector.broadcast %and3A_1039 : i32 to vector<8x4096xi32>
    %and3A_1041 = arith.andi %add3A_44, %and3A_1040 : vector<8x4096xi32>
    %ne3A_1042 = arith.constant 0 : i32
    %ne3A_1043 = vector.broadcast %ne3A_1042 : i32 to vector<8x4096xi32>
    %ne3A_1044 = arith.cmpi ne, %and3A_1041, %ne3A_1043 : vector<8x4096xi32>
    %select_n3A_1045 = arith.select %ne3A_1038, %concatenate3A_1026, %concatenate3A_1023 : vector<8x4096xi1>, vector<8x4096xf32>
    %select_n3A_1046 = arith.select %ne3A_1038, %concatenate3A_1032, %concatenate3A_1029 : vector<8x4096xi1>, vector<8x4096xf32>
    %gt3A_1047 = arith.cmpf ogt, %select_n3A_1045, %select_n3A_1019 : vector<8x4096xf32>
    %eq3A_1048 = arith.cmpf oeq, %select_n3A_1045, %select_n3A_1019 : vector<8x4096xf32>
    %lt3A_1049 = arith.cmpf olt, %select_n3A_1046, %select_n3A_1020 : vector<8x4096xf32>
    %and3A_1050 = arith.andi %eq3A_1048, %lt3A_1049 : vector<8x4096xi1>
    %or3A_1051 = arith.ori %gt3A_1047, %and3A_1050 : vector<8x4096xi1>
    %xor3A_1052 = arith.xori %or3A_1051, %ne3A_1038 : vector<8x4096xi1>
    %xor3A_1053 = arith.xori %xor3A_1052, %ne3A_1044 : vector<8x4096xi1>
    %select_n3A_1054 = arith.select %xor3A_1053, %select_n3A_1045, %select_n3A_1019 : vector<8x4096xi1>, vector<8x4096xf32>
    %select_n3A_1055 = arith.select %xor3A_1053, %select_n3A_1046, %select_n3A_1020 : vector<8x4096xi1>, vector<8x4096xf32>
    %slice3A_1056 = vector.extract_strided_slice %select_n3A_1054 {offsets = [0, 64], sizes = [8, 4032], strides = [1, 1]} : vector<8x4096xf32> to vector<8x4032xf32>
    %slice3A_1057 = vector.extract_strided_slice %select_n3A_1054 {offsets = [0, 0], sizes = [8, 64], strides = [1, 1]} : vector<8x4096xf32> to vector<8x64xf32>
    %concatenate3A_1058 = tpu.concatenate %slice3A_1056, %slice3A_1057 in 1 : vector<8x4032xf32>, vector<8x64xf32> -> vector<8x4096xf32>
    %slice3A_1059 = vector.extract_strided_slice %select_n3A_1054 {offsets = [0, 4032], sizes = [8, 64], strides = [1, 1]} : vector<8x4096xf32> to vector<8x64xf32>
    %slice3A_1060 = vector.extract_strided_slice %select_n3A_1054 {offsets = [0, 0], sizes = [8, 4032], strides = [1, 1]} : vector<8x4096xf32> to vector<8x4032xf32>
    %concatenate3A_1061 = tpu.concatenate %slice3A_1059, %slice3A_1060 in 1 : vector<8x64xf32>, vector<8x4032xf32> -> vector<8x4096xf32>
    %slice3A_1062 = vector.extract_strided_slice %select_n3A_1055 {offsets = [0, 64], sizes = [8, 4032], strides = [1, 1]} : vector<8x4096xf32> to vector<8x4032xf32>
    %slice3A_1063 = vector.extract_strided_slice %select_n3A_1055 {offsets = [0, 0], sizes = [8, 64], strides = [1, 1]} : vector<8x4096xf32> to vector<8x64xf32>
    %concatenate3A_1064 = tpu.concatenate %slice3A_1062, %slice3A_1063 in 1 : vector<8x4032xf32>, vector<8x64xf32> -> vector<8x4096xf32>
    %slice3A_1065 = vector.extract_strided_slice %select_n3A_1055 {offsets = [0, 4032], sizes = [8, 64], strides = [1, 1]} : vector<8x4096xf32> to vector<8x64xf32>
    %slice3A_1066 = vector.extract_strided_slice %select_n3A_1055 {offsets = [0, 0], sizes = [8, 4032], strides = [1, 1]} : vector<8x4096xf32> to vector<8x4032xf32>
    %concatenate3A_1067 = tpu.concatenate %slice3A_1065, %slice3A_1066 in 1 : vector<8x64xf32>, vector<8x4032xf32> -> vector<8x4096xf32>
    %and3A_1068 = arith.constant 64 : i32
    %and3A_1069 = vector.broadcast %and3A_1068 : i32 to vector<8x4096xi32>
    %and3A_1070 = arith.andi %add3A_44, %and3A_1069 : vector<8x4096xi32>
    %ne3A_1071 = arith.constant 0 : i32
    %ne3A_1072 = vector.broadcast %ne3A_1071 : i32 to vector<8x4096xi32>
    %ne3A_1073 = arith.cmpi ne, %and3A_1070, %ne3A_1072 : vector<8x4096xi32>
    %and3A_1074 = arith.constant 256 : i32
    %and3A_1075 = vector.broadcast %and3A_1074 : i32 to vector<8x4096xi32>
    %and3A_1076 = arith.andi %add3A_44, %and3A_1075 : vector<8x4096xi32>
    %ne3A_1077 = arith.constant 0 : i32
    %ne3A_1078 = vector.broadcast %ne3A_1077 : i32 to vector<8x4096xi32>
    %ne3A_1079 = arith.cmpi ne, %and3A_1076, %ne3A_1078 : vector<8x4096xi32>
    %select_n3A_1080 = arith.select %ne3A_1073, %concatenate3A_1061, %concatenate3A_1058 : vector<8x4096xi1>, vector<8x4096xf32>
    %select_n3A_1081 = arith.select %ne3A_1073, %concatenate3A_1067, %concatenate3A_1064 : vector<8x4096xi1>, vector<8x4096xf32>
    %gt3A_1082 = arith.cmpf ogt, %select_n3A_1080, %select_n3A_1054 : vector<8x4096xf32>
    %eq3A_1083 = arith.cmpf oeq, %select_n3A_1080, %select_n3A_1054 : vector<8x4096xf32>
    %lt3A_1084 = arith.cmpf olt, %select_n3A_1081, %select_n3A_1055 : vector<8x4096xf32>
    %and3A_1085 = arith.andi %eq3A_1083, %lt3A_1084 : vector<8x4096xi1>
    %or3A_1086 = arith.ori %gt3A_1082, %and3A_1085 : vector<8x4096xi1>
    %xor3A_1087 = arith.xori %or3A_1086, %ne3A_1073 : vector<8x4096xi1>
    %xor3A_1088 = arith.xori %xor3A_1087, %ne3A_1079 : vector<8x4096xi1>
    %select_n3A_1089 = arith.select %xor3A_1088, %select_n3A_1080, %select_n3A_1054 : vector<8x4096xi1>, vector<8x4096xf32>
    %select_n3A_1090 = arith.select %xor3A_1088, %select_n3A_1081, %select_n3A_1055 : vector<8x4096xi1>, vector<8x4096xf32>
    %slice3A_1091 = vector.extract_strided_slice %select_n3A_1089 {offsets = [0, 32], sizes = [8, 4064], strides = [1, 1]} : vector<8x4096xf32> to vector<8x4064xf32>
    %slice3A_1092 = vector.extract_strided_slice %select_n3A_1089 {offsets = [0, 0], sizes = [8, 32], strides = [1, 1]} : vector<8x4096xf32> to vector<8x32xf32>
    %concatenate3A_1093 = tpu.concatenate %slice3A_1091, %slice3A_1092 in 1 : vector<8x4064xf32>, vector<8x32xf32> -> vector<8x4096xf32>
    %slice3A_1094 = vector.extract_strided_slice %select_n3A_1089 {offsets = [0, 4064], sizes = [8, 32], strides = [1, 1]} : vector<8x4096xf32> to vector<8x32xf32>
    %slice3A_1095 = vector.extract_strided_slice %select_n3A_1089 {offsets = [0, 0], sizes = [8, 4064], strides = [1, 1]} : vector<8x4096xf32> to vector<8x4064xf32>
    %concatenate3A_1096 = tpu.concatenate %slice3A_1094, %slice3A_1095 in 1 : vector<8x32xf32>, vector<8x4064xf32> -> vector<8x4096xf32>
    %slice3A_1097 = vector.extract_strided_slice %select_n3A_1090 {offsets = [0, 32], sizes = [8, 4064], strides = [1, 1]} : vector<8x4096xf32> to vector<8x4064xf32>
    %slice3A_1098 = vector.extract_strided_slice %select_n3A_1090 {offsets = [0, 0], sizes = [8, 32], strides = [1, 1]} : vector<8x4096xf32> to vector<8x32xf32>
    %concatenate3A_1099 = tpu.concatenate %slice3A_1097, %slice3A_1098 in 1 : vector<8x4064xf32>, vector<8x32xf32> -> vector<8x4096xf32>
    %slice3A_1100 = vector.extract_strided_slice %select_n3A_1090 {offsets = [0, 4064], sizes = [8, 32], strides = [1, 1]} : vector<8x4096xf32> to vector<8x32xf32>
    %slice3A_1101 = vector.extract_strided_slice %select_n3A_1090 {offsets = [0, 0], sizes = [8, 4064], strides = [1, 1]} : vector<8x4096xf32> to vector<8x4064xf32>
    %concatenate3A_1102 = tpu.concatenate %slice3A_1100, %slice3A_1101 in 1 : vector<8x32xf32>, vector<8x4064xf32> -> vector<8x4096xf32>
    %and3A_1103 = arith.constant 32 : i32
    %and3A_1104 = vector.broadcast %and3A_1103 : i32 to vector<8x4096xi32>
    %and3A_1105 = arith.andi %add3A_44, %and3A_1104 : vector<8x4096xi32>
    %ne3A_1106 = arith.constant 0 : i32
    %ne3A_1107 = vector.broadcast %ne3A_1106 : i32 to vector<8x4096xi32>
    %ne3A_1108 = arith.cmpi ne, %and3A_1105, %ne3A_1107 : vector<8x4096xi32>
    %and3A_1109 = arith.constant 256 : i32
    %and3A_1110 = vector.broadcast %and3A_1109 : i32 to vector<8x4096xi32>
    %and3A_1111 = arith.andi %add3A_44, %and3A_1110 : vector<8x4096xi32>
    %ne3A_1112 = arith.constant 0 : i32
    %ne3A_1113 = vector.broadcast %ne3A_1112 : i32 to vector<8x4096xi32>
    %ne3A_1114 = arith.cmpi ne, %and3A_1111, %ne3A_1113 : vector<8x4096xi32>
    %select_n3A_1115 = arith.select %ne3A_1108, %concatenate3A_1096, %concatenate3A_1093 : vector<8x4096xi1>, vector<8x4096xf32>
    %select_n3A_1116 = arith.select %ne3A_1108, %concatenate3A_1102, %concatenate3A_1099 : vector<8x4096xi1>, vector<8x4096xf32>
    %gt3A_1117 = arith.cmpf ogt, %select_n3A_1115, %select_n3A_1089 : vector<8x4096xf32>
    %eq3A_1118 = arith.cmpf oeq, %select_n3A_1115, %select_n3A_1089 : vector<8x4096xf32>
    %lt3A_1119 = arith.cmpf olt, %select_n3A_1116, %select_n3A_1090 : vector<8x4096xf32>
    %and3A_1120 = arith.andi %eq3A_1118, %lt3A_1119 : vector<8x4096xi1>
    %or3A_1121 = arith.ori %gt3A_1117, %and3A_1120 : vector<8x4096xi1>
    %xor3A_1122 = arith.xori %or3A_1121, %ne3A_1108 : vector<8x4096xi1>
    %xor3A_1123 = arith.xori %xor3A_1122, %ne3A_1114 : vector<8x4096xi1>
    %select_n3A_1124 = arith.select %xor3A_1123, %select_n3A_1115, %select_n3A_1089 : vector<8x4096xi1>, vector<8x4096xf32>
    %select_n3A_1125 = arith.select %xor3A_1123, %select_n3A_1116, %select_n3A_1090 : vector<8x4096xi1>, vector<8x4096xf32>
    %slice3A_1126 = vector.extract_strided_slice %select_n3A_1124 {offsets = [0, 16], sizes = [8, 4080], strides = [1, 1]} : vector<8x4096xf32> to vector<8x4080xf32>
    %slice3A_1127 = vector.extract_strided_slice %select_n3A_1124 {offsets = [0, 0], sizes = [8, 16], strides = [1, 1]} : vector<8x4096xf32> to vector<8x16xf32>
    %concatenate3A_1128 = tpu.concatenate %slice3A_1126, %slice3A_1127 in 1 : vector<8x4080xf32>, vector<8x16xf32> -> vector<8x4096xf32>
    %slice3A_1129 = vector.extract_strided_slice %select_n3A_1124 {offsets = [0, 4080], sizes = [8, 16], strides = [1, 1]} : vector<8x4096xf32> to vector<8x16xf32>
    %slice3A_1130 = vector.extract_strided_slice %select_n3A_1124 {offsets = [0, 0], sizes = [8, 4080], strides = [1, 1]} : vector<8x4096xf32> to vector<8x4080xf32>
    %concatenate3A_1131 = tpu.concatenate %slice3A_1129, %slice3A_1130 in 1 : vector<8x16xf32>, vector<8x4080xf32> -> vector<8x4096xf32>
    %slice3A_1132 = vector.extract_strided_slice %select_n3A_1125 {offsets = [0, 16], sizes = [8, 4080], strides = [1, 1]} : vector<8x4096xf32> to vector<8x4080xf32>
    %slice3A_1133 = vector.extract_strided_slice %select_n3A_1125 {offsets = [0, 0], sizes = [8, 16], strides = [1, 1]} : vector<8x4096xf32> to vector<8x16xf32>
    %concatenate3A_1134 = tpu.concatenate %slice3A_1132, %slice3A_1133 in 1 : vector<8x4080xf32>, vector<8x16xf32> -> vector<8x4096xf32>
    %slice3A_1135 = vector.extract_strided_slice %select_n3A_1125 {offsets = [0, 4080], sizes = [8, 16], strides = [1, 1]} : vector<8x4096xf32> to vector<8x16xf32>
    %slice3A_1136 = vector.extract_strided_slice %select_n3A_1125 {offsets = [0, 0], sizes = [8, 4080], strides = [1, 1]} : vector<8x4096xf32> to vector<8x4080xf32>
    %concatenate3A_1137 = tpu.concatenate %slice3A_1135, %slice3A_1136 in 1 : vector<8x16xf32>, vector<8x4080xf32> -> vector<8x4096xf32>
    %and3A_1138 = arith.constant 16 : i32
    %and3A_1139 = vector.broadcast %and3A_1138 : i32 to vector<8x4096xi32>
    %and3A_1140 = arith.andi %add3A_44, %and3A_1139 : vector<8x4096xi32>
    %ne3A_1141 = arith.constant 0 : i32
    %ne3A_1142 = vector.broadcast %ne3A_1141 : i32 to vector<8x4096xi32>
    %ne3A_1143 = arith.cmpi ne, %and3A_1140, %ne3A_1142 : vector<8x4096xi32>
    %and3A_1144 = arith.constant 256 : i32
    %and3A_1145 = vector.broadcast %and3A_1144 : i32 to vector<8x4096xi32>
    %and3A_1146 = arith.andi %add3A_44, %and3A_1145 : vector<8x4096xi32>
    %ne3A_1147 = arith.constant 0 : i32
    %ne3A_1148 = vector.broadcast %ne3A_1147 : i32 to vector<8x4096xi32>
    %ne3A_1149 = arith.cmpi ne, %and3A_1146, %ne3A_1148 : vector<8x4096xi32>
    %select_n3A_1150 = arith.select %ne3A_1143, %concatenate3A_1131, %concatenate3A_1128 : vector<8x4096xi1>, vector<8x4096xf32>
    %select_n3A_1151 = arith.select %ne3A_1143, %concatenate3A_1137, %concatenate3A_1134 : vector<8x4096xi1>, vector<8x4096xf32>
    %gt3A_1152 = arith.cmpf ogt, %select_n3A_1150, %select_n3A_1124 : vector<8x4096xf32>
    %eq3A_1153 = arith.cmpf oeq, %select_n3A_1150, %select_n3A_1124 : vector<8x4096xf32>
    %lt3A_1154 = arith.cmpf olt, %select_n3A_1151, %select_n3A_1125 : vector<8x4096xf32>
    %and3A_1155 = arith.andi %eq3A_1153, %lt3A_1154 : vector<8x4096xi1>
    %or3A_1156 = arith.ori %gt3A_1152, %and3A_1155 : vector<8x4096xi1>
    %xor3A_1157 = arith.xori %or3A_1156, %ne3A_1143 : vector<8x4096xi1>
    %xor3A_1158 = arith.xori %xor3A_1157, %ne3A_1149 : vector<8x4096xi1>
    %select_n3A_1159 = arith.select %xor3A_1158, %select_n3A_1150, %select_n3A_1124 : vector<8x4096xi1>, vector<8x4096xf32>
    %select_n3A_1160 = arith.select %xor3A_1158, %select_n3A_1151, %select_n3A_1125 : vector<8x4096xi1>, vector<8x4096xf32>
    %slice3A_1161 = vector.extract_strided_slice %select_n3A_1159 {offsets = [0, 8], sizes = [8, 4088], strides = [1, 1]} : vector<8x4096xf32> to vector<8x4088xf32>
    %slice3A_1162 = vector.extract_strided_slice %select_n3A_1159 {offsets = [0, 0], sizes = [8, 8], strides = [1, 1]} : vector<8x4096xf32> to vector<8x8xf32>
    %concatenate3A_1163 = tpu.concatenate %slice3A_1161, %slice3A_1162 in 1 : vector<8x4088xf32>, vector<8x8xf32> -> vector<8x4096xf32>
    %slice3A_1164 = vector.extract_strided_slice %select_n3A_1159 {offsets = [0, 4088], sizes = [8, 8], strides = [1, 1]} : vector<8x4096xf32> to vector<8x8xf32>
    %slice3A_1165 = vector.extract_strided_slice %select_n3A_1159 {offsets = [0, 0], sizes = [8, 4088], strides = [1, 1]} : vector<8x4096xf32> to vector<8x4088xf32>
    %concatenate3A_1166 = tpu.concatenate %slice3A_1164, %slice3A_1165 in 1 : vector<8x8xf32>, vector<8x4088xf32> -> vector<8x4096xf32>
    %slice3A_1167 = vector.extract_strided_slice %select_n3A_1160 {offsets = [0, 8], sizes = [8, 4088], strides = [1, 1]} : vector<8x4096xf32> to vector<8x4088xf32>
    %slice3A_1168 = vector.extract_strided_slice %select_n3A_1160 {offsets = [0, 0], sizes = [8, 8], strides = [1, 1]} : vector<8x4096xf32> to vector<8x8xf32>
    %concatenate3A_1169 = tpu.concatenate %slice3A_1167, %slice3A_1168 in 1 : vector<8x4088xf32>, vector<8x8xf32> -> vector<8x4096xf32>
    %slice3A_1170 = vector.extract_strided_slice %select_n3A_1160 {offsets = [0, 4088], sizes = [8, 8], strides = [1, 1]} : vector<8x4096xf32> to vector<8x8xf32>
    %slice3A_1171 = vector.extract_strided_slice %select_n3A_1160 {offsets = [0, 0], sizes = [8, 4088], strides = [1, 1]} : vector<8x4096xf32> to vector<8x4088xf32>
    %concatenate3A_1172 = tpu.concatenate %slice3A_1170, %slice3A_1171 in 1 : vector<8x8xf32>, vector<8x4088xf32> -> vector<8x4096xf32>
    %and3A_1173 = arith.constant 8 : i32
    %and3A_1174 = vector.broadcast %and3A_1173 : i32 to vector<8x4096xi32>
    %and3A_1175 = arith.andi %add3A_44, %and3A_1174 : vector<8x4096xi32>
    %ne3A_1176 = arith.constant 0 : i32
    %ne3A_1177 = vector.broadcast %ne3A_1176 : i32 to vector<8x4096xi32>
    %ne3A_1178 = arith.cmpi ne, %and3A_1175, %ne3A_1177 : vector<8x4096xi32>
    %and3A_1179 = arith.constant 256 : i32
    %and3A_1180 = vector.broadcast %and3A_1179 : i32 to vector<8x4096xi32>
    %and3A_1181 = arith.andi %add3A_44, %and3A_1180 : vector<8x4096xi32>
    %ne3A_1182 = arith.constant 0 : i32
    %ne3A_1183 = vector.broadcast %ne3A_1182 : i32 to vector<8x4096xi32>
    %ne3A_1184 = arith.cmpi ne, %and3A_1181, %ne3A_1183 : vector<8x4096xi32>
    %select_n3A_1185 = arith.select %ne3A_1178, %concatenate3A_1166, %concatenate3A_1163 : vector<8x4096xi1>, vector<8x4096xf32>
    %select_n3A_1186 = arith.select %ne3A_1178, %concatenate3A_1172, %concatenate3A_1169 : vector<8x4096xi1>, vector<8x4096xf32>
    %gt3A_1187 = arith.cmpf ogt, %select_n3A_1185, %select_n3A_1159 : vector<8x4096xf32>
    %eq3A_1188 = arith.cmpf oeq, %select_n3A_1185, %select_n3A_1159 : vector<8x4096xf32>
    %lt3A_1189 = arith.cmpf olt, %select_n3A_1186, %select_n3A_1160 : vector<8x4096xf32>
    %and3A_1190 = arith.andi %eq3A_1188, %lt3A_1189 : vector<8x4096xi1>
    %or3A_1191 = arith.ori %gt3A_1187, %and3A_1190 : vector<8x4096xi1>
    %xor3A_1192 = arith.xori %or3A_1191, %ne3A_1178 : vector<8x4096xi1>
    %xor3A_1193 = arith.xori %xor3A_1192, %ne3A_1184 : vector<8x4096xi1>
    %select_n3A_1194 = arith.select %xor3A_1193, %select_n3A_1185, %select_n3A_1159 : vector<8x4096xi1>, vector<8x4096xf32>
    %select_n3A_1195 = arith.select %xor3A_1193, %select_n3A_1186, %select_n3A_1160 : vector<8x4096xi1>, vector<8x4096xf32>
    %slice3A_1196 = vector.extract_strided_slice %select_n3A_1194 {offsets = [0, 4], sizes = [8, 4092], strides = [1, 1]} : vector<8x4096xf32> to vector<8x4092xf32>
    %slice3A_1197 = vector.extract_strided_slice %select_n3A_1194 {offsets = [0, 0], sizes = [8, 4], strides = [1, 1]} : vector<8x4096xf32> to vector<8x4xf32>
    %concatenate3A_1198 = tpu.concatenate %slice3A_1196, %slice3A_1197 in 1 : vector<8x4092xf32>, vector<8x4xf32> -> vector<8x4096xf32>
    %slice3A_1199 = vector.extract_strided_slice %select_n3A_1194 {offsets = [0, 4092], sizes = [8, 4], strides = [1, 1]} : vector<8x4096xf32> to vector<8x4xf32>
    %slice3A_1200 = vector.extract_strided_slice %select_n3A_1194 {offsets = [0, 0], sizes = [8, 4092], strides = [1, 1]} : vector<8x4096xf32> to vector<8x4092xf32>
    %concatenate3A_1201 = tpu.concatenate %slice3A_1199, %slice3A_1200 in 1 : vector<8x4xf32>, vector<8x4092xf32> -> vector<8x4096xf32>
    %slice3A_1202 = vector.extract_strided_slice %select_n3A_1195 {offsets = [0, 4], sizes = [8, 4092], strides = [1, 1]} : vector<8x4096xf32> to vector<8x4092xf32>
    %slice3A_1203 = vector.extract_strided_slice %select_n3A_1195 {offsets = [0, 0], sizes = [8, 4], strides = [1, 1]} : vector<8x4096xf32> to vector<8x4xf32>
    %concatenate3A_1204 = tpu.concatenate %slice3A_1202, %slice3A_1203 in 1 : vector<8x4092xf32>, vector<8x4xf32> -> vector<8x4096xf32>
    %slice3A_1205 = vector.extract_strided_slice %select_n3A_1195 {offsets = [0, 4092], sizes = [8, 4], strides = [1, 1]} : vector<8x4096xf32> to vector<8x4xf32>
    %slice3A_1206 = vector.extract_strided_slice %select_n3A_1195 {offsets = [0, 0], sizes = [8, 4092], strides = [1, 1]} : vector<8x4096xf32> to vector<8x4092xf32>
    %concatenate3A_1207 = tpu.concatenate %slice3A_1205, %slice3A_1206 in 1 : vector<8x4xf32>, vector<8x4092xf32> -> vector<8x4096xf32>
    %and3A_1208 = arith.constant 4 : i32
    %and3A_1209 = vector.broadcast %and3A_1208 : i32 to vector<8x4096xi32>
    %and3A_1210 = arith.andi %add3A_44, %and3A_1209 : vector<8x4096xi32>
    %ne3A_1211 = arith.constant 0 : i32
    %ne3A_1212 = vector.broadcast %ne3A_1211 : i32 to vector<8x4096xi32>
    %ne3A_1213 = arith.cmpi ne, %and3A_1210, %ne3A_1212 : vector<8x4096xi32>
    %and3A_1214 = arith.constant 256 : i32
    %and3A_1215 = vector.broadcast %and3A_1214 : i32 to vector<8x4096xi32>
    %and3A_1216 = arith.andi %add3A_44, %and3A_1215 : vector<8x4096xi32>
    %ne3A_1217 = arith.constant 0 : i32
    %ne3A_1218 = vector.broadcast %ne3A_1217 : i32 to vector<8x4096xi32>
    %ne3A_1219 = arith.cmpi ne, %and3A_1216, %ne3A_1218 : vector<8x4096xi32>
    %select_n3A_1220 = arith.select %ne3A_1213, %concatenate3A_1201, %concatenate3A_1198 : vector<8x4096xi1>, vector<8x4096xf32>
    %select_n3A_1221 = arith.select %ne3A_1213, %concatenate3A_1207, %concatenate3A_1204 : vector<8x4096xi1>, vector<8x4096xf32>
    %gt3A_1222 = arith.cmpf ogt, %select_n3A_1220, %select_n3A_1194 : vector<8x4096xf32>
    %eq3A_1223 = arith.cmpf oeq, %select_n3A_1220, %select_n3A_1194 : vector<8x4096xf32>
    %lt3A_1224 = arith.cmpf olt, %select_n3A_1221, %select_n3A_1195 : vector<8x4096xf32>
    %and3A_1225 = arith.andi %eq3A_1223, %lt3A_1224 : vector<8x4096xi1>
    %or3A_1226 = arith.ori %gt3A_1222, %and3A_1225 : vector<8x4096xi1>
    %xor3A_1227 = arith.xori %or3A_1226, %ne3A_1213 : vector<8x4096xi1>
    %xor3A_1228 = arith.xori %xor3A_1227, %ne3A_1219 : vector<8x4096xi1>
    %select_n3A_1229 = arith.select %xor3A_1228, %select_n3A_1220, %select_n3A_1194 : vector<8x4096xi1>, vector<8x4096xf32>
    %select_n3A_1230 = arith.select %xor3A_1228, %select_n3A_1221, %select_n3A_1195 : vector<8x4096xi1>, vector<8x4096xf32>
    %slice3A_1231 = vector.extract_strided_slice %select_n3A_1229 {offsets = [0, 2], sizes = [8, 4094], strides = [1, 1]} : vector<8x4096xf32> to vector<8x4094xf32>
    %slice3A_1232 = vector.extract_strided_slice %select_n3A_1229 {offsets = [0, 0], sizes = [8, 2], strides = [1, 1]} : vector<8x4096xf32> to vector<8x2xf32>
    %concatenate3A_1233 = tpu.concatenate %slice3A_1231, %slice3A_1232 in 1 : vector<8x4094xf32>, vector<8x2xf32> -> vector<8x4096xf32>
    %slice3A_1234 = vector.extract_strided_slice %select_n3A_1229 {offsets = [0, 4094], sizes = [8, 2], strides = [1, 1]} : vector<8x4096xf32> to vector<8x2xf32>
    %slice3A_1235 = vector.extract_strided_slice %select_n3A_1229 {offsets = [0, 0], sizes = [8, 4094], strides = [1, 1]} : vector<8x4096xf32> to vector<8x4094xf32>
    %concatenate3A_1236 = tpu.concatenate %slice3A_1234, %slice3A_1235 in 1 : vector<8x2xf32>, vector<8x4094xf32> -> vector<8x4096xf32>
    %slice3A_1237 = vector.extract_strided_slice %select_n3A_1230 {offsets = [0, 2], sizes = [8, 4094], strides = [1, 1]} : vector<8x4096xf32> to vector<8x4094xf32>
    %slice3A_1238 = vector.extract_strided_slice %select_n3A_1230 {offsets = [0, 0], sizes = [8, 2], strides = [1, 1]} : vector<8x4096xf32> to vector<8x2xf32>
    %concatenate3A_1239 = tpu.concatenate %slice3A_1237, %slice3A_1238 in 1 : vector<8x4094xf32>, vector<8x2xf32> -> vector<8x4096xf32>
    %slice3A_1240 = vector.extract_strided_slice %select_n3A_1230 {offsets = [0, 4094], sizes = [8, 2], strides = [1, 1]} : vector<8x4096xf32> to vector<8x2xf32>
    %slice3A_1241 = vector.extract_strided_slice %select_n3A_1230 {offsets = [0, 0], sizes = [8, 4094], strides = [1, 1]} : vector<8x4096xf32> to vector<8x4094xf32>
    %concatenate3A_1242 = tpu.concatenate %slice3A_1240, %slice3A_1241 in 1 : vector<8x2xf32>, vector<8x4094xf32> -> vector<8x4096xf32>
    %and3A_1243 = arith.constant 2 : i32
    %and3A_1244 = vector.broadcast %and3A_1243 : i32 to vector<8x4096xi32>
    %and3A_1245 = arith.andi %add3A_44, %and3A_1244 : vector<8x4096xi32>
    %ne3A_1246 = arith.constant 0 : i32
    %ne3A_1247 = vector.broadcast %ne3A_1246 : i32 to vector<8x4096xi32>
    %ne3A_1248 = arith.cmpi ne, %and3A_1245, %ne3A_1247 : vector<8x4096xi32>
    %and3A_1249 = arith.constant 256 : i32
    %and3A_1250 = vector.broadcast %and3A_1249 : i32 to vector<8x4096xi32>
    %and3A_1251 = arith.andi %add3A_44, %and3A_1250 : vector<8x4096xi32>
    %ne3A_1252 = arith.constant 0 : i32
    %ne3A_1253 = vector.broadcast %ne3A_1252 : i32 to vector<8x4096xi32>
    %ne3A_1254 = arith.cmpi ne, %and3A_1251, %ne3A_1253 : vector<8x4096xi32>
    %select_n3A_1255 = arith.select %ne3A_1248, %concatenate3A_1236, %concatenate3A_1233 : vector<8x4096xi1>, vector<8x4096xf32>
    %select_n3A_1256 = arith.select %ne3A_1248, %concatenate3A_1242, %concatenate3A_1239 : vector<8x4096xi1>, vector<8x4096xf32>
    %gt3A_1257 = arith.cmpf ogt, %select_n3A_1255, %select_n3A_1229 : vector<8x4096xf32>
    %eq3A_1258 = arith.cmpf oeq, %select_n3A_1255, %select_n3A_1229 : vector<8x4096xf32>
    %lt3A_1259 = arith.cmpf olt, %select_n3A_1256, %select_n3A_1230 : vector<8x4096xf32>
    %and3A_1260 = arith.andi %eq3A_1258, %lt3A_1259 : vector<8x4096xi1>
    %or3A_1261 = arith.ori %gt3A_1257, %and3A_1260 : vector<8x4096xi1>
    %xor3A_1262 = arith.xori %or3A_1261, %ne3A_1248 : vector<8x4096xi1>
    %xor3A_1263 = arith.xori %xor3A_1262, %ne3A_1254 : vector<8x4096xi1>
    %select_n3A_1264 = arith.select %xor3A_1263, %select_n3A_1255, %select_n3A_1229 : vector<8x4096xi1>, vector<8x4096xf32>
    %select_n3A_1265 = arith.select %xor3A_1263, %select_n3A_1256, %select_n3A_1230 : vector<8x4096xi1>, vector<8x4096xf32>
    %slice3A_1266 = vector.extract_strided_slice %select_n3A_1264 {offsets = [0, 1], sizes = [8, 4095], strides = [1, 1]} : vector<8x4096xf32> to vector<8x4095xf32>
    %slice3A_1267 = vector.extract_strided_slice %select_n3A_1264 {offsets = [0, 0], sizes = [8, 1], strides = [1, 1]} : vector<8x4096xf32> to vector<8x1xf32>
    %concatenate3A_1268 = tpu.concatenate %slice3A_1266, %slice3A_1267 in 1 : vector<8x4095xf32>, vector<8x1xf32> -> vector<8x4096xf32>
    %slice3A_1269 = vector.extract_strided_slice %select_n3A_1264 {offsets = [0, 4095], sizes = [8, 1], strides = [1, 1]} : vector<8x4096xf32> to vector<8x1xf32>
    %slice3A_1270 = vector.extract_strided_slice %select_n3A_1264 {offsets = [0, 0], sizes = [8, 4095], strides = [1, 1]} : vector<8x4096xf32> to vector<8x4095xf32>
    %concatenate3A_1271 = tpu.concatenate %slice3A_1269, %slice3A_1270 in 1 : vector<8x1xf32>, vector<8x4095xf32> -> vector<8x4096xf32>
    %slice3A_1272 = vector.extract_strided_slice %select_n3A_1265 {offsets = [0, 1], sizes = [8, 4095], strides = [1, 1]} : vector<8x4096xf32> to vector<8x4095xf32>
    %slice3A_1273 = vector.extract_strided_slice %select_n3A_1265 {offsets = [0, 0], sizes = [8, 1], strides = [1, 1]} : vector<8x4096xf32> to vector<8x1xf32>
    %concatenate3A_1274 = tpu.concatenate %slice3A_1272, %slice3A_1273 in 1 : vector<8x4095xf32>, vector<8x1xf32> -> vector<8x4096xf32>
    %slice3A_1275 = vector.extract_strided_slice %select_n3A_1265 {offsets = [0, 4095], sizes = [8, 1], strides = [1, 1]} : vector<8x4096xf32> to vector<8x1xf32>
    %slice3A_1276 = vector.extract_strided_slice %select_n3A_1265 {offsets = [0, 0], sizes = [8, 4095], strides = [1, 1]} : vector<8x4096xf32> to vector<8x4095xf32>
    %concatenate3A_1277 = tpu.concatenate %slice3A_1275, %slice3A_1276 in 1 : vector<8x1xf32>, vector<8x4095xf32> -> vector<8x4096xf32>
    %and3A_1278 = arith.constant 1 : i32
    %and3A_1279 = vector.broadcast %and3A_1278 : i32 to vector<8x4096xi32>
    %and3A_1280 = arith.andi %add3A_44, %and3A_1279 : vector<8x4096xi32>
    %ne3A_1281 = arith.constant 0 : i32
    %ne3A_1282 = vector.broadcast %ne3A_1281 : i32 to vector<8x4096xi32>
    %ne3A_1283 = arith.cmpi ne, %and3A_1280, %ne3A_1282 : vector<8x4096xi32>
    %and3A_1284 = arith.constant 256 : i32
    %and3A_1285 = vector.broadcast %and3A_1284 : i32 to vector<8x4096xi32>
    %and3A_1286 = arith.andi %add3A_44, %and3A_1285 : vector<8x4096xi32>
    %ne3A_1287 = arith.constant 0 : i32
    %ne3A_1288 = vector.broadcast %ne3A_1287 : i32 to vector<8x4096xi32>
    %ne3A_1289 = arith.cmpi ne, %and3A_1286, %ne3A_1288 : vector<8x4096xi32>
    %select_n3A_1290 = arith.select %ne3A_1283, %concatenate3A_1271, %concatenate3A_1268 : vector<8x4096xi1>, vector<8x4096xf32>
    %select_n3A_1291 = arith.select %ne3A_1283, %concatenate3A_1277, %concatenate3A_1274 : vector<8x4096xi1>, vector<8x4096xf32>
    %gt3A_1292 = arith.cmpf ogt, %select_n3A_1290, %select_n3A_1264 : vector<8x4096xf32>
    %eq3A_1293 = arith.cmpf oeq, %select_n3A_1290, %select_n3A_1264 : vector<8x4096xf32>
    %lt3A_1294 = arith.cmpf olt, %select_n3A_1291, %select_n3A_1265 : vector<8x4096xf32>
    %and3A_1295 = arith.andi %eq3A_1293, %lt3A_1294 : vector<8x4096xi1>
    %or3A_1296 = arith.ori %gt3A_1292, %and3A_1295 : vector<8x4096xi1>
    %xor3A_1297 = arith.xori %or3A_1296, %ne3A_1283 : vector<8x4096xi1>
    %xor3A_1298 = arith.xori %xor3A_1297, %ne3A_1289 : vector<8x4096xi1>
    %select_n3A_1299 = arith.select %xor3A_1298, %select_n3A_1290, %select_n3A_1264 : vector<8x4096xi1>, vector<8x4096xf32>
    %select_n3A_1300 = arith.select %xor3A_1298, %select_n3A_1291, %select_n3A_1265 : vector<8x4096xi1>, vector<8x4096xf32>
    %slice3A_1301 = vector.extract_strided_slice %select_n3A_1299 {offsets = [0, 256], sizes = [8, 3840], strides = [1, 1]} : vector<8x4096xf32> to vector<8x3840xf32>
    %slice3A_1302 = vector.extract_strided_slice %select_n3A_1299 {offsets = [0, 0], sizes = [8, 256], strides = [1, 1]} : vector<8x4096xf32> to vector<8x256xf32>
    %concatenate3A_1303 = tpu.concatenate %slice3A_1301, %slice3A_1302 in 1 : vector<8x3840xf32>, vector<8x256xf32> -> vector<8x4096xf32>
    %slice3A_1304 = vector.extract_strided_slice %select_n3A_1299 {offsets = [0, 3840], sizes = [8, 256], strides = [1, 1]} : vector<8x4096xf32> to vector<8x256xf32>
    %slice3A_1305 = vector.extract_strided_slice %select_n3A_1299 {offsets = [0, 0], sizes = [8, 3840], strides = [1, 1]} : vector<8x4096xf32> to vector<8x3840xf32>
    %concatenate3A_1306 = tpu.concatenate %slice3A_1304, %slice3A_1305 in 1 : vector<8x256xf32>, vector<8x3840xf32> -> vector<8x4096xf32>
    %slice3A_1307 = vector.extract_strided_slice %select_n3A_1300 {offsets = [0, 256], sizes = [8, 3840], strides = [1, 1]} : vector<8x4096xf32> to vector<8x3840xf32>
    %slice3A_1308 = vector.extract_strided_slice %select_n3A_1300 {offsets = [0, 0], sizes = [8, 256], strides = [1, 1]} : vector<8x4096xf32> to vector<8x256xf32>
    %concatenate3A_1309 = tpu.concatenate %slice3A_1307, %slice3A_1308 in 1 : vector<8x3840xf32>, vector<8x256xf32> -> vector<8x4096xf32>
    %slice3A_1310 = vector.extract_strided_slice %select_n3A_1300 {offsets = [0, 3840], sizes = [8, 256], strides = [1, 1]} : vector<8x4096xf32> to vector<8x256xf32>
    %slice3A_1311 = vector.extract_strided_slice %select_n3A_1300 {offsets = [0, 0], sizes = [8, 3840], strides = [1, 1]} : vector<8x4096xf32> to vector<8x3840xf32>
    %concatenate3A_1312 = tpu.concatenate %slice3A_1310, %slice3A_1311 in 1 : vector<8x256xf32>, vector<8x3840xf32> -> vector<8x4096xf32>
    %and3A_1313 = arith.constant 256 : i32
    %and3A_1314 = vector.broadcast %and3A_1313 : i32 to vector<8x4096xi32>
    %and3A_1315 = arith.andi %add3A_44, %and3A_1314 : vector<8x4096xi32>
    %ne3A_1316 = arith.constant 0 : i32
    %ne3A_1317 = vector.broadcast %ne3A_1316 : i32 to vector<8x4096xi32>
    %ne3A_1318 = arith.cmpi ne, %and3A_1315, %ne3A_1317 : vector<8x4096xi32>
    %and3A_1319 = arith.constant 512 : i32
    %and3A_1320 = vector.broadcast %and3A_1319 : i32 to vector<8x4096xi32>
    %and3A_1321 = arith.andi %add3A_44, %and3A_1320 : vector<8x4096xi32>
    %ne3A_1322 = arith.constant 0 : i32
    %ne3A_1323 = vector.broadcast %ne3A_1322 : i32 to vector<8x4096xi32>
    %ne3A_1324 = arith.cmpi ne, %and3A_1321, %ne3A_1323 : vector<8x4096xi32>
    %select_n3A_1325 = arith.select %ne3A_1318, %concatenate3A_1306, %concatenate3A_1303 : vector<8x4096xi1>, vector<8x4096xf32>
    %select_n3A_1326 = arith.select %ne3A_1318, %concatenate3A_1312, %concatenate3A_1309 : vector<8x4096xi1>, vector<8x4096xf32>
    %gt3A_1327 = arith.cmpf ogt, %select_n3A_1325, %select_n3A_1299 : vector<8x4096xf32>
    %eq3A_1328 = arith.cmpf oeq, %select_n3A_1325, %select_n3A_1299 : vector<8x4096xf32>
    %lt3A_1329 = arith.cmpf olt, %select_n3A_1326, %select_n3A_1300 : vector<8x4096xf32>
    %and3A_1330 = arith.andi %eq3A_1328, %lt3A_1329 : vector<8x4096xi1>
    %or3A_1331 = arith.ori %gt3A_1327, %and3A_1330 : vector<8x4096xi1>
    %xor3A_1332 = arith.xori %or3A_1331, %ne3A_1318 : vector<8x4096xi1>
    %xor3A_1333 = arith.xori %xor3A_1332, %ne3A_1324 : vector<8x4096xi1>
    %select_n3A_1334 = arith.select %xor3A_1333, %select_n3A_1325, %select_n3A_1299 : vector<8x4096xi1>, vector<8x4096xf32>
    %select_n3A_1335 = arith.select %xor3A_1333, %select_n3A_1326, %select_n3A_1300 : vector<8x4096xi1>, vector<8x4096xf32>
    %slice3A_1336 = vector.extract_strided_slice %select_n3A_1334 {offsets = [0, 128], sizes = [8, 3968], strides = [1, 1]} : vector<8x4096xf32> to vector<8x3968xf32>
    %slice3A_1337 = vector.extract_strided_slice %select_n3A_1334 {offsets = [0, 0], sizes = [8, 128], strides = [1, 1]} : vector<8x4096xf32> to vector<8x128xf32>
    %concatenate3A_1338 = tpu.concatenate %slice3A_1336, %slice3A_1337 in 1 : vector<8x3968xf32>, vector<8x128xf32> -> vector<8x4096xf32>
    %slice3A_1339 = vector.extract_strided_slice %select_n3A_1334 {offsets = [0, 3968], sizes = [8, 128], strides = [1, 1]} : vector<8x4096xf32> to vector<8x128xf32>
    %slice3A_1340 = vector.extract_strided_slice %select_n3A_1334 {offsets = [0, 0], sizes = [8, 3968], strides = [1, 1]} : vector<8x4096xf32> to vector<8x3968xf32>
    %concatenate3A_1341 = tpu.concatenate %slice3A_1339, %slice3A_1340 in 1 : vector<8x128xf32>, vector<8x3968xf32> -> vector<8x4096xf32>
    %slice3A_1342 = vector.extract_strided_slice %select_n3A_1335 {offsets = [0, 128], sizes = [8, 3968], strides = [1, 1]} : vector<8x4096xf32> to vector<8x3968xf32>
    %slice3A_1343 = vector.extract_strided_slice %select_n3A_1335 {offsets = [0, 0], sizes = [8, 128], strides = [1, 1]} : vector<8x4096xf32> to vector<8x128xf32>
    %concatenate3A_1344 = tpu.concatenate %slice3A_1342, %slice3A_1343 in 1 : vector<8x3968xf32>, vector<8x128xf32> -> vector<8x4096xf32>
    %slice3A_1345 = vector.extract_strided_slice %select_n3A_1335 {offsets = [0, 3968], sizes = [8, 128], strides = [1, 1]} : vector<8x4096xf32> to vector<8x128xf32>
    %slice3A_1346 = vector.extract_strided_slice %select_n3A_1335 {offsets = [0, 0], sizes = [8, 3968], strides = [1, 1]} : vector<8x4096xf32> to vector<8x3968xf32>
    %concatenate3A_1347 = tpu.concatenate %slice3A_1345, %slice3A_1346 in 1 : vector<8x128xf32>, vector<8x3968xf32> -> vector<8x4096xf32>
    %and3A_1348 = arith.constant 128 : i32
    %and3A_1349 = vector.broadcast %and3A_1348 : i32 to vector<8x4096xi32>
    %and3A_1350 = arith.andi %add3A_44, %and3A_1349 : vector<8x4096xi32>
    %ne3A_1351 = arith.constant 0 : i32
    %ne3A_1352 = vector.broadcast %ne3A_1351 : i32 to vector<8x4096xi32>
    %ne3A_1353 = arith.cmpi ne, %and3A_1350, %ne3A_1352 : vector<8x4096xi32>
    %and3A_1354 = arith.constant 512 : i32
    %and3A_1355 = vector.broadcast %and3A_1354 : i32 to vector<8x4096xi32>
    %and3A_1356 = arith.andi %add3A_44, %and3A_1355 : vector<8x4096xi32>
    %ne3A_1357 = arith.constant 0 : i32
    %ne3A_1358 = vector.broadcast %ne3A_1357 : i32 to vector<8x4096xi32>
    %ne3A_1359 = arith.cmpi ne, %and3A_1356, %ne3A_1358 : vector<8x4096xi32>
    %select_n3A_1360 = arith.select %ne3A_1353, %concatenate3A_1341, %concatenate3A_1338 : vector<8x4096xi1>, vector<8x4096xf32>
    %select_n3A_1361 = arith.select %ne3A_1353, %concatenate3A_1347, %concatenate3A_1344 : vector<8x4096xi1>, vector<8x4096xf32>
    %gt3A_1362 = arith.cmpf ogt, %select_n3A_1360, %select_n3A_1334 : vector<8x4096xf32>
    %eq3A_1363 = arith.cmpf oeq, %select_n3A_1360, %select_n3A_1334 : vector<8x4096xf32>
    %lt3A_1364 = arith.cmpf olt, %select_n3A_1361, %select_n3A_1335 : vector<8x4096xf32>
    %and3A_1365 = arith.andi %eq3A_1363, %lt3A_1364 : vector<8x4096xi1>
    %or3A_1366 = arith.ori %gt3A_1362, %and3A_1365 : vector<8x4096xi1>
    %xor3A_1367 = arith.xori %or3A_1366, %ne3A_1353 : vector<8x4096xi1>
    %xor3A_1368 = arith.xori %xor3A_1367, %ne3A_1359 : vector<8x4096xi1>
    %select_n3A_1369 = arith.select %xor3A_1368, %select_n3A_1360, %select_n3A_1334 : vector<8x4096xi1>, vector<8x4096xf32>
    %select_n3A_1370 = arith.select %xor3A_1368, %select_n3A_1361, %select_n3A_1335 : vector<8x4096xi1>, vector<8x4096xf32>
    %slice3A_1371 = vector.extract_strided_slice %select_n3A_1369 {offsets = [0, 64], sizes = [8, 4032], strides = [1, 1]} : vector<8x4096xf32> to vector<8x4032xf32>
    %slice3A_1372 = vector.extract_strided_slice %select_n3A_1369 {offsets = [0, 0], sizes = [8, 64], strides = [1, 1]} : vector<8x4096xf32> to vector<8x64xf32>
    %concatenate3A_1373 = tpu.concatenate %slice3A_1371, %slice3A_1372 in 1 : vector<8x4032xf32>, vector<8x64xf32> -> vector<8x4096xf32>
    %slice3A_1374 = vector.extract_strided_slice %select_n3A_1369 {offsets = [0, 4032], sizes = [8, 64], strides = [1, 1]} : vector<8x4096xf32> to vector<8x64xf32>
    %slice3A_1375 = vector.extract_strided_slice %select_n3A_1369 {offsets = [0, 0], sizes = [8, 4032], strides = [1, 1]} : vector<8x4096xf32> to vector<8x4032xf32>
    %concatenate3A_1376 = tpu.concatenate %slice3A_1374, %slice3A_1375 in 1 : vector<8x64xf32>, vector<8x4032xf32> -> vector<8x4096xf32>
    %slice3A_1377 = vector.extract_strided_slice %select_n3A_1370 {offsets = [0, 64], sizes = [8, 4032], strides = [1, 1]} : vector<8x4096xf32> to vector<8x4032xf32>
    %slice3A_1378 = vector.extract_strided_slice %select_n3A_1370 {offsets = [0, 0], sizes = [8, 64], strides = [1, 1]} : vector<8x4096xf32> to vector<8x64xf32>
    %concatenate3A_1379 = tpu.concatenate %slice3A_1377, %slice3A_1378 in 1 : vector<8x4032xf32>, vector<8x64xf32> -> vector<8x4096xf32>
    %slice3A_1380 = vector.extract_strided_slice %select_n3A_1370 {offsets = [0, 4032], sizes = [8, 64], strides = [1, 1]} : vector<8x4096xf32> to vector<8x64xf32>
    %slice3A_1381 = vector.extract_strided_slice %select_n3A_1370 {offsets = [0, 0], sizes = [8, 4032], strides = [1, 1]} : vector<8x4096xf32> to vector<8x4032xf32>
    %concatenate3A_1382 = tpu.concatenate %slice3A_1380, %slice3A_1381 in 1 : vector<8x64xf32>, vector<8x4032xf32> -> vector<8x4096xf32>
    %and3A_1383 = arith.constant 64 : i32
    %and3A_1384 = vector.broadcast %and3A_1383 : i32 to vector<8x4096xi32>
    %and3A_1385 = arith.andi %add3A_44, %and3A_1384 : vector<8x4096xi32>
    %ne3A_1386 = arith.constant 0 : i32
    %ne3A_1387 = vector.broadcast %ne3A_1386 : i32 to vector<8x4096xi32>
    %ne3A_1388 = arith.cmpi ne, %and3A_1385, %ne3A_1387 : vector<8x4096xi32>
    %and3A_1389 = arith.constant 512 : i32
    %and3A_1390 = vector.broadcast %and3A_1389 : i32 to vector<8x4096xi32>
    %and3A_1391 = arith.andi %add3A_44, %and3A_1390 : vector<8x4096xi32>
    %ne3A_1392 = arith.constant 0 : i32
    %ne3A_1393 = vector.broadcast %ne3A_1392 : i32 to vector<8x4096xi32>
    %ne3A_1394 = arith.cmpi ne, %and3A_1391, %ne3A_1393 : vector<8x4096xi32>
    %select_n3A_1395 = arith.select %ne3A_1388, %concatenate3A_1376, %concatenate3A_1373 : vector<8x4096xi1>, vector<8x4096xf32>
    %select_n3A_1396 = arith.select %ne3A_1388, %concatenate3A_1382, %concatenate3A_1379 : vector<8x4096xi1>, vector<8x4096xf32>
    %gt3A_1397 = arith.cmpf ogt, %select_n3A_1395, %select_n3A_1369 : vector<8x4096xf32>
    %eq3A_1398 = arith.cmpf oeq, %select_n3A_1395, %select_n3A_1369 : vector<8x4096xf32>
    %lt3A_1399 = arith.cmpf olt, %select_n3A_1396, %select_n3A_1370 : vector<8x4096xf32>
    %and3A_1400 = arith.andi %eq3A_1398, %lt3A_1399 : vector<8x4096xi1>
    %or3A_1401 = arith.ori %gt3A_1397, %and3A_1400 : vector<8x4096xi1>
    %xor3A_1402 = arith.xori %or3A_1401, %ne3A_1388 : vector<8x4096xi1>
    %xor3A_1403 = arith.xori %xor3A_1402, %ne3A_1394 : vector<8x4096xi1>
    %select_n3A_1404 = arith.select %xor3A_1403, %select_n3A_1395, %select_n3A_1369 : vector<8x4096xi1>, vector<8x4096xf32>
    %select_n3A_1405 = arith.select %xor3A_1403, %select_n3A_1396, %select_n3A_1370 : vector<8x4096xi1>, vector<8x4096xf32>
    %slice3A_1406 = vector.extract_strided_slice %select_n3A_1404 {offsets = [0, 32], sizes = [8, 4064], strides = [1, 1]} : vector<8x4096xf32> to vector<8x4064xf32>
    %slice3A_1407 = vector.extract_strided_slice %select_n3A_1404 {offsets = [0, 0], sizes = [8, 32], strides = [1, 1]} : vector<8x4096xf32> to vector<8x32xf32>
    %concatenate3A_1408 = tpu.concatenate %slice3A_1406, %slice3A_1407 in 1 : vector<8x4064xf32>, vector<8x32xf32> -> vector<8x4096xf32>
    %slice3A_1409 = vector.extract_strided_slice %select_n3A_1404 {offsets = [0, 4064], sizes = [8, 32], strides = [1, 1]} : vector<8x4096xf32> to vector<8x32xf32>
    %slice3A_1410 = vector.extract_strided_slice %select_n3A_1404 {offsets = [0, 0], sizes = [8, 4064], strides = [1, 1]} : vector<8x4096xf32> to vector<8x4064xf32>
    %concatenate3A_1411 = tpu.concatenate %slice3A_1409, %slice3A_1410 in 1 : vector<8x32xf32>, vector<8x4064xf32> -> vector<8x4096xf32>
    %slice3A_1412 = vector.extract_strided_slice %select_n3A_1405 {offsets = [0, 32], sizes = [8, 4064], strides = [1, 1]} : vector<8x4096xf32> to vector<8x4064xf32>
    %slice3A_1413 = vector.extract_strided_slice %select_n3A_1405 {offsets = [0, 0], sizes = [8, 32], strides = [1, 1]} : vector<8x4096xf32> to vector<8x32xf32>
    %concatenate3A_1414 = tpu.concatenate %slice3A_1412, %slice3A_1413 in 1 : vector<8x4064xf32>, vector<8x32xf32> -> vector<8x4096xf32>
    %slice3A_1415 = vector.extract_strided_slice %select_n3A_1405 {offsets = [0, 4064], sizes = [8, 32], strides = [1, 1]} : vector<8x4096xf32> to vector<8x32xf32>
    %slice3A_1416 = vector.extract_strided_slice %select_n3A_1405 {offsets = [0, 0], sizes = [8, 4064], strides = [1, 1]} : vector<8x4096xf32> to vector<8x4064xf32>
    %concatenate3A_1417 = tpu.concatenate %slice3A_1415, %slice3A_1416 in 1 : vector<8x32xf32>, vector<8x4064xf32> -> vector<8x4096xf32>
    %and3A_1418 = arith.constant 32 : i32
    %and3A_1419 = vector.broadcast %and3A_1418 : i32 to vector<8x4096xi32>
    %and3A_1420 = arith.andi %add3A_44, %and3A_1419 : vector<8x4096xi32>
    %ne3A_1421 = arith.constant 0 : i32
    %ne3A_1422 = vector.broadcast %ne3A_1421 : i32 to vector<8x4096xi32>
    %ne3A_1423 = arith.cmpi ne, %and3A_1420, %ne3A_1422 : vector<8x4096xi32>
    %and3A_1424 = arith.constant 512 : i32
    %and3A_1425 = vector.broadcast %and3A_1424 : i32 to vector<8x4096xi32>
    %and3A_1426 = arith.andi %add3A_44, %and3A_1425 : vector<8x4096xi32>
    %ne3A_1427 = arith.constant 0 : i32
    %ne3A_1428 = vector.broadcast %ne3A_1427 : i32 to vector<8x4096xi32>
    %ne3A_1429 = arith.cmpi ne, %and3A_1426, %ne3A_1428 : vector<8x4096xi32>
    %select_n3A_1430 = arith.select %ne3A_1423, %concatenate3A_1411, %concatenate3A_1408 : vector<8x4096xi1>, vector<8x4096xf32>
    %select_n3A_1431 = arith.select %ne3A_1423, %concatenate3A_1417, %concatenate3A_1414 : vector<8x4096xi1>, vector<8x4096xf32>
    %gt3A_1432 = arith.cmpf ogt, %select_n3A_1430, %select_n3A_1404 : vector<8x4096xf32>
    %eq3A_1433 = arith.cmpf oeq, %select_n3A_1430, %select_n3A_1404 : vector<8x4096xf32>
    %lt3A_1434 = arith.cmpf olt, %select_n3A_1431, %select_n3A_1405 : vector<8x4096xf32>
    %and3A_1435 = arith.andi %eq3A_1433, %lt3A_1434 : vector<8x4096xi1>
    %or3A_1436 = arith.ori %gt3A_1432, %and3A_1435 : vector<8x4096xi1>
    %xor3A_1437 = arith.xori %or3A_1436, %ne3A_1423 : vector<8x4096xi1>
    %xor3A_1438 = arith.xori %xor3A_1437, %ne3A_1429 : vector<8x4096xi1>
    %select_n3A_1439 = arith.select %xor3A_1438, %select_n3A_1430, %select_n3A_1404 : vector<8x4096xi1>, vector<8x4096xf32>
    %select_n3A_1440 = arith.select %xor3A_1438, %select_n3A_1431, %select_n3A_1405 : vector<8x4096xi1>, vector<8x4096xf32>
    %slice3A_1441 = vector.extract_strided_slice %select_n3A_1439 {offsets = [0, 16], sizes = [8, 4080], strides = [1, 1]} : vector<8x4096xf32> to vector<8x4080xf32>
    %slice3A_1442 = vector.extract_strided_slice %select_n3A_1439 {offsets = [0, 0], sizes = [8, 16], strides = [1, 1]} : vector<8x4096xf32> to vector<8x16xf32>
    %concatenate3A_1443 = tpu.concatenate %slice3A_1441, %slice3A_1442 in 1 : vector<8x4080xf32>, vector<8x16xf32> -> vector<8x4096xf32>
    %slice3A_1444 = vector.extract_strided_slice %select_n3A_1439 {offsets = [0, 4080], sizes = [8, 16], strides = [1, 1]} : vector<8x4096xf32> to vector<8x16xf32>
    %slice3A_1445 = vector.extract_strided_slice %select_n3A_1439 {offsets = [0, 0], sizes = [8, 4080], strides = [1, 1]} : vector<8x4096xf32> to vector<8x4080xf32>
    %concatenate3A_1446 = tpu.concatenate %slice3A_1444, %slice3A_1445 in 1 : vector<8x16xf32>, vector<8x4080xf32> -> vector<8x4096xf32>
    %slice3A_1447 = vector.extract_strided_slice %select_n3A_1440 {offsets = [0, 16], sizes = [8, 4080], strides = [1, 1]} : vector<8x4096xf32> to vector<8x4080xf32>
    %slice3A_1448 = vector.extract_strided_slice %select_n3A_1440 {offsets = [0, 0], sizes = [8, 16], strides = [1, 1]} : vector<8x4096xf32> to vector<8x16xf32>
    %concatenate3A_1449 = tpu.concatenate %slice3A_1447, %slice3A_1448 in 1 : vector<8x4080xf32>, vector<8x16xf32> -> vector<8x4096xf32>
    %slice3A_1450 = vector.extract_strided_slice %select_n3A_1440 {offsets = [0, 4080], sizes = [8, 16], strides = [1, 1]} : vector<8x4096xf32> to vector<8x16xf32>
    %slice3A_1451 = vector.extract_strided_slice %select_n3A_1440 {offsets = [0, 0], sizes = [8, 4080], strides = [1, 1]} : vector<8x4096xf32> to vector<8x4080xf32>
    %concatenate3A_1452 = tpu.concatenate %slice3A_1450, %slice3A_1451 in 1 : vector<8x16xf32>, vector<8x4080xf32> -> vector<8x4096xf32>
    %and3A_1453 = arith.constant 16 : i32
    %and3A_1454 = vector.broadcast %and3A_1453 : i32 to vector<8x4096xi32>
    %and3A_1455 = arith.andi %add3A_44, %and3A_1454 : vector<8x4096xi32>
    %ne3A_1456 = arith.constant 0 : i32
    %ne3A_1457 = vector.broadcast %ne3A_1456 : i32 to vector<8x4096xi32>
    %ne3A_1458 = arith.cmpi ne, %and3A_1455, %ne3A_1457 : vector<8x4096xi32>
    %and3A_1459 = arith.constant 512 : i32
    %and3A_1460 = vector.broadcast %and3A_1459 : i32 to vector<8x4096xi32>
    %and3A_1461 = arith.andi %add3A_44, %and3A_1460 : vector<8x4096xi32>
    %ne3A_1462 = arith.constant 0 : i32
    %ne3A_1463 = vector.broadcast %ne3A_1462 : i32 to vector<8x4096xi32>
    %ne3A_1464 = arith.cmpi ne, %and3A_1461, %ne3A_1463 : vector<8x4096xi32>
    %select_n3A_1465 = arith.select %ne3A_1458, %concatenate3A_1446, %concatenate3A_1443 : vector<8x4096xi1>, vector<8x4096xf32>
    %select_n3A_1466 = arith.select %ne3A_1458, %concatenate3A_1452, %concatenate3A_1449 : vector<8x4096xi1>, vector<8x4096xf32>
    %gt3A_1467 = arith.cmpf ogt, %select_n3A_1465, %select_n3A_1439 : vector<8x4096xf32>
    %eq3A_1468 = arith.cmpf oeq, %select_n3A_1465, %select_n3A_1439 : vector<8x4096xf32>
    %lt3A_1469 = arith.cmpf olt, %select_n3A_1466, %select_n3A_1440 : vector<8x4096xf32>
    %and3A_1470 = arith.andi %eq3A_1468, %lt3A_1469 : vector<8x4096xi1>
    %or3A_1471 = arith.ori %gt3A_1467, %and3A_1470 : vector<8x4096xi1>
    %xor3A_1472 = arith.xori %or3A_1471, %ne3A_1458 : vector<8x4096xi1>
    %xor3A_1473 = arith.xori %xor3A_1472, %ne3A_1464 : vector<8x4096xi1>
    %select_n3A_1474 = arith.select %xor3A_1473, %select_n3A_1465, %select_n3A_1439 : vector<8x4096xi1>, vector<8x4096xf32>
    %select_n3A_1475 = arith.select %xor3A_1473, %select_n3A_1466, %select_n3A_1440 : vector<8x4096xi1>, vector<8x4096xf32>
    %slice3A_1476 = vector.extract_strided_slice %select_n3A_1474 {offsets = [0, 8], sizes = [8, 4088], strides = [1, 1]} : vector<8x4096xf32> to vector<8x4088xf32>
    %slice3A_1477 = vector.extract_strided_slice %select_n3A_1474 {offsets = [0, 0], sizes = [8, 8], strides = [1, 1]} : vector<8x4096xf32> to vector<8x8xf32>
    %concatenate3A_1478 = tpu.concatenate %slice3A_1476, %slice3A_1477 in 1 : vector<8x4088xf32>, vector<8x8xf32> -> vector<8x4096xf32>
    %slice3A_1479 = vector.extract_strided_slice %select_n3A_1474 {offsets = [0, 4088], sizes = [8, 8], strides = [1, 1]} : vector<8x4096xf32> to vector<8x8xf32>
    %slice3A_1480 = vector.extract_strided_slice %select_n3A_1474 {offsets = [0, 0], sizes = [8, 4088], strides = [1, 1]} : vector<8x4096xf32> to vector<8x4088xf32>
    %concatenate3A_1481 = tpu.concatenate %slice3A_1479, %slice3A_1480 in 1 : vector<8x8xf32>, vector<8x4088xf32> -> vector<8x4096xf32>
    %slice3A_1482 = vector.extract_strided_slice %select_n3A_1475 {offsets = [0, 8], sizes = [8, 4088], strides = [1, 1]} : vector<8x4096xf32> to vector<8x4088xf32>
    %slice3A_1483 = vector.extract_strided_slice %select_n3A_1475 {offsets = [0, 0], sizes = [8, 8], strides = [1, 1]} : vector<8x4096xf32> to vector<8x8xf32>
    %concatenate3A_1484 = tpu.concatenate %slice3A_1482, %slice3A_1483 in 1 : vector<8x4088xf32>, vector<8x8xf32> -> vector<8x4096xf32>
    %slice3A_1485 = vector.extract_strided_slice %select_n3A_1475 {offsets = [0, 4088], sizes = [8, 8], strides = [1, 1]} : vector<8x4096xf32> to vector<8x8xf32>
    %slice3A_1486 = vector.extract_strided_slice %select_n3A_1475 {offsets = [0, 0], sizes = [8, 4088], strides = [1, 1]} : vector<8x4096xf32> to vector<8x4088xf32>
    %concatenate3A_1487 = tpu.concatenate %slice3A_1485, %slice3A_1486 in 1 : vector<8x8xf32>, vector<8x4088xf32> -> vector<8x4096xf32>
    %and3A_1488 = arith.constant 8 : i32
    %and3A_1489 = vector.broadcast %and3A_1488 : i32 to vector<8x4096xi32>
    %and3A_1490 = arith.andi %add3A_44, %and3A_1489 : vector<8x4096xi32>
    %ne3A_1491 = arith.constant 0 : i32
    %ne3A_1492 = vector.broadcast %ne3A_1491 : i32 to vector<8x4096xi32>
    %ne3A_1493 = arith.cmpi ne, %and3A_1490, %ne3A_1492 : vector<8x4096xi32>
    %and3A_1494 = arith.constant 512 : i32
    %and3A_1495 = vector.broadcast %and3A_1494 : i32 to vector<8x4096xi32>
    %and3A_1496 = arith.andi %add3A_44, %and3A_1495 : vector<8x4096xi32>
    %ne3A_1497 = arith.constant 0 : i32
    %ne3A_1498 = vector.broadcast %ne3A_1497 : i32 to vector<8x4096xi32>
    %ne3A_1499 = arith.cmpi ne, %and3A_1496, %ne3A_1498 : vector<8x4096xi32>
    %select_n3A_1500 = arith.select %ne3A_1493, %concatenate3A_1481, %concatenate3A_1478 : vector<8x4096xi1>, vector<8x4096xf32>
    %select_n3A_1501 = arith.select %ne3A_1493, %concatenate3A_1487, %concatenate3A_1484 : vector<8x4096xi1>, vector<8x4096xf32>
    %gt3A_1502 = arith.cmpf ogt, %select_n3A_1500, %select_n3A_1474 : vector<8x4096xf32>
    %eq3A_1503 = arith.cmpf oeq, %select_n3A_1500, %select_n3A_1474 : vector<8x4096xf32>
    %lt3A_1504 = arith.cmpf olt, %select_n3A_1501, %select_n3A_1475 : vector<8x4096xf32>
    %and3A_1505 = arith.andi %eq3A_1503, %lt3A_1504 : vector<8x4096xi1>
    %or3A_1506 = arith.ori %gt3A_1502, %and3A_1505 : vector<8x4096xi1>
    %xor3A_1507 = arith.xori %or3A_1506, %ne3A_1493 : vector<8x4096xi1>
    %xor3A_1508 = arith.xori %xor3A_1507, %ne3A_1499 : vector<8x4096xi1>
    %select_n3A_1509 = arith.select %xor3A_1508, %select_n3A_1500, %select_n3A_1474 : vector<8x4096xi1>, vector<8x4096xf32>
    %select_n3A_1510 = arith.select %xor3A_1508, %select_n3A_1501, %select_n3A_1475 : vector<8x4096xi1>, vector<8x4096xf32>
    %slice3A_1511 = vector.extract_strided_slice %select_n3A_1509 {offsets = [0, 4], sizes = [8, 4092], strides = [1, 1]} : vector<8x4096xf32> to vector<8x4092xf32>
    %slice3A_1512 = vector.extract_strided_slice %select_n3A_1509 {offsets = [0, 0], sizes = [8, 4], strides = [1, 1]} : vector<8x4096xf32> to vector<8x4xf32>
    %concatenate3A_1513 = tpu.concatenate %slice3A_1511, %slice3A_1512 in 1 : vector<8x4092xf32>, vector<8x4xf32> -> vector<8x4096xf32>
    %slice3A_1514 = vector.extract_strided_slice %select_n3A_1509 {offsets = [0, 4092], sizes = [8, 4], strides = [1, 1]} : vector<8x4096xf32> to vector<8x4xf32>
    %slice3A_1515 = vector.extract_strided_slice %select_n3A_1509 {offsets = [0, 0], sizes = [8, 4092], strides = [1, 1]} : vector<8x4096xf32> to vector<8x4092xf32>
    %concatenate3A_1516 = tpu.concatenate %slice3A_1514, %slice3A_1515 in 1 : vector<8x4xf32>, vector<8x4092xf32> -> vector<8x4096xf32>
    %slice3A_1517 = vector.extract_strided_slice %select_n3A_1510 {offsets = [0, 4], sizes = [8, 4092], strides = [1, 1]} : vector<8x4096xf32> to vector<8x4092xf32>
    %slice3A_1518 = vector.extract_strided_slice %select_n3A_1510 {offsets = [0, 0], sizes = [8, 4], strides = [1, 1]} : vector<8x4096xf32> to vector<8x4xf32>
    %concatenate3A_1519 = tpu.concatenate %slice3A_1517, %slice3A_1518 in 1 : vector<8x4092xf32>, vector<8x4xf32> -> vector<8x4096xf32>
    %slice3A_1520 = vector.extract_strided_slice %select_n3A_1510 {offsets = [0, 4092], sizes = [8, 4], strides = [1, 1]} : vector<8x4096xf32> to vector<8x4xf32>
    %slice3A_1521 = vector.extract_strided_slice %select_n3A_1510 {offsets = [0, 0], sizes = [8, 4092], strides = [1, 1]} : vector<8x4096xf32> to vector<8x4092xf32>
    %concatenate3A_1522 = tpu.concatenate %slice3A_1520, %slice3A_1521 in 1 : vector<8x4xf32>, vector<8x4092xf32> -> vector<8x4096xf32>
    %and3A_1523 = arith.constant 4 : i32
    %and3A_1524 = vector.broadcast %and3A_1523 : i32 to vector<8x4096xi32>
    %and3A_1525 = arith.andi %add3A_44, %and3A_1524 : vector<8x4096xi32>
    %ne3A_1526 = arith.constant 0 : i32
    %ne3A_1527 = vector.broadcast %ne3A_1526 : i32 to vector<8x4096xi32>
    %ne3A_1528 = arith.cmpi ne, %and3A_1525, %ne3A_1527 : vector<8x4096xi32>
    %and3A_1529 = arith.constant 512 : i32
    %and3A_1530 = vector.broadcast %and3A_1529 : i32 to vector<8x4096xi32>
    %and3A_1531 = arith.andi %add3A_44, %and3A_1530 : vector<8x4096xi32>
    %ne3A_1532 = arith.constant 0 : i32
    %ne3A_1533 = vector.broadcast %ne3A_1532 : i32 to vector<8x4096xi32>
    %ne3A_1534 = arith.cmpi ne, %and3A_1531, %ne3A_1533 : vector<8x4096xi32>
    %select_n3A_1535 = arith.select %ne3A_1528, %concatenate3A_1516, %concatenate3A_1513 : vector<8x4096xi1>, vector<8x4096xf32>
    %select_n3A_1536 = arith.select %ne3A_1528, %concatenate3A_1522, %concatenate3A_1519 : vector<8x4096xi1>, vector<8x4096xf32>
    %gt3A_1537 = arith.cmpf ogt, %select_n3A_1535, %select_n3A_1509 : vector<8x4096xf32>
    %eq3A_1538 = arith.cmpf oeq, %select_n3A_1535, %select_n3A_1509 : vector<8x4096xf32>
    %lt3A_1539 = arith.cmpf olt, %select_n3A_1536, %select_n3A_1510 : vector<8x4096xf32>
    %and3A_1540 = arith.andi %eq3A_1538, %lt3A_1539 : vector<8x4096xi1>
    %or3A_1541 = arith.ori %gt3A_1537, %and3A_1540 : vector<8x4096xi1>
    %xor3A_1542 = arith.xori %or3A_1541, %ne3A_1528 : vector<8x4096xi1>
    %xor3A_1543 = arith.xori %xor3A_1542, %ne3A_1534 : vector<8x4096xi1>
    %select_n3A_1544 = arith.select %xor3A_1543, %select_n3A_1535, %select_n3A_1509 : vector<8x4096xi1>, vector<8x4096xf32>
    %select_n3A_1545 = arith.select %xor3A_1543, %select_n3A_1536, %select_n3A_1510 : vector<8x4096xi1>, vector<8x4096xf32>
    %slice3A_1546 = vector.extract_strided_slice %select_n3A_1544 {offsets = [0, 2], sizes = [8, 4094], strides = [1, 1]} : vector<8x4096xf32> to vector<8x4094xf32>
    %slice3A_1547 = vector.extract_strided_slice %select_n3A_1544 {offsets = [0, 0], sizes = [8, 2], strides = [1, 1]} : vector<8x4096xf32> to vector<8x2xf32>
    %concatenate3A_1548 = tpu.concatenate %slice3A_1546, %slice3A_1547 in 1 : vector<8x4094xf32>, vector<8x2xf32> -> vector<8x4096xf32>
    %slice3A_1549 = vector.extract_strided_slice %select_n3A_1544 {offsets = [0, 4094], sizes = [8, 2], strides = [1, 1]} : vector<8x4096xf32> to vector<8x2xf32>
    %slice3A_1550 = vector.extract_strided_slice %select_n3A_1544 {offsets = [0, 0], sizes = [8, 4094], strides = [1, 1]} : vector<8x4096xf32> to vector<8x4094xf32>
    %concatenate3A_1551 = tpu.concatenate %slice3A_1549, %slice3A_1550 in 1 : vector<8x2xf32>, vector<8x4094xf32> -> vector<8x4096xf32>
    %slice3A_1552 = vector.extract_strided_slice %select_n3A_1545 {offsets = [0, 2], sizes = [8, 4094], strides = [1, 1]} : vector<8x4096xf32> to vector<8x4094xf32>
    %slice3A_1553 = vector.extract_strided_slice %select_n3A_1545 {offsets = [0, 0], sizes = [8, 2], strides = [1, 1]} : vector<8x4096xf32> to vector<8x2xf32>
    %concatenate3A_1554 = tpu.concatenate %slice3A_1552, %slice3A_1553 in 1 : vector<8x4094xf32>, vector<8x2xf32> -> vector<8x4096xf32>
    %slice3A_1555 = vector.extract_strided_slice %select_n3A_1545 {offsets = [0, 4094], sizes = [8, 2], strides = [1, 1]} : vector<8x4096xf32> to vector<8x2xf32>
    %slice3A_1556 = vector.extract_strided_slice %select_n3A_1545 {offsets = [0, 0], sizes = [8, 4094], strides = [1, 1]} : vector<8x4096xf32> to vector<8x4094xf32>
    %concatenate3A_1557 = tpu.concatenate %slice3A_1555, %slice3A_1556 in 1 : vector<8x2xf32>, vector<8x4094xf32> -> vector<8x4096xf32>
    %and3A_1558 = arith.constant 2 : i32
    %and3A_1559 = vector.broadcast %and3A_1558 : i32 to vector<8x4096xi32>
    %and3A_1560 = arith.andi %add3A_44, %and3A_1559 : vector<8x4096xi32>
    %ne3A_1561 = arith.constant 0 : i32
    %ne3A_1562 = vector.broadcast %ne3A_1561 : i32 to vector<8x4096xi32>
    %ne3A_1563 = arith.cmpi ne, %and3A_1560, %ne3A_1562 : vector<8x4096xi32>
    %and3A_1564 = arith.constant 512 : i32
    %and3A_1565 = vector.broadcast %and3A_1564 : i32 to vector<8x4096xi32>
    %and3A_1566 = arith.andi %add3A_44, %and3A_1565 : vector<8x4096xi32>
    %ne3A_1567 = arith.constant 0 : i32
    %ne3A_1568 = vector.broadcast %ne3A_1567 : i32 to vector<8x4096xi32>
    %ne3A_1569 = arith.cmpi ne, %and3A_1566, %ne3A_1568 : vector<8x4096xi32>
    %select_n3A_1570 = arith.select %ne3A_1563, %concatenate3A_1551, %concatenate3A_1548 : vector<8x4096xi1>, vector<8x4096xf32>
    %select_n3A_1571 = arith.select %ne3A_1563, %concatenate3A_1557, %concatenate3A_1554 : vector<8x4096xi1>, vector<8x4096xf32>
    %gt3A_1572 = arith.cmpf ogt, %select_n3A_1570, %select_n3A_1544 : vector<8x4096xf32>
    %eq3A_1573 = arith.cmpf oeq, %select_n3A_1570, %select_n3A_1544 : vector<8x4096xf32>
    %lt3A_1574 = arith.cmpf olt, %select_n3A_1571, %select_n3A_1545 : vector<8x4096xf32>
    %and3A_1575 = arith.andi %eq3A_1573, %lt3A_1574 : vector<8x4096xi1>
    %or3A_1576 = arith.ori %gt3A_1572, %and3A_1575 : vector<8x4096xi1>
    %xor3A_1577 = arith.xori %or3A_1576, %ne3A_1563 : vector<8x4096xi1>
    %xor3A_1578 = arith.xori %xor3A_1577, %ne3A_1569 : vector<8x4096xi1>
    %select_n3A_1579 = arith.select %xor3A_1578, %select_n3A_1570, %select_n3A_1544 : vector<8x4096xi1>, vector<8x4096xf32>
    %select_n3A_1580 = arith.select %xor3A_1578, %select_n3A_1571, %select_n3A_1545 : vector<8x4096xi1>, vector<8x4096xf32>
    %slice3A_1581 = vector.extract_strided_slice %select_n3A_1579 {offsets = [0, 1], sizes = [8, 4095], strides = [1, 1]} : vector<8x4096xf32> to vector<8x4095xf32>
    %slice3A_1582 = vector.extract_strided_slice %select_n3A_1579 {offsets = [0, 0], sizes = [8, 1], strides = [1, 1]} : vector<8x4096xf32> to vector<8x1xf32>
    %concatenate3A_1583 = tpu.concatenate %slice3A_1581, %slice3A_1582 in 1 : vector<8x4095xf32>, vector<8x1xf32> -> vector<8x4096xf32>
    %slice3A_1584 = vector.extract_strided_slice %select_n3A_1579 {offsets = [0, 4095], sizes = [8, 1], strides = [1, 1]} : vector<8x4096xf32> to vector<8x1xf32>
    %slice3A_1585 = vector.extract_strided_slice %select_n3A_1579 {offsets = [0, 0], sizes = [8, 4095], strides = [1, 1]} : vector<8x4096xf32> to vector<8x4095xf32>
    %concatenate3A_1586 = tpu.concatenate %slice3A_1584, %slice3A_1585 in 1 : vector<8x1xf32>, vector<8x4095xf32> -> vector<8x4096xf32>
    %slice3A_1587 = vector.extract_strided_slice %select_n3A_1580 {offsets = [0, 1], sizes = [8, 4095], strides = [1, 1]} : vector<8x4096xf32> to vector<8x4095xf32>
    %slice3A_1588 = vector.extract_strided_slice %select_n3A_1580 {offsets = [0, 0], sizes = [8, 1], strides = [1, 1]} : vector<8x4096xf32> to vector<8x1xf32>
    %concatenate3A_1589 = tpu.concatenate %slice3A_1587, %slice3A_1588 in 1 : vector<8x4095xf32>, vector<8x1xf32> -> vector<8x4096xf32>
    %slice3A_1590 = vector.extract_strided_slice %select_n3A_1580 {offsets = [0, 4095], sizes = [8, 1], strides = [1, 1]} : vector<8x4096xf32> to vector<8x1xf32>
    %slice3A_1591 = vector.extract_strided_slice %select_n3A_1580 {offsets = [0, 0], sizes = [8, 4095], strides = [1, 1]} : vector<8x4096xf32> to vector<8x4095xf32>
    %concatenate3A_1592 = tpu.concatenate %slice3A_1590, %slice3A_1591 in 1 : vector<8x1xf32>, vector<8x4095xf32> -> vector<8x4096xf32>
    %and3A_1593 = arith.constant 1 : i32
    %and3A_1594 = vector.broadcast %and3A_1593 : i32 to vector<8x4096xi32>
    %and3A_1595 = arith.andi %add3A_44, %and3A_1594 : vector<8x4096xi32>
    %ne3A_1596 = arith.constant 0 : i32
    %ne3A_1597 = vector.broadcast %ne3A_1596 : i32 to vector<8x4096xi32>
    %ne3A_1598 = arith.cmpi ne, %and3A_1595, %ne3A_1597 : vector<8x4096xi32>
    %and3A_1599 = arith.constant 512 : i32
    %and3A_1600 = vector.broadcast %and3A_1599 : i32 to vector<8x4096xi32>
    %and3A_1601 = arith.andi %add3A_44, %and3A_1600 : vector<8x4096xi32>
    %ne3A_1602 = arith.constant 0 : i32
    %ne3A_1603 = vector.broadcast %ne3A_1602 : i32 to vector<8x4096xi32>
    %ne3A_1604 = arith.cmpi ne, %and3A_1601, %ne3A_1603 : vector<8x4096xi32>
    %select_n3A_1605 = arith.select %ne3A_1598, %concatenate3A_1586, %concatenate3A_1583 : vector<8x4096xi1>, vector<8x4096xf32>
    %select_n3A_1606 = arith.select %ne3A_1598, %concatenate3A_1592, %concatenate3A_1589 : vector<8x4096xi1>, vector<8x4096xf32>
    %gt3A_1607 = arith.cmpf ogt, %select_n3A_1605, %select_n3A_1579 : vector<8x4096xf32>
    %eq3A_1608 = arith.cmpf oeq, %select_n3A_1605, %select_n3A_1579 : vector<8x4096xf32>
    %lt3A_1609 = arith.cmpf olt, %select_n3A_1606, %select_n3A_1580 : vector<8x4096xf32>
    %and3A_1610 = arith.andi %eq3A_1608, %lt3A_1609 : vector<8x4096xi1>
    %or3A_1611 = arith.ori %gt3A_1607, %and3A_1610 : vector<8x4096xi1>
    %xor3A_1612 = arith.xori %or3A_1611, %ne3A_1598 : vector<8x4096xi1>
    %xor3A_1613 = arith.xori %xor3A_1612, %ne3A_1604 : vector<8x4096xi1>
    %select_n3A_1614 = arith.select %xor3A_1613, %select_n3A_1605, %select_n3A_1579 : vector<8x4096xi1>, vector<8x4096xf32>
    %select_n3A_1615 = arith.select %xor3A_1613, %select_n3A_1606, %select_n3A_1580 : vector<8x4096xi1>, vector<8x4096xf32>
    %slice3A_1616 = vector.extract_strided_slice %select_n3A_1614 {offsets = [0, 512], sizes = [8, 3584], strides = [1, 1]} : vector<8x4096xf32> to vector<8x3584xf32>
    %slice3A_1617 = vector.extract_strided_slice %select_n3A_1614 {offsets = [0, 0], sizes = [8, 512], strides = [1, 1]} : vector<8x4096xf32> to vector<8x512xf32>
    %concatenate3A_1618 = tpu.concatenate %slice3A_1616, %slice3A_1617 in 1 : vector<8x3584xf32>, vector<8x512xf32> -> vector<8x4096xf32>
    %slice3A_1619 = vector.extract_strided_slice %select_n3A_1614 {offsets = [0, 3584], sizes = [8, 512], strides = [1, 1]} : vector<8x4096xf32> to vector<8x512xf32>
    %slice3A_1620 = vector.extract_strided_slice %select_n3A_1614 {offsets = [0, 0], sizes = [8, 3584], strides = [1, 1]} : vector<8x4096xf32> to vector<8x3584xf32>
    %concatenate3A_1621 = tpu.concatenate %slice3A_1619, %slice3A_1620 in 1 : vector<8x512xf32>, vector<8x3584xf32> -> vector<8x4096xf32>
    %slice3A_1622 = vector.extract_strided_slice %select_n3A_1615 {offsets = [0, 512], sizes = [8, 3584], strides = [1, 1]} : vector<8x4096xf32> to vector<8x3584xf32>
    %slice3A_1623 = vector.extract_strided_slice %select_n3A_1615 {offsets = [0, 0], sizes = [8, 512], strides = [1, 1]} : vector<8x4096xf32> to vector<8x512xf32>
    %concatenate3A_1624 = tpu.concatenate %slice3A_1622, %slice3A_1623 in 1 : vector<8x3584xf32>, vector<8x512xf32> -> vector<8x4096xf32>
    %slice3A_1625 = vector.extract_strided_slice %select_n3A_1615 {offsets = [0, 3584], sizes = [8, 512], strides = [1, 1]} : vector<8x4096xf32> to vector<8x512xf32>
    %slice3A_1626 = vector.extract_strided_slice %select_n3A_1615 {offsets = [0, 0], sizes = [8, 3584], strides = [1, 1]} : vector<8x4096xf32> to vector<8x3584xf32>
    %concatenate3A_1627 = tpu.concatenate %slice3A_1625, %slice3A_1626 in 1 : vector<8x512xf32>, vector<8x3584xf32> -> vector<8x4096xf32>
    %and3A_1628 = arith.constant 512 : i32
    %and3A_1629 = vector.broadcast %and3A_1628 : i32 to vector<8x4096xi32>
    %and3A_1630 = arith.andi %add3A_44, %and3A_1629 : vector<8x4096xi32>
    %ne3A_1631 = arith.constant 0 : i32
    %ne3A_1632 = vector.broadcast %ne3A_1631 : i32 to vector<8x4096xi32>
    %ne3A_1633 = arith.cmpi ne, %and3A_1630, %ne3A_1632 : vector<8x4096xi32>
    %and3A_1634 = arith.constant 1024 : i32
    %and3A_1635 = vector.broadcast %and3A_1634 : i32 to vector<8x4096xi32>
    %and3A_1636 = arith.andi %add3A_44, %and3A_1635 : vector<8x4096xi32>
    %ne3A_1637 = arith.constant 0 : i32
    %ne3A_1638 = vector.broadcast %ne3A_1637 : i32 to vector<8x4096xi32>
    %ne3A_1639 = arith.cmpi ne, %and3A_1636, %ne3A_1638 : vector<8x4096xi32>
    %select_n3A_1640 = arith.select %ne3A_1633, %concatenate3A_1621, %concatenate3A_1618 : vector<8x4096xi1>, vector<8x4096xf32>
    %select_n3A_1641 = arith.select %ne3A_1633, %concatenate3A_1627, %concatenate3A_1624 : vector<8x4096xi1>, vector<8x4096xf32>
    %gt3A_1642 = arith.cmpf ogt, %select_n3A_1640, %select_n3A_1614 : vector<8x4096xf32>
    %eq3A_1643 = arith.cmpf oeq, %select_n3A_1640, %select_n3A_1614 : vector<8x4096xf32>
    %lt3A_1644 = arith.cmpf olt, %select_n3A_1641, %select_n3A_1615 : vector<8x4096xf32>
    %and3A_1645 = arith.andi %eq3A_1643, %lt3A_1644 : vector<8x4096xi1>
    %or3A_1646 = arith.ori %gt3A_1642, %and3A_1645 : vector<8x4096xi1>
    %xor3A_1647 = arith.xori %or3A_1646, %ne3A_1633 : vector<8x4096xi1>
    %xor3A_1648 = arith.xori %xor3A_1647, %ne3A_1639 : vector<8x4096xi1>
    %select_n3A_1649 = arith.select %xor3A_1648, %select_n3A_1640, %select_n3A_1614 : vector<8x4096xi1>, vector<8x4096xf32>
    %select_n3A_1650 = arith.select %xor3A_1648, %select_n3A_1641, %select_n3A_1615 : vector<8x4096xi1>, vector<8x4096xf32>
    %slice3A_1651 = vector.extract_strided_slice %select_n3A_1649 {offsets = [0, 256], sizes = [8, 3840], strides = [1, 1]} : vector<8x4096xf32> to vector<8x3840xf32>
    %slice3A_1652 = vector.extract_strided_slice %select_n3A_1649 {offsets = [0, 0], sizes = [8, 256], strides = [1, 1]} : vector<8x4096xf32> to vector<8x256xf32>
    %concatenate3A_1653 = tpu.concatenate %slice3A_1651, %slice3A_1652 in 1 : vector<8x3840xf32>, vector<8x256xf32> -> vector<8x4096xf32>
    %slice3A_1654 = vector.extract_strided_slice %select_n3A_1649 {offsets = [0, 3840], sizes = [8, 256], strides = [1, 1]} : vector<8x4096xf32> to vector<8x256xf32>
    %slice3A_1655 = vector.extract_strided_slice %select_n3A_1649 {offsets = [0, 0], sizes = [8, 3840], strides = [1, 1]} : vector<8x4096xf32> to vector<8x3840xf32>
    %concatenate3A_1656 = tpu.concatenate %slice3A_1654, %slice3A_1655 in 1 : vector<8x256xf32>, vector<8x3840xf32> -> vector<8x4096xf32>
    %slice3A_1657 = vector.extract_strided_slice %select_n3A_1650 {offsets = [0, 256], sizes = [8, 3840], strides = [1, 1]} : vector<8x4096xf32> to vector<8x3840xf32>
    %slice3A_1658 = vector.extract_strided_slice %select_n3A_1650 {offsets = [0, 0], sizes = [8, 256], strides = [1, 1]} : vector<8x4096xf32> to vector<8x256xf32>
    %concatenate3A_1659 = tpu.concatenate %slice3A_1657, %slice3A_1658 in 1 : vector<8x3840xf32>, vector<8x256xf32> -> vector<8x4096xf32>
    %slice3A_1660 = vector.extract_strided_slice %select_n3A_1650 {offsets = [0, 3840], sizes = [8, 256], strides = [1, 1]} : vector<8x4096xf32> to vector<8x256xf32>
    %slice3A_1661 = vector.extract_strided_slice %select_n3A_1650 {offsets = [0, 0], sizes = [8, 3840], strides = [1, 1]} : vector<8x4096xf32> to vector<8x3840xf32>
    %concatenate3A_1662 = tpu.concatenate %slice3A_1660, %slice3A_1661 in 1 : vector<8x256xf32>, vector<8x3840xf32> -> vector<8x4096xf32>
    %and3A_1663 = arith.constant 256 : i32
    %and3A_1664 = vector.broadcast %and3A_1663 : i32 to vector<8x4096xi32>
    %and3A_1665 = arith.andi %add3A_44, %and3A_1664 : vector<8x4096xi32>
    %ne3A_1666 = arith.constant 0 : i32
    %ne3A_1667 = vector.broadcast %ne3A_1666 : i32 to vector<8x4096xi32>
    %ne3A_1668 = arith.cmpi ne, %and3A_1665, %ne3A_1667 : vector<8x4096xi32>
    %and3A_1669 = arith.constant 1024 : i32
    %and3A_1670 = vector.broadcast %and3A_1669 : i32 to vector<8x4096xi32>
    %and3A_1671 = arith.andi %add3A_44, %and3A_1670 : vector<8x4096xi32>
    %ne3A_1672 = arith.constant 0 : i32
    %ne3A_1673 = vector.broadcast %ne3A_1672 : i32 to vector<8x4096xi32>
    %ne3A_1674 = arith.cmpi ne, %and3A_1671, %ne3A_1673 : vector<8x4096xi32>
    %select_n3A_1675 = arith.select %ne3A_1668, %concatenate3A_1656, %concatenate3A_1653 : vector<8x4096xi1>, vector<8x4096xf32>
    %select_n3A_1676 = arith.select %ne3A_1668, %concatenate3A_1662, %concatenate3A_1659 : vector<8x4096xi1>, vector<8x4096xf32>
    %gt3A_1677 = arith.cmpf ogt, %select_n3A_1675, %select_n3A_1649 : vector<8x4096xf32>
    %eq3A_1678 = arith.cmpf oeq, %select_n3A_1675, %select_n3A_1649 : vector<8x4096xf32>
    %lt3A_1679 = arith.cmpf olt, %select_n3A_1676, %select_n3A_1650 : vector<8x4096xf32>
    %and3A_1680 = arith.andi %eq3A_1678, %lt3A_1679 : vector<8x4096xi1>
    %or3A_1681 = arith.ori %gt3A_1677, %and3A_1680 : vector<8x4096xi1>
    %xor3A_1682 = arith.xori %or3A_1681, %ne3A_1668 : vector<8x4096xi1>
    %xor3A_1683 = arith.xori %xor3A_1682, %ne3A_1674 : vector<8x4096xi1>
    %select_n3A_1684 = arith.select %xor3A_1683, %select_n3A_1675, %select_n3A_1649 : vector<8x4096xi1>, vector<8x4096xf32>
    %select_n3A_1685 = arith.select %xor3A_1683, %select_n3A_1676, %select_n3A_1650 : vector<8x4096xi1>, vector<8x4096xf32>
    %slice3A_1686 = vector.extract_strided_slice %select_n3A_1684 {offsets = [0, 128], sizes = [8, 3968], strides = [1, 1]} : vector<8x4096xf32> to vector<8x3968xf32>
    %slice3A_1687 = vector.extract_strided_slice %select_n3A_1684 {offsets = [0, 0], sizes = [8, 128], strides = [1, 1]} : vector<8x4096xf32> to vector<8x128xf32>
    %concatenate3A_1688 = tpu.concatenate %slice3A_1686, %slice3A_1687 in 1 : vector<8x3968xf32>, vector<8x128xf32> -> vector<8x4096xf32>
    %slice3A_1689 = vector.extract_strided_slice %select_n3A_1684 {offsets = [0, 3968], sizes = [8, 128], strides = [1, 1]} : vector<8x4096xf32> to vector<8x128xf32>
    %slice3A_1690 = vector.extract_strided_slice %select_n3A_1684 {offsets = [0, 0], sizes = [8, 3968], strides = [1, 1]} : vector<8x4096xf32> to vector<8x3968xf32>
    %concatenate3A_1691 = tpu.concatenate %slice3A_1689, %slice3A_1690 in 1 : vector<8x128xf32>, vector<8x3968xf32> -> vector<8x4096xf32>
    %slice3A_1692 = vector.extract_strided_slice %select_n3A_1685 {offsets = [0, 128], sizes = [8, 3968], strides = [1, 1]} : vector<8x4096xf32> to vector<8x3968xf32>
    %slice3A_1693 = vector.extract_strided_slice %select_n3A_1685 {offsets = [0, 0], sizes = [8, 128], strides = [1, 1]} : vector<8x4096xf32> to vector<8x128xf32>
    %concatenate3A_1694 = tpu.concatenate %slice3A_1692, %slice3A_1693 in 1 : vector<8x3968xf32>, vector<8x128xf32> -> vector<8x4096xf32>
    %slice3A_1695 = vector.extract_strided_slice %select_n3A_1685 {offsets = [0, 3968], sizes = [8, 128], strides = [1, 1]} : vector<8x4096xf32> to vector<8x128xf32>
    %slice3A_1696 = vector.extract_strided_slice %select_n3A_1685 {offsets = [0, 0], sizes = [8, 3968], strides = [1, 1]} : vector<8x4096xf32> to vector<8x3968xf32>
    %concatenate3A_1697 = tpu.concatenate %slice3A_1695, %slice3A_1696 in 1 : vector<8x128xf32>, vector<8x3968xf32> -> vector<8x4096xf32>
    %and3A_1698 = arith.constant 128 : i32
    %and3A_1699 = vector.broadcast %and3A_1698 : i32 to vector<8x4096xi32>
    %and3A_1700 = arith.andi %add3A_44, %and3A_1699 : vector<8x4096xi32>
    %ne3A_1701 = arith.constant 0 : i32
    %ne3A_1702 = vector.broadcast %ne3A_1701 : i32 to vector<8x4096xi32>
    %ne3A_1703 = arith.cmpi ne, %and3A_1700, %ne3A_1702 : vector<8x4096xi32>
    %and3A_1704 = arith.constant 1024 : i32
    %and3A_1705 = vector.broadcast %and3A_1704 : i32 to vector<8x4096xi32>
    %and3A_1706 = arith.andi %add3A_44, %and3A_1705 : vector<8x4096xi32>
    %ne3A_1707 = arith.constant 0 : i32
    %ne3A_1708 = vector.broadcast %ne3A_1707 : i32 to vector<8x4096xi32>
    %ne3A_1709 = arith.cmpi ne, %and3A_1706, %ne3A_1708 : vector<8x4096xi32>
    %select_n3A_1710 = arith.select %ne3A_1703, %concatenate3A_1691, %concatenate3A_1688 : vector<8x4096xi1>, vector<8x4096xf32>
    %select_n3A_1711 = arith.select %ne3A_1703, %concatenate3A_1697, %concatenate3A_1694 : vector<8x4096xi1>, vector<8x4096xf32>
    %gt3A_1712 = arith.cmpf ogt, %select_n3A_1710, %select_n3A_1684 : vector<8x4096xf32>
    %eq3A_1713 = arith.cmpf oeq, %select_n3A_1710, %select_n3A_1684 : vector<8x4096xf32>
    %lt3A_1714 = arith.cmpf olt, %select_n3A_1711, %select_n3A_1685 : vector<8x4096xf32>
    %and3A_1715 = arith.andi %eq3A_1713, %lt3A_1714 : vector<8x4096xi1>
    %or3A_1716 = arith.ori %gt3A_1712, %and3A_1715 : vector<8x4096xi1>
    %xor3A_1717 = arith.xori %or3A_1716, %ne3A_1703 : vector<8x4096xi1>
    %xor3A_1718 = arith.xori %xor3A_1717, %ne3A_1709 : vector<8x4096xi1>
    %select_n3A_1719 = arith.select %xor3A_1718, %select_n3A_1710, %select_n3A_1684 : vector<8x4096xi1>, vector<8x4096xf32>
    %select_n3A_1720 = arith.select %xor3A_1718, %select_n3A_1711, %select_n3A_1685 : vector<8x4096xi1>, vector<8x4096xf32>
    %slice3A_1721 = vector.extract_strided_slice %select_n3A_1719 {offsets = [0, 64], sizes = [8, 4032], strides = [1, 1]} : vector<8x4096xf32> to vector<8x4032xf32>
    %slice3A_1722 = vector.extract_strided_slice %select_n3A_1719 {offsets = [0, 0], sizes = [8, 64], strides = [1, 1]} : vector<8x4096xf32> to vector<8x64xf32>
    %concatenate3A_1723 = tpu.concatenate %slice3A_1721, %slice3A_1722 in 1 : vector<8x4032xf32>, vector<8x64xf32> -> vector<8x4096xf32>
    %slice3A_1724 = vector.extract_strided_slice %select_n3A_1719 {offsets = [0, 4032], sizes = [8, 64], strides = [1, 1]} : vector<8x4096xf32> to vector<8x64xf32>
    %slice3A_1725 = vector.extract_strided_slice %select_n3A_1719 {offsets = [0, 0], sizes = [8, 4032], strides = [1, 1]} : vector<8x4096xf32> to vector<8x4032xf32>
    %concatenate3A_1726 = tpu.concatenate %slice3A_1724, %slice3A_1725 in 1 : vector<8x64xf32>, vector<8x4032xf32> -> vector<8x4096xf32>
    %slice3A_1727 = vector.extract_strided_slice %select_n3A_1720 {offsets = [0, 64], sizes = [8, 4032], strides = [1, 1]} : vector<8x4096xf32> to vector<8x4032xf32>
    %slice3A_1728 = vector.extract_strided_slice %select_n3A_1720 {offsets = [0, 0], sizes = [8, 64], strides = [1, 1]} : vector<8x4096xf32> to vector<8x64xf32>
    %concatenate3A_1729 = tpu.concatenate %slice3A_1727, %slice3A_1728 in 1 : vector<8x4032xf32>, vector<8x64xf32> -> vector<8x4096xf32>
    %slice3A_1730 = vector.extract_strided_slice %select_n3A_1720 {offsets = [0, 4032], sizes = [8, 64], strides = [1, 1]} : vector<8x4096xf32> to vector<8x64xf32>
    %slice3A_1731 = vector.extract_strided_slice %select_n3A_1720 {offsets = [0, 0], sizes = [8, 4032], strides = [1, 1]} : vector<8x4096xf32> to vector<8x4032xf32>
    %concatenate3A_1732 = tpu.concatenate %slice3A_1730, %slice3A_1731 in 1 : vector<8x64xf32>, vector<8x4032xf32> -> vector<8x4096xf32>
    %and3A_1733 = arith.constant 64 : i32
    %and3A_1734 = vector.broadcast %and3A_1733 : i32 to vector<8x4096xi32>
    %and3A_1735 = arith.andi %add3A_44, %and3A_1734 : vector<8x4096xi32>
    %ne3A_1736 = arith.constant 0 : i32
    %ne3A_1737 = vector.broadcast %ne3A_1736 : i32 to vector<8x4096xi32>
    %ne3A_1738 = arith.cmpi ne, %and3A_1735, %ne3A_1737 : vector<8x4096xi32>
    %and3A_1739 = arith.constant 1024 : i32
    %and3A_1740 = vector.broadcast %and3A_1739 : i32 to vector<8x4096xi32>
    %and3A_1741 = arith.andi %add3A_44, %and3A_1740 : vector<8x4096xi32>
    %ne3A_1742 = arith.constant 0 : i32
    %ne3A_1743 = vector.broadcast %ne3A_1742 : i32 to vector<8x4096xi32>
    %ne3A_1744 = arith.cmpi ne, %and3A_1741, %ne3A_1743 : vector<8x4096xi32>
    %select_n3A_1745 = arith.select %ne3A_1738, %concatenate3A_1726, %concatenate3A_1723 : vector<8x4096xi1>, vector<8x4096xf32>
    %select_n3A_1746 = arith.select %ne3A_1738, %concatenate3A_1732, %concatenate3A_1729 : vector<8x4096xi1>, vector<8x4096xf32>
    %gt3A_1747 = arith.cmpf ogt, %select_n3A_1745, %select_n3A_1719 : vector<8x4096xf32>
    %eq3A_1748 = arith.cmpf oeq, %select_n3A_1745, %select_n3A_1719 : vector<8x4096xf32>
    %lt3A_1749 = arith.cmpf olt, %select_n3A_1746, %select_n3A_1720 : vector<8x4096xf32>
    %and3A_1750 = arith.andi %eq3A_1748, %lt3A_1749 : vector<8x4096xi1>
    %or3A_1751 = arith.ori %gt3A_1747, %and3A_1750 : vector<8x4096xi1>
    %xor3A_1752 = arith.xori %or3A_1751, %ne3A_1738 : vector<8x4096xi1>
    %xor3A_1753 = arith.xori %xor3A_1752, %ne3A_1744 : vector<8x4096xi1>
    %select_n3A_1754 = arith.select %xor3A_1753, %select_n3A_1745, %select_n3A_1719 : vector<8x4096xi1>, vector<8x4096xf32>
    %select_n3A_1755 = arith.select %xor3A_1753, %select_n3A_1746, %select_n3A_1720 : vector<8x4096xi1>, vector<8x4096xf32>
    %slice3A_1756 = vector.extract_strided_slice %select_n3A_1754 {offsets = [0, 32], sizes = [8, 4064], strides = [1, 1]} : vector<8x4096xf32> to vector<8x4064xf32>
    %slice3A_1757 = vector.extract_strided_slice %select_n3A_1754 {offsets = [0, 0], sizes = [8, 32], strides = [1, 1]} : vector<8x4096xf32> to vector<8x32xf32>
    %concatenate3A_1758 = tpu.concatenate %slice3A_1756, %slice3A_1757 in 1 : vector<8x4064xf32>, vector<8x32xf32> -> vector<8x4096xf32>
    %slice3A_1759 = vector.extract_strided_slice %select_n3A_1754 {offsets = [0, 4064], sizes = [8, 32], strides = [1, 1]} : vector<8x4096xf32> to vector<8x32xf32>
    %slice3A_1760 = vector.extract_strided_slice %select_n3A_1754 {offsets = [0, 0], sizes = [8, 4064], strides = [1, 1]} : vector<8x4096xf32> to vector<8x4064xf32>
    %concatenate3A_1761 = tpu.concatenate %slice3A_1759, %slice3A_1760 in 1 : vector<8x32xf32>, vector<8x4064xf32> -> vector<8x4096xf32>
    %slice3A_1762 = vector.extract_strided_slice %select_n3A_1755 {offsets = [0, 32], sizes = [8, 4064], strides = [1, 1]} : vector<8x4096xf32> to vector<8x4064xf32>
    %slice3A_1763 = vector.extract_strided_slice %select_n3A_1755 {offsets = [0, 0], sizes = [8, 32], strides = [1, 1]} : vector<8x4096xf32> to vector<8x32xf32>
    %concatenate3A_1764 = tpu.concatenate %slice3A_1762, %slice3A_1763 in 1 : vector<8x4064xf32>, vector<8x32xf32> -> vector<8x4096xf32>
    %slice3A_1765 = vector.extract_strided_slice %select_n3A_1755 {offsets = [0, 4064], sizes = [8, 32], strides = [1, 1]} : vector<8x4096xf32> to vector<8x32xf32>
    %slice3A_1766 = vector.extract_strided_slice %select_n3A_1755 {offsets = [0, 0], sizes = [8, 4064], strides = [1, 1]} : vector<8x4096xf32> to vector<8x4064xf32>
    %concatenate3A_1767 = tpu.concatenate %slice3A_1765, %slice3A_1766 in 1 : vector<8x32xf32>, vector<8x4064xf32> -> vector<8x4096xf32>
    %and3A_1768 = arith.constant 32 : i32
    %and3A_1769 = vector.broadcast %and3A_1768 : i32 to vector<8x4096xi32>
    %and3A_1770 = arith.andi %add3A_44, %and3A_1769 : vector<8x4096xi32>
    %ne3A_1771 = arith.constant 0 : i32
    %ne3A_1772 = vector.broadcast %ne3A_1771 : i32 to vector<8x4096xi32>
    %ne3A_1773 = arith.cmpi ne, %and3A_1770, %ne3A_1772 : vector<8x4096xi32>
    %and3A_1774 = arith.constant 1024 : i32
    %and3A_1775 = vector.broadcast %and3A_1774 : i32 to vector<8x4096xi32>
    %and3A_1776 = arith.andi %add3A_44, %and3A_1775 : vector<8x4096xi32>
    %ne3A_1777 = arith.constant 0 : i32
    %ne3A_1778 = vector.broadcast %ne3A_1777 : i32 to vector<8x4096xi32>
    %ne3A_1779 = arith.cmpi ne, %and3A_1776, %ne3A_1778 : vector<8x4096xi32>
    %select_n3A_1780 = arith.select %ne3A_1773, %concatenate3A_1761, %concatenate3A_1758 : vector<8x4096xi1>, vector<8x4096xf32>
    %select_n3A_1781 = arith.select %ne3A_1773, %concatenate3A_1767, %concatenate3A_1764 : vector<8x4096xi1>, vector<8x4096xf32>
    %gt3A_1782 = arith.cmpf ogt, %select_n3A_1780, %select_n3A_1754 : vector<8x4096xf32>
    %eq3A_1783 = arith.cmpf oeq, %select_n3A_1780, %select_n3A_1754 : vector<8x4096xf32>
    %lt3A_1784 = arith.cmpf olt, %select_n3A_1781, %select_n3A_1755 : vector<8x4096xf32>
    %and3A_1785 = arith.andi %eq3A_1783, %lt3A_1784 : vector<8x4096xi1>
    %or3A_1786 = arith.ori %gt3A_1782, %and3A_1785 : vector<8x4096xi1>
    %xor3A_1787 = arith.xori %or3A_1786, %ne3A_1773 : vector<8x4096xi1>
    %xor3A_1788 = arith.xori %xor3A_1787, %ne3A_1779 : vector<8x4096xi1>
    %select_n3A_1789 = arith.select %xor3A_1788, %select_n3A_1780, %select_n3A_1754 : vector<8x4096xi1>, vector<8x4096xf32>
    %select_n3A_1790 = arith.select %xor3A_1788, %select_n3A_1781, %select_n3A_1755 : vector<8x4096xi1>, vector<8x4096xf32>
    %slice3A_1791 = vector.extract_strided_slice %select_n3A_1789 {offsets = [0, 16], sizes = [8, 4080], strides = [1, 1]} : vector<8x4096xf32> to vector<8x4080xf32>
    %slice3A_1792 = vector.extract_strided_slice %select_n3A_1789 {offsets = [0, 0], sizes = [8, 16], strides = [1, 1]} : vector<8x4096xf32> to vector<8x16xf32>
    %concatenate3A_1793 = tpu.concatenate %slice3A_1791, %slice3A_1792 in 1 : vector<8x4080xf32>, vector<8x16xf32> -> vector<8x4096xf32>
    %slice3A_1794 = vector.extract_strided_slice %select_n3A_1789 {offsets = [0, 4080], sizes = [8, 16], strides = [1, 1]} : vector<8x4096xf32> to vector<8x16xf32>
    %slice3A_1795 = vector.extract_strided_slice %select_n3A_1789 {offsets = [0, 0], sizes = [8, 4080], strides = [1, 1]} : vector<8x4096xf32> to vector<8x4080xf32>
    %concatenate3A_1796 = tpu.concatenate %slice3A_1794, %slice3A_1795 in 1 : vector<8x16xf32>, vector<8x4080xf32> -> vector<8x4096xf32>
    %slice3A_1797 = vector.extract_strided_slice %select_n3A_1790 {offsets = [0, 16], sizes = [8, 4080], strides = [1, 1]} : vector<8x4096xf32> to vector<8x4080xf32>
    %slice3A_1798 = vector.extract_strided_slice %select_n3A_1790 {offsets = [0, 0], sizes = [8, 16], strides = [1, 1]} : vector<8x4096xf32> to vector<8x16xf32>
    %concatenate3A_1799 = tpu.concatenate %slice3A_1797, %slice3A_1798 in 1 : vector<8x4080xf32>, vector<8x16xf32> -> vector<8x4096xf32>
    %slice3A_1800 = vector.extract_strided_slice %select_n3A_1790 {offsets = [0, 4080], sizes = [8, 16], strides = [1, 1]} : vector<8x4096xf32> to vector<8x16xf32>
    %slice3A_1801 = vector.extract_strided_slice %select_n3A_1790 {offsets = [0, 0], sizes = [8, 4080], strides = [1, 1]} : vector<8x4096xf32> to vector<8x4080xf32>
    %concatenate3A_1802 = tpu.concatenate %slice3A_1800, %slice3A_1801 in 1 : vector<8x16xf32>, vector<8x4080xf32> -> vector<8x4096xf32>
    %and3A_1803 = arith.constant 16 : i32
    %and3A_1804 = vector.broadcast %and3A_1803 : i32 to vector<8x4096xi32>
    %and3A_1805 = arith.andi %add3A_44, %and3A_1804 : vector<8x4096xi32>
    %ne3A_1806 = arith.constant 0 : i32
    %ne3A_1807 = vector.broadcast %ne3A_1806 : i32 to vector<8x4096xi32>
    %ne3A_1808 = arith.cmpi ne, %and3A_1805, %ne3A_1807 : vector<8x4096xi32>
    %and3A_1809 = arith.constant 1024 : i32
    %and3A_1810 = vector.broadcast %and3A_1809 : i32 to vector<8x4096xi32>
    %and3A_1811 = arith.andi %add3A_44, %and3A_1810 : vector<8x4096xi32>
    %ne3A_1812 = arith.constant 0 : i32
    %ne3A_1813 = vector.broadcast %ne3A_1812 : i32 to vector<8x4096xi32>
    %ne3A_1814 = arith.cmpi ne, %and3A_1811, %ne3A_1813 : vector<8x4096xi32>
    %select_n3A_1815 = arith.select %ne3A_1808, %concatenate3A_1796, %concatenate3A_1793 : vector<8x4096xi1>, vector<8x4096xf32>
    %select_n3A_1816 = arith.select %ne3A_1808, %concatenate3A_1802, %concatenate3A_1799 : vector<8x4096xi1>, vector<8x4096xf32>
    %gt3A_1817 = arith.cmpf ogt, %select_n3A_1815, %select_n3A_1789 : vector<8x4096xf32>
    %eq3A_1818 = arith.cmpf oeq, %select_n3A_1815, %select_n3A_1789 : vector<8x4096xf32>
    %lt3A_1819 = arith.cmpf olt, %select_n3A_1816, %select_n3A_1790 : vector<8x4096xf32>
    %and3A_1820 = arith.andi %eq3A_1818, %lt3A_1819 : vector<8x4096xi1>
    %or3A_1821 = arith.ori %gt3A_1817, %and3A_1820 : vector<8x4096xi1>
    %xor3A_1822 = arith.xori %or3A_1821, %ne3A_1808 : vector<8x4096xi1>
    %xor3A_1823 = arith.xori %xor3A_1822, %ne3A_1814 : vector<8x4096xi1>
    %select_n3A_1824 = arith.select %xor3A_1823, %select_n3A_1815, %select_n3A_1789 : vector<8x4096xi1>, vector<8x4096xf32>
    %select_n3A_1825 = arith.select %xor3A_1823, %select_n3A_1816, %select_n3A_1790 : vector<8x4096xi1>, vector<8x4096xf32>
    %slice3A_1826 = vector.extract_strided_slice %select_n3A_1824 {offsets = [0, 8], sizes = [8, 4088], strides = [1, 1]} : vector<8x4096xf32> to vector<8x4088xf32>
    %slice3A_1827 = vector.extract_strided_slice %select_n3A_1824 {offsets = [0, 0], sizes = [8, 8], strides = [1, 1]} : vector<8x4096xf32> to vector<8x8xf32>
    %concatenate3A_1828 = tpu.concatenate %slice3A_1826, %slice3A_1827 in 1 : vector<8x4088xf32>, vector<8x8xf32> -> vector<8x4096xf32>
    %slice3A_1829 = vector.extract_strided_slice %select_n3A_1824 {offsets = [0, 4088], sizes = [8, 8], strides = [1, 1]} : vector<8x4096xf32> to vector<8x8xf32>
    %slice3A_1830 = vector.extract_strided_slice %select_n3A_1824 {offsets = [0, 0], sizes = [8, 4088], strides = [1, 1]} : vector<8x4096xf32> to vector<8x4088xf32>
    %concatenate3A_1831 = tpu.concatenate %slice3A_1829, %slice3A_1830 in 1 : vector<8x8xf32>, vector<8x4088xf32> -> vector<8x4096xf32>
    %slice3A_1832 = vector.extract_strided_slice %select_n3A_1825 {offsets = [0, 8], sizes = [8, 4088], strides = [1, 1]} : vector<8x4096xf32> to vector<8x4088xf32>
    %slice3A_1833 = vector.extract_strided_slice %select_n3A_1825 {offsets = [0, 0], sizes = [8, 8], strides = [1, 1]} : vector<8x4096xf32> to vector<8x8xf32>
    %concatenate3A_1834 = tpu.concatenate %slice3A_1832, %slice3A_1833 in 1 : vector<8x4088xf32>, vector<8x8xf32> -> vector<8x4096xf32>
    %slice3A_1835 = vector.extract_strided_slice %select_n3A_1825 {offsets = [0, 4088], sizes = [8, 8], strides = [1, 1]} : vector<8x4096xf32> to vector<8x8xf32>
    %slice3A_1836 = vector.extract_strided_slice %select_n3A_1825 {offsets = [0, 0], sizes = [8, 4088], strides = [1, 1]} : vector<8x4096xf32> to vector<8x4088xf32>
    %concatenate3A_1837 = tpu.concatenate %slice3A_1835, %slice3A_1836 in 1 : vector<8x8xf32>, vector<8x4088xf32> -> vector<8x4096xf32>
    %and3A_1838 = arith.constant 8 : i32
    %and3A_1839 = vector.broadcast %and3A_1838 : i32 to vector<8x4096xi32>
    %and3A_1840 = arith.andi %add3A_44, %and3A_1839 : vector<8x4096xi32>
    %ne3A_1841 = arith.constant 0 : i32
    %ne3A_1842 = vector.broadcast %ne3A_1841 : i32 to vector<8x4096xi32>
    %ne3A_1843 = arith.cmpi ne, %and3A_1840, %ne3A_1842 : vector<8x4096xi32>
    %and3A_1844 = arith.constant 1024 : i32
    %and3A_1845 = vector.broadcast %and3A_1844 : i32 to vector<8x4096xi32>
    %and3A_1846 = arith.andi %add3A_44, %and3A_1845 : vector<8x4096xi32>
    %ne3A_1847 = arith.constant 0 : i32
    %ne3A_1848 = vector.broadcast %ne3A_1847 : i32 to vector<8x4096xi32>
    %ne3A_1849 = arith.cmpi ne, %and3A_1846, %ne3A_1848 : vector<8x4096xi32>
    %select_n3A_1850 = arith.select %ne3A_1843, %concatenate3A_1831, %concatenate3A_1828 : vector<8x4096xi1>, vector<8x4096xf32>
    %select_n3A_1851 = arith.select %ne3A_1843, %concatenate3A_1837, %concatenate3A_1834 : vector<8x4096xi1>, vector<8x4096xf32>
    %gt3A_1852 = arith.cmpf ogt, %select_n3A_1850, %select_n3A_1824 : vector<8x4096xf32>
    %eq3A_1853 = arith.cmpf oeq, %select_n3A_1850, %select_n3A_1824 : vector<8x4096xf32>
    %lt3A_1854 = arith.cmpf olt, %select_n3A_1851, %select_n3A_1825 : vector<8x4096xf32>
    %and3A_1855 = arith.andi %eq3A_1853, %lt3A_1854 : vector<8x4096xi1>
    %or3A_1856 = arith.ori %gt3A_1852, %and3A_1855 : vector<8x4096xi1>
    %xor3A_1857 = arith.xori %or3A_1856, %ne3A_1843 : vector<8x4096xi1>
    %xor3A_1858 = arith.xori %xor3A_1857, %ne3A_1849 : vector<8x4096xi1>
    %select_n3A_1859 = arith.select %xor3A_1858, %select_n3A_1850, %select_n3A_1824 : vector<8x4096xi1>, vector<8x4096xf32>
    %select_n3A_1860 = arith.select %xor3A_1858, %select_n3A_1851, %select_n3A_1825 : vector<8x4096xi1>, vector<8x4096xf32>
    %slice3A_1861 = vector.extract_strided_slice %select_n3A_1859 {offsets = [0, 4], sizes = [8, 4092], strides = [1, 1]} : vector<8x4096xf32> to vector<8x4092xf32>
    %slice3A_1862 = vector.extract_strided_slice %select_n3A_1859 {offsets = [0, 0], sizes = [8, 4], strides = [1, 1]} : vector<8x4096xf32> to vector<8x4xf32>
    %concatenate3A_1863 = tpu.concatenate %slice3A_1861, %slice3A_1862 in 1 : vector<8x4092xf32>, vector<8x4xf32> -> vector<8x4096xf32>
    %slice3A_1864 = vector.extract_strided_slice %select_n3A_1859 {offsets = [0, 4092], sizes = [8, 4], strides = [1, 1]} : vector<8x4096xf32> to vector<8x4xf32>
    %slice3A_1865 = vector.extract_strided_slice %select_n3A_1859 {offsets = [0, 0], sizes = [8, 4092], strides = [1, 1]} : vector<8x4096xf32> to vector<8x4092xf32>
    %concatenate3A_1866 = tpu.concatenate %slice3A_1864, %slice3A_1865 in 1 : vector<8x4xf32>, vector<8x4092xf32> -> vector<8x4096xf32>
    %slice3A_1867 = vector.extract_strided_slice %select_n3A_1860 {offsets = [0, 4], sizes = [8, 4092], strides = [1, 1]} : vector<8x4096xf32> to vector<8x4092xf32>
    %slice3A_1868 = vector.extract_strided_slice %select_n3A_1860 {offsets = [0, 0], sizes = [8, 4], strides = [1, 1]} : vector<8x4096xf32> to vector<8x4xf32>
    %concatenate3A_1869 = tpu.concatenate %slice3A_1867, %slice3A_1868 in 1 : vector<8x4092xf32>, vector<8x4xf32> -> vector<8x4096xf32>
    %slice3A_1870 = vector.extract_strided_slice %select_n3A_1860 {offsets = [0, 4092], sizes = [8, 4], strides = [1, 1]} : vector<8x4096xf32> to vector<8x4xf32>
    %slice3A_1871 = vector.extract_strided_slice %select_n3A_1860 {offsets = [0, 0], sizes = [8, 4092], strides = [1, 1]} : vector<8x4096xf32> to vector<8x4092xf32>
    %concatenate3A_1872 = tpu.concatenate %slice3A_1870, %slice3A_1871 in 1 : vector<8x4xf32>, vector<8x4092xf32> -> vector<8x4096xf32>
    %and3A_1873 = arith.constant 4 : i32
    %and3A_1874 = vector.broadcast %and3A_1873 : i32 to vector<8x4096xi32>
    %and3A_1875 = arith.andi %add3A_44, %and3A_1874 : vector<8x4096xi32>
    %ne3A_1876 = arith.constant 0 : i32
    %ne3A_1877 = vector.broadcast %ne3A_1876 : i32 to vector<8x4096xi32>
    %ne3A_1878 = arith.cmpi ne, %and3A_1875, %ne3A_1877 : vector<8x4096xi32>
    %and3A_1879 = arith.constant 1024 : i32
    %and3A_1880 = vector.broadcast %and3A_1879 : i32 to vector<8x4096xi32>
    %and3A_1881 = arith.andi %add3A_44, %and3A_1880 : vector<8x4096xi32>
    %ne3A_1882 = arith.constant 0 : i32
    %ne3A_1883 = vector.broadcast %ne3A_1882 : i32 to vector<8x4096xi32>
    %ne3A_1884 = arith.cmpi ne, %and3A_1881, %ne3A_1883 : vector<8x4096xi32>
    %select_n3A_1885 = arith.select %ne3A_1878, %concatenate3A_1866, %concatenate3A_1863 : vector<8x4096xi1>, vector<8x4096xf32>
    %select_n3A_1886 = arith.select %ne3A_1878, %concatenate3A_1872, %concatenate3A_1869 : vector<8x4096xi1>, vector<8x4096xf32>
    %gt3A_1887 = arith.cmpf ogt, %select_n3A_1885, %select_n3A_1859 : vector<8x4096xf32>
    %eq3A_1888 = arith.cmpf oeq, %select_n3A_1885, %select_n3A_1859 : vector<8x4096xf32>
    %lt3A_1889 = arith.cmpf olt, %select_n3A_1886, %select_n3A_1860 : vector<8x4096xf32>
    %and3A_1890 = arith.andi %eq3A_1888, %lt3A_1889 : vector<8x4096xi1>
    %or3A_1891 = arith.ori %gt3A_1887, %and3A_1890 : vector<8x4096xi1>
    %xor3A_1892 = arith.xori %or3A_1891, %ne3A_1878 : vector<8x4096xi1>
    %xor3A_1893 = arith.xori %xor3A_1892, %ne3A_1884 : vector<8x4096xi1>
    %select_n3A_1894 = arith.select %xor3A_1893, %select_n3A_1885, %select_n3A_1859 : vector<8x4096xi1>, vector<8x4096xf32>
    %select_n3A_1895 = arith.select %xor3A_1893, %select_n3A_1886, %select_n3A_1860 : vector<8x4096xi1>, vector<8x4096xf32>
    %slice3A_1896 = vector.extract_strided_slice %select_n3A_1894 {offsets = [0, 2], sizes = [8, 4094], strides = [1, 1]} : vector<8x4096xf32> to vector<8x4094xf32>
    %slice3A_1897 = vector.extract_strided_slice %select_n3A_1894 {offsets = [0, 0], sizes = [8, 2], strides = [1, 1]} : vector<8x4096xf32> to vector<8x2xf32>
    %concatenate3A_1898 = tpu.concatenate %slice3A_1896, %slice3A_1897 in 1 : vector<8x4094xf32>, vector<8x2xf32> -> vector<8x4096xf32>
    %slice3A_1899 = vector.extract_strided_slice %select_n3A_1894 {offsets = [0, 4094], sizes = [8, 2], strides = [1, 1]} : vector<8x4096xf32> to vector<8x2xf32>
    %slice3A_1900 = vector.extract_strided_slice %select_n3A_1894 {offsets = [0, 0], sizes = [8, 4094], strides = [1, 1]} : vector<8x4096xf32> to vector<8x4094xf32>
    %concatenate3A_1901 = tpu.concatenate %slice3A_1899, %slice3A_1900 in 1 : vector<8x2xf32>, vector<8x4094xf32> -> vector<8x4096xf32>
    %slice3A_1902 = vector.extract_strided_slice %select_n3A_1895 {offsets = [0, 2], sizes = [8, 4094], strides = [1, 1]} : vector<8x4096xf32> to vector<8x4094xf32>
    %slice3A_1903 = vector.extract_strided_slice %select_n3A_1895 {offsets = [0, 0], sizes = [8, 2], strides = [1, 1]} : vector<8x4096xf32> to vector<8x2xf32>
    %concatenate3A_1904 = tpu.concatenate %slice3A_1902, %slice3A_1903 in 1 : vector<8x4094xf32>, vector<8x2xf32> -> vector<8x4096xf32>
    %slice3A_1905 = vector.extract_strided_slice %select_n3A_1895 {offsets = [0, 4094], sizes = [8, 2], strides = [1, 1]} : vector<8x4096xf32> to vector<8x2xf32>
    %slice3A_1906 = vector.extract_strided_slice %select_n3A_1895 {offsets = [0, 0], sizes = [8, 4094], strides = [1, 1]} : vector<8x4096xf32> to vector<8x4094xf32>
    %concatenate3A_1907 = tpu.concatenate %slice3A_1905, %slice3A_1906 in 1 : vector<8x2xf32>, vector<8x4094xf32> -> vector<8x4096xf32>
    %and3A_1908 = arith.constant 2 : i32
    %and3A_1909 = vector.broadcast %and3A_1908 : i32 to vector<8x4096xi32>
    %and3A_1910 = arith.andi %add3A_44, %and3A_1909 : vector<8x4096xi32>
    %ne3A_1911 = arith.constant 0 : i32
    %ne3A_1912 = vector.broadcast %ne3A_1911 : i32 to vector<8x4096xi32>
    %ne3A_1913 = arith.cmpi ne, %and3A_1910, %ne3A_1912 : vector<8x4096xi32>
    %and3A_1914 = arith.constant 1024 : i32
    %and3A_1915 = vector.broadcast %and3A_1914 : i32 to vector<8x4096xi32>
    %and3A_1916 = arith.andi %add3A_44, %and3A_1915 : vector<8x4096xi32>
    %ne3A_1917 = arith.constant 0 : i32
    %ne3A_1918 = vector.broadcast %ne3A_1917 : i32 to vector<8x4096xi32>
    %ne3A_1919 = arith.cmpi ne, %and3A_1916, %ne3A_1918 : vector<8x4096xi32>
    %select_n3A_1920 = arith.select %ne3A_1913, %concatenate3A_1901, %concatenate3A_1898 : vector<8x4096xi1>, vector<8x4096xf32>
    %select_n3A_1921 = arith.select %ne3A_1913, %concatenate3A_1907, %concatenate3A_1904 : vector<8x4096xi1>, vector<8x4096xf32>
    %gt3A_1922 = arith.cmpf ogt, %select_n3A_1920, %select_n3A_1894 : vector<8x4096xf32>
    %eq3A_1923 = arith.cmpf oeq, %select_n3A_1920, %select_n3A_1894 : vector<8x4096xf32>
    %lt3A_1924 = arith.cmpf olt, %select_n3A_1921, %select_n3A_1895 : vector<8x4096xf32>
    %and3A_1925 = arith.andi %eq3A_1923, %lt3A_1924 : vector<8x4096xi1>
    %or3A_1926 = arith.ori %gt3A_1922, %and3A_1925 : vector<8x4096xi1>
    %xor3A_1927 = arith.xori %or3A_1926, %ne3A_1913 : vector<8x4096xi1>
    %xor3A_1928 = arith.xori %xor3A_1927, %ne3A_1919 : vector<8x4096xi1>
    %select_n3A_1929 = arith.select %xor3A_1928, %select_n3A_1920, %select_n3A_1894 : vector<8x4096xi1>, vector<8x4096xf32>
    %select_n3A_1930 = arith.select %xor3A_1928, %select_n3A_1921, %select_n3A_1895 : vector<8x4096xi1>, vector<8x4096xf32>
    %slice3A_1931 = vector.extract_strided_slice %select_n3A_1929 {offsets = [0, 1], sizes = [8, 4095], strides = [1, 1]} : vector<8x4096xf32> to vector<8x4095xf32>
    %slice3A_1932 = vector.extract_strided_slice %select_n3A_1929 {offsets = [0, 0], sizes = [8, 1], strides = [1, 1]} : vector<8x4096xf32> to vector<8x1xf32>
    %concatenate3A_1933 = tpu.concatenate %slice3A_1931, %slice3A_1932 in 1 : vector<8x4095xf32>, vector<8x1xf32> -> vector<8x4096xf32>
    %slice3A_1934 = vector.extract_strided_slice %select_n3A_1929 {offsets = [0, 4095], sizes = [8, 1], strides = [1, 1]} : vector<8x4096xf32> to vector<8x1xf32>
    %slice3A_1935 = vector.extract_strided_slice %select_n3A_1929 {offsets = [0, 0], sizes = [8, 4095], strides = [1, 1]} : vector<8x4096xf32> to vector<8x4095xf32>
    %concatenate3A_1936 = tpu.concatenate %slice3A_1934, %slice3A_1935 in 1 : vector<8x1xf32>, vector<8x4095xf32> -> vector<8x4096xf32>
    %slice3A_1937 = vector.extract_strided_slice %select_n3A_1930 {offsets = [0, 1], sizes = [8, 4095], strides = [1, 1]} : vector<8x4096xf32> to vector<8x4095xf32>
    %slice3A_1938 = vector.extract_strided_slice %select_n3A_1930 {offsets = [0, 0], sizes = [8, 1], strides = [1, 1]} : vector<8x4096xf32> to vector<8x1xf32>
    %concatenate3A_1939 = tpu.concatenate %slice3A_1937, %slice3A_1938 in 1 : vector<8x4095xf32>, vector<8x1xf32> -> vector<8x4096xf32>
    %slice3A_1940 = vector.extract_strided_slice %select_n3A_1930 {offsets = [0, 4095], sizes = [8, 1], strides = [1, 1]} : vector<8x4096xf32> to vector<8x1xf32>
    %slice3A_1941 = vector.extract_strided_slice %select_n3A_1930 {offsets = [0, 0], sizes = [8, 4095], strides = [1, 1]} : vector<8x4096xf32> to vector<8x4095xf32>
    %concatenate3A_1942 = tpu.concatenate %slice3A_1940, %slice3A_1941 in 1 : vector<8x1xf32>, vector<8x4095xf32> -> vector<8x4096xf32>
    %and3A_1943 = arith.constant 1 : i32
    %and3A_1944 = vector.broadcast %and3A_1943 : i32 to vector<8x4096xi32>
    %and3A_1945 = arith.andi %add3A_44, %and3A_1944 : vector<8x4096xi32>
    %ne3A_1946 = arith.constant 0 : i32
    %ne3A_1947 = vector.broadcast %ne3A_1946 : i32 to vector<8x4096xi32>
    %ne3A_1948 = arith.cmpi ne, %and3A_1945, %ne3A_1947 : vector<8x4096xi32>
    %and3A_1949 = arith.constant 1024 : i32
    %and3A_1950 = vector.broadcast %and3A_1949 : i32 to vector<8x4096xi32>
    %and3A_1951 = arith.andi %add3A_44, %and3A_1950 : vector<8x4096xi32>
    %ne3A_1952 = arith.constant 0 : i32
    %ne3A_1953 = vector.broadcast %ne3A_1952 : i32 to vector<8x4096xi32>
    %ne3A_1954 = arith.cmpi ne, %and3A_1951, %ne3A_1953 : vector<8x4096xi32>
    %select_n3A_1955 = arith.select %ne3A_1948, %concatenate3A_1936, %concatenate3A_1933 : vector<8x4096xi1>, vector<8x4096xf32>
    %select_n3A_1956 = arith.select %ne3A_1948, %concatenate3A_1942, %concatenate3A_1939 : vector<8x4096xi1>, vector<8x4096xf32>
    %gt3A_1957 = arith.cmpf ogt, %select_n3A_1955, %select_n3A_1929 : vector<8x4096xf32>
    %eq3A_1958 = arith.cmpf oeq, %select_n3A_1955, %select_n3A_1929 : vector<8x4096xf32>
    %lt3A_1959 = arith.cmpf olt, %select_n3A_1956, %select_n3A_1930 : vector<8x4096xf32>
    %and3A_1960 = arith.andi %eq3A_1958, %lt3A_1959 : vector<8x4096xi1>
    %or3A_1961 = arith.ori %gt3A_1957, %and3A_1960 : vector<8x4096xi1>
    %xor3A_1962 = arith.xori %or3A_1961, %ne3A_1948 : vector<8x4096xi1>
    %xor3A_1963 = arith.xori %xor3A_1962, %ne3A_1954 : vector<8x4096xi1>
    %select_n3A_1964 = arith.select %xor3A_1963, %select_n3A_1955, %select_n3A_1929 : vector<8x4096xi1>, vector<8x4096xf32>
    %select_n3A_1965 = arith.select %xor3A_1963, %select_n3A_1956, %select_n3A_1930 : vector<8x4096xi1>, vector<8x4096xf32>
    %slice3A_1966 = vector.extract_strided_slice %select_n3A_1964 {offsets = [0, 1024], sizes = [8, 3072], strides = [1, 1]} : vector<8x4096xf32> to vector<8x3072xf32>
    %slice3A_1967 = vector.extract_strided_slice %select_n3A_1964 {offsets = [0, 0], sizes = [8, 1024], strides = [1, 1]} : vector<8x4096xf32> to vector<8x1024xf32>
    %concatenate3A_1968 = tpu.concatenate %slice3A_1966, %slice3A_1967 in 1 : vector<8x3072xf32>, vector<8x1024xf32> -> vector<8x4096xf32>
    %slice3A_1969 = vector.extract_strided_slice %select_n3A_1964 {offsets = [0, 3072], sizes = [8, 1024], strides = [1, 1]} : vector<8x4096xf32> to vector<8x1024xf32>
    %slice3A_1970 = vector.extract_strided_slice %select_n3A_1964 {offsets = [0, 0], sizes = [8, 3072], strides = [1, 1]} : vector<8x4096xf32> to vector<8x3072xf32>
    %concatenate3A_1971 = tpu.concatenate %slice3A_1969, %slice3A_1970 in 1 : vector<8x1024xf32>, vector<8x3072xf32> -> vector<8x4096xf32>
    %slice3A_1972 = vector.extract_strided_slice %select_n3A_1965 {offsets = [0, 1024], sizes = [8, 3072], strides = [1, 1]} : vector<8x4096xf32> to vector<8x3072xf32>
    %slice3A_1973 = vector.extract_strided_slice %select_n3A_1965 {offsets = [0, 0], sizes = [8, 1024], strides = [1, 1]} : vector<8x4096xf32> to vector<8x1024xf32>
    %concatenate3A_1974 = tpu.concatenate %slice3A_1972, %slice3A_1973 in 1 : vector<8x3072xf32>, vector<8x1024xf32> -> vector<8x4096xf32>
    %slice3A_1975 = vector.extract_strided_slice %select_n3A_1965 {offsets = [0, 3072], sizes = [8, 1024], strides = [1, 1]} : vector<8x4096xf32> to vector<8x1024xf32>
    %slice3A_1976 = vector.extract_strided_slice %select_n3A_1965 {offsets = [0, 0], sizes = [8, 3072], strides = [1, 1]} : vector<8x4096xf32> to vector<8x3072xf32>
    %concatenate3A_1977 = tpu.concatenate %slice3A_1975, %slice3A_1976 in 1 : vector<8x1024xf32>, vector<8x3072xf32> -> vector<8x4096xf32>
    %and3A_1978 = arith.constant 1024 : i32
    %and3A_1979 = vector.broadcast %and3A_1978 : i32 to vector<8x4096xi32>
    %and3A_1980 = arith.andi %add3A_44, %and3A_1979 : vector<8x4096xi32>
    %ne3A_1981 = arith.constant 0 : i32
    %ne3A_1982 = vector.broadcast %ne3A_1981 : i32 to vector<8x4096xi32>
    %ne3A_1983 = arith.cmpi ne, %and3A_1980, %ne3A_1982 : vector<8x4096xi32>
    %and3A_1984 = arith.constant 2048 : i32
    %and3A_1985 = vector.broadcast %and3A_1984 : i32 to vector<8x4096xi32>
    %and3A_1986 = arith.andi %add3A_44, %and3A_1985 : vector<8x4096xi32>
    %ne3A_1987 = arith.constant 0 : i32
    %ne3A_1988 = vector.broadcast %ne3A_1987 : i32 to vector<8x4096xi32>
    %ne3A_1989 = arith.cmpi ne, %and3A_1986, %ne3A_1988 : vector<8x4096xi32>
    %select_n3A_1990 = arith.select %ne3A_1983, %concatenate3A_1971, %concatenate3A_1968 : vector<8x4096xi1>, vector<8x4096xf32>
    %select_n3A_1991 = arith.select %ne3A_1983, %concatenate3A_1977, %concatenate3A_1974 : vector<8x4096xi1>, vector<8x4096xf32>
    %gt3A_1992 = arith.cmpf ogt, %select_n3A_1990, %select_n3A_1964 : vector<8x4096xf32>
    %eq3A_1993 = arith.cmpf oeq, %select_n3A_1990, %select_n3A_1964 : vector<8x4096xf32>
    %lt3A_1994 = arith.cmpf olt, %select_n3A_1991, %select_n3A_1965 : vector<8x4096xf32>
    %and3A_1995 = arith.andi %eq3A_1993, %lt3A_1994 : vector<8x4096xi1>
    %or3A_1996 = arith.ori %gt3A_1992, %and3A_1995 : vector<8x4096xi1>
    %xor3A_1997 = arith.xori %or3A_1996, %ne3A_1983 : vector<8x4096xi1>
    %xor3A_1998 = arith.xori %xor3A_1997, %ne3A_1989 : vector<8x4096xi1>
    %select_n3A_1999 = arith.select %xor3A_1998, %select_n3A_1990, %select_n3A_1964 : vector<8x4096xi1>, vector<8x4096xf32>
    %select_n3A_2000 = arith.select %xor3A_1998, %select_n3A_1991, %select_n3A_1965 : vector<8x4096xi1>, vector<8x4096xf32>
    %slice3A_2001 = vector.extract_strided_slice %select_n3A_1999 {offsets = [0, 512], sizes = [8, 3584], strides = [1, 1]} : vector<8x4096xf32> to vector<8x3584xf32>
    %slice3A_2002 = vector.extract_strided_slice %select_n3A_1999 {offsets = [0, 0], sizes = [8, 512], strides = [1, 1]} : vector<8x4096xf32> to vector<8x512xf32>
    %concatenate3A_2003 = tpu.concatenate %slice3A_2001, %slice3A_2002 in 1 : vector<8x3584xf32>, vector<8x512xf32> -> vector<8x4096xf32>
    %slice3A_2004 = vector.extract_strided_slice %select_n3A_1999 {offsets = [0, 3584], sizes = [8, 512], strides = [1, 1]} : vector<8x4096xf32> to vector<8x512xf32>
    %slice3A_2005 = vector.extract_strided_slice %select_n3A_1999 {offsets = [0, 0], sizes = [8, 3584], strides = [1, 1]} : vector<8x4096xf32> to vector<8x3584xf32>
    %concatenate3A_2006 = tpu.concatenate %slice3A_2004, %slice3A_2005 in 1 : vector<8x512xf32>, vector<8x3584xf32> -> vector<8x4096xf32>
    %slice3A_2007 = vector.extract_strided_slice %select_n3A_2000 {offsets = [0, 512], sizes = [8, 3584], strides = [1, 1]} : vector<8x4096xf32> to vector<8x3584xf32>
    %slice3A_2008 = vector.extract_strided_slice %select_n3A_2000 {offsets = [0, 0], sizes = [8, 512], strides = [1, 1]} : vector<8x4096xf32> to vector<8x512xf32>
    %concatenate3A_2009 = tpu.concatenate %slice3A_2007, %slice3A_2008 in 1 : vector<8x3584xf32>, vector<8x512xf32> -> vector<8x4096xf32>
    %slice3A_2010 = vector.extract_strided_slice %select_n3A_2000 {offsets = [0, 3584], sizes = [8, 512], strides = [1, 1]} : vector<8x4096xf32> to vector<8x512xf32>
    %slice3A_2011 = vector.extract_strided_slice %select_n3A_2000 {offsets = [0, 0], sizes = [8, 3584], strides = [1, 1]} : vector<8x4096xf32> to vector<8x3584xf32>
    %concatenate3A_2012 = tpu.concatenate %slice3A_2010, %slice3A_2011 in 1 : vector<8x512xf32>, vector<8x3584xf32> -> vector<8x4096xf32>
    %and3A_2013 = arith.constant 512 : i32
    %and3A_2014 = vector.broadcast %and3A_2013 : i32 to vector<8x4096xi32>
    %and3A_2015 = arith.andi %add3A_44, %and3A_2014 : vector<8x4096xi32>
    %ne3A_2016 = arith.constant 0 : i32
    %ne3A_2017 = vector.broadcast %ne3A_2016 : i32 to vector<8x4096xi32>
    %ne3A_2018 = arith.cmpi ne, %and3A_2015, %ne3A_2017 : vector<8x4096xi32>
    %and3A_2019 = arith.constant 2048 : i32
    %and3A_2020 = vector.broadcast %and3A_2019 : i32 to vector<8x4096xi32>
    %and3A_2021 = arith.andi %add3A_44, %and3A_2020 : vector<8x4096xi32>
    %ne3A_2022 = arith.constant 0 : i32
    %ne3A_2023 = vector.broadcast %ne3A_2022 : i32 to vector<8x4096xi32>
    %ne3A_2024 = arith.cmpi ne, %and3A_2021, %ne3A_2023 : vector<8x4096xi32>
    %select_n3A_2025 = arith.select %ne3A_2018, %concatenate3A_2006, %concatenate3A_2003 : vector<8x4096xi1>, vector<8x4096xf32>
    %select_n3A_2026 = arith.select %ne3A_2018, %concatenate3A_2012, %concatenate3A_2009 : vector<8x4096xi1>, vector<8x4096xf32>
    %gt3A_2027 = arith.cmpf ogt, %select_n3A_2025, %select_n3A_1999 : vector<8x4096xf32>
    %eq3A_2028 = arith.cmpf oeq, %select_n3A_2025, %select_n3A_1999 : vector<8x4096xf32>
    %lt3A_2029 = arith.cmpf olt, %select_n3A_2026, %select_n3A_2000 : vector<8x4096xf32>
    %and3A_2030 = arith.andi %eq3A_2028, %lt3A_2029 : vector<8x4096xi1>
    %or3A_2031 = arith.ori %gt3A_2027, %and3A_2030 : vector<8x4096xi1>
    %xor3A_2032 = arith.xori %or3A_2031, %ne3A_2018 : vector<8x4096xi1>
    %xor3A_2033 = arith.xori %xor3A_2032, %ne3A_2024 : vector<8x4096xi1>
    %select_n3A_2034 = arith.select %xor3A_2033, %select_n3A_2025, %select_n3A_1999 : vector<8x4096xi1>, vector<8x4096xf32>
    %select_n3A_2035 = arith.select %xor3A_2033, %select_n3A_2026, %select_n3A_2000 : vector<8x4096xi1>, vector<8x4096xf32>
    %slice3A_2036 = vector.extract_strided_slice %select_n3A_2034 {offsets = [0, 256], sizes = [8, 3840], strides = [1, 1]} : vector<8x4096xf32> to vector<8x3840xf32>
    %slice3A_2037 = vector.extract_strided_slice %select_n3A_2034 {offsets = [0, 0], sizes = [8, 256], strides = [1, 1]} : vector<8x4096xf32> to vector<8x256xf32>
    %concatenate3A_2038 = tpu.concatenate %slice3A_2036, %slice3A_2037 in 1 : vector<8x3840xf32>, vector<8x256xf32> -> vector<8x4096xf32>
    %slice3A_2039 = vector.extract_strided_slice %select_n3A_2034 {offsets = [0, 3840], sizes = [8, 256], strides = [1, 1]} : vector<8x4096xf32> to vector<8x256xf32>
    %slice3A_2040 = vector.extract_strided_slice %select_n3A_2034 {offsets = [0, 0], sizes = [8, 3840], strides = [1, 1]} : vector<8x4096xf32> to vector<8x3840xf32>
    %concatenate3A_2041 = tpu.concatenate %slice3A_2039, %slice3A_2040 in 1 : vector<8x256xf32>, vector<8x3840xf32> -> vector<8x4096xf32>
    %slice3A_2042 = vector.extract_strided_slice %select_n3A_2035 {offsets = [0, 256], sizes = [8, 3840], strides = [1, 1]} : vector<8x4096xf32> to vector<8x3840xf32>
    %slice3A_2043 = vector.extract_strided_slice %select_n3A_2035 {offsets = [0, 0], sizes = [8, 256], strides = [1, 1]} : vector<8x4096xf32> to vector<8x256xf32>
    %concatenate3A_2044 = tpu.concatenate %slice3A_2042, %slice3A_2043 in 1 : vector<8x3840xf32>, vector<8x256xf32> -> vector<8x4096xf32>
    %slice3A_2045 = vector.extract_strided_slice %select_n3A_2035 {offsets = [0, 3840], sizes = [8, 256], strides = [1, 1]} : vector<8x4096xf32> to vector<8x256xf32>
    %slice3A_2046 = vector.extract_strided_slice %select_n3A_2035 {offsets = [0, 0], sizes = [8, 3840], strides = [1, 1]} : vector<8x4096xf32> to vector<8x3840xf32>
    %concatenate3A_2047 = tpu.concatenate %slice3A_2045, %slice3A_2046 in 1 : vector<8x256xf32>, vector<8x3840xf32> -> vector<8x4096xf32>
    %and3A_2048 = arith.constant 256 : i32
    %and3A_2049 = vector.broadcast %and3A_2048 : i32 to vector<8x4096xi32>
    %and3A_2050 = arith.andi %add3A_44, %and3A_2049 : vector<8x4096xi32>
    %ne3A_2051 = arith.constant 0 : i32
    %ne3A_2052 = vector.broadcast %ne3A_2051 : i32 to vector<8x4096xi32>
    %ne3A_2053 = arith.cmpi ne, %and3A_2050, %ne3A_2052 : vector<8x4096xi32>
    %and3A_2054 = arith.constant 2048 : i32
    %and3A_2055 = vector.broadcast %and3A_2054 : i32 to vector<8x4096xi32>
    %and3A_2056 = arith.andi %add3A_44, %and3A_2055 : vector<8x4096xi32>
    %ne3A_2057 = arith.constant 0 : i32
    %ne3A_2058 = vector.broadcast %ne3A_2057 : i32 to vector<8x4096xi32>
    %ne3A_2059 = arith.cmpi ne, %and3A_2056, %ne3A_2058 : vector<8x4096xi32>
    %select_n3A_2060 = arith.select %ne3A_2053, %concatenate3A_2041, %concatenate3A_2038 : vector<8x4096xi1>, vector<8x4096xf32>
    %select_n3A_2061 = arith.select %ne3A_2053, %concatenate3A_2047, %concatenate3A_2044 : vector<8x4096xi1>, vector<8x4096xf32>
    %gt3A_2062 = arith.cmpf ogt, %select_n3A_2060, %select_n3A_2034 : vector<8x4096xf32>
    %eq3A_2063 = arith.cmpf oeq, %select_n3A_2060, %select_n3A_2034 : vector<8x4096xf32>
    %lt3A_2064 = arith.cmpf olt, %select_n3A_2061, %select_n3A_2035 : vector<8x4096xf32>
    %and3A_2065 = arith.andi %eq3A_2063, %lt3A_2064 : vector<8x4096xi1>
    %or3A_2066 = arith.ori %gt3A_2062, %and3A_2065 : vector<8x4096xi1>
    %xor3A_2067 = arith.xori %or3A_2066, %ne3A_2053 : vector<8x4096xi1>
    %xor3A_2068 = arith.xori %xor3A_2067, %ne3A_2059 : vector<8x4096xi1>
    %select_n3A_2069 = arith.select %xor3A_2068, %select_n3A_2060, %select_n3A_2034 : vector<8x4096xi1>, vector<8x4096xf32>
    %select_n3A_2070 = arith.select %xor3A_2068, %select_n3A_2061, %select_n3A_2035 : vector<8x4096xi1>, vector<8x4096xf32>
    %slice3A_2071 = vector.extract_strided_slice %select_n3A_2069 {offsets = [0, 128], sizes = [8, 3968], strides = [1, 1]} : vector<8x4096xf32> to vector<8x3968xf32>
    %slice3A_2072 = vector.extract_strided_slice %select_n3A_2069 {offsets = [0, 0], sizes = [8, 128], strides = [1, 1]} : vector<8x4096xf32> to vector<8x128xf32>
    %concatenate3A_2073 = tpu.concatenate %slice3A_2071, %slice3A_2072 in 1 : vector<8x3968xf32>, vector<8x128xf32> -> vector<8x4096xf32>
    %slice3A_2074 = vector.extract_strided_slice %select_n3A_2069 {offsets = [0, 3968], sizes = [8, 128], strides = [1, 1]} : vector<8x4096xf32> to vector<8x128xf32>
    %slice3A_2075 = vector.extract_strided_slice %select_n3A_2069 {offsets = [0, 0], sizes = [8, 3968], strides = [1, 1]} : vector<8x4096xf32> to vector<8x3968xf32>
    %concatenate3A_2076 = tpu.concatenate %slice3A_2074, %slice3A_2075 in 1 : vector<8x128xf32>, vector<8x3968xf32> -> vector<8x4096xf32>
    %slice3A_2077 = vector.extract_strided_slice %select_n3A_2070 {offsets = [0, 128], sizes = [8, 3968], strides = [1, 1]} : vector<8x4096xf32> to vector<8x3968xf32>
    %slice3A_2078 = vector.extract_strided_slice %select_n3A_2070 {offsets = [0, 0], sizes = [8, 128], strides = [1, 1]} : vector<8x4096xf32> to vector<8x128xf32>
    %concatenate3A_2079 = tpu.concatenate %slice3A_2077, %slice3A_2078 in 1 : vector<8x3968xf32>, vector<8x128xf32> -> vector<8x4096xf32>
    %slice3A_2080 = vector.extract_strided_slice %select_n3A_2070 {offsets = [0, 3968], sizes = [8, 128], strides = [1, 1]} : vector<8x4096xf32> to vector<8x128xf32>
    %slice3A_2081 = vector.extract_strided_slice %select_n3A_2070 {offsets = [0, 0], sizes = [8, 3968], strides = [1, 1]} : vector<8x4096xf32> to vector<8x3968xf32>
    %concatenate3A_2082 = tpu.concatenate %slice3A_2080, %slice3A_2081 in 1 : vector<8x128xf32>, vector<8x3968xf32> -> vector<8x4096xf32>
    %and3A_2083 = arith.constant 128 : i32
    %and3A_2084 = vector.broadcast %and3A_2083 : i32 to vector<8x4096xi32>
    %and3A_2085 = arith.andi %add3A_44, %and3A_2084 : vector<8x4096xi32>
    %ne3A_2086 = arith.constant 0 : i32
    %ne3A_2087 = vector.broadcast %ne3A_2086 : i32 to vector<8x4096xi32>
    %ne3A_2088 = arith.cmpi ne, %and3A_2085, %ne3A_2087 : vector<8x4096xi32>
    %and3A_2089 = arith.constant 2048 : i32
    %and3A_2090 = vector.broadcast %and3A_2089 : i32 to vector<8x4096xi32>
    %and3A_2091 = arith.andi %add3A_44, %and3A_2090 : vector<8x4096xi32>
    %ne3A_2092 = arith.constant 0 : i32
    %ne3A_2093 = vector.broadcast %ne3A_2092 : i32 to vector<8x4096xi32>
    %ne3A_2094 = arith.cmpi ne, %and3A_2091, %ne3A_2093 : vector<8x4096xi32>
    %select_n3A_2095 = arith.select %ne3A_2088, %concatenate3A_2076, %concatenate3A_2073 : vector<8x4096xi1>, vector<8x4096xf32>
    %select_n3A_2096 = arith.select %ne3A_2088, %concatenate3A_2082, %concatenate3A_2079 : vector<8x4096xi1>, vector<8x4096xf32>
    %gt3A_2097 = arith.cmpf ogt, %select_n3A_2095, %select_n3A_2069 : vector<8x4096xf32>
    %eq3A_2098 = arith.cmpf oeq, %select_n3A_2095, %select_n3A_2069 : vector<8x4096xf32>
    %lt3A_2099 = arith.cmpf olt, %select_n3A_2096, %select_n3A_2070 : vector<8x4096xf32>
    %and3A_2100 = arith.andi %eq3A_2098, %lt3A_2099 : vector<8x4096xi1>
    %or3A_2101 = arith.ori %gt3A_2097, %and3A_2100 : vector<8x4096xi1>
    %xor3A_2102 = arith.xori %or3A_2101, %ne3A_2088 : vector<8x4096xi1>
    %xor3A_2103 = arith.xori %xor3A_2102, %ne3A_2094 : vector<8x4096xi1>
    %select_n3A_2104 = arith.select %xor3A_2103, %select_n3A_2095, %select_n3A_2069 : vector<8x4096xi1>, vector<8x4096xf32>
    %select_n3A_2105 = arith.select %xor3A_2103, %select_n3A_2096, %select_n3A_2070 : vector<8x4096xi1>, vector<8x4096xf32>
    %slice3A_2106 = vector.extract_strided_slice %select_n3A_2104 {offsets = [0, 64], sizes = [8, 4032], strides = [1, 1]} : vector<8x4096xf32> to vector<8x4032xf32>
    %slice3A_2107 = vector.extract_strided_slice %select_n3A_2104 {offsets = [0, 0], sizes = [8, 64], strides = [1, 1]} : vector<8x4096xf32> to vector<8x64xf32>
    %concatenate3A_2108 = tpu.concatenate %slice3A_2106, %slice3A_2107 in 1 : vector<8x4032xf32>, vector<8x64xf32> -> vector<8x4096xf32>
    %slice3A_2109 = vector.extract_strided_slice %select_n3A_2104 {offsets = [0, 4032], sizes = [8, 64], strides = [1, 1]} : vector<8x4096xf32> to vector<8x64xf32>
    %slice3A_2110 = vector.extract_strided_slice %select_n3A_2104 {offsets = [0, 0], sizes = [8, 4032], strides = [1, 1]} : vector<8x4096xf32> to vector<8x4032xf32>
    %concatenate3A_2111 = tpu.concatenate %slice3A_2109, %slice3A_2110 in 1 : vector<8x64xf32>, vector<8x4032xf32> -> vector<8x4096xf32>
    %slice3A_2112 = vector.extract_strided_slice %select_n3A_2105 {offsets = [0, 64], sizes = [8, 4032], strides = [1, 1]} : vector<8x4096xf32> to vector<8x4032xf32>
    %slice3A_2113 = vector.extract_strided_slice %select_n3A_2105 {offsets = [0, 0], sizes = [8, 64], strides = [1, 1]} : vector<8x4096xf32> to vector<8x64xf32>
    %concatenate3A_2114 = tpu.concatenate %slice3A_2112, %slice3A_2113 in 1 : vector<8x4032xf32>, vector<8x64xf32> -> vector<8x4096xf32>
    %slice3A_2115 = vector.extract_strided_slice %select_n3A_2105 {offsets = [0, 4032], sizes = [8, 64], strides = [1, 1]} : vector<8x4096xf32> to vector<8x64xf32>
    %slice3A_2116 = vector.extract_strided_slice %select_n3A_2105 {offsets = [0, 0], sizes = [8, 4032], strides = [1, 1]} : vector<8x4096xf32> to vector<8x4032xf32>
    %concatenate3A_2117 = tpu.concatenate %slice3A_2115, %slice3A_2116 in 1 : vector<8x64xf32>, vector<8x4032xf32> -> vector<8x4096xf32>
    %and3A_2118 = arith.constant 64 : i32
    %and3A_2119 = vector.broadcast %and3A_2118 : i32 to vector<8x4096xi32>
    %and3A_2120 = arith.andi %add3A_44, %and3A_2119 : vector<8x4096xi32>
    %ne3A_2121 = arith.constant 0 : i32
    %ne3A_2122 = vector.broadcast %ne3A_2121 : i32 to vector<8x4096xi32>
    %ne3A_2123 = arith.cmpi ne, %and3A_2120, %ne3A_2122 : vector<8x4096xi32>
    %and3A_2124 = arith.constant 2048 : i32
    %and3A_2125 = vector.broadcast %and3A_2124 : i32 to vector<8x4096xi32>
    %and3A_2126 = arith.andi %add3A_44, %and3A_2125 : vector<8x4096xi32>
    %ne3A_2127 = arith.constant 0 : i32
    %ne3A_2128 = vector.broadcast %ne3A_2127 : i32 to vector<8x4096xi32>
    %ne3A_2129 = arith.cmpi ne, %and3A_2126, %ne3A_2128 : vector<8x4096xi32>
    %select_n3A_2130 = arith.select %ne3A_2123, %concatenate3A_2111, %concatenate3A_2108 : vector<8x4096xi1>, vector<8x4096xf32>
    %select_n3A_2131 = arith.select %ne3A_2123, %concatenate3A_2117, %concatenate3A_2114 : vector<8x4096xi1>, vector<8x4096xf32>
    %gt3A_2132 = arith.cmpf ogt, %select_n3A_2130, %select_n3A_2104 : vector<8x4096xf32>
    %eq3A_2133 = arith.cmpf oeq, %select_n3A_2130, %select_n3A_2104 : vector<8x4096xf32>
    %lt3A_2134 = arith.cmpf olt, %select_n3A_2131, %select_n3A_2105 : vector<8x4096xf32>
    %and3A_2135 = arith.andi %eq3A_2133, %lt3A_2134 : vector<8x4096xi1>
    %or3A_2136 = arith.ori %gt3A_2132, %and3A_2135 : vector<8x4096xi1>
    %xor3A_2137 = arith.xori %or3A_2136, %ne3A_2123 : vector<8x4096xi1>
    %xor3A_2138 = arith.xori %xor3A_2137, %ne3A_2129 : vector<8x4096xi1>
    %select_n3A_2139 = arith.select %xor3A_2138, %select_n3A_2130, %select_n3A_2104 : vector<8x4096xi1>, vector<8x4096xf32>
    %select_n3A_2140 = arith.select %xor3A_2138, %select_n3A_2131, %select_n3A_2105 : vector<8x4096xi1>, vector<8x4096xf32>
    %slice3A_2141 = vector.extract_strided_slice %select_n3A_2139 {offsets = [0, 32], sizes = [8, 4064], strides = [1, 1]} : vector<8x4096xf32> to vector<8x4064xf32>
    %slice3A_2142 = vector.extract_strided_slice %select_n3A_2139 {offsets = [0, 0], sizes = [8, 32], strides = [1, 1]} : vector<8x4096xf32> to vector<8x32xf32>
    %concatenate3A_2143 = tpu.concatenate %slice3A_2141, %slice3A_2142 in 1 : vector<8x4064xf32>, vector<8x32xf32> -> vector<8x4096xf32>
    %slice3A_2144 = vector.extract_strided_slice %select_n3A_2139 {offsets = [0, 4064], sizes = [8, 32], strides = [1, 1]} : vector<8x4096xf32> to vector<8x32xf32>
    %slice3A_2145 = vector.extract_strided_slice %select_n3A_2139 {offsets = [0, 0], sizes = [8, 4064], strides = [1, 1]} : vector<8x4096xf32> to vector<8x4064xf32>
    %concatenate3A_2146 = tpu.concatenate %slice3A_2144, %slice3A_2145 in 1 : vector<8x32xf32>, vector<8x4064xf32> -> vector<8x4096xf32>
    %slice3A_2147 = vector.extract_strided_slice %select_n3A_2140 {offsets = [0, 32], sizes = [8, 4064], strides = [1, 1]} : vector<8x4096xf32> to vector<8x4064xf32>
    %slice3A_2148 = vector.extract_strided_slice %select_n3A_2140 {offsets = [0, 0], sizes = [8, 32], strides = [1, 1]} : vector<8x4096xf32> to vector<8x32xf32>
    %concatenate3A_2149 = tpu.concatenate %slice3A_2147, %slice3A_2148 in 1 : vector<8x4064xf32>, vector<8x32xf32> -> vector<8x4096xf32>
    %slice3A_2150 = vector.extract_strided_slice %select_n3A_2140 {offsets = [0, 4064], sizes = [8, 32], strides = [1, 1]} : vector<8x4096xf32> to vector<8x32xf32>
    %slice3A_2151 = vector.extract_strided_slice %select_n3A_2140 {offsets = [0, 0], sizes = [8, 4064], strides = [1, 1]} : vector<8x4096xf32> to vector<8x4064xf32>
    %concatenate3A_2152 = tpu.concatenate %slice3A_2150, %slice3A_2151 in 1 : vector<8x32xf32>, vector<8x4064xf32> -> vector<8x4096xf32>
    %and3A_2153 = arith.constant 32 : i32
    %and3A_2154 = vector.broadcast %and3A_2153 : i32 to vector<8x4096xi32>
    %and3A_2155 = arith.andi %add3A_44, %and3A_2154 : vector<8x4096xi32>
    %ne3A_2156 = arith.constant 0 : i32
    %ne3A_2157 = vector.broadcast %ne3A_2156 : i32 to vector<8x4096xi32>
    %ne3A_2158 = arith.cmpi ne, %and3A_2155, %ne3A_2157 : vector<8x4096xi32>
    %and3A_2159 = arith.constant 2048 : i32
    %and3A_2160 = vector.broadcast %and3A_2159 : i32 to vector<8x4096xi32>
    %and3A_2161 = arith.andi %add3A_44, %and3A_2160 : vector<8x4096xi32>
    %ne3A_2162 = arith.constant 0 : i32
    %ne3A_2163 = vector.broadcast %ne3A_2162 : i32 to vector<8x4096xi32>
    %ne3A_2164 = arith.cmpi ne, %and3A_2161, %ne3A_2163 : vector<8x4096xi32>
    %select_n3A_2165 = arith.select %ne3A_2158, %concatenate3A_2146, %concatenate3A_2143 : vector<8x4096xi1>, vector<8x4096xf32>
    %select_n3A_2166 = arith.select %ne3A_2158, %concatenate3A_2152, %concatenate3A_2149 : vector<8x4096xi1>, vector<8x4096xf32>
    %gt3A_2167 = arith.cmpf ogt, %select_n3A_2165, %select_n3A_2139 : vector<8x4096xf32>
    %eq3A_2168 = arith.cmpf oeq, %select_n3A_2165, %select_n3A_2139 : vector<8x4096xf32>
    %lt3A_2169 = arith.cmpf olt, %select_n3A_2166, %select_n3A_2140 : vector<8x4096xf32>
    %and3A_2170 = arith.andi %eq3A_2168, %lt3A_2169 : vector<8x4096xi1>
    %or3A_2171 = arith.ori %gt3A_2167, %and3A_2170 : vector<8x4096xi1>
    %xor3A_2172 = arith.xori %or3A_2171, %ne3A_2158 : vector<8x4096xi1>
    %xor3A_2173 = arith.xori %xor3A_2172, %ne3A_2164 : vector<8x4096xi1>
    %select_n3A_2174 = arith.select %xor3A_2173, %select_n3A_2165, %select_n3A_2139 : vector<8x4096xi1>, vector<8x4096xf32>
    %select_n3A_2175 = arith.select %xor3A_2173, %select_n3A_2166, %select_n3A_2140 : vector<8x4096xi1>, vector<8x4096xf32>
    %slice3A_2176 = vector.extract_strided_slice %select_n3A_2174 {offsets = [0, 16], sizes = [8, 4080], strides = [1, 1]} : vector<8x4096xf32> to vector<8x4080xf32>
    %slice3A_2177 = vector.extract_strided_slice %select_n3A_2174 {offsets = [0, 0], sizes = [8, 16], strides = [1, 1]} : vector<8x4096xf32> to vector<8x16xf32>
    %concatenate3A_2178 = tpu.concatenate %slice3A_2176, %slice3A_2177 in 1 : vector<8x4080xf32>, vector<8x16xf32> -> vector<8x4096xf32>
    %slice3A_2179 = vector.extract_strided_slice %select_n3A_2174 {offsets = [0, 4080], sizes = [8, 16], strides = [1, 1]} : vector<8x4096xf32> to vector<8x16xf32>
    %slice3A_2180 = vector.extract_strided_slice %select_n3A_2174 {offsets = [0, 0], sizes = [8, 4080], strides = [1, 1]} : vector<8x4096xf32> to vector<8x4080xf32>
    %concatenate3A_2181 = tpu.concatenate %slice3A_2179, %slice3A_2180 in 1 : vector<8x16xf32>, vector<8x4080xf32> -> vector<8x4096xf32>
    %slice3A_2182 = vector.extract_strided_slice %select_n3A_2175 {offsets = [0, 16], sizes = [8, 4080], strides = [1, 1]} : vector<8x4096xf32> to vector<8x4080xf32>
    %slice3A_2183 = vector.extract_strided_slice %select_n3A_2175 {offsets = [0, 0], sizes = [8, 16], strides = [1, 1]} : vector<8x4096xf32> to vector<8x16xf32>
    %concatenate3A_2184 = tpu.concatenate %slice3A_2182, %slice3A_2183 in 1 : vector<8x4080xf32>, vector<8x16xf32> -> vector<8x4096xf32>
    %slice3A_2185 = vector.extract_strided_slice %select_n3A_2175 {offsets = [0, 4080], sizes = [8, 16], strides = [1, 1]} : vector<8x4096xf32> to vector<8x16xf32>
    %slice3A_2186 = vector.extract_strided_slice %select_n3A_2175 {offsets = [0, 0], sizes = [8, 4080], strides = [1, 1]} : vector<8x4096xf32> to vector<8x4080xf32>
    %concatenate3A_2187 = tpu.concatenate %slice3A_2185, %slice3A_2186 in 1 : vector<8x16xf32>, vector<8x4080xf32> -> vector<8x4096xf32>
    %and3A_2188 = arith.constant 16 : i32
    %and3A_2189 = vector.broadcast %and3A_2188 : i32 to vector<8x4096xi32>
    %and3A_2190 = arith.andi %add3A_44, %and3A_2189 : vector<8x4096xi32>
    %ne3A_2191 = arith.constant 0 : i32
    %ne3A_2192 = vector.broadcast %ne3A_2191 : i32 to vector<8x4096xi32>
    %ne3A_2193 = arith.cmpi ne, %and3A_2190, %ne3A_2192 : vector<8x4096xi32>
    %and3A_2194 = arith.constant 2048 : i32
    %and3A_2195 = vector.broadcast %and3A_2194 : i32 to vector<8x4096xi32>
    %and3A_2196 = arith.andi %add3A_44, %and3A_2195 : vector<8x4096xi32>
    %ne3A_2197 = arith.constant 0 : i32
    %ne3A_2198 = vector.broadcast %ne3A_2197 : i32 to vector<8x4096xi32>
    %ne3A_2199 = arith.cmpi ne, %and3A_2196, %ne3A_2198 : vector<8x4096xi32>
    %select_n3A_2200 = arith.select %ne3A_2193, %concatenate3A_2181, %concatenate3A_2178 : vector<8x4096xi1>, vector<8x4096xf32>
    %select_n3A_2201 = arith.select %ne3A_2193, %concatenate3A_2187, %concatenate3A_2184 : vector<8x4096xi1>, vector<8x4096xf32>
    %gt3A_2202 = arith.cmpf ogt, %select_n3A_2200, %select_n3A_2174 : vector<8x4096xf32>
    %eq3A_2203 = arith.cmpf oeq, %select_n3A_2200, %select_n3A_2174 : vector<8x4096xf32>
    %lt3A_2204 = arith.cmpf olt, %select_n3A_2201, %select_n3A_2175 : vector<8x4096xf32>
    %and3A_2205 = arith.andi %eq3A_2203, %lt3A_2204 : vector<8x4096xi1>
    %or3A_2206 = arith.ori %gt3A_2202, %and3A_2205 : vector<8x4096xi1>
    %xor3A_2207 = arith.xori %or3A_2206, %ne3A_2193 : vector<8x4096xi1>
    %xor3A_2208 = arith.xori %xor3A_2207, %ne3A_2199 : vector<8x4096xi1>
    %select_n3A_2209 = arith.select %xor3A_2208, %select_n3A_2200, %select_n3A_2174 : vector<8x4096xi1>, vector<8x4096xf32>
    %select_n3A_2210 = arith.select %xor3A_2208, %select_n3A_2201, %select_n3A_2175 : vector<8x4096xi1>, vector<8x4096xf32>
    %slice3A_2211 = vector.extract_strided_slice %select_n3A_2209 {offsets = [0, 8], sizes = [8, 4088], strides = [1, 1]} : vector<8x4096xf32> to vector<8x4088xf32>
    %slice3A_2212 = vector.extract_strided_slice %select_n3A_2209 {offsets = [0, 0], sizes = [8, 8], strides = [1, 1]} : vector<8x4096xf32> to vector<8x8xf32>
    %concatenate3A_2213 = tpu.concatenate %slice3A_2211, %slice3A_2212 in 1 : vector<8x4088xf32>, vector<8x8xf32> -> vector<8x4096xf32>
    %slice3A_2214 = vector.extract_strided_slice %select_n3A_2209 {offsets = [0, 4088], sizes = [8, 8], strides = [1, 1]} : vector<8x4096xf32> to vector<8x8xf32>
    %slice3A_2215 = vector.extract_strided_slice %select_n3A_2209 {offsets = [0, 0], sizes = [8, 4088], strides = [1, 1]} : vector<8x4096xf32> to vector<8x4088xf32>
    %concatenate3A_2216 = tpu.concatenate %slice3A_2214, %slice3A_2215 in 1 : vector<8x8xf32>, vector<8x4088xf32> -> vector<8x4096xf32>
    %slice3A_2217 = vector.extract_strided_slice %select_n3A_2210 {offsets = [0, 8], sizes = [8, 4088], strides = [1, 1]} : vector<8x4096xf32> to vector<8x4088xf32>
    %slice3A_2218 = vector.extract_strided_slice %select_n3A_2210 {offsets = [0, 0], sizes = [8, 8], strides = [1, 1]} : vector<8x4096xf32> to vector<8x8xf32>
    %concatenate3A_2219 = tpu.concatenate %slice3A_2217, %slice3A_2218 in 1 : vector<8x4088xf32>, vector<8x8xf32> -> vector<8x4096xf32>
    %slice3A_2220 = vector.extract_strided_slice %select_n3A_2210 {offsets = [0, 4088], sizes = [8, 8], strides = [1, 1]} : vector<8x4096xf32> to vector<8x8xf32>
    %slice3A_2221 = vector.extract_strided_slice %select_n3A_2210 {offsets = [0, 0], sizes = [8, 4088], strides = [1, 1]} : vector<8x4096xf32> to vector<8x4088xf32>
    %concatenate3A_2222 = tpu.concatenate %slice3A_2220, %slice3A_2221 in 1 : vector<8x8xf32>, vector<8x4088xf32> -> vector<8x4096xf32>
    %and3A_2223 = arith.constant 8 : i32
    %and3A_2224 = vector.broadcast %and3A_2223 : i32 to vector<8x4096xi32>
    %and3A_2225 = arith.andi %add3A_44, %and3A_2224 : vector<8x4096xi32>
    %ne3A_2226 = arith.constant 0 : i32
    %ne3A_2227 = vector.broadcast %ne3A_2226 : i32 to vector<8x4096xi32>
    %ne3A_2228 = arith.cmpi ne, %and3A_2225, %ne3A_2227 : vector<8x4096xi32>
    %and3A_2229 = arith.constant 2048 : i32
    %and3A_2230 = vector.broadcast %and3A_2229 : i32 to vector<8x4096xi32>
    %and3A_2231 = arith.andi %add3A_44, %and3A_2230 : vector<8x4096xi32>
    %ne3A_2232 = arith.constant 0 : i32
    %ne3A_2233 = vector.broadcast %ne3A_2232 : i32 to vector<8x4096xi32>
    %ne3A_2234 = arith.cmpi ne, %and3A_2231, %ne3A_2233 : vector<8x4096xi32>
    %select_n3A_2235 = arith.select %ne3A_2228, %concatenate3A_2216, %concatenate3A_2213 : vector<8x4096xi1>, vector<8x4096xf32>
    %select_n3A_2236 = arith.select %ne3A_2228, %concatenate3A_2222, %concatenate3A_2219 : vector<8x4096xi1>, vector<8x4096xf32>
    %gt3A_2237 = arith.cmpf ogt, %select_n3A_2235, %select_n3A_2209 : vector<8x4096xf32>
    %eq3A_2238 = arith.cmpf oeq, %select_n3A_2235, %select_n3A_2209 : vector<8x4096xf32>
    %lt3A_2239 = arith.cmpf olt, %select_n3A_2236, %select_n3A_2210 : vector<8x4096xf32>
    %and3A_2240 = arith.andi %eq3A_2238, %lt3A_2239 : vector<8x4096xi1>
    %or3A_2241 = arith.ori %gt3A_2237, %and3A_2240 : vector<8x4096xi1>
    %xor3A_2242 = arith.xori %or3A_2241, %ne3A_2228 : vector<8x4096xi1>
    %xor3A_2243 = arith.xori %xor3A_2242, %ne3A_2234 : vector<8x4096xi1>
    %select_n3A_2244 = arith.select %xor3A_2243, %select_n3A_2235, %select_n3A_2209 : vector<8x4096xi1>, vector<8x4096xf32>
    %select_n3A_2245 = arith.select %xor3A_2243, %select_n3A_2236, %select_n3A_2210 : vector<8x4096xi1>, vector<8x4096xf32>
    %slice3A_2246 = vector.extract_strided_slice %select_n3A_2244 {offsets = [0, 4], sizes = [8, 4092], strides = [1, 1]} : vector<8x4096xf32> to vector<8x4092xf32>
    %slice3A_2247 = vector.extract_strided_slice %select_n3A_2244 {offsets = [0, 0], sizes = [8, 4], strides = [1, 1]} : vector<8x4096xf32> to vector<8x4xf32>
    %concatenate3A_2248 = tpu.concatenate %slice3A_2246, %slice3A_2247 in 1 : vector<8x4092xf32>, vector<8x4xf32> -> vector<8x4096xf32>
    %slice3A_2249 = vector.extract_strided_slice %select_n3A_2244 {offsets = [0, 4092], sizes = [8, 4], strides = [1, 1]} : vector<8x4096xf32> to vector<8x4xf32>
    %slice3A_2250 = vector.extract_strided_slice %select_n3A_2244 {offsets = [0, 0], sizes = [8, 4092], strides = [1, 1]} : vector<8x4096xf32> to vector<8x4092xf32>
    %concatenate3A_2251 = tpu.concatenate %slice3A_2249, %slice3A_2250 in 1 : vector<8x4xf32>, vector<8x4092xf32> -> vector<8x4096xf32>
    %slice3A_2252 = vector.extract_strided_slice %select_n3A_2245 {offsets = [0, 4], sizes = [8, 4092], strides = [1, 1]} : vector<8x4096xf32> to vector<8x4092xf32>
    %slice3A_2253 = vector.extract_strided_slice %select_n3A_2245 {offsets = [0, 0], sizes = [8, 4], strides = [1, 1]} : vector<8x4096xf32> to vector<8x4xf32>
    %concatenate3A_2254 = tpu.concatenate %slice3A_2252, %slice3A_2253 in 1 : vector<8x4092xf32>, vector<8x4xf32> -> vector<8x4096xf32>
    %slice3A_2255 = vector.extract_strided_slice %select_n3A_2245 {offsets = [0, 4092], sizes = [8, 4], strides = [1, 1]} : vector<8x4096xf32> to vector<8x4xf32>
    %slice3A_2256 = vector.extract_strided_slice %select_n3A_2245 {offsets = [0, 0], sizes = [8, 4092], strides = [1, 1]} : vector<8x4096xf32> to vector<8x4092xf32>
    %concatenate3A_2257 = tpu.concatenate %slice3A_2255, %slice3A_2256 in 1 : vector<8x4xf32>, vector<8x4092xf32> -> vector<8x4096xf32>
    %and3A_2258 = arith.constant 4 : i32
    %and3A_2259 = vector.broadcast %and3A_2258 : i32 to vector<8x4096xi32>
    %and3A_2260 = arith.andi %add3A_44, %and3A_2259 : vector<8x4096xi32>
    %ne3A_2261 = arith.constant 0 : i32
    %ne3A_2262 = vector.broadcast %ne3A_2261 : i32 to vector<8x4096xi32>
    %ne3A_2263 = arith.cmpi ne, %and3A_2260, %ne3A_2262 : vector<8x4096xi32>
    %and3A_2264 = arith.constant 2048 : i32
    %and3A_2265 = vector.broadcast %and3A_2264 : i32 to vector<8x4096xi32>
    %and3A_2266 = arith.andi %add3A_44, %and3A_2265 : vector<8x4096xi32>
    %ne3A_2267 = arith.constant 0 : i32
    %ne3A_2268 = vector.broadcast %ne3A_2267 : i32 to vector<8x4096xi32>
    %ne3A_2269 = arith.cmpi ne, %and3A_2266, %ne3A_2268 : vector<8x4096xi32>
    %select_n3A_2270 = arith.select %ne3A_2263, %concatenate3A_2251, %concatenate3A_2248 : vector<8x4096xi1>, vector<8x4096xf32>
    %select_n3A_2271 = arith.select %ne3A_2263, %concatenate3A_2257, %concatenate3A_2254 : vector<8x4096xi1>, vector<8x4096xf32>
    %gt3A_2272 = arith.cmpf ogt, %select_n3A_2270, %select_n3A_2244 : vector<8x4096xf32>
    %eq3A_2273 = arith.cmpf oeq, %select_n3A_2270, %select_n3A_2244 : vector<8x4096xf32>
    %lt3A_2274 = arith.cmpf olt, %select_n3A_2271, %select_n3A_2245 : vector<8x4096xf32>
    %and3A_2275 = arith.andi %eq3A_2273, %lt3A_2274 : vector<8x4096xi1>
    %or3A_2276 = arith.ori %gt3A_2272, %and3A_2275 : vector<8x4096xi1>
    %xor3A_2277 = arith.xori %or3A_2276, %ne3A_2263 : vector<8x4096xi1>
    %xor3A_2278 = arith.xori %xor3A_2277, %ne3A_2269 : vector<8x4096xi1>
    %select_n3A_2279 = arith.select %xor3A_2278, %select_n3A_2270, %select_n3A_2244 : vector<8x4096xi1>, vector<8x4096xf32>
    %select_n3A_2280 = arith.select %xor3A_2278, %select_n3A_2271, %select_n3A_2245 : vector<8x4096xi1>, vector<8x4096xf32>
    %slice3A_2281 = vector.extract_strided_slice %select_n3A_2279 {offsets = [0, 2], sizes = [8, 4094], strides = [1, 1]} : vector<8x4096xf32> to vector<8x4094xf32>
    %slice3A_2282 = vector.extract_strided_slice %select_n3A_2279 {offsets = [0, 0], sizes = [8, 2], strides = [1, 1]} : vector<8x4096xf32> to vector<8x2xf32>
    %concatenate3A_2283 = tpu.concatenate %slice3A_2281, %slice3A_2282 in 1 : vector<8x4094xf32>, vector<8x2xf32> -> vector<8x4096xf32>
    %slice3A_2284 = vector.extract_strided_slice %select_n3A_2279 {offsets = [0, 4094], sizes = [8, 2], strides = [1, 1]} : vector<8x4096xf32> to vector<8x2xf32>
    %slice3A_2285 = vector.extract_strided_slice %select_n3A_2279 {offsets = [0, 0], sizes = [8, 4094], strides = [1, 1]} : vector<8x4096xf32> to vector<8x4094xf32>
    %concatenate3A_2286 = tpu.concatenate %slice3A_2284, %slice3A_2285 in 1 : vector<8x2xf32>, vector<8x4094xf32> -> vector<8x4096xf32>
    %slice3A_2287 = vector.extract_strided_slice %select_n3A_2280 {offsets = [0, 2], sizes = [8, 4094], strides = [1, 1]} : vector<8x4096xf32> to vector<8x4094xf32>
    %slice3A_2288 = vector.extract_strided_slice %select_n3A_2280 {offsets = [0, 0], sizes = [8, 2], strides = [1, 1]} : vector<8x4096xf32> to vector<8x2xf32>
    %concatenate3A_2289 = tpu.concatenate %slice3A_2287, %slice3A_2288 in 1 : vector<8x4094xf32>, vector<8x2xf32> -> vector<8x4096xf32>
    %slice3A_2290 = vector.extract_strided_slice %select_n3A_2280 {offsets = [0, 4094], sizes = [8, 2], strides = [1, 1]} : vector<8x4096xf32> to vector<8x2xf32>
    %slice3A_2291 = vector.extract_strided_slice %select_n3A_2280 {offsets = [0, 0], sizes = [8, 4094], strides = [1, 1]} : vector<8x4096xf32> to vector<8x4094xf32>
    %concatenate3A_2292 = tpu.concatenate %slice3A_2290, %slice3A_2291 in 1 : vector<8x2xf32>, vector<8x4094xf32> -> vector<8x4096xf32>
    %and3A_2293 = arith.constant 2 : i32
    %and3A_2294 = vector.broadcast %and3A_2293 : i32 to vector<8x4096xi32>
    %and3A_2295 = arith.andi %add3A_44, %and3A_2294 : vector<8x4096xi32>
    %ne3A_2296 = arith.constant 0 : i32
    %ne3A_2297 = vector.broadcast %ne3A_2296 : i32 to vector<8x4096xi32>
    %ne3A_2298 = arith.cmpi ne, %and3A_2295, %ne3A_2297 : vector<8x4096xi32>
    %and3A_2299 = arith.constant 2048 : i32
    %and3A_2300 = vector.broadcast %and3A_2299 : i32 to vector<8x4096xi32>
    %and3A_2301 = arith.andi %add3A_44, %and3A_2300 : vector<8x4096xi32>
    %ne3A_2302 = arith.constant 0 : i32
    %ne3A_2303 = vector.broadcast %ne3A_2302 : i32 to vector<8x4096xi32>
    %ne3A_2304 = arith.cmpi ne, %and3A_2301, %ne3A_2303 : vector<8x4096xi32>
    %select_n3A_2305 = arith.select %ne3A_2298, %concatenate3A_2286, %concatenate3A_2283 : vector<8x4096xi1>, vector<8x4096xf32>
    %select_n3A_2306 = arith.select %ne3A_2298, %concatenate3A_2292, %concatenate3A_2289 : vector<8x4096xi1>, vector<8x4096xf32>
    %gt3A_2307 = arith.cmpf ogt, %select_n3A_2305, %select_n3A_2279 : vector<8x4096xf32>
    %eq3A_2308 = arith.cmpf oeq, %select_n3A_2305, %select_n3A_2279 : vector<8x4096xf32>
    %lt3A_2309 = arith.cmpf olt, %select_n3A_2306, %select_n3A_2280 : vector<8x4096xf32>
    %and3A_2310 = arith.andi %eq3A_2308, %lt3A_2309 : vector<8x4096xi1>
    %or3A_2311 = arith.ori %gt3A_2307, %and3A_2310 : vector<8x4096xi1>
    %xor3A_2312 = arith.xori %or3A_2311, %ne3A_2298 : vector<8x4096xi1>
    %xor3A_2313 = arith.xori %xor3A_2312, %ne3A_2304 : vector<8x4096xi1>
    %select_n3A_2314 = arith.select %xor3A_2313, %select_n3A_2305, %select_n3A_2279 : vector<8x4096xi1>, vector<8x4096xf32>
    %select_n3A_2315 = arith.select %xor3A_2313, %select_n3A_2306, %select_n3A_2280 : vector<8x4096xi1>, vector<8x4096xf32>
    %slice3A_2316 = vector.extract_strided_slice %select_n3A_2314 {offsets = [0, 1], sizes = [8, 4095], strides = [1, 1]} : vector<8x4096xf32> to vector<8x4095xf32>
    %slice3A_2317 = vector.extract_strided_slice %select_n3A_2314 {offsets = [0, 0], sizes = [8, 1], strides = [1, 1]} : vector<8x4096xf32> to vector<8x1xf32>
    %concatenate3A_2318 = tpu.concatenate %slice3A_2316, %slice3A_2317 in 1 : vector<8x4095xf32>, vector<8x1xf32> -> vector<8x4096xf32>
    %slice3A_2319 = vector.extract_strided_slice %select_n3A_2314 {offsets = [0, 4095], sizes = [8, 1], strides = [1, 1]} : vector<8x4096xf32> to vector<8x1xf32>
    %slice3A_2320 = vector.extract_strided_slice %select_n3A_2314 {offsets = [0, 0], sizes = [8, 4095], strides = [1, 1]} : vector<8x4096xf32> to vector<8x4095xf32>
    %concatenate3A_2321 = tpu.concatenate %slice3A_2319, %slice3A_2320 in 1 : vector<8x1xf32>, vector<8x4095xf32> -> vector<8x4096xf32>
    %slice3A_2322 = vector.extract_strided_slice %select_n3A_2315 {offsets = [0, 1], sizes = [8, 4095], strides = [1, 1]} : vector<8x4096xf32> to vector<8x4095xf32>
    %slice3A_2323 = vector.extract_strided_slice %select_n3A_2315 {offsets = [0, 0], sizes = [8, 1], strides = [1, 1]} : vector<8x4096xf32> to vector<8x1xf32>
    %concatenate3A_2324 = tpu.concatenate %slice3A_2322, %slice3A_2323 in 1 : vector<8x4095xf32>, vector<8x1xf32> -> vector<8x4096xf32>
    %slice3A_2325 = vector.extract_strided_slice %select_n3A_2315 {offsets = [0, 4095], sizes = [8, 1], strides = [1, 1]} : vector<8x4096xf32> to vector<8x1xf32>
    %slice3A_2326 = vector.extract_strided_slice %select_n3A_2315 {offsets = [0, 0], sizes = [8, 4095], strides = [1, 1]} : vector<8x4096xf32> to vector<8x4095xf32>
    %concatenate3A_2327 = tpu.concatenate %slice3A_2325, %slice3A_2326 in 1 : vector<8x1xf32>, vector<8x4095xf32> -> vector<8x4096xf32>
    %and3A_2328 = arith.constant 1 : i32
    %and3A_2329 = vector.broadcast %and3A_2328 : i32 to vector<8x4096xi32>
    %and3A_2330 = arith.andi %add3A_44, %and3A_2329 : vector<8x4096xi32>
    %ne3A_2331 = arith.constant 0 : i32
    %ne3A_2332 = vector.broadcast %ne3A_2331 : i32 to vector<8x4096xi32>
    %ne3A_2333 = arith.cmpi ne, %and3A_2330, %ne3A_2332 : vector<8x4096xi32>
    %and3A_2334 = arith.constant 2048 : i32
    %and3A_2335 = vector.broadcast %and3A_2334 : i32 to vector<8x4096xi32>
    %and3A_2336 = arith.andi %add3A_44, %and3A_2335 : vector<8x4096xi32>
    %ne3A_2337 = arith.constant 0 : i32
    %ne3A_2338 = vector.broadcast %ne3A_2337 : i32 to vector<8x4096xi32>
    %ne3A_2339 = arith.cmpi ne, %and3A_2336, %ne3A_2338 : vector<8x4096xi32>
    %select_n3A_2340 = arith.select %ne3A_2333, %concatenate3A_2321, %concatenate3A_2318 : vector<8x4096xi1>, vector<8x4096xf32>
    %select_n3A_2341 = arith.select %ne3A_2333, %concatenate3A_2327, %concatenate3A_2324 : vector<8x4096xi1>, vector<8x4096xf32>
    %gt3A_2342 = arith.cmpf ogt, %select_n3A_2340, %select_n3A_2314 : vector<8x4096xf32>
    %eq3A_2343 = arith.cmpf oeq, %select_n3A_2340, %select_n3A_2314 : vector<8x4096xf32>
    %lt3A_2344 = arith.cmpf olt, %select_n3A_2341, %select_n3A_2315 : vector<8x4096xf32>
    %and3A_2345 = arith.andi %eq3A_2343, %lt3A_2344 : vector<8x4096xi1>
    %or3A_2346 = arith.ori %gt3A_2342, %and3A_2345 : vector<8x4096xi1>
    %xor3A_2347 = arith.xori %or3A_2346, %ne3A_2333 : vector<8x4096xi1>
    %xor3A_2348 = arith.xori %xor3A_2347, %ne3A_2339 : vector<8x4096xi1>
    %select_n3A_2349 = arith.select %xor3A_2348, %select_n3A_2340, %select_n3A_2314 : vector<8x4096xi1>, vector<8x4096xf32>
    %select_n3A_2350 = arith.select %xor3A_2348, %select_n3A_2341, %select_n3A_2315 : vector<8x4096xi1>, vector<8x4096xf32>
    %slice3A_2351 = vector.extract_strided_slice %select_n3A_2349 {offsets = [0, 2048], sizes = [8, 2048], strides = [1, 1]} : vector<8x4096xf32> to vector<8x2048xf32>
    %slice3A_2352 = vector.extract_strided_slice %select_n3A_2349 {offsets = [0, 0], sizes = [8, 2048], strides = [1, 1]} : vector<8x4096xf32> to vector<8x2048xf32>
    %concatenate3A_2353 = tpu.concatenate %slice3A_2351, %slice3A_2352 in 1 : vector<8x2048xf32>, vector<8x2048xf32> -> vector<8x4096xf32>
    %slice3A_2354 = vector.extract_strided_slice %select_n3A_2349 {offsets = [0, 2048], sizes = [8, 2048], strides = [1, 1]} : vector<8x4096xf32> to vector<8x2048xf32>
    %slice3A_2355 = vector.extract_strided_slice %select_n3A_2349 {offsets = [0, 0], sizes = [8, 2048], strides = [1, 1]} : vector<8x4096xf32> to vector<8x2048xf32>
    %concatenate3A_2356 = tpu.concatenate %slice3A_2354, %slice3A_2355 in 1 : vector<8x2048xf32>, vector<8x2048xf32> -> vector<8x4096xf32>
    %slice3A_2357 = vector.extract_strided_slice %select_n3A_2350 {offsets = [0, 2048], sizes = [8, 2048], strides = [1, 1]} : vector<8x4096xf32> to vector<8x2048xf32>
    %slice3A_2358 = vector.extract_strided_slice %select_n3A_2350 {offsets = [0, 0], sizes = [8, 2048], strides = [1, 1]} : vector<8x4096xf32> to vector<8x2048xf32>
    %concatenate3A_2359 = tpu.concatenate %slice3A_2357, %slice3A_2358 in 1 : vector<8x2048xf32>, vector<8x2048xf32> -> vector<8x4096xf32>
    %slice3A_2360 = vector.extract_strided_slice %select_n3A_2350 {offsets = [0, 2048], sizes = [8, 2048], strides = [1, 1]} : vector<8x4096xf32> to vector<8x2048xf32>
    %slice3A_2361 = vector.extract_strided_slice %select_n3A_2350 {offsets = [0, 0], sizes = [8, 2048], strides = [1, 1]} : vector<8x4096xf32> to vector<8x2048xf32>
    %concatenate3A_2362 = tpu.concatenate %slice3A_2360, %slice3A_2361 in 1 : vector<8x2048xf32>, vector<8x2048xf32> -> vector<8x4096xf32>
    %and3A_2363 = arith.constant 2048 : i32
    %and3A_2364 = vector.broadcast %and3A_2363 : i32 to vector<8x4096xi32>
    %and3A_2365 = arith.andi %add3A_44, %and3A_2364 : vector<8x4096xi32>
    %ne3A_2366 = arith.constant 0 : i32
    %ne3A_2367 = vector.broadcast %ne3A_2366 : i32 to vector<8x4096xi32>
    %ne3A_2368 = arith.cmpi ne, %and3A_2365, %ne3A_2367 : vector<8x4096xi32>
    %and3A_2369 = arith.constant 4096 : i32
    %and3A_2370 = vector.broadcast %and3A_2369 : i32 to vector<8x4096xi32>
    %and3A_2371 = arith.andi %add3A_44, %and3A_2370 : vector<8x4096xi32>
    %ne3A_2372 = arith.constant 0 : i32
    %ne3A_2373 = vector.broadcast %ne3A_2372 : i32 to vector<8x4096xi32>
    %ne3A_2374 = arith.cmpi ne, %and3A_2371, %ne3A_2373 : vector<8x4096xi32>
    %select_n3A_2375 = arith.select %ne3A_2368, %concatenate3A_2356, %concatenate3A_2353 : vector<8x4096xi1>, vector<8x4096xf32>
    %select_n3A_2376 = arith.select %ne3A_2368, %concatenate3A_2362, %concatenate3A_2359 : vector<8x4096xi1>, vector<8x4096xf32>
    %gt3A_2377 = arith.cmpf ogt, %select_n3A_2375, %select_n3A_2349 : vector<8x4096xf32>
    %eq3A_2378 = arith.cmpf oeq, %select_n3A_2375, %select_n3A_2349 : vector<8x4096xf32>
    %lt3A_2379 = arith.cmpf olt, %select_n3A_2376, %select_n3A_2350 : vector<8x4096xf32>
    %and3A_2380 = arith.andi %eq3A_2378, %lt3A_2379 : vector<8x4096xi1>
    %or3A_2381 = arith.ori %gt3A_2377, %and3A_2380 : vector<8x4096xi1>
    %xor3A_2382 = arith.xori %or3A_2381, %ne3A_2368 : vector<8x4096xi1>
    %xor3A_2383 = arith.xori %xor3A_2382, %ne3A_2374 : vector<8x4096xi1>
    %select_n3A_2384 = arith.select %xor3A_2383, %select_n3A_2375, %select_n3A_2349 : vector<8x4096xi1>, vector<8x4096xf32>
    %select_n3A_2385 = arith.select %xor3A_2383, %select_n3A_2376, %select_n3A_2350 : vector<8x4096xi1>, vector<8x4096xf32>
    %slice3A_2386 = vector.extract_strided_slice %select_n3A_2384 {offsets = [0, 1024], sizes = [8, 3072], strides = [1, 1]} : vector<8x4096xf32> to vector<8x3072xf32>
    %slice3A_2387 = vector.extract_strided_slice %select_n3A_2384 {offsets = [0, 0], sizes = [8, 1024], strides = [1, 1]} : vector<8x4096xf32> to vector<8x1024xf32>
    %concatenate3A_2388 = tpu.concatenate %slice3A_2386, %slice3A_2387 in 1 : vector<8x3072xf32>, vector<8x1024xf32> -> vector<8x4096xf32>
    %slice3A_2389 = vector.extract_strided_slice %select_n3A_2384 {offsets = [0, 3072], sizes = [8, 1024], strides = [1, 1]} : vector<8x4096xf32> to vector<8x1024xf32>
    %slice3A_2390 = vector.extract_strided_slice %select_n3A_2384 {offsets = [0, 0], sizes = [8, 3072], strides = [1, 1]} : vector<8x4096xf32> to vector<8x3072xf32>
    %concatenate3A_2391 = tpu.concatenate %slice3A_2389, %slice3A_2390 in 1 : vector<8x1024xf32>, vector<8x3072xf32> -> vector<8x4096xf32>
    %slice3A_2392 = vector.extract_strided_slice %select_n3A_2385 {offsets = [0, 1024], sizes = [8, 3072], strides = [1, 1]} : vector<8x4096xf32> to vector<8x3072xf32>
    %slice3A_2393 = vector.extract_strided_slice %select_n3A_2385 {offsets = [0, 0], sizes = [8, 1024], strides = [1, 1]} : vector<8x4096xf32> to vector<8x1024xf32>
    %concatenate3A_2394 = tpu.concatenate %slice3A_2392, %slice3A_2393 in 1 : vector<8x3072xf32>, vector<8x1024xf32> -> vector<8x4096xf32>
    %slice3A_2395 = vector.extract_strided_slice %select_n3A_2385 {offsets = [0, 3072], sizes = [8, 1024], strides = [1, 1]} : vector<8x4096xf32> to vector<8x1024xf32>
    %slice3A_2396 = vector.extract_strided_slice %select_n3A_2385 {offsets = [0, 0], sizes = [8, 3072], strides = [1, 1]} : vector<8x4096xf32> to vector<8x3072xf32>
    %concatenate3A_2397 = tpu.concatenate %slice3A_2395, %slice3A_2396 in 1 : vector<8x1024xf32>, vector<8x3072xf32> -> vector<8x4096xf32>
    %and3A_2398 = arith.constant 1024 : i32
    %and3A_2399 = vector.broadcast %and3A_2398 : i32 to vector<8x4096xi32>
    %and3A_2400 = arith.andi %add3A_44, %and3A_2399 : vector<8x4096xi32>
    %ne3A_2401 = arith.constant 0 : i32
    %ne3A_2402 = vector.broadcast %ne3A_2401 : i32 to vector<8x4096xi32>
    %ne3A_2403 = arith.cmpi ne, %and3A_2400, %ne3A_2402 : vector<8x4096xi32>
    %and3A_2404 = arith.constant 4096 : i32
    %and3A_2405 = vector.broadcast %and3A_2404 : i32 to vector<8x4096xi32>
    %and3A_2406 = arith.andi %add3A_44, %and3A_2405 : vector<8x4096xi32>
    %ne3A_2407 = arith.constant 0 : i32
    %ne3A_2408 = vector.broadcast %ne3A_2407 : i32 to vector<8x4096xi32>
    %ne3A_2409 = arith.cmpi ne, %and3A_2406, %ne3A_2408 : vector<8x4096xi32>
    %select_n3A_2410 = arith.select %ne3A_2403, %concatenate3A_2391, %concatenate3A_2388 : vector<8x4096xi1>, vector<8x4096xf32>
    %select_n3A_2411 = arith.select %ne3A_2403, %concatenate3A_2397, %concatenate3A_2394 : vector<8x4096xi1>, vector<8x4096xf32>
    %gt3A_2412 = arith.cmpf ogt, %select_n3A_2410, %select_n3A_2384 : vector<8x4096xf32>
    %eq3A_2413 = arith.cmpf oeq, %select_n3A_2410, %select_n3A_2384 : vector<8x4096xf32>
    %lt3A_2414 = arith.cmpf olt, %select_n3A_2411, %select_n3A_2385 : vector<8x4096xf32>
    %and3A_2415 = arith.andi %eq3A_2413, %lt3A_2414 : vector<8x4096xi1>
    %or3A_2416 = arith.ori %gt3A_2412, %and3A_2415 : vector<8x4096xi1>
    %xor3A_2417 = arith.xori %or3A_2416, %ne3A_2403 : vector<8x4096xi1>
    %xor3A_2418 = arith.xori %xor3A_2417, %ne3A_2409 : vector<8x4096xi1>
    %select_n3A_2419 = arith.select %xor3A_2418, %select_n3A_2410, %select_n3A_2384 : vector<8x4096xi1>, vector<8x4096xf32>
    %select_n3A_2420 = arith.select %xor3A_2418, %select_n3A_2411, %select_n3A_2385 : vector<8x4096xi1>, vector<8x4096xf32>
    %slice3A_2421 = vector.extract_strided_slice %select_n3A_2419 {offsets = [0, 512], sizes = [8, 3584], strides = [1, 1]} : vector<8x4096xf32> to vector<8x3584xf32>
    %slice3A_2422 = vector.extract_strided_slice %select_n3A_2419 {offsets = [0, 0], sizes = [8, 512], strides = [1, 1]} : vector<8x4096xf32> to vector<8x512xf32>
    %concatenate3A_2423 = tpu.concatenate %slice3A_2421, %slice3A_2422 in 1 : vector<8x3584xf32>, vector<8x512xf32> -> vector<8x4096xf32>
    %slice3A_2424 = vector.extract_strided_slice %select_n3A_2419 {offsets = [0, 3584], sizes = [8, 512], strides = [1, 1]} : vector<8x4096xf32> to vector<8x512xf32>
    %slice3A_2425 = vector.extract_strided_slice %select_n3A_2419 {offsets = [0, 0], sizes = [8, 3584], strides = [1, 1]} : vector<8x4096xf32> to vector<8x3584xf32>
    %concatenate3A_2426 = tpu.concatenate %slice3A_2424, %slice3A_2425 in 1 : vector<8x512xf32>, vector<8x3584xf32> -> vector<8x4096xf32>
    %slice3A_2427 = vector.extract_strided_slice %select_n3A_2420 {offsets = [0, 512], sizes = [8, 3584], strides = [1, 1]} : vector<8x4096xf32> to vector<8x3584xf32>
    %slice3A_2428 = vector.extract_strided_slice %select_n3A_2420 {offsets = [0, 0], sizes = [8, 512], strides = [1, 1]} : vector<8x4096xf32> to vector<8x512xf32>
    %concatenate3A_2429 = tpu.concatenate %slice3A_2427, %slice3A_2428 in 1 : vector<8x3584xf32>, vector<8x512xf32> -> vector<8x4096xf32>
    %slice3A_2430 = vector.extract_strided_slice %select_n3A_2420 {offsets = [0, 3584], sizes = [8, 512], strides = [1, 1]} : vector<8x4096xf32> to vector<8x512xf32>
    %slice3A_2431 = vector.extract_strided_slice %select_n3A_2420 {offsets = [0, 0], sizes = [8, 3584], strides = [1, 1]} : vector<8x4096xf32> to vector<8x3584xf32>
    %concatenate3A_2432 = tpu.concatenate %slice3A_2430, %slice3A_2431 in 1 : vector<8x512xf32>, vector<8x3584xf32> -> vector<8x4096xf32>
    %and3A_2433 = arith.constant 512 : i32
    %and3A_2434 = vector.broadcast %and3A_2433 : i32 to vector<8x4096xi32>
    %and3A_2435 = arith.andi %add3A_44, %and3A_2434 : vector<8x4096xi32>
    %ne3A_2436 = arith.constant 0 : i32
    %ne3A_2437 = vector.broadcast %ne3A_2436 : i32 to vector<8x4096xi32>
    %ne3A_2438 = arith.cmpi ne, %and3A_2435, %ne3A_2437 : vector<8x4096xi32>
    %and3A_2439 = arith.constant 4096 : i32
    %and3A_2440 = vector.broadcast %and3A_2439 : i32 to vector<8x4096xi32>
    %and3A_2441 = arith.andi %add3A_44, %and3A_2440 : vector<8x4096xi32>
    %ne3A_2442 = arith.constant 0 : i32
    %ne3A_2443 = vector.broadcast %ne3A_2442 : i32 to vector<8x4096xi32>
    %ne3A_2444 = arith.cmpi ne, %and3A_2441, %ne3A_2443 : vector<8x4096xi32>
    %select_n3A_2445 = arith.select %ne3A_2438, %concatenate3A_2426, %concatenate3A_2423 : vector<8x4096xi1>, vector<8x4096xf32>
    %select_n3A_2446 = arith.select %ne3A_2438, %concatenate3A_2432, %concatenate3A_2429 : vector<8x4096xi1>, vector<8x4096xf32>
    %gt3A_2447 = arith.cmpf ogt, %select_n3A_2445, %select_n3A_2419 : vector<8x4096xf32>
    %eq3A_2448 = arith.cmpf oeq, %select_n3A_2445, %select_n3A_2419 : vector<8x4096xf32>
    %lt3A_2449 = arith.cmpf olt, %select_n3A_2446, %select_n3A_2420 : vector<8x4096xf32>
    %and3A_2450 = arith.andi %eq3A_2448, %lt3A_2449 : vector<8x4096xi1>
    %or3A_2451 = arith.ori %gt3A_2447, %and3A_2450 : vector<8x4096xi1>
    %xor3A_2452 = arith.xori %or3A_2451, %ne3A_2438 : vector<8x4096xi1>
    %xor3A_2453 = arith.xori %xor3A_2452, %ne3A_2444 : vector<8x4096xi1>
    %select_n3A_2454 = arith.select %xor3A_2453, %select_n3A_2445, %select_n3A_2419 : vector<8x4096xi1>, vector<8x4096xf32>
    %select_n3A_2455 = arith.select %xor3A_2453, %select_n3A_2446, %select_n3A_2420 : vector<8x4096xi1>, vector<8x4096xf32>
    %slice3A_2456 = vector.extract_strided_slice %select_n3A_2454 {offsets = [0, 256], sizes = [8, 3840], strides = [1, 1]} : vector<8x4096xf32> to vector<8x3840xf32>
    %slice3A_2457 = vector.extract_strided_slice %select_n3A_2454 {offsets = [0, 0], sizes = [8, 256], strides = [1, 1]} : vector<8x4096xf32> to vector<8x256xf32>
    %concatenate3A_2458 = tpu.concatenate %slice3A_2456, %slice3A_2457 in 1 : vector<8x3840xf32>, vector<8x256xf32> -> vector<8x4096xf32>
    %slice3A_2459 = vector.extract_strided_slice %select_n3A_2454 {offsets = [0, 3840], sizes = [8, 256], strides = [1, 1]} : vector<8x4096xf32> to vector<8x256xf32>
    %slice3A_2460 = vector.extract_strided_slice %select_n3A_2454 {offsets = [0, 0], sizes = [8, 3840], strides = [1, 1]} : vector<8x4096xf32> to vector<8x3840xf32>
    %concatenate3A_2461 = tpu.concatenate %slice3A_2459, %slice3A_2460 in 1 : vector<8x256xf32>, vector<8x3840xf32> -> vector<8x4096xf32>
    %slice3A_2462 = vector.extract_strided_slice %select_n3A_2455 {offsets = [0, 256], sizes = [8, 3840], strides = [1, 1]} : vector<8x4096xf32> to vector<8x3840xf32>
    %slice3A_2463 = vector.extract_strided_slice %select_n3A_2455 {offsets = [0, 0], sizes = [8, 256], strides = [1, 1]} : vector<8x4096xf32> to vector<8x256xf32>
    %concatenate3A_2464 = tpu.concatenate %slice3A_2462, %slice3A_2463 in 1 : vector<8x3840xf32>, vector<8x256xf32> -> vector<8x4096xf32>
    %slice3A_2465 = vector.extract_strided_slice %select_n3A_2455 {offsets = [0, 3840], sizes = [8, 256], strides = [1, 1]} : vector<8x4096xf32> to vector<8x256xf32>
    %slice3A_2466 = vector.extract_strided_slice %select_n3A_2455 {offsets = [0, 0], sizes = [8, 3840], strides = [1, 1]} : vector<8x4096xf32> to vector<8x3840xf32>
    %concatenate3A_2467 = tpu.concatenate %slice3A_2465, %slice3A_2466 in 1 : vector<8x256xf32>, vector<8x3840xf32> -> vector<8x4096xf32>
    %and3A_2468 = arith.constant 256 : i32
    %and3A_2469 = vector.broadcast %and3A_2468 : i32 to vector<8x4096xi32>
    %and3A_2470 = arith.andi %add3A_44, %and3A_2469 : vector<8x4096xi32>
    %ne3A_2471 = arith.constant 0 : i32
    %ne3A_2472 = vector.broadcast %ne3A_2471 : i32 to vector<8x4096xi32>
    %ne3A_2473 = arith.cmpi ne, %and3A_2470, %ne3A_2472 : vector<8x4096xi32>
    %and3A_2474 = arith.constant 4096 : i32
    %and3A_2475 = vector.broadcast %and3A_2474 : i32 to vector<8x4096xi32>
    %and3A_2476 = arith.andi %add3A_44, %and3A_2475 : vector<8x4096xi32>
    %ne3A_2477 = arith.constant 0 : i32
    %ne3A_2478 = vector.broadcast %ne3A_2477 : i32 to vector<8x4096xi32>
    %ne3A_2479 = arith.cmpi ne, %and3A_2476, %ne3A_2478 : vector<8x4096xi32>
    %select_n3A_2480 = arith.select %ne3A_2473, %concatenate3A_2461, %concatenate3A_2458 : vector<8x4096xi1>, vector<8x4096xf32>
    %select_n3A_2481 = arith.select %ne3A_2473, %concatenate3A_2467, %concatenate3A_2464 : vector<8x4096xi1>, vector<8x4096xf32>
    %gt3A_2482 = arith.cmpf ogt, %select_n3A_2480, %select_n3A_2454 : vector<8x4096xf32>
    %eq3A_2483 = arith.cmpf oeq, %select_n3A_2480, %select_n3A_2454 : vector<8x4096xf32>
    %lt3A_2484 = arith.cmpf olt, %select_n3A_2481, %select_n3A_2455 : vector<8x4096xf32>
    %and3A_2485 = arith.andi %eq3A_2483, %lt3A_2484 : vector<8x4096xi1>
    %or3A_2486 = arith.ori %gt3A_2482, %and3A_2485 : vector<8x4096xi1>
    %xor3A_2487 = arith.xori %or3A_2486, %ne3A_2473 : vector<8x4096xi1>
    %xor3A_2488 = arith.xori %xor3A_2487, %ne3A_2479 : vector<8x4096xi1>
    %select_n3A_2489 = arith.select %xor3A_2488, %select_n3A_2480, %select_n3A_2454 : vector<8x4096xi1>, vector<8x4096xf32>
    %select_n3A_2490 = arith.select %xor3A_2488, %select_n3A_2481, %select_n3A_2455 : vector<8x4096xi1>, vector<8x4096xf32>
    %slice3A_2491 = vector.extract_strided_slice %select_n3A_2489 {offsets = [0, 128], sizes = [8, 3968], strides = [1, 1]} : vector<8x4096xf32> to vector<8x3968xf32>
    %slice3A_2492 = vector.extract_strided_slice %select_n3A_2489 {offsets = [0, 0], sizes = [8, 128], strides = [1, 1]} : vector<8x4096xf32> to vector<8x128xf32>
    %concatenate3A_2493 = tpu.concatenate %slice3A_2491, %slice3A_2492 in 1 : vector<8x3968xf32>, vector<8x128xf32> -> vector<8x4096xf32>
    %slice3A_2494 = vector.extract_strided_slice %select_n3A_2489 {offsets = [0, 3968], sizes = [8, 128], strides = [1, 1]} : vector<8x4096xf32> to vector<8x128xf32>
    %slice3A_2495 = vector.extract_strided_slice %select_n3A_2489 {offsets = [0, 0], sizes = [8, 3968], strides = [1, 1]} : vector<8x4096xf32> to vector<8x3968xf32>
    %concatenate3A_2496 = tpu.concatenate %slice3A_2494, %slice3A_2495 in 1 : vector<8x128xf32>, vector<8x3968xf32> -> vector<8x4096xf32>
    %slice3A_2497 = vector.extract_strided_slice %select_n3A_2490 {offsets = [0, 128], sizes = [8, 3968], strides = [1, 1]} : vector<8x4096xf32> to vector<8x3968xf32>
    %slice3A_2498 = vector.extract_strided_slice %select_n3A_2490 {offsets = [0, 0], sizes = [8, 128], strides = [1, 1]} : vector<8x4096xf32> to vector<8x128xf32>
    %concatenate3A_2499 = tpu.concatenate %slice3A_2497, %slice3A_2498 in 1 : vector<8x3968xf32>, vector<8x128xf32> -> vector<8x4096xf32>
    %slice3A_2500 = vector.extract_strided_slice %select_n3A_2490 {offsets = [0, 3968], sizes = [8, 128], strides = [1, 1]} : vector<8x4096xf32> to vector<8x128xf32>
    %slice3A_2501 = vector.extract_strided_slice %select_n3A_2490 {offsets = [0, 0], sizes = [8, 3968], strides = [1, 1]} : vector<8x4096xf32> to vector<8x3968xf32>
    %concatenate3A_2502 = tpu.concatenate %slice3A_2500, %slice3A_2501 in 1 : vector<8x128xf32>, vector<8x3968xf32> -> vector<8x4096xf32>
    %and3A_2503 = arith.constant 128 : i32
    %and3A_2504 = vector.broadcast %and3A_2503 : i32 to vector<8x4096xi32>
    %and3A_2505 = arith.andi %add3A_44, %and3A_2504 : vector<8x4096xi32>
    %ne3A_2506 = arith.constant 0 : i32
    %ne3A_2507 = vector.broadcast %ne3A_2506 : i32 to vector<8x4096xi32>
    %ne3A_2508 = arith.cmpi ne, %and3A_2505, %ne3A_2507 : vector<8x4096xi32>
    %and3A_2509 = arith.constant 4096 : i32
    %and3A_2510 = vector.broadcast %and3A_2509 : i32 to vector<8x4096xi32>
    %and3A_2511 = arith.andi %add3A_44, %and3A_2510 : vector<8x4096xi32>
    %ne3A_2512 = arith.constant 0 : i32
    %ne3A_2513 = vector.broadcast %ne3A_2512 : i32 to vector<8x4096xi32>
    %ne3A_2514 = arith.cmpi ne, %and3A_2511, %ne3A_2513 : vector<8x4096xi32>
    %select_n3A_2515 = arith.select %ne3A_2508, %concatenate3A_2496, %concatenate3A_2493 : vector<8x4096xi1>, vector<8x4096xf32>
    %select_n3A_2516 = arith.select %ne3A_2508, %concatenate3A_2502, %concatenate3A_2499 : vector<8x4096xi1>, vector<8x4096xf32>
    %gt3A_2517 = arith.cmpf ogt, %select_n3A_2515, %select_n3A_2489 : vector<8x4096xf32>
    %eq3A_2518 = arith.cmpf oeq, %select_n3A_2515, %select_n3A_2489 : vector<8x4096xf32>
    %lt3A_2519 = arith.cmpf olt, %select_n3A_2516, %select_n3A_2490 : vector<8x4096xf32>
    %and3A_2520 = arith.andi %eq3A_2518, %lt3A_2519 : vector<8x4096xi1>
    %or3A_2521 = arith.ori %gt3A_2517, %and3A_2520 : vector<8x4096xi1>
    %xor3A_2522 = arith.xori %or3A_2521, %ne3A_2508 : vector<8x4096xi1>
    %xor3A_2523 = arith.xori %xor3A_2522, %ne3A_2514 : vector<8x4096xi1>
    %select_n3A_2524 = arith.select %xor3A_2523, %select_n3A_2515, %select_n3A_2489 : vector<8x4096xi1>, vector<8x4096xf32>
    %select_n3A_2525 = arith.select %xor3A_2523, %select_n3A_2516, %select_n3A_2490 : vector<8x4096xi1>, vector<8x4096xf32>
    %slice3A_2526 = vector.extract_strided_slice %select_n3A_2524 {offsets = [0, 64], sizes = [8, 4032], strides = [1, 1]} : vector<8x4096xf32> to vector<8x4032xf32>
    %slice3A_2527 = vector.extract_strided_slice %select_n3A_2524 {offsets = [0, 0], sizes = [8, 64], strides = [1, 1]} : vector<8x4096xf32> to vector<8x64xf32>
    %concatenate3A_2528 = tpu.concatenate %slice3A_2526, %slice3A_2527 in 1 : vector<8x4032xf32>, vector<8x64xf32> -> vector<8x4096xf32>
    %slice3A_2529 = vector.extract_strided_slice %select_n3A_2524 {offsets = [0, 4032], sizes = [8, 64], strides = [1, 1]} : vector<8x4096xf32> to vector<8x64xf32>
    %slice3A_2530 = vector.extract_strided_slice %select_n3A_2524 {offsets = [0, 0], sizes = [8, 4032], strides = [1, 1]} : vector<8x4096xf32> to vector<8x4032xf32>
    %concatenate3A_2531 = tpu.concatenate %slice3A_2529, %slice3A_2530 in 1 : vector<8x64xf32>, vector<8x4032xf32> -> vector<8x4096xf32>
    %slice3A_2532 = vector.extract_strided_slice %select_n3A_2525 {offsets = [0, 64], sizes = [8, 4032], strides = [1, 1]} : vector<8x4096xf32> to vector<8x4032xf32>
    %slice3A_2533 = vector.extract_strided_slice %select_n3A_2525 {offsets = [0, 0], sizes = [8, 64], strides = [1, 1]} : vector<8x4096xf32> to vector<8x64xf32>
    %concatenate3A_2534 = tpu.concatenate %slice3A_2532, %slice3A_2533 in 1 : vector<8x4032xf32>, vector<8x64xf32> -> vector<8x4096xf32>
    %slice3A_2535 = vector.extract_strided_slice %select_n3A_2525 {offsets = [0, 4032], sizes = [8, 64], strides = [1, 1]} : vector<8x4096xf32> to vector<8x64xf32>
    %slice3A_2536 = vector.extract_strided_slice %select_n3A_2525 {offsets = [0, 0], sizes = [8, 4032], strides = [1, 1]} : vector<8x4096xf32> to vector<8x4032xf32>
    %concatenate3A_2537 = tpu.concatenate %slice3A_2535, %slice3A_2536 in 1 : vector<8x64xf32>, vector<8x4032xf32> -> vector<8x4096xf32>
    %and3A_2538 = arith.constant 64 : i32
    %and3A_2539 = vector.broadcast %and3A_2538 : i32 to vector<8x4096xi32>
    %and3A_2540 = arith.andi %add3A_44, %and3A_2539 : vector<8x4096xi32>
    %ne3A_2541 = arith.constant 0 : i32
    %ne3A_2542 = vector.broadcast %ne3A_2541 : i32 to vector<8x4096xi32>
    %ne3A_2543 = arith.cmpi ne, %and3A_2540, %ne3A_2542 : vector<8x4096xi32>
    %and3A_2544 = arith.constant 4096 : i32
    %and3A_2545 = vector.broadcast %and3A_2544 : i32 to vector<8x4096xi32>
    %and3A_2546 = arith.andi %add3A_44, %and3A_2545 : vector<8x4096xi32>
    %ne3A_2547 = arith.constant 0 : i32
    %ne3A_2548 = vector.broadcast %ne3A_2547 : i32 to vector<8x4096xi32>
    %ne3A_2549 = arith.cmpi ne, %and3A_2546, %ne3A_2548 : vector<8x4096xi32>
    %select_n3A_2550 = arith.select %ne3A_2543, %concatenate3A_2531, %concatenate3A_2528 : vector<8x4096xi1>, vector<8x4096xf32>
    %select_n3A_2551 = arith.select %ne3A_2543, %concatenate3A_2537, %concatenate3A_2534 : vector<8x4096xi1>, vector<8x4096xf32>
    %gt3A_2552 = arith.cmpf ogt, %select_n3A_2550, %select_n3A_2524 : vector<8x4096xf32>
    %eq3A_2553 = arith.cmpf oeq, %select_n3A_2550, %select_n3A_2524 : vector<8x4096xf32>
    %lt3A_2554 = arith.cmpf olt, %select_n3A_2551, %select_n3A_2525 : vector<8x4096xf32>
    %and3A_2555 = arith.andi %eq3A_2553, %lt3A_2554 : vector<8x4096xi1>
    %or3A_2556 = arith.ori %gt3A_2552, %and3A_2555 : vector<8x4096xi1>
    %xor3A_2557 = arith.xori %or3A_2556, %ne3A_2543 : vector<8x4096xi1>
    %xor3A_2558 = arith.xori %xor3A_2557, %ne3A_2549 : vector<8x4096xi1>
    %select_n3A_2559 = arith.select %xor3A_2558, %select_n3A_2550, %select_n3A_2524 : vector<8x4096xi1>, vector<8x4096xf32>
    %select_n3A_2560 = arith.select %xor3A_2558, %select_n3A_2551, %select_n3A_2525 : vector<8x4096xi1>, vector<8x4096xf32>
    %slice3A_2561 = vector.extract_strided_slice %select_n3A_2559 {offsets = [0, 32], sizes = [8, 4064], strides = [1, 1]} : vector<8x4096xf32> to vector<8x4064xf32>
    %slice3A_2562 = vector.extract_strided_slice %select_n3A_2559 {offsets = [0, 0], sizes = [8, 32], strides = [1, 1]} : vector<8x4096xf32> to vector<8x32xf32>
    %concatenate3A_2563 = tpu.concatenate %slice3A_2561, %slice3A_2562 in 1 : vector<8x4064xf32>, vector<8x32xf32> -> vector<8x4096xf32>
    %slice3A_2564 = vector.extract_strided_slice %select_n3A_2559 {offsets = [0, 4064], sizes = [8, 32], strides = [1, 1]} : vector<8x4096xf32> to vector<8x32xf32>
    %slice3A_2565 = vector.extract_strided_slice %select_n3A_2559 {offsets = [0, 0], sizes = [8, 4064], strides = [1, 1]} : vector<8x4096xf32> to vector<8x4064xf32>
    %concatenate3A_2566 = tpu.concatenate %slice3A_2564, %slice3A_2565 in 1 : vector<8x32xf32>, vector<8x4064xf32> -> vector<8x4096xf32>
    %slice3A_2567 = vector.extract_strided_slice %select_n3A_2560 {offsets = [0, 32], sizes = [8, 4064], strides = [1, 1]} : vector<8x4096xf32> to vector<8x4064xf32>
    %slice3A_2568 = vector.extract_strided_slice %select_n3A_2560 {offsets = [0, 0], sizes = [8, 32], strides = [1, 1]} : vector<8x4096xf32> to vector<8x32xf32>
    %concatenate3A_2569 = tpu.concatenate %slice3A_2567, %slice3A_2568 in 1 : vector<8x4064xf32>, vector<8x32xf32> -> vector<8x4096xf32>
    %slice3A_2570 = vector.extract_strided_slice %select_n3A_2560 {offsets = [0, 4064], sizes = [8, 32], strides = [1, 1]} : vector<8x4096xf32> to vector<8x32xf32>
    %slice3A_2571 = vector.extract_strided_slice %select_n3A_2560 {offsets = [0, 0], sizes = [8, 4064], strides = [1, 1]} : vector<8x4096xf32> to vector<8x4064xf32>
    %concatenate3A_2572 = tpu.concatenate %slice3A_2570, %slice3A_2571 in 1 : vector<8x32xf32>, vector<8x4064xf32> -> vector<8x4096xf32>
    %and3A_2573 = arith.constant 32 : i32
    %and3A_2574 = vector.broadcast %and3A_2573 : i32 to vector<8x4096xi32>
    %and3A_2575 = arith.andi %add3A_44, %and3A_2574 : vector<8x4096xi32>
    %ne3A_2576 = arith.constant 0 : i32
    %ne3A_2577 = vector.broadcast %ne3A_2576 : i32 to vector<8x4096xi32>
    %ne3A_2578 = arith.cmpi ne, %and3A_2575, %ne3A_2577 : vector<8x4096xi32>
    %and3A_2579 = arith.constant 4096 : i32
    %and3A_2580 = vector.broadcast %and3A_2579 : i32 to vector<8x4096xi32>
    %and3A_2581 = arith.andi %add3A_44, %and3A_2580 : vector<8x4096xi32>
    %ne3A_2582 = arith.constant 0 : i32
    %ne3A_2583 = vector.broadcast %ne3A_2582 : i32 to vector<8x4096xi32>
    %ne3A_2584 = arith.cmpi ne, %and3A_2581, %ne3A_2583 : vector<8x4096xi32>
    %select_n3A_2585 = arith.select %ne3A_2578, %concatenate3A_2566, %concatenate3A_2563 : vector<8x4096xi1>, vector<8x4096xf32>
    %select_n3A_2586 = arith.select %ne3A_2578, %concatenate3A_2572, %concatenate3A_2569 : vector<8x4096xi1>, vector<8x4096xf32>
    %gt3A_2587 = arith.cmpf ogt, %select_n3A_2585, %select_n3A_2559 : vector<8x4096xf32>
    %eq3A_2588 = arith.cmpf oeq, %select_n3A_2585, %select_n3A_2559 : vector<8x4096xf32>
    %lt3A_2589 = arith.cmpf olt, %select_n3A_2586, %select_n3A_2560 : vector<8x4096xf32>
    %and3A_2590 = arith.andi %eq3A_2588, %lt3A_2589 : vector<8x4096xi1>
    %or3A_2591 = arith.ori %gt3A_2587, %and3A_2590 : vector<8x4096xi1>
    %xor3A_2592 = arith.xori %or3A_2591, %ne3A_2578 : vector<8x4096xi1>
    %xor3A_2593 = arith.xori %xor3A_2592, %ne3A_2584 : vector<8x4096xi1>
    %select_n3A_2594 = arith.select %xor3A_2593, %select_n3A_2585, %select_n3A_2559 : vector<8x4096xi1>, vector<8x4096xf32>
    %select_n3A_2595 = arith.select %xor3A_2593, %select_n3A_2586, %select_n3A_2560 : vector<8x4096xi1>, vector<8x4096xf32>
    %slice3A_2596 = vector.extract_strided_slice %select_n3A_2594 {offsets = [0, 16], sizes = [8, 4080], strides = [1, 1]} : vector<8x4096xf32> to vector<8x4080xf32>
    %slice3A_2597 = vector.extract_strided_slice %select_n3A_2594 {offsets = [0, 0], sizes = [8, 16], strides = [1, 1]} : vector<8x4096xf32> to vector<8x16xf32>
    %concatenate3A_2598 = tpu.concatenate %slice3A_2596, %slice3A_2597 in 1 : vector<8x4080xf32>, vector<8x16xf32> -> vector<8x4096xf32>
    %slice3A_2599 = vector.extract_strided_slice %select_n3A_2594 {offsets = [0, 4080], sizes = [8, 16], strides = [1, 1]} : vector<8x4096xf32> to vector<8x16xf32>
    %slice3A_2600 = vector.extract_strided_slice %select_n3A_2594 {offsets = [0, 0], sizes = [8, 4080], strides = [1, 1]} : vector<8x4096xf32> to vector<8x4080xf32>
    %concatenate3A_2601 = tpu.concatenate %slice3A_2599, %slice3A_2600 in 1 : vector<8x16xf32>, vector<8x4080xf32> -> vector<8x4096xf32>
    %slice3A_2602 = vector.extract_strided_slice %select_n3A_2595 {offsets = [0, 16], sizes = [8, 4080], strides = [1, 1]} : vector<8x4096xf32> to vector<8x4080xf32>
    %slice3A_2603 = vector.extract_strided_slice %select_n3A_2595 {offsets = [0, 0], sizes = [8, 16], strides = [1, 1]} : vector<8x4096xf32> to vector<8x16xf32>
    %concatenate3A_2604 = tpu.concatenate %slice3A_2602, %slice3A_2603 in 1 : vector<8x4080xf32>, vector<8x16xf32> -> vector<8x4096xf32>
    %slice3A_2605 = vector.extract_strided_slice %select_n3A_2595 {offsets = [0, 4080], sizes = [8, 16], strides = [1, 1]} : vector<8x4096xf32> to vector<8x16xf32>
    %slice3A_2606 = vector.extract_strided_slice %select_n3A_2595 {offsets = [0, 0], sizes = [8, 4080], strides = [1, 1]} : vector<8x4096xf32> to vector<8x4080xf32>
    %concatenate3A_2607 = tpu.concatenate %slice3A_2605, %slice3A_2606 in 1 : vector<8x16xf32>, vector<8x4080xf32> -> vector<8x4096xf32>
    %and3A_2608 = arith.constant 16 : i32
    %and3A_2609 = vector.broadcast %and3A_2608 : i32 to vector<8x4096xi32>
    %and3A_2610 = arith.andi %add3A_44, %and3A_2609 : vector<8x4096xi32>
    %ne3A_2611 = arith.constant 0 : i32
    %ne3A_2612 = vector.broadcast %ne3A_2611 : i32 to vector<8x4096xi32>
    %ne3A_2613 = arith.cmpi ne, %and3A_2610, %ne3A_2612 : vector<8x4096xi32>
    %and3A_2614 = arith.constant 4096 : i32
    %and3A_2615 = vector.broadcast %and3A_2614 : i32 to vector<8x4096xi32>
    %and3A_2616 = arith.andi %add3A_44, %and3A_2615 : vector<8x4096xi32>
    %ne3A_2617 = arith.constant 0 : i32
    %ne3A_2618 = vector.broadcast %ne3A_2617 : i32 to vector<8x4096xi32>
    %ne3A_2619 = arith.cmpi ne, %and3A_2616, %ne3A_2618 : vector<8x4096xi32>
    %select_n3A_2620 = arith.select %ne3A_2613, %concatenate3A_2601, %concatenate3A_2598 : vector<8x4096xi1>, vector<8x4096xf32>
    %select_n3A_2621 = arith.select %ne3A_2613, %concatenate3A_2607, %concatenate3A_2604 : vector<8x4096xi1>, vector<8x4096xf32>
    %gt3A_2622 = arith.cmpf ogt, %select_n3A_2620, %select_n3A_2594 : vector<8x4096xf32>
    %eq3A_2623 = arith.cmpf oeq, %select_n3A_2620, %select_n3A_2594 : vector<8x4096xf32>
    %lt3A_2624 = arith.cmpf olt, %select_n3A_2621, %select_n3A_2595 : vector<8x4096xf32>
    %and3A_2625 = arith.andi %eq3A_2623, %lt3A_2624 : vector<8x4096xi1>
    %or3A_2626 = arith.ori %gt3A_2622, %and3A_2625 : vector<8x4096xi1>
    %xor3A_2627 = arith.xori %or3A_2626, %ne3A_2613 : vector<8x4096xi1>
    %xor3A_2628 = arith.xori %xor3A_2627, %ne3A_2619 : vector<8x4096xi1>
    %select_n3A_2629 = arith.select %xor3A_2628, %select_n3A_2620, %select_n3A_2594 : vector<8x4096xi1>, vector<8x4096xf32>
    %select_n3A_2630 = arith.select %xor3A_2628, %select_n3A_2621, %select_n3A_2595 : vector<8x4096xi1>, vector<8x4096xf32>
    %slice3A_2631 = vector.extract_strided_slice %select_n3A_2629 {offsets = [0, 8], sizes = [8, 4088], strides = [1, 1]} : vector<8x4096xf32> to vector<8x4088xf32>
    %slice3A_2632 = vector.extract_strided_slice %select_n3A_2629 {offsets = [0, 0], sizes = [8, 8], strides = [1, 1]} : vector<8x4096xf32> to vector<8x8xf32>
    %concatenate3A_2633 = tpu.concatenate %slice3A_2631, %slice3A_2632 in 1 : vector<8x4088xf32>, vector<8x8xf32> -> vector<8x4096xf32>
    %slice3A_2634 = vector.extract_strided_slice %select_n3A_2629 {offsets = [0, 4088], sizes = [8, 8], strides = [1, 1]} : vector<8x4096xf32> to vector<8x8xf32>
    %slice3A_2635 = vector.extract_strided_slice %select_n3A_2629 {offsets = [0, 0], sizes = [8, 4088], strides = [1, 1]} : vector<8x4096xf32> to vector<8x4088xf32>
    %concatenate3A_2636 = tpu.concatenate %slice3A_2634, %slice3A_2635 in 1 : vector<8x8xf32>, vector<8x4088xf32> -> vector<8x4096xf32>
    %slice3A_2637 = vector.extract_strided_slice %select_n3A_2630 {offsets = [0, 8], sizes = [8, 4088], strides = [1, 1]} : vector<8x4096xf32> to vector<8x4088xf32>
    %slice3A_2638 = vector.extract_strided_slice %select_n3A_2630 {offsets = [0, 0], sizes = [8, 8], strides = [1, 1]} : vector<8x4096xf32> to vector<8x8xf32>
    %concatenate3A_2639 = tpu.concatenate %slice3A_2637, %slice3A_2638 in 1 : vector<8x4088xf32>, vector<8x8xf32> -> vector<8x4096xf32>
    %slice3A_2640 = vector.extract_strided_slice %select_n3A_2630 {offsets = [0, 4088], sizes = [8, 8], strides = [1, 1]} : vector<8x4096xf32> to vector<8x8xf32>
    %slice3A_2641 = vector.extract_strided_slice %select_n3A_2630 {offsets = [0, 0], sizes = [8, 4088], strides = [1, 1]} : vector<8x4096xf32> to vector<8x4088xf32>
    %concatenate3A_2642 = tpu.concatenate %slice3A_2640, %slice3A_2641 in 1 : vector<8x8xf32>, vector<8x4088xf32> -> vector<8x4096xf32>
    %and3A_2643 = arith.constant 8 : i32
    %and3A_2644 = vector.broadcast %and3A_2643 : i32 to vector<8x4096xi32>
    %and3A_2645 = arith.andi %add3A_44, %and3A_2644 : vector<8x4096xi32>
    %ne3A_2646 = arith.constant 0 : i32
    %ne3A_2647 = vector.broadcast %ne3A_2646 : i32 to vector<8x4096xi32>
    %ne3A_2648 = arith.cmpi ne, %and3A_2645, %ne3A_2647 : vector<8x4096xi32>
    %and3A_2649 = arith.constant 4096 : i32
    %and3A_2650 = vector.broadcast %and3A_2649 : i32 to vector<8x4096xi32>
    %and3A_2651 = arith.andi %add3A_44, %and3A_2650 : vector<8x4096xi32>
    %ne3A_2652 = arith.constant 0 : i32
    %ne3A_2653 = vector.broadcast %ne3A_2652 : i32 to vector<8x4096xi32>
    %ne3A_2654 = arith.cmpi ne, %and3A_2651, %ne3A_2653 : vector<8x4096xi32>
    %select_n3A_2655 = arith.select %ne3A_2648, %concatenate3A_2636, %concatenate3A_2633 : vector<8x4096xi1>, vector<8x4096xf32>
    %select_n3A_2656 = arith.select %ne3A_2648, %concatenate3A_2642, %concatenate3A_2639 : vector<8x4096xi1>, vector<8x4096xf32>
    %gt3A_2657 = arith.cmpf ogt, %select_n3A_2655, %select_n3A_2629 : vector<8x4096xf32>
    %eq3A_2658 = arith.cmpf oeq, %select_n3A_2655, %select_n3A_2629 : vector<8x4096xf32>
    %lt3A_2659 = arith.cmpf olt, %select_n3A_2656, %select_n3A_2630 : vector<8x4096xf32>
    %and3A_2660 = arith.andi %eq3A_2658, %lt3A_2659 : vector<8x4096xi1>
    %or3A_2661 = arith.ori %gt3A_2657, %and3A_2660 : vector<8x4096xi1>
    %xor3A_2662 = arith.xori %or3A_2661, %ne3A_2648 : vector<8x4096xi1>
    %xor3A_2663 = arith.xori %xor3A_2662, %ne3A_2654 : vector<8x4096xi1>
    %select_n3A_2664 = arith.select %xor3A_2663, %select_n3A_2655, %select_n3A_2629 : vector<8x4096xi1>, vector<8x4096xf32>
    %select_n3A_2665 = arith.select %xor3A_2663, %select_n3A_2656, %select_n3A_2630 : vector<8x4096xi1>, vector<8x4096xf32>
    %slice3A_2666 = vector.extract_strided_slice %select_n3A_2664 {offsets = [0, 4], sizes = [8, 4092], strides = [1, 1]} : vector<8x4096xf32> to vector<8x4092xf32>
    %slice3A_2667 = vector.extract_strided_slice %select_n3A_2664 {offsets = [0, 0], sizes = [8, 4], strides = [1, 1]} : vector<8x4096xf32> to vector<8x4xf32>
    %concatenate3A_2668 = tpu.concatenate %slice3A_2666, %slice3A_2667 in 1 : vector<8x4092xf32>, vector<8x4xf32> -> vector<8x4096xf32>
    %slice3A_2669 = vector.extract_strided_slice %select_n3A_2664 {offsets = [0, 4092], sizes = [8, 4], strides = [1, 1]} : vector<8x4096xf32> to vector<8x4xf32>
    %slice3A_2670 = vector.extract_strided_slice %select_n3A_2664 {offsets = [0, 0], sizes = [8, 4092], strides = [1, 1]} : vector<8x4096xf32> to vector<8x4092xf32>
    %concatenate3A_2671 = tpu.concatenate %slice3A_2669, %slice3A_2670 in 1 : vector<8x4xf32>, vector<8x4092xf32> -> vector<8x4096xf32>
    %slice3A_2672 = vector.extract_strided_slice %select_n3A_2665 {offsets = [0, 4], sizes = [8, 4092], strides = [1, 1]} : vector<8x4096xf32> to vector<8x4092xf32>
    %slice3A_2673 = vector.extract_strided_slice %select_n3A_2665 {offsets = [0, 0], sizes = [8, 4], strides = [1, 1]} : vector<8x4096xf32> to vector<8x4xf32>
    %concatenate3A_2674 = tpu.concatenate %slice3A_2672, %slice3A_2673 in 1 : vector<8x4092xf32>, vector<8x4xf32> -> vector<8x4096xf32>
    %slice3A_2675 = vector.extract_strided_slice %select_n3A_2665 {offsets = [0, 4092], sizes = [8, 4], strides = [1, 1]} : vector<8x4096xf32> to vector<8x4xf32>
    %slice3A_2676 = vector.extract_strided_slice %select_n3A_2665 {offsets = [0, 0], sizes = [8, 4092], strides = [1, 1]} : vector<8x4096xf32> to vector<8x4092xf32>
    %concatenate3A_2677 = tpu.concatenate %slice3A_2675, %slice3A_2676 in 1 : vector<8x4xf32>, vector<8x4092xf32> -> vector<8x4096xf32>
    %and3A_2678 = arith.constant 4 : i32
    %and3A_2679 = vector.broadcast %and3A_2678 : i32 to vector<8x4096xi32>
    %and3A_2680 = arith.andi %add3A_44, %and3A_2679 : vector<8x4096xi32>
    %ne3A_2681 = arith.constant 0 : i32
    %ne3A_2682 = vector.broadcast %ne3A_2681 : i32 to vector<8x4096xi32>
    %ne3A_2683 = arith.cmpi ne, %and3A_2680, %ne3A_2682 : vector<8x4096xi32>
    %and3A_2684 = arith.constant 4096 : i32
    %and3A_2685 = vector.broadcast %and3A_2684 : i32 to vector<8x4096xi32>
    %and3A_2686 = arith.andi %add3A_44, %and3A_2685 : vector<8x4096xi32>
    %ne3A_2687 = arith.constant 0 : i32
    %ne3A_2688 = vector.broadcast %ne3A_2687 : i32 to vector<8x4096xi32>
    %ne3A_2689 = arith.cmpi ne, %and3A_2686, %ne3A_2688 : vector<8x4096xi32>
    %select_n3A_2690 = arith.select %ne3A_2683, %concatenate3A_2671, %concatenate3A_2668 : vector<8x4096xi1>, vector<8x4096xf32>
    %select_n3A_2691 = arith.select %ne3A_2683, %concatenate3A_2677, %concatenate3A_2674 : vector<8x4096xi1>, vector<8x4096xf32>
    %gt3A_2692 = arith.cmpf ogt, %select_n3A_2690, %select_n3A_2664 : vector<8x4096xf32>
    %eq3A_2693 = arith.cmpf oeq, %select_n3A_2690, %select_n3A_2664 : vector<8x4096xf32>
    %lt3A_2694 = arith.cmpf olt, %select_n3A_2691, %select_n3A_2665 : vector<8x4096xf32>
    %and3A_2695 = arith.andi %eq3A_2693, %lt3A_2694 : vector<8x4096xi1>
    %or3A_2696 = arith.ori %gt3A_2692, %and3A_2695 : vector<8x4096xi1>
    %xor3A_2697 = arith.xori %or3A_2696, %ne3A_2683 : vector<8x4096xi1>
    %xor3A_2698 = arith.xori %xor3A_2697, %ne3A_2689 : vector<8x4096xi1>
    %select_n3A_2699 = arith.select %xor3A_2698, %select_n3A_2690, %select_n3A_2664 : vector<8x4096xi1>, vector<8x4096xf32>
    %select_n3A_2700 = arith.select %xor3A_2698, %select_n3A_2691, %select_n3A_2665 : vector<8x4096xi1>, vector<8x4096xf32>
    %slice3A_2701 = vector.extract_strided_slice %select_n3A_2699 {offsets = [0, 2], sizes = [8, 4094], strides = [1, 1]} : vector<8x4096xf32> to vector<8x4094xf32>
    %slice3A_2702 = vector.extract_strided_slice %select_n3A_2699 {offsets = [0, 0], sizes = [8, 2], strides = [1, 1]} : vector<8x4096xf32> to vector<8x2xf32>
    %concatenate3A_2703 = tpu.concatenate %slice3A_2701, %slice3A_2702 in 1 : vector<8x4094xf32>, vector<8x2xf32> -> vector<8x4096xf32>
    %slice3A_2704 = vector.extract_strided_slice %select_n3A_2699 {offsets = [0, 4094], sizes = [8, 2], strides = [1, 1]} : vector<8x4096xf32> to vector<8x2xf32>
    %slice3A_2705 = vector.extract_strided_slice %select_n3A_2699 {offsets = [0, 0], sizes = [8, 4094], strides = [1, 1]} : vector<8x4096xf32> to vector<8x4094xf32>
    %concatenate3A_2706 = tpu.concatenate %slice3A_2704, %slice3A_2705 in 1 : vector<8x2xf32>, vector<8x4094xf32> -> vector<8x4096xf32>
    %slice3A_2707 = vector.extract_strided_slice %select_n3A_2700 {offsets = [0, 2], sizes = [8, 4094], strides = [1, 1]} : vector<8x4096xf32> to vector<8x4094xf32>
    %slice3A_2708 = vector.extract_strided_slice %select_n3A_2700 {offsets = [0, 0], sizes = [8, 2], strides = [1, 1]} : vector<8x4096xf32> to vector<8x2xf32>
    %concatenate3A_2709 = tpu.concatenate %slice3A_2707, %slice3A_2708 in 1 : vector<8x4094xf32>, vector<8x2xf32> -> vector<8x4096xf32>
    %slice3A_2710 = vector.extract_strided_slice %select_n3A_2700 {offsets = [0, 4094], sizes = [8, 2], strides = [1, 1]} : vector<8x4096xf32> to vector<8x2xf32>
    %slice3A_2711 = vector.extract_strided_slice %select_n3A_2700 {offsets = [0, 0], sizes = [8, 4094], strides = [1, 1]} : vector<8x4096xf32> to vector<8x4094xf32>
    %concatenate3A_2712 = tpu.concatenate %slice3A_2710, %slice3A_2711 in 1 : vector<8x2xf32>, vector<8x4094xf32> -> vector<8x4096xf32>
    %and3A_2713 = arith.constant 2 : i32
    %and3A_2714 = vector.broadcast %and3A_2713 : i32 to vector<8x4096xi32>
    %and3A_2715 = arith.andi %add3A_44, %and3A_2714 : vector<8x4096xi32>
    %ne3A_2716 = arith.constant 0 : i32
    %ne3A_2717 = vector.broadcast %ne3A_2716 : i32 to vector<8x4096xi32>
    %ne3A_2718 = arith.cmpi ne, %and3A_2715, %ne3A_2717 : vector<8x4096xi32>
    %and3A_2719 = arith.constant 4096 : i32
    %and3A_2720 = vector.broadcast %and3A_2719 : i32 to vector<8x4096xi32>
    %and3A_2721 = arith.andi %add3A_44, %and3A_2720 : vector<8x4096xi32>
    %ne3A_2722 = arith.constant 0 : i32
    %ne3A_2723 = vector.broadcast %ne3A_2722 : i32 to vector<8x4096xi32>
    %ne3A_2724 = arith.cmpi ne, %and3A_2721, %ne3A_2723 : vector<8x4096xi32>
    %select_n3A_2725 = arith.select %ne3A_2718, %concatenate3A_2706, %concatenate3A_2703 : vector<8x4096xi1>, vector<8x4096xf32>
    %select_n3A_2726 = arith.select %ne3A_2718, %concatenate3A_2712, %concatenate3A_2709 : vector<8x4096xi1>, vector<8x4096xf32>
    %gt3A_2727 = arith.cmpf ogt, %select_n3A_2725, %select_n3A_2699 : vector<8x4096xf32>
    %eq3A_2728 = arith.cmpf oeq, %select_n3A_2725, %select_n3A_2699 : vector<8x4096xf32>
    %lt3A_2729 = arith.cmpf olt, %select_n3A_2726, %select_n3A_2700 : vector<8x4096xf32>
    %and3A_2730 = arith.andi %eq3A_2728, %lt3A_2729 : vector<8x4096xi1>
    %or3A_2731 = arith.ori %gt3A_2727, %and3A_2730 : vector<8x4096xi1>
    %xor3A_2732 = arith.xori %or3A_2731, %ne3A_2718 : vector<8x4096xi1>
    %xor3A_2733 = arith.xori %xor3A_2732, %ne3A_2724 : vector<8x4096xi1>
    %select_n3A_2734 = arith.select %xor3A_2733, %select_n3A_2725, %select_n3A_2699 : vector<8x4096xi1>, vector<8x4096xf32>
    %select_n3A_2735 = arith.select %xor3A_2733, %select_n3A_2726, %select_n3A_2700 : vector<8x4096xi1>, vector<8x4096xf32>
    %slice3A_2736 = vector.extract_strided_slice %select_n3A_2734 {offsets = [0, 1], sizes = [8, 4095], strides = [1, 1]} : vector<8x4096xf32> to vector<8x4095xf32>
    %slice3A_2737 = vector.extract_strided_slice %select_n3A_2734 {offsets = [0, 0], sizes = [8, 1], strides = [1, 1]} : vector<8x4096xf32> to vector<8x1xf32>
    %concatenate3A_2738 = tpu.concatenate %slice3A_2736, %slice3A_2737 in 1 : vector<8x4095xf32>, vector<8x1xf32> -> vector<8x4096xf32>
    %slice3A_2739 = vector.extract_strided_slice %select_n3A_2734 {offsets = [0, 4095], sizes = [8, 1], strides = [1, 1]} : vector<8x4096xf32> to vector<8x1xf32>
    %slice3A_2740 = vector.extract_strided_slice %select_n3A_2734 {offsets = [0, 0], sizes = [8, 4095], strides = [1, 1]} : vector<8x4096xf32> to vector<8x4095xf32>
    %concatenate3A_2741 = tpu.concatenate %slice3A_2739, %slice3A_2740 in 1 : vector<8x1xf32>, vector<8x4095xf32> -> vector<8x4096xf32>
    %slice3A_2742 = vector.extract_strided_slice %select_n3A_2735 {offsets = [0, 1], sizes = [8, 4095], strides = [1, 1]} : vector<8x4096xf32> to vector<8x4095xf32>
    %slice3A_2743 = vector.extract_strided_slice %select_n3A_2735 {offsets = [0, 0], sizes = [8, 1], strides = [1, 1]} : vector<8x4096xf32> to vector<8x1xf32>
    %concatenate3A_2744 = tpu.concatenate %slice3A_2742, %slice3A_2743 in 1 : vector<8x4095xf32>, vector<8x1xf32> -> vector<8x4096xf32>
    %slice3A_2745 = vector.extract_strided_slice %select_n3A_2735 {offsets = [0, 4095], sizes = [8, 1], strides = [1, 1]} : vector<8x4096xf32> to vector<8x1xf32>
    %slice3A_2746 = vector.extract_strided_slice %select_n3A_2735 {offsets = [0, 0], sizes = [8, 4095], strides = [1, 1]} : vector<8x4096xf32> to vector<8x4095xf32>
    %concatenate3A_2747 = tpu.concatenate %slice3A_2745, %slice3A_2746 in 1 : vector<8x1xf32>, vector<8x4095xf32> -> vector<8x4096xf32>
    %and3A_2748 = arith.constant 1 : i32
    %and3A_2749 = vector.broadcast %and3A_2748 : i32 to vector<8x4096xi32>
    %and3A_2750 = arith.andi %add3A_44, %and3A_2749 : vector<8x4096xi32>
    %ne3A_2751 = arith.constant 0 : i32
    %ne3A_2752 = vector.broadcast %ne3A_2751 : i32 to vector<8x4096xi32>
    %ne3A_2753 = arith.cmpi ne, %and3A_2750, %ne3A_2752 : vector<8x4096xi32>
    %and3A_2754 = arith.constant 4096 : i32
    %and3A_2755 = vector.broadcast %and3A_2754 : i32 to vector<8x4096xi32>
    %and3A_2756 = arith.andi %add3A_44, %and3A_2755 : vector<8x4096xi32>
    %ne3A_2757 = arith.constant 0 : i32
    %ne3A_2758 = vector.broadcast %ne3A_2757 : i32 to vector<8x4096xi32>
    %ne3A_2759 = arith.cmpi ne, %and3A_2756, %ne3A_2758 : vector<8x4096xi32>
    %select_n3A_2760 = arith.select %ne3A_2753, %concatenate3A_2741, %concatenate3A_2738 : vector<8x4096xi1>, vector<8x4096xf32>
    %select_n3A_2761 = arith.select %ne3A_2753, %concatenate3A_2747, %concatenate3A_2744 : vector<8x4096xi1>, vector<8x4096xf32>
    %gt3A_2762 = arith.cmpf ogt, %select_n3A_2760, %select_n3A_2734 : vector<8x4096xf32>
    %eq3A_2763 = arith.cmpf oeq, %select_n3A_2760, %select_n3A_2734 : vector<8x4096xf32>
    %lt3A_2764 = arith.cmpf olt, %select_n3A_2761, %select_n3A_2735 : vector<8x4096xf32>
    %and3A_2765 = arith.andi %eq3A_2763, %lt3A_2764 : vector<8x4096xi1>
    %or3A_2766 = arith.ori %gt3A_2762, %and3A_2765 : vector<8x4096xi1>
    %xor3A_2767 = arith.xori %or3A_2766, %ne3A_2753 : vector<8x4096xi1>
    %xor3A_2768 = arith.xori %xor3A_2767, %ne3A_2759 : vector<8x4096xi1>
    %select_n3A_2769 = arith.select %xor3A_2768, %select_n3A_2760, %select_n3A_2734 : vector<8x4096xi1>, vector<8x4096xf32>
    %select_n3A_2770 = arith.select %xor3A_2768, %select_n3A_2761, %select_n3A_2735 : vector<8x4096xi1>, vector<8x4096xf32>
    %slice3A_2771 = vector.extract_strided_slice %select_n3A_2769 {offsets = [1, 0], sizes = [7, 4096], strides = [1, 1]} : vector<8x4096xf32> to vector<7x4096xf32>
    %slice3A_2772 = vector.extract_strided_slice %select_n3A_2769 {offsets = [0, 0], sizes = [1, 4096], strides = [1, 1]} : vector<8x4096xf32> to vector<1x4096xf32>
    %concatenate3A_2773 = tpu.concatenate %slice3A_2771, %slice3A_2772 in 0 : vector<7x4096xf32>, vector<1x4096xf32> -> vector<8x4096xf32>
    %slice3A_2774 = vector.extract_strided_slice %select_n3A_2769 {offsets = [7, 0], sizes = [1, 4096], strides = [1, 1]} : vector<8x4096xf32> to vector<1x4096xf32>
    %slice3A_2775 = vector.extract_strided_slice %select_n3A_2769 {offsets = [0, 0], sizes = [7, 4096], strides = [1, 1]} : vector<8x4096xf32> to vector<7x4096xf32>
    %concatenate3A_2776 = tpu.concatenate %slice3A_2774, %slice3A_2775 in 0 : vector<1x4096xf32>, vector<7x4096xf32> -> vector<8x4096xf32>
    %slice3A_2777 = vector.extract_strided_slice %select_n3A_2770 {offsets = [1, 0], sizes = [7, 4096], strides = [1, 1]} : vector<8x4096xf32> to vector<7x4096xf32>
    %slice3A_2778 = vector.extract_strided_slice %select_n3A_2770 {offsets = [0, 0], sizes = [1, 4096], strides = [1, 1]} : vector<8x4096xf32> to vector<1x4096xf32>
    %concatenate3A_2779 = tpu.concatenate %slice3A_2777, %slice3A_2778 in 0 : vector<7x4096xf32>, vector<1x4096xf32> -> vector<8x4096xf32>
    %slice3A_2780 = vector.extract_strided_slice %select_n3A_2770 {offsets = [7, 0], sizes = [1, 4096], strides = [1, 1]} : vector<8x4096xf32> to vector<1x4096xf32>
    %slice3A_2781 = vector.extract_strided_slice %select_n3A_2770 {offsets = [0, 0], sizes = [7, 4096], strides = [1, 1]} : vector<8x4096xf32> to vector<7x4096xf32>
    %concatenate3A_2782 = tpu.concatenate %slice3A_2780, %slice3A_2781 in 0 : vector<1x4096xf32>, vector<7x4096xf32> -> vector<8x4096xf32>
    %and3A_2783 = arith.constant 4096 : i32
    %and3A_2784 = vector.broadcast %and3A_2783 : i32 to vector<8x4096xi32>
    %and3A_2785 = arith.andi %add3A_44, %and3A_2784 : vector<8x4096xi32>
    %ne3A_2786 = arith.constant 0 : i32
    %ne3A_2787 = vector.broadcast %ne3A_2786 : i32 to vector<8x4096xi32>
    %ne3A_2788 = arith.cmpi ne, %and3A_2785, %ne3A_2787 : vector<8x4096xi32>
    %and3A_2789 = arith.constant 8192 : i32
    %and3A_2790 = vector.broadcast %and3A_2789 : i32 to vector<8x4096xi32>
    %and3A_2791 = arith.andi %add3A_44, %and3A_2790 : vector<8x4096xi32>
    %ne3A_2792 = arith.constant 0 : i32
    %ne3A_2793 = vector.broadcast %ne3A_2792 : i32 to vector<8x4096xi32>
    %ne3A_2794 = arith.cmpi ne, %and3A_2791, %ne3A_2793 : vector<8x4096xi32>
    %select_n3A_2795 = arith.select %ne3A_2788, %concatenate3A_2776, %concatenate3A_2773 : vector<8x4096xi1>, vector<8x4096xf32>
    %select_n3A_2796 = arith.select %ne3A_2788, %concatenate3A_2782, %concatenate3A_2779 : vector<8x4096xi1>, vector<8x4096xf32>
    %gt3A_2797 = arith.cmpf ogt, %select_n3A_2795, %select_n3A_2769 : vector<8x4096xf32>
    %eq3A_2798 = arith.cmpf oeq, %select_n3A_2795, %select_n3A_2769 : vector<8x4096xf32>
    %lt3A_2799 = arith.cmpf olt, %select_n3A_2796, %select_n3A_2770 : vector<8x4096xf32>
    %and3A_2800 = arith.andi %eq3A_2798, %lt3A_2799 : vector<8x4096xi1>
    %or3A_2801 = arith.ori %gt3A_2797, %and3A_2800 : vector<8x4096xi1>
    %xor3A_2802 = arith.xori %or3A_2801, %ne3A_2788 : vector<8x4096xi1>
    %xor3A_2803 = arith.xori %xor3A_2802, %ne3A_2794 : vector<8x4096xi1>
    %select_n3A_2804 = arith.select %xor3A_2803, %select_n3A_2795, %select_n3A_2769 : vector<8x4096xi1>, vector<8x4096xf32>
    %select_n3A_2805 = arith.select %xor3A_2803, %select_n3A_2796, %select_n3A_2770 : vector<8x4096xi1>, vector<8x4096xf32>
    %slice3A_2806 = vector.extract_strided_slice %select_n3A_2804 {offsets = [0, 2048], sizes = [8, 2048], strides = [1, 1]} : vector<8x4096xf32> to vector<8x2048xf32>
    %slice3A_2807 = vector.extract_strided_slice %select_n3A_2804 {offsets = [0, 0], sizes = [8, 2048], strides = [1, 1]} : vector<8x4096xf32> to vector<8x2048xf32>
    %concatenate3A_2808 = tpu.concatenate %slice3A_2806, %slice3A_2807 in 1 : vector<8x2048xf32>, vector<8x2048xf32> -> vector<8x4096xf32>
    %slice3A_2809 = vector.extract_strided_slice %select_n3A_2804 {offsets = [0, 2048], sizes = [8, 2048], strides = [1, 1]} : vector<8x4096xf32> to vector<8x2048xf32>
    %slice3A_2810 = vector.extract_strided_slice %select_n3A_2804 {offsets = [0, 0], sizes = [8, 2048], strides = [1, 1]} : vector<8x4096xf32> to vector<8x2048xf32>
    %concatenate3A_2811 = tpu.concatenate %slice3A_2809, %slice3A_2810 in 1 : vector<8x2048xf32>, vector<8x2048xf32> -> vector<8x4096xf32>
    %slice3A_2812 = vector.extract_strided_slice %select_n3A_2805 {offsets = [0, 2048], sizes = [8, 2048], strides = [1, 1]} : vector<8x4096xf32> to vector<8x2048xf32>
    %slice3A_2813 = vector.extract_strided_slice %select_n3A_2805 {offsets = [0, 0], sizes = [8, 2048], strides = [1, 1]} : vector<8x4096xf32> to vector<8x2048xf32>
    %concatenate3A_2814 = tpu.concatenate %slice3A_2812, %slice3A_2813 in 1 : vector<8x2048xf32>, vector<8x2048xf32> -> vector<8x4096xf32>
    %slice3A_2815 = vector.extract_strided_slice %select_n3A_2805 {offsets = [0, 2048], sizes = [8, 2048], strides = [1, 1]} : vector<8x4096xf32> to vector<8x2048xf32>
    %slice3A_2816 = vector.extract_strided_slice %select_n3A_2805 {offsets = [0, 0], sizes = [8, 2048], strides = [1, 1]} : vector<8x4096xf32> to vector<8x2048xf32>
    %concatenate3A_2817 = tpu.concatenate %slice3A_2815, %slice3A_2816 in 1 : vector<8x2048xf32>, vector<8x2048xf32> -> vector<8x4096xf32>
    %and3A_2818 = arith.constant 2048 : i32
    %and3A_2819 = vector.broadcast %and3A_2818 : i32 to vector<8x4096xi32>
    %and3A_2820 = arith.andi %add3A_44, %and3A_2819 : vector<8x4096xi32>
    %ne3A_2821 = arith.constant 0 : i32
    %ne3A_2822 = vector.broadcast %ne3A_2821 : i32 to vector<8x4096xi32>
    %ne3A_2823 = arith.cmpi ne, %and3A_2820, %ne3A_2822 : vector<8x4096xi32>
    %and3A_2824 = arith.constant 8192 : i32
    %and3A_2825 = vector.broadcast %and3A_2824 : i32 to vector<8x4096xi32>
    %and3A_2826 = arith.andi %add3A_44, %and3A_2825 : vector<8x4096xi32>
    %ne3A_2827 = arith.constant 0 : i32
    %ne3A_2828 = vector.broadcast %ne3A_2827 : i32 to vector<8x4096xi32>
    %ne3A_2829 = arith.cmpi ne, %and3A_2826, %ne3A_2828 : vector<8x4096xi32>
    %select_n3A_2830 = arith.select %ne3A_2823, %concatenate3A_2811, %concatenate3A_2808 : vector<8x4096xi1>, vector<8x4096xf32>
    %select_n3A_2831 = arith.select %ne3A_2823, %concatenate3A_2817, %concatenate3A_2814 : vector<8x4096xi1>, vector<8x4096xf32>
    %gt3A_2832 = arith.cmpf ogt, %select_n3A_2830, %select_n3A_2804 : vector<8x4096xf32>
    %eq3A_2833 = arith.cmpf oeq, %select_n3A_2830, %select_n3A_2804 : vector<8x4096xf32>
    %lt3A_2834 = arith.cmpf olt, %select_n3A_2831, %select_n3A_2805 : vector<8x4096xf32>
    %and3A_2835 = arith.andi %eq3A_2833, %lt3A_2834 : vector<8x4096xi1>
    %or3A_2836 = arith.ori %gt3A_2832, %and3A_2835 : vector<8x4096xi1>
    %xor3A_2837 = arith.xori %or3A_2836, %ne3A_2823 : vector<8x4096xi1>
    %xor3A_2838 = arith.xori %xor3A_2837, %ne3A_2829 : vector<8x4096xi1>
    %select_n3A_2839 = arith.select %xor3A_2838, %select_n3A_2830, %select_n3A_2804 : vector<8x4096xi1>, vector<8x4096xf32>
    %select_n3A_2840 = arith.select %xor3A_2838, %select_n3A_2831, %select_n3A_2805 : vector<8x4096xi1>, vector<8x4096xf32>
    %slice3A_2841 = vector.extract_strided_slice %select_n3A_2839 {offsets = [0, 1024], sizes = [8, 3072], strides = [1, 1]} : vector<8x4096xf32> to vector<8x3072xf32>
    %slice3A_2842 = vector.extract_strided_slice %select_n3A_2839 {offsets = [0, 0], sizes = [8, 1024], strides = [1, 1]} : vector<8x4096xf32> to vector<8x1024xf32>
    %concatenate3A_2843 = tpu.concatenate %slice3A_2841, %slice3A_2842 in 1 : vector<8x3072xf32>, vector<8x1024xf32> -> vector<8x4096xf32>
    %slice3A_2844 = vector.extract_strided_slice %select_n3A_2839 {offsets = [0, 3072], sizes = [8, 1024], strides = [1, 1]} : vector<8x4096xf32> to vector<8x1024xf32>
    %slice3A_2845 = vector.extract_strided_slice %select_n3A_2839 {offsets = [0, 0], sizes = [8, 3072], strides = [1, 1]} : vector<8x4096xf32> to vector<8x3072xf32>
    %concatenate3A_2846 = tpu.concatenate %slice3A_2844, %slice3A_2845 in 1 : vector<8x1024xf32>, vector<8x3072xf32> -> vector<8x4096xf32>
    %slice3A_2847 = vector.extract_strided_slice %select_n3A_2840 {offsets = [0, 1024], sizes = [8, 3072], strides = [1, 1]} : vector<8x4096xf32> to vector<8x3072xf32>
    %slice3A_2848 = vector.extract_strided_slice %select_n3A_2840 {offsets = [0, 0], sizes = [8, 1024], strides = [1, 1]} : vector<8x4096xf32> to vector<8x1024xf32>
    %concatenate3A_2849 = tpu.concatenate %slice3A_2847, %slice3A_2848 in 1 : vector<8x3072xf32>, vector<8x1024xf32> -> vector<8x4096xf32>
    %slice3A_2850 = vector.extract_strided_slice %select_n3A_2840 {offsets = [0, 3072], sizes = [8, 1024], strides = [1, 1]} : vector<8x4096xf32> to vector<8x1024xf32>
    %slice3A_2851 = vector.extract_strided_slice %select_n3A_2840 {offsets = [0, 0], sizes = [8, 3072], strides = [1, 1]} : vector<8x4096xf32> to vector<8x3072xf32>
    %concatenate3A_2852 = tpu.concatenate %slice3A_2850, %slice3A_2851 in 1 : vector<8x1024xf32>, vector<8x3072xf32> -> vector<8x4096xf32>
    %and3A_2853 = arith.constant 1024 : i32
    %and3A_2854 = vector.broadcast %and3A_2853 : i32 to vector<8x4096xi32>
    %and3A_2855 = arith.andi %add3A_44, %and3A_2854 : vector<8x4096xi32>
    %ne3A_2856 = arith.constant 0 : i32
    %ne3A_2857 = vector.broadcast %ne3A_2856 : i32 to vector<8x4096xi32>
    %ne3A_2858 = arith.cmpi ne, %and3A_2855, %ne3A_2857 : vector<8x4096xi32>
    %and3A_2859 = arith.constant 8192 : i32
    %and3A_2860 = vector.broadcast %and3A_2859 : i32 to vector<8x4096xi32>
    %and3A_2861 = arith.andi %add3A_44, %and3A_2860 : vector<8x4096xi32>
    %ne3A_2862 = arith.constant 0 : i32
    %ne3A_2863 = vector.broadcast %ne3A_2862 : i32 to vector<8x4096xi32>
    %ne3A_2864 = arith.cmpi ne, %and3A_2861, %ne3A_2863 : vector<8x4096xi32>
    %select_n3A_2865 = arith.select %ne3A_2858, %concatenate3A_2846, %concatenate3A_2843 : vector<8x4096xi1>, vector<8x4096xf32>
    %select_n3A_2866 = arith.select %ne3A_2858, %concatenate3A_2852, %concatenate3A_2849 : vector<8x4096xi1>, vector<8x4096xf32>
    %gt3A_2867 = arith.cmpf ogt, %select_n3A_2865, %select_n3A_2839 : vector<8x4096xf32>
    %eq3A_2868 = arith.cmpf oeq, %select_n3A_2865, %select_n3A_2839 : vector<8x4096xf32>
    %lt3A_2869 = arith.cmpf olt, %select_n3A_2866, %select_n3A_2840 : vector<8x4096xf32>
    %and3A_2870 = arith.andi %eq3A_2868, %lt3A_2869 : vector<8x4096xi1>
    %or3A_2871 = arith.ori %gt3A_2867, %and3A_2870 : vector<8x4096xi1>
    %xor3A_2872 = arith.xori %or3A_2871, %ne3A_2858 : vector<8x4096xi1>
    %xor3A_2873 = arith.xori %xor3A_2872, %ne3A_2864 : vector<8x4096xi1>
    %select_n3A_2874 = arith.select %xor3A_2873, %select_n3A_2865, %select_n3A_2839 : vector<8x4096xi1>, vector<8x4096xf32>
    %select_n3A_2875 = arith.select %xor3A_2873, %select_n3A_2866, %select_n3A_2840 : vector<8x4096xi1>, vector<8x4096xf32>
    %slice3A_2876 = vector.extract_strided_slice %select_n3A_2874 {offsets = [0, 512], sizes = [8, 3584], strides = [1, 1]} : vector<8x4096xf32> to vector<8x3584xf32>
    %slice3A_2877 = vector.extract_strided_slice %select_n3A_2874 {offsets = [0, 0], sizes = [8, 512], strides = [1, 1]} : vector<8x4096xf32> to vector<8x512xf32>
    %concatenate3A_2878 = tpu.concatenate %slice3A_2876, %slice3A_2877 in 1 : vector<8x3584xf32>, vector<8x512xf32> -> vector<8x4096xf32>
    %slice3A_2879 = vector.extract_strided_slice %select_n3A_2874 {offsets = [0, 3584], sizes = [8, 512], strides = [1, 1]} : vector<8x4096xf32> to vector<8x512xf32>
    %slice3A_2880 = vector.extract_strided_slice %select_n3A_2874 {offsets = [0, 0], sizes = [8, 3584], strides = [1, 1]} : vector<8x4096xf32> to vector<8x3584xf32>
    %concatenate3A_2881 = tpu.concatenate %slice3A_2879, %slice3A_2880 in 1 : vector<8x512xf32>, vector<8x3584xf32> -> vector<8x4096xf32>
    %slice3A_2882 = vector.extract_strided_slice %select_n3A_2875 {offsets = [0, 512], sizes = [8, 3584], strides = [1, 1]} : vector<8x4096xf32> to vector<8x3584xf32>
    %slice3A_2883 = vector.extract_strided_slice %select_n3A_2875 {offsets = [0, 0], sizes = [8, 512], strides = [1, 1]} : vector<8x4096xf32> to vector<8x512xf32>
    %concatenate3A_2884 = tpu.concatenate %slice3A_2882, %slice3A_2883 in 1 : vector<8x3584xf32>, vector<8x512xf32> -> vector<8x4096xf32>
    %slice3A_2885 = vector.extract_strided_slice %select_n3A_2875 {offsets = [0, 3584], sizes = [8, 512], strides = [1, 1]} : vector<8x4096xf32> to vector<8x512xf32>
    %slice3A_2886 = vector.extract_strided_slice %select_n3A_2875 {offsets = [0, 0], sizes = [8, 3584], strides = [1, 1]} : vector<8x4096xf32> to vector<8x3584xf32>
    %concatenate3A_2887 = tpu.concatenate %slice3A_2885, %slice3A_2886 in 1 : vector<8x512xf32>, vector<8x3584xf32> -> vector<8x4096xf32>
    %and3A_2888 = arith.constant 512 : i32
    %and3A_2889 = vector.broadcast %and3A_2888 : i32 to vector<8x4096xi32>
    %and3A_2890 = arith.andi %add3A_44, %and3A_2889 : vector<8x4096xi32>
    %ne3A_2891 = arith.constant 0 : i32
    %ne3A_2892 = vector.broadcast %ne3A_2891 : i32 to vector<8x4096xi32>
    %ne3A_2893 = arith.cmpi ne, %and3A_2890, %ne3A_2892 : vector<8x4096xi32>
    %and3A_2894 = arith.constant 8192 : i32
    %and3A_2895 = vector.broadcast %and3A_2894 : i32 to vector<8x4096xi32>
    %and3A_2896 = arith.andi %add3A_44, %and3A_2895 : vector<8x4096xi32>
    %ne3A_2897 = arith.constant 0 : i32
    %ne3A_2898 = vector.broadcast %ne3A_2897 : i32 to vector<8x4096xi32>
    %ne3A_2899 = arith.cmpi ne, %and3A_2896, %ne3A_2898 : vector<8x4096xi32>
    %select_n3A_2900 = arith.select %ne3A_2893, %concatenate3A_2881, %concatenate3A_2878 : vector<8x4096xi1>, vector<8x4096xf32>
    %select_n3A_2901 = arith.select %ne3A_2893, %concatenate3A_2887, %concatenate3A_2884 : vector<8x4096xi1>, vector<8x4096xf32>
    %gt3A_2902 = arith.cmpf ogt, %select_n3A_2900, %select_n3A_2874 : vector<8x4096xf32>
    %eq3A_2903 = arith.cmpf oeq, %select_n3A_2900, %select_n3A_2874 : vector<8x4096xf32>
    %lt3A_2904 = arith.cmpf olt, %select_n3A_2901, %select_n3A_2875 : vector<8x4096xf32>
    %and3A_2905 = arith.andi %eq3A_2903, %lt3A_2904 : vector<8x4096xi1>
    %or3A_2906 = arith.ori %gt3A_2902, %and3A_2905 : vector<8x4096xi1>
    %xor3A_2907 = arith.xori %or3A_2906, %ne3A_2893 : vector<8x4096xi1>
    %xor3A_2908 = arith.xori %xor3A_2907, %ne3A_2899 : vector<8x4096xi1>
    %select_n3A_2909 = arith.select %xor3A_2908, %select_n3A_2900, %select_n3A_2874 : vector<8x4096xi1>, vector<8x4096xf32>
    %select_n3A_2910 = arith.select %xor3A_2908, %select_n3A_2901, %select_n3A_2875 : vector<8x4096xi1>, vector<8x4096xf32>
    %slice3A_2911 = vector.extract_strided_slice %select_n3A_2909 {offsets = [0, 256], sizes = [8, 3840], strides = [1, 1]} : vector<8x4096xf32> to vector<8x3840xf32>
    %slice3A_2912 = vector.extract_strided_slice %select_n3A_2909 {offsets = [0, 0], sizes = [8, 256], strides = [1, 1]} : vector<8x4096xf32> to vector<8x256xf32>
    %concatenate3A_2913 = tpu.concatenate %slice3A_2911, %slice3A_2912 in 1 : vector<8x3840xf32>, vector<8x256xf32> -> vector<8x4096xf32>
    %slice3A_2914 = vector.extract_strided_slice %select_n3A_2909 {offsets = [0, 3840], sizes = [8, 256], strides = [1, 1]} : vector<8x4096xf32> to vector<8x256xf32>
    %slice3A_2915 = vector.extract_strided_slice %select_n3A_2909 {offsets = [0, 0], sizes = [8, 3840], strides = [1, 1]} : vector<8x4096xf32> to vector<8x3840xf32>
    %concatenate3A_2916 = tpu.concatenate %slice3A_2914, %slice3A_2915 in 1 : vector<8x256xf32>, vector<8x3840xf32> -> vector<8x4096xf32>
    %slice3A_2917 = vector.extract_strided_slice %select_n3A_2910 {offsets = [0, 256], sizes = [8, 3840], strides = [1, 1]} : vector<8x4096xf32> to vector<8x3840xf32>
    %slice3A_2918 = vector.extract_strided_slice %select_n3A_2910 {offsets = [0, 0], sizes = [8, 256], strides = [1, 1]} : vector<8x4096xf32> to vector<8x256xf32>
    %concatenate3A_2919 = tpu.concatenate %slice3A_2917, %slice3A_2918 in 1 : vector<8x3840xf32>, vector<8x256xf32> -> vector<8x4096xf32>
    %slice3A_2920 = vector.extract_strided_slice %select_n3A_2910 {offsets = [0, 3840], sizes = [8, 256], strides = [1, 1]} : vector<8x4096xf32> to vector<8x256xf32>
    %slice3A_2921 = vector.extract_strided_slice %select_n3A_2910 {offsets = [0, 0], sizes = [8, 3840], strides = [1, 1]} : vector<8x4096xf32> to vector<8x3840xf32>
    %concatenate3A_2922 = tpu.concatenate %slice3A_2920, %slice3A_2921 in 1 : vector<8x256xf32>, vector<8x3840xf32> -> vector<8x4096xf32>
    %and3A_2923 = arith.constant 256 : i32
    %and3A_2924 = vector.broadcast %and3A_2923 : i32 to vector<8x4096xi32>
    %and3A_2925 = arith.andi %add3A_44, %and3A_2924 : vector<8x4096xi32>
    %ne3A_2926 = arith.constant 0 : i32
    %ne3A_2927 = vector.broadcast %ne3A_2926 : i32 to vector<8x4096xi32>
    %ne3A_2928 = arith.cmpi ne, %and3A_2925, %ne3A_2927 : vector<8x4096xi32>
    %and3A_2929 = arith.constant 8192 : i32
    %and3A_2930 = vector.broadcast %and3A_2929 : i32 to vector<8x4096xi32>
    %and3A_2931 = arith.andi %add3A_44, %and3A_2930 : vector<8x4096xi32>
    %ne3A_2932 = arith.constant 0 : i32
    %ne3A_2933 = vector.broadcast %ne3A_2932 : i32 to vector<8x4096xi32>
    %ne3A_2934 = arith.cmpi ne, %and3A_2931, %ne3A_2933 : vector<8x4096xi32>
    %select_n3A_2935 = arith.select %ne3A_2928, %concatenate3A_2916, %concatenate3A_2913 : vector<8x4096xi1>, vector<8x4096xf32>
    %select_n3A_2936 = arith.select %ne3A_2928, %concatenate3A_2922, %concatenate3A_2919 : vector<8x4096xi1>, vector<8x4096xf32>
    %gt3A_2937 = arith.cmpf ogt, %select_n3A_2935, %select_n3A_2909 : vector<8x4096xf32>
    %eq3A_2938 = arith.cmpf oeq, %select_n3A_2935, %select_n3A_2909 : vector<8x4096xf32>
    %lt3A_2939 = arith.cmpf olt, %select_n3A_2936, %select_n3A_2910 : vector<8x4096xf32>
    %and3A_2940 = arith.andi %eq3A_2938, %lt3A_2939 : vector<8x4096xi1>
    %or3A_2941 = arith.ori %gt3A_2937, %and3A_2940 : vector<8x4096xi1>
    %xor3A_2942 = arith.xori %or3A_2941, %ne3A_2928 : vector<8x4096xi1>
    %xor3A_2943 = arith.xori %xor3A_2942, %ne3A_2934 : vector<8x4096xi1>
    %select_n3A_2944 = arith.select %xor3A_2943, %select_n3A_2935, %select_n3A_2909 : vector<8x4096xi1>, vector<8x4096xf32>
    %select_n3A_2945 = arith.select %xor3A_2943, %select_n3A_2936, %select_n3A_2910 : vector<8x4096xi1>, vector<8x4096xf32>
    %slice3A_2946 = vector.extract_strided_slice %select_n3A_2944 {offsets = [0, 128], sizes = [8, 3968], strides = [1, 1]} : vector<8x4096xf32> to vector<8x3968xf32>
    %slice3A_2947 = vector.extract_strided_slice %select_n3A_2944 {offsets = [0, 0], sizes = [8, 128], strides = [1, 1]} : vector<8x4096xf32> to vector<8x128xf32>
    %concatenate3A_2948 = tpu.concatenate %slice3A_2946, %slice3A_2947 in 1 : vector<8x3968xf32>, vector<8x128xf32> -> vector<8x4096xf32>
    %slice3A_2949 = vector.extract_strided_slice %select_n3A_2944 {offsets = [0, 3968], sizes = [8, 128], strides = [1, 1]} : vector<8x4096xf32> to vector<8x128xf32>
    %slice3A_2950 = vector.extract_strided_slice %select_n3A_2944 {offsets = [0, 0], sizes = [8, 3968], strides = [1, 1]} : vector<8x4096xf32> to vector<8x3968xf32>
    %concatenate3A_2951 = tpu.concatenate %slice3A_2949, %slice3A_2950 in 1 : vector<8x128xf32>, vector<8x3968xf32> -> vector<8x4096xf32>
    %slice3A_2952 = vector.extract_strided_slice %select_n3A_2945 {offsets = [0, 128], sizes = [8, 3968], strides = [1, 1]} : vector<8x4096xf32> to vector<8x3968xf32>
    %slice3A_2953 = vector.extract_strided_slice %select_n3A_2945 {offsets = [0, 0], sizes = [8, 128], strides = [1, 1]} : vector<8x4096xf32> to vector<8x128xf32>
    %concatenate3A_2954 = tpu.concatenate %slice3A_2952, %slice3A_2953 in 1 : vector<8x3968xf32>, vector<8x128xf32> -> vector<8x4096xf32>
    %slice3A_2955 = vector.extract_strided_slice %select_n3A_2945 {offsets = [0, 3968], sizes = [8, 128], strides = [1, 1]} : vector<8x4096xf32> to vector<8x128xf32>
    %slice3A_2956 = vector.extract_strided_slice %select_n3A_2945 {offsets = [0, 0], sizes = [8, 3968], strides = [1, 1]} : vector<8x4096xf32> to vector<8x3968xf32>
    %concatenate3A_2957 = tpu.concatenate %slice3A_2955, %slice3A_2956 in 1 : vector<8x128xf32>, vector<8x3968xf32> -> vector<8x4096xf32>
    %and3A_2958 = arith.constant 128 : i32
    %and3A_2959 = vector.broadcast %and3A_2958 : i32 to vector<8x4096xi32>
    %and3A_2960 = arith.andi %add3A_44, %and3A_2959 : vector<8x4096xi32>
    %ne3A_2961 = arith.constant 0 : i32
    %ne3A_2962 = vector.broadcast %ne3A_2961 : i32 to vector<8x4096xi32>
    %ne3A_2963 = arith.cmpi ne, %and3A_2960, %ne3A_2962 : vector<8x4096xi32>
    %and3A_2964 = arith.constant 8192 : i32
    %and3A_2965 = vector.broadcast %and3A_2964 : i32 to vector<8x4096xi32>
    %and3A_2966 = arith.andi %add3A_44, %and3A_2965 : vector<8x4096xi32>
    %ne3A_2967 = arith.constant 0 : i32
    %ne3A_2968 = vector.broadcast %ne3A_2967 : i32 to vector<8x4096xi32>
    %ne3A_2969 = arith.cmpi ne, %and3A_2966, %ne3A_2968 : vector<8x4096xi32>
    %select_n3A_2970 = arith.select %ne3A_2963, %concatenate3A_2951, %concatenate3A_2948 : vector<8x4096xi1>, vector<8x4096xf32>
    %select_n3A_2971 = arith.select %ne3A_2963, %concatenate3A_2957, %concatenate3A_2954 : vector<8x4096xi1>, vector<8x4096xf32>
    %gt3A_2972 = arith.cmpf ogt, %select_n3A_2970, %select_n3A_2944 : vector<8x4096xf32>
    %eq3A_2973 = arith.cmpf oeq, %select_n3A_2970, %select_n3A_2944 : vector<8x4096xf32>
    %lt3A_2974 = arith.cmpf olt, %select_n3A_2971, %select_n3A_2945 : vector<8x4096xf32>
    %and3A_2975 = arith.andi %eq3A_2973, %lt3A_2974 : vector<8x4096xi1>
    %or3A_2976 = arith.ori %gt3A_2972, %and3A_2975 : vector<8x4096xi1>
    %xor3A_2977 = arith.xori %or3A_2976, %ne3A_2963 : vector<8x4096xi1>
    %xor3A_2978 = arith.xori %xor3A_2977, %ne3A_2969 : vector<8x4096xi1>
    %select_n3A_2979 = arith.select %xor3A_2978, %select_n3A_2970, %select_n3A_2944 : vector<8x4096xi1>, vector<8x4096xf32>
    %select_n3A_2980 = arith.select %xor3A_2978, %select_n3A_2971, %select_n3A_2945 : vector<8x4096xi1>, vector<8x4096xf32>
    %slice3A_2981 = vector.extract_strided_slice %select_n3A_2979 {offsets = [0, 64], sizes = [8, 4032], strides = [1, 1]} : vector<8x4096xf32> to vector<8x4032xf32>
    %slice3A_2982 = vector.extract_strided_slice %select_n3A_2979 {offsets = [0, 0], sizes = [8, 64], strides = [1, 1]} : vector<8x4096xf32> to vector<8x64xf32>
    %concatenate3A_2983 = tpu.concatenate %slice3A_2981, %slice3A_2982 in 1 : vector<8x4032xf32>, vector<8x64xf32> -> vector<8x4096xf32>
    %slice3A_2984 = vector.extract_strided_slice %select_n3A_2979 {offsets = [0, 4032], sizes = [8, 64], strides = [1, 1]} : vector<8x4096xf32> to vector<8x64xf32>
    %slice3A_2985 = vector.extract_strided_slice %select_n3A_2979 {offsets = [0, 0], sizes = [8, 4032], strides = [1, 1]} : vector<8x4096xf32> to vector<8x4032xf32>
    %concatenate3A_2986 = tpu.concatenate %slice3A_2984, %slice3A_2985 in 1 : vector<8x64xf32>, vector<8x4032xf32> -> vector<8x4096xf32>
    %slice3A_2987 = vector.extract_strided_slice %select_n3A_2980 {offsets = [0, 64], sizes = [8, 4032], strides = [1, 1]} : vector<8x4096xf32> to vector<8x4032xf32>
    %slice3A_2988 = vector.extract_strided_slice %select_n3A_2980 {offsets = [0, 0], sizes = [8, 64], strides = [1, 1]} : vector<8x4096xf32> to vector<8x64xf32>
    %concatenate3A_2989 = tpu.concatenate %slice3A_2987, %slice3A_2988 in 1 : vector<8x4032xf32>, vector<8x64xf32> -> vector<8x4096xf32>
    %slice3A_2990 = vector.extract_strided_slice %select_n3A_2980 {offsets = [0, 4032], sizes = [8, 64], strides = [1, 1]} : vector<8x4096xf32> to vector<8x64xf32>
    %slice3A_2991 = vector.extract_strided_slice %select_n3A_2980 {offsets = [0, 0], sizes = [8, 4032], strides = [1, 1]} : vector<8x4096xf32> to vector<8x4032xf32>
    %concatenate3A_2992 = tpu.concatenate %slice3A_2990, %slice3A_2991 in 1 : vector<8x64xf32>, vector<8x4032xf32> -> vector<8x4096xf32>
    %and3A_2993 = arith.constant 64 : i32
    %and3A_2994 = vector.broadcast %and3A_2993 : i32 to vector<8x4096xi32>
    %and3A_2995 = arith.andi %add3A_44, %and3A_2994 : vector<8x4096xi32>
    %ne3A_2996 = arith.constant 0 : i32
    %ne3A_2997 = vector.broadcast %ne3A_2996 : i32 to vector<8x4096xi32>
    %ne3A_2998 = arith.cmpi ne, %and3A_2995, %ne3A_2997 : vector<8x4096xi32>
    %and3A_2999 = arith.constant 8192 : i32
    %and3A_3000 = vector.broadcast %and3A_2999 : i32 to vector<8x4096xi32>
    %and3A_3001 = arith.andi %add3A_44, %and3A_3000 : vector<8x4096xi32>
    %ne3A_3002 = arith.constant 0 : i32
    %ne3A_3003 = vector.broadcast %ne3A_3002 : i32 to vector<8x4096xi32>
    %ne3A_3004 = arith.cmpi ne, %and3A_3001, %ne3A_3003 : vector<8x4096xi32>
    %select_n3A_3005 = arith.select %ne3A_2998, %concatenate3A_2986, %concatenate3A_2983 : vector<8x4096xi1>, vector<8x4096xf32>
    %select_n3A_3006 = arith.select %ne3A_2998, %concatenate3A_2992, %concatenate3A_2989 : vector<8x4096xi1>, vector<8x4096xf32>
    %gt3A_3007 = arith.cmpf ogt, %select_n3A_3005, %select_n3A_2979 : vector<8x4096xf32>
    %eq3A_3008 = arith.cmpf oeq, %select_n3A_3005, %select_n3A_2979 : vector<8x4096xf32>
    %lt3A_3009 = arith.cmpf olt, %select_n3A_3006, %select_n3A_2980 : vector<8x4096xf32>
    %and3A_3010 = arith.andi %eq3A_3008, %lt3A_3009 : vector<8x4096xi1>
    %or3A_3011 = arith.ori %gt3A_3007, %and3A_3010 : vector<8x4096xi1>
    %xor3A_3012 = arith.xori %or3A_3011, %ne3A_2998 : vector<8x4096xi1>
    %xor3A_3013 = arith.xori %xor3A_3012, %ne3A_3004 : vector<8x4096xi1>
    %select_n3A_3014 = arith.select %xor3A_3013, %select_n3A_3005, %select_n3A_2979 : vector<8x4096xi1>, vector<8x4096xf32>
    %select_n3A_3015 = arith.select %xor3A_3013, %select_n3A_3006, %select_n3A_2980 : vector<8x4096xi1>, vector<8x4096xf32>
    %slice3A_3016 = vector.extract_strided_slice %select_n3A_3014 {offsets = [0, 32], sizes = [8, 4064], strides = [1, 1]} : vector<8x4096xf32> to vector<8x4064xf32>
    %slice3A_3017 = vector.extract_strided_slice %select_n3A_3014 {offsets = [0, 0], sizes = [8, 32], strides = [1, 1]} : vector<8x4096xf32> to vector<8x32xf32>
    %concatenate3A_3018 = tpu.concatenate %slice3A_3016, %slice3A_3017 in 1 : vector<8x4064xf32>, vector<8x32xf32> -> vector<8x4096xf32>
    %slice3A_3019 = vector.extract_strided_slice %select_n3A_3014 {offsets = [0, 4064], sizes = [8, 32], strides = [1, 1]} : vector<8x4096xf32> to vector<8x32xf32>
    %slice3A_3020 = vector.extract_strided_slice %select_n3A_3014 {offsets = [0, 0], sizes = [8, 4064], strides = [1, 1]} : vector<8x4096xf32> to vector<8x4064xf32>
    %concatenate3A_3021 = tpu.concatenate %slice3A_3019, %slice3A_3020 in 1 : vector<8x32xf32>, vector<8x4064xf32> -> vector<8x4096xf32>
    %slice3A_3022 = vector.extract_strided_slice %select_n3A_3015 {offsets = [0, 32], sizes = [8, 4064], strides = [1, 1]} : vector<8x4096xf32> to vector<8x4064xf32>
    %slice3A_3023 = vector.extract_strided_slice %select_n3A_3015 {offsets = [0, 0], sizes = [8, 32], strides = [1, 1]} : vector<8x4096xf32> to vector<8x32xf32>
    %concatenate3A_3024 = tpu.concatenate %slice3A_3022, %slice3A_3023 in 1 : vector<8x4064xf32>, vector<8x32xf32> -> vector<8x4096xf32>
    %slice3A_3025 = vector.extract_strided_slice %select_n3A_3015 {offsets = [0, 4064], sizes = [8, 32], strides = [1, 1]} : vector<8x4096xf32> to vector<8x32xf32>
    %slice3A_3026 = vector.extract_strided_slice %select_n3A_3015 {offsets = [0, 0], sizes = [8, 4064], strides = [1, 1]} : vector<8x4096xf32> to vector<8x4064xf32>
    %concatenate3A_3027 = tpu.concatenate %slice3A_3025, %slice3A_3026 in 1 : vector<8x32xf32>, vector<8x4064xf32> -> vector<8x4096xf32>
    %and3A_3028 = arith.constant 32 : i32
    %and3A_3029 = vector.broadcast %and3A_3028 : i32 to vector<8x4096xi32>
    %and3A_3030 = arith.andi %add3A_44, %and3A_3029 : vector<8x4096xi32>
    %ne3A_3031 = arith.constant 0 : i32
    %ne3A_3032 = vector.broadcast %ne3A_3031 : i32 to vector<8x4096xi32>
    %ne3A_3033 = arith.cmpi ne, %and3A_3030, %ne3A_3032 : vector<8x4096xi32>
    %and3A_3034 = arith.constant 8192 : i32
    %and3A_3035 = vector.broadcast %and3A_3034 : i32 to vector<8x4096xi32>
    %and3A_3036 = arith.andi %add3A_44, %and3A_3035 : vector<8x4096xi32>
    %ne3A_3037 = arith.constant 0 : i32
    %ne3A_3038 = vector.broadcast %ne3A_3037 : i32 to vector<8x4096xi32>
    %ne3A_3039 = arith.cmpi ne, %and3A_3036, %ne3A_3038 : vector<8x4096xi32>
    %select_n3A_3040 = arith.select %ne3A_3033, %concatenate3A_3021, %concatenate3A_3018 : vector<8x4096xi1>, vector<8x4096xf32>
    %select_n3A_3041 = arith.select %ne3A_3033, %concatenate3A_3027, %concatenate3A_3024 : vector<8x4096xi1>, vector<8x4096xf32>
    %gt3A_3042 = arith.cmpf ogt, %select_n3A_3040, %select_n3A_3014 : vector<8x4096xf32>
    %eq3A_3043 = arith.cmpf oeq, %select_n3A_3040, %select_n3A_3014 : vector<8x4096xf32>
    %lt3A_3044 = arith.cmpf olt, %select_n3A_3041, %select_n3A_3015 : vector<8x4096xf32>
    %and3A_3045 = arith.andi %eq3A_3043, %lt3A_3044 : vector<8x4096xi1>
    %or3A_3046 = arith.ori %gt3A_3042, %and3A_3045 : vector<8x4096xi1>
    %xor3A_3047 = arith.xori %or3A_3046, %ne3A_3033 : vector<8x4096xi1>
    %xor3A_3048 = arith.xori %xor3A_3047, %ne3A_3039 : vector<8x4096xi1>
    %select_n3A_3049 = arith.select %xor3A_3048, %select_n3A_3040, %select_n3A_3014 : vector<8x4096xi1>, vector<8x4096xf32>
    %select_n3A_3050 = arith.select %xor3A_3048, %select_n3A_3041, %select_n3A_3015 : vector<8x4096xi1>, vector<8x4096xf32>
    %slice3A_3051 = vector.extract_strided_slice %select_n3A_3049 {offsets = [0, 16], sizes = [8, 4080], strides = [1, 1]} : vector<8x4096xf32> to vector<8x4080xf32>
    %slice3A_3052 = vector.extract_strided_slice %select_n3A_3049 {offsets = [0, 0], sizes = [8, 16], strides = [1, 1]} : vector<8x4096xf32> to vector<8x16xf32>
    %concatenate3A_3053 = tpu.concatenate %slice3A_3051, %slice3A_3052 in 1 : vector<8x4080xf32>, vector<8x16xf32> -> vector<8x4096xf32>
    %slice3A_3054 = vector.extract_strided_slice %select_n3A_3049 {offsets = [0, 4080], sizes = [8, 16], strides = [1, 1]} : vector<8x4096xf32> to vector<8x16xf32>
    %slice3A_3055 = vector.extract_strided_slice %select_n3A_3049 {offsets = [0, 0], sizes = [8, 4080], strides = [1, 1]} : vector<8x4096xf32> to vector<8x4080xf32>
    %concatenate3A_3056 = tpu.concatenate %slice3A_3054, %slice3A_3055 in 1 : vector<8x16xf32>, vector<8x4080xf32> -> vector<8x4096xf32>
    %slice3A_3057 = vector.extract_strided_slice %select_n3A_3050 {offsets = [0, 16], sizes = [8, 4080], strides = [1, 1]} : vector<8x4096xf32> to vector<8x4080xf32>
    %slice3A_3058 = vector.extract_strided_slice %select_n3A_3050 {offsets = [0, 0], sizes = [8, 16], strides = [1, 1]} : vector<8x4096xf32> to vector<8x16xf32>
    %concatenate3A_3059 = tpu.concatenate %slice3A_3057, %slice3A_3058 in 1 : vector<8x4080xf32>, vector<8x16xf32> -> vector<8x4096xf32>
    %slice3A_3060 = vector.extract_strided_slice %select_n3A_3050 {offsets = [0, 4080], sizes = [8, 16], strides = [1, 1]} : vector<8x4096xf32> to vector<8x16xf32>
    %slice3A_3061 = vector.extract_strided_slice %select_n3A_3050 {offsets = [0, 0], sizes = [8, 4080], strides = [1, 1]} : vector<8x4096xf32> to vector<8x4080xf32>
    %concatenate3A_3062 = tpu.concatenate %slice3A_3060, %slice3A_3061 in 1 : vector<8x16xf32>, vector<8x4080xf32> -> vector<8x4096xf32>
    %and3A_3063 = arith.constant 16 : i32
    %and3A_3064 = vector.broadcast %and3A_3063 : i32 to vector<8x4096xi32>
    %and3A_3065 = arith.andi %add3A_44, %and3A_3064 : vector<8x4096xi32>
    %ne3A_3066 = arith.constant 0 : i32
    %ne3A_3067 = vector.broadcast %ne3A_3066 : i32 to vector<8x4096xi32>
    %ne3A_3068 = arith.cmpi ne, %and3A_3065, %ne3A_3067 : vector<8x4096xi32>
    %and3A_3069 = arith.constant 8192 : i32
    %and3A_3070 = vector.broadcast %and3A_3069 : i32 to vector<8x4096xi32>
    %and3A_3071 = arith.andi %add3A_44, %and3A_3070 : vector<8x4096xi32>
    %ne3A_3072 = arith.constant 0 : i32
    %ne3A_3073 = vector.broadcast %ne3A_3072 : i32 to vector<8x4096xi32>
    %ne3A_3074 = arith.cmpi ne, %and3A_3071, %ne3A_3073 : vector<8x4096xi32>
    %select_n3A_3075 = arith.select %ne3A_3068, %concatenate3A_3056, %concatenate3A_3053 : vector<8x4096xi1>, vector<8x4096xf32>
    %select_n3A_3076 = arith.select %ne3A_3068, %concatenate3A_3062, %concatenate3A_3059 : vector<8x4096xi1>, vector<8x4096xf32>
    %gt3A_3077 = arith.cmpf ogt, %select_n3A_3075, %select_n3A_3049 : vector<8x4096xf32>
    %eq3A_3078 = arith.cmpf oeq, %select_n3A_3075, %select_n3A_3049 : vector<8x4096xf32>
    %lt3A_3079 = arith.cmpf olt, %select_n3A_3076, %select_n3A_3050 : vector<8x4096xf32>
    %and3A_3080 = arith.andi %eq3A_3078, %lt3A_3079 : vector<8x4096xi1>
    %or3A_3081 = arith.ori %gt3A_3077, %and3A_3080 : vector<8x4096xi1>
    %xor3A_3082 = arith.xori %or3A_3081, %ne3A_3068 : vector<8x4096xi1>
    %xor3A_3083 = arith.xori %xor3A_3082, %ne3A_3074 : vector<8x4096xi1>
    %select_n3A_3084 = arith.select %xor3A_3083, %select_n3A_3075, %select_n3A_3049 : vector<8x4096xi1>, vector<8x4096xf32>
    %select_n3A_3085 = arith.select %xor3A_3083, %select_n3A_3076, %select_n3A_3050 : vector<8x4096xi1>, vector<8x4096xf32>
    %slice3A_3086 = vector.extract_strided_slice %select_n3A_3084 {offsets = [0, 8], sizes = [8, 4088], strides = [1, 1]} : vector<8x4096xf32> to vector<8x4088xf32>
    %slice3A_3087 = vector.extract_strided_slice %select_n3A_3084 {offsets = [0, 0], sizes = [8, 8], strides = [1, 1]} : vector<8x4096xf32> to vector<8x8xf32>
    %concatenate3A_3088 = tpu.concatenate %slice3A_3086, %slice3A_3087 in 1 : vector<8x4088xf32>, vector<8x8xf32> -> vector<8x4096xf32>
    %slice3A_3089 = vector.extract_strided_slice %select_n3A_3084 {offsets = [0, 4088], sizes = [8, 8], strides = [1, 1]} : vector<8x4096xf32> to vector<8x8xf32>
    %slice3A_3090 = vector.extract_strided_slice %select_n3A_3084 {offsets = [0, 0], sizes = [8, 4088], strides = [1, 1]} : vector<8x4096xf32> to vector<8x4088xf32>
    %concatenate3A_3091 = tpu.concatenate %slice3A_3089, %slice3A_3090 in 1 : vector<8x8xf32>, vector<8x4088xf32> -> vector<8x4096xf32>
    %slice3A_3092 = vector.extract_strided_slice %select_n3A_3085 {offsets = [0, 8], sizes = [8, 4088], strides = [1, 1]} : vector<8x4096xf32> to vector<8x4088xf32>
    %slice3A_3093 = vector.extract_strided_slice %select_n3A_3085 {offsets = [0, 0], sizes = [8, 8], strides = [1, 1]} : vector<8x4096xf32> to vector<8x8xf32>
    %concatenate3A_3094 = tpu.concatenate %slice3A_3092, %slice3A_3093 in 1 : vector<8x4088xf32>, vector<8x8xf32> -> vector<8x4096xf32>
    %slice3A_3095 = vector.extract_strided_slice %select_n3A_3085 {offsets = [0, 4088], sizes = [8, 8], strides = [1, 1]} : vector<8x4096xf32> to vector<8x8xf32>
    %slice3A_3096 = vector.extract_strided_slice %select_n3A_3085 {offsets = [0, 0], sizes = [8, 4088], strides = [1, 1]} : vector<8x4096xf32> to vector<8x4088xf32>
    %concatenate3A_3097 = tpu.concatenate %slice3A_3095, %slice3A_3096 in 1 : vector<8x8xf32>, vector<8x4088xf32> -> vector<8x4096xf32>
    %and3A_3098 = arith.constant 8 : i32
    %and3A_3099 = vector.broadcast %and3A_3098 : i32 to vector<8x4096xi32>
    %and3A_3100 = arith.andi %add3A_44, %and3A_3099 : vector<8x4096xi32>
    %ne3A_3101 = arith.constant 0 : i32
    %ne3A_3102 = vector.broadcast %ne3A_3101 : i32 to vector<8x4096xi32>
    %ne3A_3103 = arith.cmpi ne, %and3A_3100, %ne3A_3102 : vector<8x4096xi32>
    %and3A_3104 = arith.constant 8192 : i32
    %and3A_3105 = vector.broadcast %and3A_3104 : i32 to vector<8x4096xi32>
    %and3A_3106 = arith.andi %add3A_44, %and3A_3105 : vector<8x4096xi32>
    %ne3A_3107 = arith.constant 0 : i32
    %ne3A_3108 = vector.broadcast %ne3A_3107 : i32 to vector<8x4096xi32>
    %ne3A_3109 = arith.cmpi ne, %and3A_3106, %ne3A_3108 : vector<8x4096xi32>
    %select_n3A_3110 = arith.select %ne3A_3103, %concatenate3A_3091, %concatenate3A_3088 : vector<8x4096xi1>, vector<8x4096xf32>
    %select_n3A_3111 = arith.select %ne3A_3103, %concatenate3A_3097, %concatenate3A_3094 : vector<8x4096xi1>, vector<8x4096xf32>
    %gt3A_3112 = arith.cmpf ogt, %select_n3A_3110, %select_n3A_3084 : vector<8x4096xf32>
    %eq3A_3113 = arith.cmpf oeq, %select_n3A_3110, %select_n3A_3084 : vector<8x4096xf32>
    %lt3A_3114 = arith.cmpf olt, %select_n3A_3111, %select_n3A_3085 : vector<8x4096xf32>
    %and3A_3115 = arith.andi %eq3A_3113, %lt3A_3114 : vector<8x4096xi1>
    %or3A_3116 = arith.ori %gt3A_3112, %and3A_3115 : vector<8x4096xi1>
    %xor3A_3117 = arith.xori %or3A_3116, %ne3A_3103 : vector<8x4096xi1>
    %xor3A_3118 = arith.xori %xor3A_3117, %ne3A_3109 : vector<8x4096xi1>
    %select_n3A_3119 = arith.select %xor3A_3118, %select_n3A_3110, %select_n3A_3084 : vector<8x4096xi1>, vector<8x4096xf32>
    %select_n3A_3120 = arith.select %xor3A_3118, %select_n3A_3111, %select_n3A_3085 : vector<8x4096xi1>, vector<8x4096xf32>
    %slice3A_3121 = vector.extract_strided_slice %select_n3A_3119 {offsets = [0, 4], sizes = [8, 4092], strides = [1, 1]} : vector<8x4096xf32> to vector<8x4092xf32>
    %slice3A_3122 = vector.extract_strided_slice %select_n3A_3119 {offsets = [0, 0], sizes = [8, 4], strides = [1, 1]} : vector<8x4096xf32> to vector<8x4xf32>
    %concatenate3A_3123 = tpu.concatenate %slice3A_3121, %slice3A_3122 in 1 : vector<8x4092xf32>, vector<8x4xf32> -> vector<8x4096xf32>
    %slice3A_3124 = vector.extract_strided_slice %select_n3A_3119 {offsets = [0, 4092], sizes = [8, 4], strides = [1, 1]} : vector<8x4096xf32> to vector<8x4xf32>
    %slice3A_3125 = vector.extract_strided_slice %select_n3A_3119 {offsets = [0, 0], sizes = [8, 4092], strides = [1, 1]} : vector<8x4096xf32> to vector<8x4092xf32>
    %concatenate3A_3126 = tpu.concatenate %slice3A_3124, %slice3A_3125 in 1 : vector<8x4xf32>, vector<8x4092xf32> -> vector<8x4096xf32>
    %slice3A_3127 = vector.extract_strided_slice %select_n3A_3120 {offsets = [0, 4], sizes = [8, 4092], strides = [1, 1]} : vector<8x4096xf32> to vector<8x4092xf32>
    %slice3A_3128 = vector.extract_strided_slice %select_n3A_3120 {offsets = [0, 0], sizes = [8, 4], strides = [1, 1]} : vector<8x4096xf32> to vector<8x4xf32>
    %concatenate3A_3129 = tpu.concatenate %slice3A_3127, %slice3A_3128 in 1 : vector<8x4092xf32>, vector<8x4xf32> -> vector<8x4096xf32>
    %slice3A_3130 = vector.extract_strided_slice %select_n3A_3120 {offsets = [0, 4092], sizes = [8, 4], strides = [1, 1]} : vector<8x4096xf32> to vector<8x4xf32>
    %slice3A_3131 = vector.extract_strided_slice %select_n3A_3120 {offsets = [0, 0], sizes = [8, 4092], strides = [1, 1]} : vector<8x4096xf32> to vector<8x4092xf32>
    %concatenate3A_3132 = tpu.concatenate %slice3A_3130, %slice3A_3131 in 1 : vector<8x4xf32>, vector<8x4092xf32> -> vector<8x4096xf32>
    %and3A_3133 = arith.constant 4 : i32
    %and3A_3134 = vector.broadcast %and3A_3133 : i32 to vector<8x4096xi32>
    %and3A_3135 = arith.andi %add3A_44, %and3A_3134 : vector<8x4096xi32>
    %ne3A_3136 = arith.constant 0 : i32
    %ne3A_3137 = vector.broadcast %ne3A_3136 : i32 to vector<8x4096xi32>
    %ne3A_3138 = arith.cmpi ne, %and3A_3135, %ne3A_3137 : vector<8x4096xi32>
    %and3A_3139 = arith.constant 8192 : i32
    %and3A_3140 = vector.broadcast %and3A_3139 : i32 to vector<8x4096xi32>
    %and3A_3141 = arith.andi %add3A_44, %and3A_3140 : vector<8x4096xi32>
    %ne3A_3142 = arith.constant 0 : i32
    %ne3A_3143 = vector.broadcast %ne3A_3142 : i32 to vector<8x4096xi32>
    %ne3A_3144 = arith.cmpi ne, %and3A_3141, %ne3A_3143 : vector<8x4096xi32>
    %select_n3A_3145 = arith.select %ne3A_3138, %concatenate3A_3126, %concatenate3A_3123 : vector<8x4096xi1>, vector<8x4096xf32>
    %select_n3A_3146 = arith.select %ne3A_3138, %concatenate3A_3132, %concatenate3A_3129 : vector<8x4096xi1>, vector<8x4096xf32>
    %gt3A_3147 = arith.cmpf ogt, %select_n3A_3145, %select_n3A_3119 : vector<8x4096xf32>
    %eq3A_3148 = arith.cmpf oeq, %select_n3A_3145, %select_n3A_3119 : vector<8x4096xf32>
    %lt3A_3149 = arith.cmpf olt, %select_n3A_3146, %select_n3A_3120 : vector<8x4096xf32>
    %and3A_3150 = arith.andi %eq3A_3148, %lt3A_3149 : vector<8x4096xi1>
    %or3A_3151 = arith.ori %gt3A_3147, %and3A_3150 : vector<8x4096xi1>
    %xor3A_3152 = arith.xori %or3A_3151, %ne3A_3138 : vector<8x4096xi1>
    %xor3A_3153 = arith.xori %xor3A_3152, %ne3A_3144 : vector<8x4096xi1>
    %select_n3A_3154 = arith.select %xor3A_3153, %select_n3A_3145, %select_n3A_3119 : vector<8x4096xi1>, vector<8x4096xf32>
    %select_n3A_3155 = arith.select %xor3A_3153, %select_n3A_3146, %select_n3A_3120 : vector<8x4096xi1>, vector<8x4096xf32>
    %slice3A_3156 = vector.extract_strided_slice %select_n3A_3154 {offsets = [0, 2], sizes = [8, 4094], strides = [1, 1]} : vector<8x4096xf32> to vector<8x4094xf32>
    %slice3A_3157 = vector.extract_strided_slice %select_n3A_3154 {offsets = [0, 0], sizes = [8, 2], strides = [1, 1]} : vector<8x4096xf32> to vector<8x2xf32>
    %concatenate3A_3158 = tpu.concatenate %slice3A_3156, %slice3A_3157 in 1 : vector<8x4094xf32>, vector<8x2xf32> -> vector<8x4096xf32>
    %slice3A_3159 = vector.extract_strided_slice %select_n3A_3154 {offsets = [0, 4094], sizes = [8, 2], strides = [1, 1]} : vector<8x4096xf32> to vector<8x2xf32>
    %slice3A_3160 = vector.extract_strided_slice %select_n3A_3154 {offsets = [0, 0], sizes = [8, 4094], strides = [1, 1]} : vector<8x4096xf32> to vector<8x4094xf32>
    %concatenate3A_3161 = tpu.concatenate %slice3A_3159, %slice3A_3160 in 1 : vector<8x2xf32>, vector<8x4094xf32> -> vector<8x4096xf32>
    %slice3A_3162 = vector.extract_strided_slice %select_n3A_3155 {offsets = [0, 2], sizes = [8, 4094], strides = [1, 1]} : vector<8x4096xf32> to vector<8x4094xf32>
    %slice3A_3163 = vector.extract_strided_slice %select_n3A_3155 {offsets = [0, 0], sizes = [8, 2], strides = [1, 1]} : vector<8x4096xf32> to vector<8x2xf32>
    %concatenate3A_3164 = tpu.concatenate %slice3A_3162, %slice3A_3163 in 1 : vector<8x4094xf32>, vector<8x2xf32> -> vector<8x4096xf32>
    %slice3A_3165 = vector.extract_strided_slice %select_n3A_3155 {offsets = [0, 4094], sizes = [8, 2], strides = [1, 1]} : vector<8x4096xf32> to vector<8x2xf32>
    %slice3A_3166 = vector.extract_strided_slice %select_n3A_3155 {offsets = [0, 0], sizes = [8, 4094], strides = [1, 1]} : vector<8x4096xf32> to vector<8x4094xf32>
    %concatenate3A_3167 = tpu.concatenate %slice3A_3165, %slice3A_3166 in 1 : vector<8x2xf32>, vector<8x4094xf32> -> vector<8x4096xf32>
    %and3A_3168 = arith.constant 2 : i32
    %and3A_3169 = vector.broadcast %and3A_3168 : i32 to vector<8x4096xi32>
    %and3A_3170 = arith.andi %add3A_44, %and3A_3169 : vector<8x4096xi32>
    %ne3A_3171 = arith.constant 0 : i32
    %ne3A_3172 = vector.broadcast %ne3A_3171 : i32 to vector<8x4096xi32>
    %ne3A_3173 = arith.cmpi ne, %and3A_3170, %ne3A_3172 : vector<8x4096xi32>
    %and3A_3174 = arith.constant 8192 : i32
    %and3A_3175 = vector.broadcast %and3A_3174 : i32 to vector<8x4096xi32>
    %and3A_3176 = arith.andi %add3A_44, %and3A_3175 : vector<8x4096xi32>
    %ne3A_3177 = arith.constant 0 : i32
    %ne3A_3178 = vector.broadcast %ne3A_3177 : i32 to vector<8x4096xi32>
    %ne3A_3179 = arith.cmpi ne, %and3A_3176, %ne3A_3178 : vector<8x4096xi32>
    %select_n3A_3180 = arith.select %ne3A_3173, %concatenate3A_3161, %concatenate3A_3158 : vector<8x4096xi1>, vector<8x4096xf32>
    %select_n3A_3181 = arith.select %ne3A_3173, %concatenate3A_3167, %concatenate3A_3164 : vector<8x4096xi1>, vector<8x4096xf32>
    %gt3A_3182 = arith.cmpf ogt, %select_n3A_3180, %select_n3A_3154 : vector<8x4096xf32>
    %eq3A_3183 = arith.cmpf oeq, %select_n3A_3180, %select_n3A_3154 : vector<8x4096xf32>
    %lt3A_3184 = arith.cmpf olt, %select_n3A_3181, %select_n3A_3155 : vector<8x4096xf32>
    %and3A_3185 = arith.andi %eq3A_3183, %lt3A_3184 : vector<8x4096xi1>
    %or3A_3186 = arith.ori %gt3A_3182, %and3A_3185 : vector<8x4096xi1>
    %xor3A_3187 = arith.xori %or3A_3186, %ne3A_3173 : vector<8x4096xi1>
    %xor3A_3188 = arith.xori %xor3A_3187, %ne3A_3179 : vector<8x4096xi1>
    %select_n3A_3189 = arith.select %xor3A_3188, %select_n3A_3180, %select_n3A_3154 : vector<8x4096xi1>, vector<8x4096xf32>
    %select_n3A_3190 = arith.select %xor3A_3188, %select_n3A_3181, %select_n3A_3155 : vector<8x4096xi1>, vector<8x4096xf32>
    %slice3A_3191 = vector.extract_strided_slice %select_n3A_3189 {offsets = [0, 1], sizes = [8, 4095], strides = [1, 1]} : vector<8x4096xf32> to vector<8x4095xf32>
    %slice3A_3192 = vector.extract_strided_slice %select_n3A_3189 {offsets = [0, 0], sizes = [8, 1], strides = [1, 1]} : vector<8x4096xf32> to vector<8x1xf32>
    %concatenate3A_3193 = tpu.concatenate %slice3A_3191, %slice3A_3192 in 1 : vector<8x4095xf32>, vector<8x1xf32> -> vector<8x4096xf32>
    %slice3A_3194 = vector.extract_strided_slice %select_n3A_3189 {offsets = [0, 4095], sizes = [8, 1], strides = [1, 1]} : vector<8x4096xf32> to vector<8x1xf32>
    %slice3A_3195 = vector.extract_strided_slice %select_n3A_3189 {offsets = [0, 0], sizes = [8, 4095], strides = [1, 1]} : vector<8x4096xf32> to vector<8x4095xf32>
    %concatenate3A_3196 = tpu.concatenate %slice3A_3194, %slice3A_3195 in 1 : vector<8x1xf32>, vector<8x4095xf32> -> vector<8x4096xf32>
    %slice3A_3197 = vector.extract_strided_slice %select_n3A_3190 {offsets = [0, 1], sizes = [8, 4095], strides = [1, 1]} : vector<8x4096xf32> to vector<8x4095xf32>
    %slice3A_3198 = vector.extract_strided_slice %select_n3A_3190 {offsets = [0, 0], sizes = [8, 1], strides = [1, 1]} : vector<8x4096xf32> to vector<8x1xf32>
    %concatenate3A_3199 = tpu.concatenate %slice3A_3197, %slice3A_3198 in 1 : vector<8x4095xf32>, vector<8x1xf32> -> vector<8x4096xf32>
    %slice3A_3200 = vector.extract_strided_slice %select_n3A_3190 {offsets = [0, 4095], sizes = [8, 1], strides = [1, 1]} : vector<8x4096xf32> to vector<8x1xf32>
    %slice3A_3201 = vector.extract_strided_slice %select_n3A_3190 {offsets = [0, 0], sizes = [8, 4095], strides = [1, 1]} : vector<8x4096xf32> to vector<8x4095xf32>
    %concatenate3A_3202 = tpu.concatenate %slice3A_3200, %slice3A_3201 in 1 : vector<8x1xf32>, vector<8x4095xf32> -> vector<8x4096xf32>
    %and3A_3203 = arith.constant 1 : i32
    %and3A_3204 = vector.broadcast %and3A_3203 : i32 to vector<8x4096xi32>
    %and3A_3205 = arith.andi %add3A_44, %and3A_3204 : vector<8x4096xi32>
    %ne3A_3206 = arith.constant 0 : i32
    %ne3A_3207 = vector.broadcast %ne3A_3206 : i32 to vector<8x4096xi32>
    %ne3A_3208 = arith.cmpi ne, %and3A_3205, %ne3A_3207 : vector<8x4096xi32>
    %and3A_3209 = arith.constant 8192 : i32
    %and3A_3210 = vector.broadcast %and3A_3209 : i32 to vector<8x4096xi32>
    %and3A_3211 = arith.andi %add3A_44, %and3A_3210 : vector<8x4096xi32>
    %ne3A_3212 = arith.constant 0 : i32
    %ne3A_3213 = vector.broadcast %ne3A_3212 : i32 to vector<8x4096xi32>
    %ne3A_3214 = arith.cmpi ne, %and3A_3211, %ne3A_3213 : vector<8x4096xi32>
    %select_n3A_3215 = arith.select %ne3A_3208, %concatenate3A_3196, %concatenate3A_3193 : vector<8x4096xi1>, vector<8x4096xf32>
    %select_n3A_3216 = arith.select %ne3A_3208, %concatenate3A_3202, %concatenate3A_3199 : vector<8x4096xi1>, vector<8x4096xf32>
    %gt3A_3217 = arith.cmpf ogt, %select_n3A_3215, %select_n3A_3189 : vector<8x4096xf32>
    %eq3A_3218 = arith.cmpf oeq, %select_n3A_3215, %select_n3A_3189 : vector<8x4096xf32>
    %lt3A_3219 = arith.cmpf olt, %select_n3A_3216, %select_n3A_3190 : vector<8x4096xf32>
    %and3A_3220 = arith.andi %eq3A_3218, %lt3A_3219 : vector<8x4096xi1>
    %or3A_3221 = arith.ori %gt3A_3217, %and3A_3220 : vector<8x4096xi1>
    %xor3A_3222 = arith.xori %or3A_3221, %ne3A_3208 : vector<8x4096xi1>
    %xor3A_3223 = arith.xori %xor3A_3222, %ne3A_3214 : vector<8x4096xi1>
    %select_n3A_3224 = arith.select %xor3A_3223, %select_n3A_3215, %select_n3A_3189 : vector<8x4096xi1>, vector<8x4096xf32>
    %select_n3A_3225 = arith.select %xor3A_3223, %select_n3A_3216, %select_n3A_3190 : vector<8x4096xi1>, vector<8x4096xf32>
    %slice3A_3226 = vector.extract_strided_slice %select_n3A_3224 {offsets = [2, 0], sizes = [6, 4096], strides = [1, 1]} : vector<8x4096xf32> to vector<6x4096xf32>
    %slice3A_3227 = vector.extract_strided_slice %select_n3A_3224 {offsets = [0, 0], sizes = [2, 4096], strides = [1, 1]} : vector<8x4096xf32> to vector<2x4096xf32>
    %concatenate3A_3228 = tpu.concatenate %slice3A_3226, %slice3A_3227 in 0 : vector<6x4096xf32>, vector<2x4096xf32> -> vector<8x4096xf32>
    %slice3A_3229 = vector.extract_strided_slice %select_n3A_3224 {offsets = [6, 0], sizes = [2, 4096], strides = [1, 1]} : vector<8x4096xf32> to vector<2x4096xf32>
    %slice3A_3230 = vector.extract_strided_slice %select_n3A_3224 {offsets = [0, 0], sizes = [6, 4096], strides = [1, 1]} : vector<8x4096xf32> to vector<6x4096xf32>
    %concatenate3A_3231 = tpu.concatenate %slice3A_3229, %slice3A_3230 in 0 : vector<2x4096xf32>, vector<6x4096xf32> -> vector<8x4096xf32>
    %slice3A_3232 = vector.extract_strided_slice %select_n3A_3225 {offsets = [2, 0], sizes = [6, 4096], strides = [1, 1]} : vector<8x4096xf32> to vector<6x4096xf32>
    %slice3A_3233 = vector.extract_strided_slice %select_n3A_3225 {offsets = [0, 0], sizes = [2, 4096], strides = [1, 1]} : vector<8x4096xf32> to vector<2x4096xf32>
    %concatenate3A_3234 = tpu.concatenate %slice3A_3232, %slice3A_3233 in 0 : vector<6x4096xf32>, vector<2x4096xf32> -> vector<8x4096xf32>
    %slice3A_3235 = vector.extract_strided_slice %select_n3A_3225 {offsets = [6, 0], sizes = [2, 4096], strides = [1, 1]} : vector<8x4096xf32> to vector<2x4096xf32>
    %slice3A_3236 = vector.extract_strided_slice %select_n3A_3225 {offsets = [0, 0], sizes = [6, 4096], strides = [1, 1]} : vector<8x4096xf32> to vector<6x4096xf32>
    %concatenate3A_3237 = tpu.concatenate %slice3A_3235, %slice3A_3236 in 0 : vector<2x4096xf32>, vector<6x4096xf32> -> vector<8x4096xf32>
    %and3A_3238 = arith.constant 8192 : i32
    %and3A_3239 = vector.broadcast %and3A_3238 : i32 to vector<8x4096xi32>
    %and3A_3240 = arith.andi %add3A_44, %and3A_3239 : vector<8x4096xi32>
    %ne3A_3241 = arith.constant 0 : i32
    %ne3A_3242 = vector.broadcast %ne3A_3241 : i32 to vector<8x4096xi32>
    %ne3A_3243 = arith.cmpi ne, %and3A_3240, %ne3A_3242 : vector<8x4096xi32>
    %and3A_3244 = arith.constant 16384 : i32
    %and3A_3245 = vector.broadcast %and3A_3244 : i32 to vector<8x4096xi32>
    %and3A_3246 = arith.andi %add3A_44, %and3A_3245 : vector<8x4096xi32>
    %ne3A_3247 = arith.constant 0 : i32
    %ne3A_3248 = vector.broadcast %ne3A_3247 : i32 to vector<8x4096xi32>
    %ne3A_3249 = arith.cmpi ne, %and3A_3246, %ne3A_3248 : vector<8x4096xi32>
    %select_n3A_3250 = arith.select %ne3A_3243, %concatenate3A_3231, %concatenate3A_3228 : vector<8x4096xi1>, vector<8x4096xf32>
    %select_n3A_3251 = arith.select %ne3A_3243, %concatenate3A_3237, %concatenate3A_3234 : vector<8x4096xi1>, vector<8x4096xf32>
    %gt3A_3252 = arith.cmpf ogt, %select_n3A_3250, %select_n3A_3224 : vector<8x4096xf32>
    %eq3A_3253 = arith.cmpf oeq, %select_n3A_3250, %select_n3A_3224 : vector<8x4096xf32>
    %lt3A_3254 = arith.cmpf olt, %select_n3A_3251, %select_n3A_3225 : vector<8x4096xf32>
    %and3A_3255 = arith.andi %eq3A_3253, %lt3A_3254 : vector<8x4096xi1>
    %or3A_3256 = arith.ori %gt3A_3252, %and3A_3255 : vector<8x4096xi1>
    %xor3A_3257 = arith.xori %or3A_3256, %ne3A_3243 : vector<8x4096xi1>
    %xor3A_3258 = arith.xori %xor3A_3257, %ne3A_3249 : vector<8x4096xi1>
    %select_n3A_3259 = arith.select %xor3A_3258, %select_n3A_3250, %select_n3A_3224 : vector<8x4096xi1>, vector<8x4096xf32>
    %select_n3A_3260 = arith.select %xor3A_3258, %select_n3A_3251, %select_n3A_3225 : vector<8x4096xi1>, vector<8x4096xf32>
    %slice3A_3261 = vector.extract_strided_slice %select_n3A_3259 {offsets = [1, 0], sizes = [7, 4096], strides = [1, 1]} : vector<8x4096xf32> to vector<7x4096xf32>
    %slice3A_3262 = vector.extract_strided_slice %select_n3A_3259 {offsets = [0, 0], sizes = [1, 4096], strides = [1, 1]} : vector<8x4096xf32> to vector<1x4096xf32>
    %concatenate3A_3263 = tpu.concatenate %slice3A_3261, %slice3A_3262 in 0 : vector<7x4096xf32>, vector<1x4096xf32> -> vector<8x4096xf32>
    %slice3A_3264 = vector.extract_strided_slice %select_n3A_3259 {offsets = [7, 0], sizes = [1, 4096], strides = [1, 1]} : vector<8x4096xf32> to vector<1x4096xf32>
    %slice3A_3265 = vector.extract_strided_slice %select_n3A_3259 {offsets = [0, 0], sizes = [7, 4096], strides = [1, 1]} : vector<8x4096xf32> to vector<7x4096xf32>
    %concatenate3A_3266 = tpu.concatenate %slice3A_3264, %slice3A_3265 in 0 : vector<1x4096xf32>, vector<7x4096xf32> -> vector<8x4096xf32>
    %slice3A_3267 = vector.extract_strided_slice %select_n3A_3260 {offsets = [1, 0], sizes = [7, 4096], strides = [1, 1]} : vector<8x4096xf32> to vector<7x4096xf32>
    %slice3A_3268 = vector.extract_strided_slice %select_n3A_3260 {offsets = [0, 0], sizes = [1, 4096], strides = [1, 1]} : vector<8x4096xf32> to vector<1x4096xf32>
    %concatenate3A_3269 = tpu.concatenate %slice3A_3267, %slice3A_3268 in 0 : vector<7x4096xf32>, vector<1x4096xf32> -> vector<8x4096xf32>
    %slice3A_3270 = vector.extract_strided_slice %select_n3A_3260 {offsets = [7, 0], sizes = [1, 4096], strides = [1, 1]} : vector<8x4096xf32> to vector<1x4096xf32>
    %slice3A_3271 = vector.extract_strided_slice %select_n3A_3260 {offsets = [0, 0], sizes = [7, 4096], strides = [1, 1]} : vector<8x4096xf32> to vector<7x4096xf32>
    %concatenate3A_3272 = tpu.concatenate %slice3A_3270, %slice3A_3271 in 0 : vector<1x4096xf32>, vector<7x4096xf32> -> vector<8x4096xf32>
    %and3A_3273 = arith.constant 4096 : i32
    %and3A_3274 = vector.broadcast %and3A_3273 : i32 to vector<8x4096xi32>
    %and3A_3275 = arith.andi %add3A_44, %and3A_3274 : vector<8x4096xi32>
    %ne3A_3276 = arith.constant 0 : i32
    %ne3A_3277 = vector.broadcast %ne3A_3276 : i32 to vector<8x4096xi32>
    %ne3A_3278 = arith.cmpi ne, %and3A_3275, %ne3A_3277 : vector<8x4096xi32>
    %and3A_3279 = arith.constant 16384 : i32
    %and3A_3280 = vector.broadcast %and3A_3279 : i32 to vector<8x4096xi32>
    %and3A_3281 = arith.andi %add3A_44, %and3A_3280 : vector<8x4096xi32>
    %ne3A_3282 = arith.constant 0 : i32
    %ne3A_3283 = vector.broadcast %ne3A_3282 : i32 to vector<8x4096xi32>
    %ne3A_3284 = arith.cmpi ne, %and3A_3281, %ne3A_3283 : vector<8x4096xi32>
    %select_n3A_3285 = arith.select %ne3A_3278, %concatenate3A_3266, %concatenate3A_3263 : vector<8x4096xi1>, vector<8x4096xf32>
    %select_n3A_3286 = arith.select %ne3A_3278, %concatenate3A_3272, %concatenate3A_3269 : vector<8x4096xi1>, vector<8x4096xf32>
    %gt3A_3287 = arith.cmpf ogt, %select_n3A_3285, %select_n3A_3259 : vector<8x4096xf32>
    %eq3A_3288 = arith.cmpf oeq, %select_n3A_3285, %select_n3A_3259 : vector<8x4096xf32>
    %lt3A_3289 = arith.cmpf olt, %select_n3A_3286, %select_n3A_3260 : vector<8x4096xf32>
    %and3A_3290 = arith.andi %eq3A_3288, %lt3A_3289 : vector<8x4096xi1>
    %or3A_3291 = arith.ori %gt3A_3287, %and3A_3290 : vector<8x4096xi1>
    %xor3A_3292 = arith.xori %or3A_3291, %ne3A_3278 : vector<8x4096xi1>
    %xor3A_3293 = arith.xori %xor3A_3292, %ne3A_3284 : vector<8x4096xi1>
    %select_n3A_3294 = arith.select %xor3A_3293, %select_n3A_3285, %select_n3A_3259 : vector<8x4096xi1>, vector<8x4096xf32>
    %select_n3A_3295 = arith.select %xor3A_3293, %select_n3A_3286, %select_n3A_3260 : vector<8x4096xi1>, vector<8x4096xf32>
    %slice3A_3296 = vector.extract_strided_slice %select_n3A_3294 {offsets = [0, 2048], sizes = [8, 2048], strides = [1, 1]} : vector<8x4096xf32> to vector<8x2048xf32>
    %slice3A_3297 = vector.extract_strided_slice %select_n3A_3294 {offsets = [0, 0], sizes = [8, 2048], strides = [1, 1]} : vector<8x4096xf32> to vector<8x2048xf32>
    %concatenate3A_3298 = tpu.concatenate %slice3A_3296, %slice3A_3297 in 1 : vector<8x2048xf32>, vector<8x2048xf32> -> vector<8x4096xf32>
    %slice3A_3299 = vector.extract_strided_slice %select_n3A_3294 {offsets = [0, 2048], sizes = [8, 2048], strides = [1, 1]} : vector<8x4096xf32> to vector<8x2048xf32>
    %slice3A_3300 = vector.extract_strided_slice %select_n3A_3294 {offsets = [0, 0], sizes = [8, 2048], strides = [1, 1]} : vector<8x4096xf32> to vector<8x2048xf32>
    %concatenate3A_3301 = tpu.concatenate %slice3A_3299, %slice3A_3300 in 1 : vector<8x2048xf32>, vector<8x2048xf32> -> vector<8x4096xf32>
    %slice3A_3302 = vector.extract_strided_slice %select_n3A_3295 {offsets = [0, 2048], sizes = [8, 2048], strides = [1, 1]} : vector<8x4096xf32> to vector<8x2048xf32>
    %slice3A_3303 = vector.extract_strided_slice %select_n3A_3295 {offsets = [0, 0], sizes = [8, 2048], strides = [1, 1]} : vector<8x4096xf32> to vector<8x2048xf32>
    %concatenate3A_3304 = tpu.concatenate %slice3A_3302, %slice3A_3303 in 1 : vector<8x2048xf32>, vector<8x2048xf32> -> vector<8x4096xf32>
    %slice3A_3305 = vector.extract_strided_slice %select_n3A_3295 {offsets = [0, 2048], sizes = [8, 2048], strides = [1, 1]} : vector<8x4096xf32> to vector<8x2048xf32>
    %slice3A_3306 = vector.extract_strided_slice %select_n3A_3295 {offsets = [0, 0], sizes = [8, 2048], strides = [1, 1]} : vector<8x4096xf32> to vector<8x2048xf32>
    %concatenate3A_3307 = tpu.concatenate %slice3A_3305, %slice3A_3306 in 1 : vector<8x2048xf32>, vector<8x2048xf32> -> vector<8x4096xf32>
    %and3A_3308 = arith.constant 2048 : i32
    %and3A_3309 = vector.broadcast %and3A_3308 : i32 to vector<8x4096xi32>
    %and3A_3310 = arith.andi %add3A_44, %and3A_3309 : vector<8x4096xi32>
    %ne3A_3311 = arith.constant 0 : i32
    %ne3A_3312 = vector.broadcast %ne3A_3311 : i32 to vector<8x4096xi32>
    %ne3A_3313 = arith.cmpi ne, %and3A_3310, %ne3A_3312 : vector<8x4096xi32>
    %and3A_3314 = arith.constant 16384 : i32
    %and3A_3315 = vector.broadcast %and3A_3314 : i32 to vector<8x4096xi32>
    %and3A_3316 = arith.andi %add3A_44, %and3A_3315 : vector<8x4096xi32>
    %ne3A_3317 = arith.constant 0 : i32
    %ne3A_3318 = vector.broadcast %ne3A_3317 : i32 to vector<8x4096xi32>
    %ne3A_3319 = arith.cmpi ne, %and3A_3316, %ne3A_3318 : vector<8x4096xi32>
    %select_n3A_3320 = arith.select %ne3A_3313, %concatenate3A_3301, %concatenate3A_3298 : vector<8x4096xi1>, vector<8x4096xf32>
    %select_n3A_3321 = arith.select %ne3A_3313, %concatenate3A_3307, %concatenate3A_3304 : vector<8x4096xi1>, vector<8x4096xf32>
    %gt3A_3322 = arith.cmpf ogt, %select_n3A_3320, %select_n3A_3294 : vector<8x4096xf32>
    %eq3A_3323 = arith.cmpf oeq, %select_n3A_3320, %select_n3A_3294 : vector<8x4096xf32>
    %lt3A_3324 = arith.cmpf olt, %select_n3A_3321, %select_n3A_3295 : vector<8x4096xf32>
    %and3A_3325 = arith.andi %eq3A_3323, %lt3A_3324 : vector<8x4096xi1>
    %or3A_3326 = arith.ori %gt3A_3322, %and3A_3325 : vector<8x4096xi1>
    %xor3A_3327 = arith.xori %or3A_3326, %ne3A_3313 : vector<8x4096xi1>
    %xor3A_3328 = arith.xori %xor3A_3327, %ne3A_3319 : vector<8x4096xi1>
    %select_n3A_3329 = arith.select %xor3A_3328, %select_n3A_3320, %select_n3A_3294 : vector<8x4096xi1>, vector<8x4096xf32>
    %select_n3A_3330 = arith.select %xor3A_3328, %select_n3A_3321, %select_n3A_3295 : vector<8x4096xi1>, vector<8x4096xf32>
    %slice3A_3331 = vector.extract_strided_slice %select_n3A_3329 {offsets = [0, 1024], sizes = [8, 3072], strides = [1, 1]} : vector<8x4096xf32> to vector<8x3072xf32>
    %slice3A_3332 = vector.extract_strided_slice %select_n3A_3329 {offsets = [0, 0], sizes = [8, 1024], strides = [1, 1]} : vector<8x4096xf32> to vector<8x1024xf32>
    %concatenate3A_3333 = tpu.concatenate %slice3A_3331, %slice3A_3332 in 1 : vector<8x3072xf32>, vector<8x1024xf32> -> vector<8x4096xf32>
    %slice3A_3334 = vector.extract_strided_slice %select_n3A_3329 {offsets = [0, 3072], sizes = [8, 1024], strides = [1, 1]} : vector<8x4096xf32> to vector<8x1024xf32>
    %slice3A_3335 = vector.extract_strided_slice %select_n3A_3329 {offsets = [0, 0], sizes = [8, 3072], strides = [1, 1]} : vector<8x4096xf32> to vector<8x3072xf32>
    %concatenate3A_3336 = tpu.concatenate %slice3A_3334, %slice3A_3335 in 1 : vector<8x1024xf32>, vector<8x3072xf32> -> vector<8x4096xf32>
    %slice3A_3337 = vector.extract_strided_slice %select_n3A_3330 {offsets = [0, 1024], sizes = [8, 3072], strides = [1, 1]} : vector<8x4096xf32> to vector<8x3072xf32>
    %slice3A_3338 = vector.extract_strided_slice %select_n3A_3330 {offsets = [0, 0], sizes = [8, 1024], strides = [1, 1]} : vector<8x4096xf32> to vector<8x1024xf32>
    %concatenate3A_3339 = tpu.concatenate %slice3A_3337, %slice3A_3338 in 1 : vector<8x3072xf32>, vector<8x1024xf32> -> vector<8x4096xf32>
    %slice3A_3340 = vector.extract_strided_slice %select_n3A_3330 {offsets = [0, 3072], sizes = [8, 1024], strides = [1, 1]} : vector<8x4096xf32> to vector<8x1024xf32>
    %slice3A_3341 = vector.extract_strided_slice %select_n3A_3330 {offsets = [0, 0], sizes = [8, 3072], strides = [1, 1]} : vector<8x4096xf32> to vector<8x3072xf32>
    %concatenate3A_3342 = tpu.concatenate %slice3A_3340, %slice3A_3341 in 1 : vector<8x1024xf32>, vector<8x3072xf32> -> vector<8x4096xf32>
    %and3A_3343 = arith.constant 1024 : i32
    %and3A_3344 = vector.broadcast %and3A_3343 : i32 to vector<8x4096xi32>
    %and3A_3345 = arith.andi %add3A_44, %and3A_3344 : vector<8x4096xi32>
    %ne3A_3346 = arith.constant 0 : i32
    %ne3A_3347 = vector.broadcast %ne3A_3346 : i32 to vector<8x4096xi32>
    %ne3A_3348 = arith.cmpi ne, %and3A_3345, %ne3A_3347 : vector<8x4096xi32>
    %and3A_3349 = arith.constant 16384 : i32
    %and3A_3350 = vector.broadcast %and3A_3349 : i32 to vector<8x4096xi32>
    %and3A_3351 = arith.andi %add3A_44, %and3A_3350 : vector<8x4096xi32>
    %ne3A_3352 = arith.constant 0 : i32
    %ne3A_3353 = vector.broadcast %ne3A_3352 : i32 to vector<8x4096xi32>
    %ne3A_3354 = arith.cmpi ne, %and3A_3351, %ne3A_3353 : vector<8x4096xi32>
    %select_n3A_3355 = arith.select %ne3A_3348, %concatenate3A_3336, %concatenate3A_3333 : vector<8x4096xi1>, vector<8x4096xf32>
    %select_n3A_3356 = arith.select %ne3A_3348, %concatenate3A_3342, %concatenate3A_3339 : vector<8x4096xi1>, vector<8x4096xf32>
    %gt3A_3357 = arith.cmpf ogt, %select_n3A_3355, %select_n3A_3329 : vector<8x4096xf32>
    %eq3A_3358 = arith.cmpf oeq, %select_n3A_3355, %select_n3A_3329 : vector<8x4096xf32>
    %lt3A_3359 = arith.cmpf olt, %select_n3A_3356, %select_n3A_3330 : vector<8x4096xf32>
    %and3A_3360 = arith.andi %eq3A_3358, %lt3A_3359 : vector<8x4096xi1>
    %or3A_3361 = arith.ori %gt3A_3357, %and3A_3360 : vector<8x4096xi1>
    %xor3A_3362 = arith.xori %or3A_3361, %ne3A_3348 : vector<8x4096xi1>
    %xor3A_3363 = arith.xori %xor3A_3362, %ne3A_3354 : vector<8x4096xi1>
    %select_n3A_3364 = arith.select %xor3A_3363, %select_n3A_3355, %select_n3A_3329 : vector<8x4096xi1>, vector<8x4096xf32>
    %select_n3A_3365 = arith.select %xor3A_3363, %select_n3A_3356, %select_n3A_3330 : vector<8x4096xi1>, vector<8x4096xf32>
    %slice3A_3366 = vector.extract_strided_slice %select_n3A_3364 {offsets = [0, 512], sizes = [8, 3584], strides = [1, 1]} : vector<8x4096xf32> to vector<8x3584xf32>
    %slice3A_3367 = vector.extract_strided_slice %select_n3A_3364 {offsets = [0, 0], sizes = [8, 512], strides = [1, 1]} : vector<8x4096xf32> to vector<8x512xf32>
    %concatenate3A_3368 = tpu.concatenate %slice3A_3366, %slice3A_3367 in 1 : vector<8x3584xf32>, vector<8x512xf32> -> vector<8x4096xf32>
    %slice3A_3369 = vector.extract_strided_slice %select_n3A_3364 {offsets = [0, 3584], sizes = [8, 512], strides = [1, 1]} : vector<8x4096xf32> to vector<8x512xf32>
    %slice3A_3370 = vector.extract_strided_slice %select_n3A_3364 {offsets = [0, 0], sizes = [8, 3584], strides = [1, 1]} : vector<8x4096xf32> to vector<8x3584xf32>
    %concatenate3A_3371 = tpu.concatenate %slice3A_3369, %slice3A_3370 in 1 : vector<8x512xf32>, vector<8x3584xf32> -> vector<8x4096xf32>
    %slice3A_3372 = vector.extract_strided_slice %select_n3A_3365 {offsets = [0, 512], sizes = [8, 3584], strides = [1, 1]} : vector<8x4096xf32> to vector<8x3584xf32>
    %slice3A_3373 = vector.extract_strided_slice %select_n3A_3365 {offsets = [0, 0], sizes = [8, 512], strides = [1, 1]} : vector<8x4096xf32> to vector<8x512xf32>
    %concatenate3A_3374 = tpu.concatenate %slice3A_3372, %slice3A_3373 in 1 : vector<8x3584xf32>, vector<8x512xf32> -> vector<8x4096xf32>
    %slice3A_3375 = vector.extract_strided_slice %select_n3A_3365 {offsets = [0, 3584], sizes = [8, 512], strides = [1, 1]} : vector<8x4096xf32> to vector<8x512xf32>
    %slice3A_3376 = vector.extract_strided_slice %select_n3A_3365 {offsets = [0, 0], sizes = [8, 3584], strides = [1, 1]} : vector<8x4096xf32> to vector<8x3584xf32>
    %concatenate3A_3377 = tpu.concatenate %slice3A_3375, %slice3A_3376 in 1 : vector<8x512xf32>, vector<8x3584xf32> -> vector<8x4096xf32>
    %and3A_3378 = arith.constant 512 : i32
    %and3A_3379 = vector.broadcast %and3A_3378 : i32 to vector<8x4096xi32>
    %and3A_3380 = arith.andi %add3A_44, %and3A_3379 : vector<8x4096xi32>
    %ne3A_3381 = arith.constant 0 : i32
    %ne3A_3382 = vector.broadcast %ne3A_3381 : i32 to vector<8x4096xi32>
    %ne3A_3383 = arith.cmpi ne, %and3A_3380, %ne3A_3382 : vector<8x4096xi32>
    %and3A_3384 = arith.constant 16384 : i32
    %and3A_3385 = vector.broadcast %and3A_3384 : i32 to vector<8x4096xi32>
    %and3A_3386 = arith.andi %add3A_44, %and3A_3385 : vector<8x4096xi32>
    %ne3A_3387 = arith.constant 0 : i32
    %ne3A_3388 = vector.broadcast %ne3A_3387 : i32 to vector<8x4096xi32>
    %ne3A_3389 = arith.cmpi ne, %and3A_3386, %ne3A_3388 : vector<8x4096xi32>
    %select_n3A_3390 = arith.select %ne3A_3383, %concatenate3A_3371, %concatenate3A_3368 : vector<8x4096xi1>, vector<8x4096xf32>
    %select_n3A_3391 = arith.select %ne3A_3383, %concatenate3A_3377, %concatenate3A_3374 : vector<8x4096xi1>, vector<8x4096xf32>
    %gt3A_3392 = arith.cmpf ogt, %select_n3A_3390, %select_n3A_3364 : vector<8x4096xf32>
    %eq3A_3393 = arith.cmpf oeq, %select_n3A_3390, %select_n3A_3364 : vector<8x4096xf32>
    %lt3A_3394 = arith.cmpf olt, %select_n3A_3391, %select_n3A_3365 : vector<8x4096xf32>
    %and3A_3395 = arith.andi %eq3A_3393, %lt3A_3394 : vector<8x4096xi1>
    %or3A_3396 = arith.ori %gt3A_3392, %and3A_3395 : vector<8x4096xi1>
    %xor3A_3397 = arith.xori %or3A_3396, %ne3A_3383 : vector<8x4096xi1>
    %xor3A_3398 = arith.xori %xor3A_3397, %ne3A_3389 : vector<8x4096xi1>
    %select_n3A_3399 = arith.select %xor3A_3398, %select_n3A_3390, %select_n3A_3364 : vector<8x4096xi1>, vector<8x4096xf32>
    %select_n3A_3400 = arith.select %xor3A_3398, %select_n3A_3391, %select_n3A_3365 : vector<8x4096xi1>, vector<8x4096xf32>
    %slice3A_3401 = vector.extract_strided_slice %select_n3A_3399 {offsets = [0, 256], sizes = [8, 3840], strides = [1, 1]} : vector<8x4096xf32> to vector<8x3840xf32>
    %slice3A_3402 = vector.extract_strided_slice %select_n3A_3399 {offsets = [0, 0], sizes = [8, 256], strides = [1, 1]} : vector<8x4096xf32> to vector<8x256xf32>
    %concatenate3A_3403 = tpu.concatenate %slice3A_3401, %slice3A_3402 in 1 : vector<8x3840xf32>, vector<8x256xf32> -> vector<8x4096xf32>
    %slice3A_3404 = vector.extract_strided_slice %select_n3A_3399 {offsets = [0, 3840], sizes = [8, 256], strides = [1, 1]} : vector<8x4096xf32> to vector<8x256xf32>
    %slice3A_3405 = vector.extract_strided_slice %select_n3A_3399 {offsets = [0, 0], sizes = [8, 3840], strides = [1, 1]} : vector<8x4096xf32> to vector<8x3840xf32>
    %concatenate3A_3406 = tpu.concatenate %slice3A_3404, %slice3A_3405 in 1 : vector<8x256xf32>, vector<8x3840xf32> -> vector<8x4096xf32>
    %slice3A_3407 = vector.extract_strided_slice %select_n3A_3400 {offsets = [0, 256], sizes = [8, 3840], strides = [1, 1]} : vector<8x4096xf32> to vector<8x3840xf32>
    %slice3A_3408 = vector.extract_strided_slice %select_n3A_3400 {offsets = [0, 0], sizes = [8, 256], strides = [1, 1]} : vector<8x4096xf32> to vector<8x256xf32>
    %concatenate3A_3409 = tpu.concatenate %slice3A_3407, %slice3A_3408 in 1 : vector<8x3840xf32>, vector<8x256xf32> -> vector<8x4096xf32>
    %slice3A_3410 = vector.extract_strided_slice %select_n3A_3400 {offsets = [0, 3840], sizes = [8, 256], strides = [1, 1]} : vector<8x4096xf32> to vector<8x256xf32>
    %slice3A_3411 = vector.extract_strided_slice %select_n3A_3400 {offsets = [0, 0], sizes = [8, 3840], strides = [1, 1]} : vector<8x4096xf32> to vector<8x3840xf32>
    %concatenate3A_3412 = tpu.concatenate %slice3A_3410, %slice3A_3411 in 1 : vector<8x256xf32>, vector<8x3840xf32> -> vector<8x4096xf32>
    %and3A_3413 = arith.constant 256 : i32
    %and3A_3414 = vector.broadcast %and3A_3413 : i32 to vector<8x4096xi32>
    %and3A_3415 = arith.andi %add3A_44, %and3A_3414 : vector<8x4096xi32>
    %ne3A_3416 = arith.constant 0 : i32
    %ne3A_3417 = vector.broadcast %ne3A_3416 : i32 to vector<8x4096xi32>
    %ne3A_3418 = arith.cmpi ne, %and3A_3415, %ne3A_3417 : vector<8x4096xi32>
    %and3A_3419 = arith.constant 16384 : i32
    %and3A_3420 = vector.broadcast %and3A_3419 : i32 to vector<8x4096xi32>
    %and3A_3421 = arith.andi %add3A_44, %and3A_3420 : vector<8x4096xi32>
    %ne3A_3422 = arith.constant 0 : i32
    %ne3A_3423 = vector.broadcast %ne3A_3422 : i32 to vector<8x4096xi32>
    %ne3A_3424 = arith.cmpi ne, %and3A_3421, %ne3A_3423 : vector<8x4096xi32>
    %select_n3A_3425 = arith.select %ne3A_3418, %concatenate3A_3406, %concatenate3A_3403 : vector<8x4096xi1>, vector<8x4096xf32>
    %select_n3A_3426 = arith.select %ne3A_3418, %concatenate3A_3412, %concatenate3A_3409 : vector<8x4096xi1>, vector<8x4096xf32>
    %gt3A_3427 = arith.cmpf ogt, %select_n3A_3425, %select_n3A_3399 : vector<8x4096xf32>
    %eq3A_3428 = arith.cmpf oeq, %select_n3A_3425, %select_n3A_3399 : vector<8x4096xf32>
    %lt3A_3429 = arith.cmpf olt, %select_n3A_3426, %select_n3A_3400 : vector<8x4096xf32>
    %and3A_3430 = arith.andi %eq3A_3428, %lt3A_3429 : vector<8x4096xi1>
    %or3A_3431 = arith.ori %gt3A_3427, %and3A_3430 : vector<8x4096xi1>
    %xor3A_3432 = arith.xori %or3A_3431, %ne3A_3418 : vector<8x4096xi1>
    %xor3A_3433 = arith.xori %xor3A_3432, %ne3A_3424 : vector<8x4096xi1>
    %select_n3A_3434 = arith.select %xor3A_3433, %select_n3A_3425, %select_n3A_3399 : vector<8x4096xi1>, vector<8x4096xf32>
    %select_n3A_3435 = arith.select %xor3A_3433, %select_n3A_3426, %select_n3A_3400 : vector<8x4096xi1>, vector<8x4096xf32>
    %slice3A_3436 = vector.extract_strided_slice %select_n3A_3434 {offsets = [0, 128], sizes = [8, 3968], strides = [1, 1]} : vector<8x4096xf32> to vector<8x3968xf32>
    %slice3A_3437 = vector.extract_strided_slice %select_n3A_3434 {offsets = [0, 0], sizes = [8, 128], strides = [1, 1]} : vector<8x4096xf32> to vector<8x128xf32>
    %concatenate3A_3438 = tpu.concatenate %slice3A_3436, %slice3A_3437 in 1 : vector<8x3968xf32>, vector<8x128xf32> -> vector<8x4096xf32>
    %slice3A_3439 = vector.extract_strided_slice %select_n3A_3434 {offsets = [0, 3968], sizes = [8, 128], strides = [1, 1]} : vector<8x4096xf32> to vector<8x128xf32>
    %slice3A_3440 = vector.extract_strided_slice %select_n3A_3434 {offsets = [0, 0], sizes = [8, 3968], strides = [1, 1]} : vector<8x4096xf32> to vector<8x3968xf32>
    %concatenate3A_3441 = tpu.concatenate %slice3A_3439, %slice3A_3440 in 1 : vector<8x128xf32>, vector<8x3968xf32> -> vector<8x4096xf32>
    %slice3A_3442 = vector.extract_strided_slice %select_n3A_3435 {offsets = [0, 128], sizes = [8, 3968], strides = [1, 1]} : vector<8x4096xf32> to vector<8x3968xf32>
    %slice3A_3443 = vector.extract_strided_slice %select_n3A_3435 {offsets = [0, 0], sizes = [8, 128], strides = [1, 1]} : vector<8x4096xf32> to vector<8x128xf32>
    %concatenate3A_3444 = tpu.concatenate %slice3A_3442, %slice3A_3443 in 1 : vector<8x3968xf32>, vector<8x128xf32> -> vector<8x4096xf32>
    %slice3A_3445 = vector.extract_strided_slice %select_n3A_3435 {offsets = [0, 3968], sizes = [8, 128], strides = [1, 1]} : vector<8x4096xf32> to vector<8x128xf32>
    %slice3A_3446 = vector.extract_strided_slice %select_n3A_3435 {offsets = [0, 0], sizes = [8, 3968], strides = [1, 1]} : vector<8x4096xf32> to vector<8x3968xf32>
    %concatenate3A_3447 = tpu.concatenate %slice3A_3445, %slice3A_3446 in 1 : vector<8x128xf32>, vector<8x3968xf32> -> vector<8x4096xf32>
    %and3A_3448 = arith.constant 128 : i32
    %and3A_3449 = vector.broadcast %and3A_3448 : i32 to vector<8x4096xi32>
    %and3A_3450 = arith.andi %add3A_44, %and3A_3449 : vector<8x4096xi32>
    %ne3A_3451 = arith.constant 0 : i32
    %ne3A_3452 = vector.broadcast %ne3A_3451 : i32 to vector<8x4096xi32>
    %ne3A_3453 = arith.cmpi ne, %and3A_3450, %ne3A_3452 : vector<8x4096xi32>
    %and3A_3454 = arith.constant 16384 : i32
    %and3A_3455 = vector.broadcast %and3A_3454 : i32 to vector<8x4096xi32>
    %and3A_3456 = arith.andi %add3A_44, %and3A_3455 : vector<8x4096xi32>
    %ne3A_3457 = arith.constant 0 : i32
    %ne3A_3458 = vector.broadcast %ne3A_3457 : i32 to vector<8x4096xi32>
    %ne3A_3459 = arith.cmpi ne, %and3A_3456, %ne3A_3458 : vector<8x4096xi32>
    %select_n3A_3460 = arith.select %ne3A_3453, %concatenate3A_3441, %concatenate3A_3438 : vector<8x4096xi1>, vector<8x4096xf32>
    %select_n3A_3461 = arith.select %ne3A_3453, %concatenate3A_3447, %concatenate3A_3444 : vector<8x4096xi1>, vector<8x4096xf32>
    %gt3A_3462 = arith.cmpf ogt, %select_n3A_3460, %select_n3A_3434 : vector<8x4096xf32>
    %eq3A_3463 = arith.cmpf oeq, %select_n3A_3460, %select_n3A_3434 : vector<8x4096xf32>
    %lt3A_3464 = arith.cmpf olt, %select_n3A_3461, %select_n3A_3435 : vector<8x4096xf32>
    %and3A_3465 = arith.andi %eq3A_3463, %lt3A_3464 : vector<8x4096xi1>
    %or3A_3466 = arith.ori %gt3A_3462, %and3A_3465 : vector<8x4096xi1>
    %xor3A_3467 = arith.xori %or3A_3466, %ne3A_3453 : vector<8x4096xi1>
    %xor3A_3468 = arith.xori %xor3A_3467, %ne3A_3459 : vector<8x4096xi1>
    %select_n3A_3469 = arith.select %xor3A_3468, %select_n3A_3460, %select_n3A_3434 : vector<8x4096xi1>, vector<8x4096xf32>
    %select_n3A_3470 = arith.select %xor3A_3468, %select_n3A_3461, %select_n3A_3435 : vector<8x4096xi1>, vector<8x4096xf32>
    %slice3A_3471 = vector.extract_strided_slice %select_n3A_3469 {offsets = [0, 64], sizes = [8, 4032], strides = [1, 1]} : vector<8x4096xf32> to vector<8x4032xf32>
    %slice3A_3472 = vector.extract_strided_slice %select_n3A_3469 {offsets = [0, 0], sizes = [8, 64], strides = [1, 1]} : vector<8x4096xf32> to vector<8x64xf32>
    %concatenate3A_3473 = tpu.concatenate %slice3A_3471, %slice3A_3472 in 1 : vector<8x4032xf32>, vector<8x64xf32> -> vector<8x4096xf32>
    %slice3A_3474 = vector.extract_strided_slice %select_n3A_3469 {offsets = [0, 4032], sizes = [8, 64], strides = [1, 1]} : vector<8x4096xf32> to vector<8x64xf32>
    %slice3A_3475 = vector.extract_strided_slice %select_n3A_3469 {offsets = [0, 0], sizes = [8, 4032], strides = [1, 1]} : vector<8x4096xf32> to vector<8x4032xf32>
    %concatenate3A_3476 = tpu.concatenate %slice3A_3474, %slice3A_3475 in 1 : vector<8x64xf32>, vector<8x4032xf32> -> vector<8x4096xf32>
    %slice3A_3477 = vector.extract_strided_slice %select_n3A_3470 {offsets = [0, 64], sizes = [8, 4032], strides = [1, 1]} : vector<8x4096xf32> to vector<8x4032xf32>
    %slice3A_3478 = vector.extract_strided_slice %select_n3A_3470 {offsets = [0, 0], sizes = [8, 64], strides = [1, 1]} : vector<8x4096xf32> to vector<8x64xf32>
    %concatenate3A_3479 = tpu.concatenate %slice3A_3477, %slice3A_3478 in 1 : vector<8x4032xf32>, vector<8x64xf32> -> vector<8x4096xf32>
    %slice3A_3480 = vector.extract_strided_slice %select_n3A_3470 {offsets = [0, 4032], sizes = [8, 64], strides = [1, 1]} : vector<8x4096xf32> to vector<8x64xf32>
    %slice3A_3481 = vector.extract_strided_slice %select_n3A_3470 {offsets = [0, 0], sizes = [8, 4032], strides = [1, 1]} : vector<8x4096xf32> to vector<8x4032xf32>
    %concatenate3A_3482 = tpu.concatenate %slice3A_3480, %slice3A_3481 in 1 : vector<8x64xf32>, vector<8x4032xf32> -> vector<8x4096xf32>
    %and3A_3483 = arith.constant 64 : i32
    %and3A_3484 = vector.broadcast %and3A_3483 : i32 to vector<8x4096xi32>
    %and3A_3485 = arith.andi %add3A_44, %and3A_3484 : vector<8x4096xi32>
    %ne3A_3486 = arith.constant 0 : i32
    %ne3A_3487 = vector.broadcast %ne3A_3486 : i32 to vector<8x4096xi32>
    %ne3A_3488 = arith.cmpi ne, %and3A_3485, %ne3A_3487 : vector<8x4096xi32>
    %and3A_3489 = arith.constant 16384 : i32
    %and3A_3490 = vector.broadcast %and3A_3489 : i32 to vector<8x4096xi32>
    %and3A_3491 = arith.andi %add3A_44, %and3A_3490 : vector<8x4096xi32>
    %ne3A_3492 = arith.constant 0 : i32
    %ne3A_3493 = vector.broadcast %ne3A_3492 : i32 to vector<8x4096xi32>
    %ne3A_3494 = arith.cmpi ne, %and3A_3491, %ne3A_3493 : vector<8x4096xi32>
    %select_n3A_3495 = arith.select %ne3A_3488, %concatenate3A_3476, %concatenate3A_3473 : vector<8x4096xi1>, vector<8x4096xf32>
    %select_n3A_3496 = arith.select %ne3A_3488, %concatenate3A_3482, %concatenate3A_3479 : vector<8x4096xi1>, vector<8x4096xf32>
    %gt3A_3497 = arith.cmpf ogt, %select_n3A_3495, %select_n3A_3469 : vector<8x4096xf32>
    %eq3A_3498 = arith.cmpf oeq, %select_n3A_3495, %select_n3A_3469 : vector<8x4096xf32>
    %lt3A_3499 = arith.cmpf olt, %select_n3A_3496, %select_n3A_3470 : vector<8x4096xf32>
    %and3A_3500 = arith.andi %eq3A_3498, %lt3A_3499 : vector<8x4096xi1>
    %or3A_3501 = arith.ori %gt3A_3497, %and3A_3500 : vector<8x4096xi1>
    %xor3A_3502 = arith.xori %or3A_3501, %ne3A_3488 : vector<8x4096xi1>
    %xor3A_3503 = arith.xori %xor3A_3502, %ne3A_3494 : vector<8x4096xi1>
    %select_n3A_3504 = arith.select %xor3A_3503, %select_n3A_3495, %select_n3A_3469 : vector<8x4096xi1>, vector<8x4096xf32>
    %select_n3A_3505 = arith.select %xor3A_3503, %select_n3A_3496, %select_n3A_3470 : vector<8x4096xi1>, vector<8x4096xf32>
    %slice3A_3506 = vector.extract_strided_slice %select_n3A_3504 {offsets = [0, 32], sizes = [8, 4064], strides = [1, 1]} : vector<8x4096xf32> to vector<8x4064xf32>
    %slice3A_3507 = vector.extract_strided_slice %select_n3A_3504 {offsets = [0, 0], sizes = [8, 32], strides = [1, 1]} : vector<8x4096xf32> to vector<8x32xf32>
    %concatenate3A_3508 = tpu.concatenate %slice3A_3506, %slice3A_3507 in 1 : vector<8x4064xf32>, vector<8x32xf32> -> vector<8x4096xf32>
    %slice3A_3509 = vector.extract_strided_slice %select_n3A_3504 {offsets = [0, 4064], sizes = [8, 32], strides = [1, 1]} : vector<8x4096xf32> to vector<8x32xf32>
    %slice3A_3510 = vector.extract_strided_slice %select_n3A_3504 {offsets = [0, 0], sizes = [8, 4064], strides = [1, 1]} : vector<8x4096xf32> to vector<8x4064xf32>
    %concatenate3A_3511 = tpu.concatenate %slice3A_3509, %slice3A_3510 in 1 : vector<8x32xf32>, vector<8x4064xf32> -> vector<8x4096xf32>
    %slice3A_3512 = vector.extract_strided_slice %select_n3A_3505 {offsets = [0, 32], sizes = [8, 4064], strides = [1, 1]} : vector<8x4096xf32> to vector<8x4064xf32>
    %slice3A_3513 = vector.extract_strided_slice %select_n3A_3505 {offsets = [0, 0], sizes = [8, 32], strides = [1, 1]} : vector<8x4096xf32> to vector<8x32xf32>
    %concatenate3A_3514 = tpu.concatenate %slice3A_3512, %slice3A_3513 in 1 : vector<8x4064xf32>, vector<8x32xf32> -> vector<8x4096xf32>
    %slice3A_3515 = vector.extract_strided_slice %select_n3A_3505 {offsets = [0, 4064], sizes = [8, 32], strides = [1, 1]} : vector<8x4096xf32> to vector<8x32xf32>
    %slice3A_3516 = vector.extract_strided_slice %select_n3A_3505 {offsets = [0, 0], sizes = [8, 4064], strides = [1, 1]} : vector<8x4096xf32> to vector<8x4064xf32>
    %concatenate3A_3517 = tpu.concatenate %slice3A_3515, %slice3A_3516 in 1 : vector<8x32xf32>, vector<8x4064xf32> -> vector<8x4096xf32>
    %and3A_3518 = arith.constant 32 : i32
    %and3A_3519 = vector.broadcast %and3A_3518 : i32 to vector<8x4096xi32>
    %and3A_3520 = arith.andi %add3A_44, %and3A_3519 : vector<8x4096xi32>
    %ne3A_3521 = arith.constant 0 : i32
    %ne3A_3522 = vector.broadcast %ne3A_3521 : i32 to vector<8x4096xi32>
    %ne3A_3523 = arith.cmpi ne, %and3A_3520, %ne3A_3522 : vector<8x4096xi32>
    %and3A_3524 = arith.constant 16384 : i32
    %and3A_3525 = vector.broadcast %and3A_3524 : i32 to vector<8x4096xi32>
    %and3A_3526 = arith.andi %add3A_44, %and3A_3525 : vector<8x4096xi32>
    %ne3A_3527 = arith.constant 0 : i32
    %ne3A_3528 = vector.broadcast %ne3A_3527 : i32 to vector<8x4096xi32>
    %ne3A_3529 = arith.cmpi ne, %and3A_3526, %ne3A_3528 : vector<8x4096xi32>
    %select_n3A_3530 = arith.select %ne3A_3523, %concatenate3A_3511, %concatenate3A_3508 : vector<8x4096xi1>, vector<8x4096xf32>
    %select_n3A_3531 = arith.select %ne3A_3523, %concatenate3A_3517, %concatenate3A_3514 : vector<8x4096xi1>, vector<8x4096xf32>
    %gt3A_3532 = arith.cmpf ogt, %select_n3A_3530, %select_n3A_3504 : vector<8x4096xf32>
    %eq3A_3533 = arith.cmpf oeq, %select_n3A_3530, %select_n3A_3504 : vector<8x4096xf32>
    %lt3A_3534 = arith.cmpf olt, %select_n3A_3531, %select_n3A_3505 : vector<8x4096xf32>
    %and3A_3535 = arith.andi %eq3A_3533, %lt3A_3534 : vector<8x4096xi1>
    %or3A_3536 = arith.ori %gt3A_3532, %and3A_3535 : vector<8x4096xi1>
    %xor3A_3537 = arith.xori %or3A_3536, %ne3A_3523 : vector<8x4096xi1>
    %xor3A_3538 = arith.xori %xor3A_3537, %ne3A_3529 : vector<8x4096xi1>
    %select_n3A_3539 = arith.select %xor3A_3538, %select_n3A_3530, %select_n3A_3504 : vector<8x4096xi1>, vector<8x4096xf32>
    %select_n3A_3540 = arith.select %xor3A_3538, %select_n3A_3531, %select_n3A_3505 : vector<8x4096xi1>, vector<8x4096xf32>
    %slice3A_3541 = vector.extract_strided_slice %select_n3A_3539 {offsets = [0, 16], sizes = [8, 4080], strides = [1, 1]} : vector<8x4096xf32> to vector<8x4080xf32>
    %slice3A_3542 = vector.extract_strided_slice %select_n3A_3539 {offsets = [0, 0], sizes = [8, 16], strides = [1, 1]} : vector<8x4096xf32> to vector<8x16xf32>
    %concatenate3A_3543 = tpu.concatenate %slice3A_3541, %slice3A_3542 in 1 : vector<8x4080xf32>, vector<8x16xf32> -> vector<8x4096xf32>
    %slice3A_3544 = vector.extract_strided_slice %select_n3A_3539 {offsets = [0, 4080], sizes = [8, 16], strides = [1, 1]} : vector<8x4096xf32> to vector<8x16xf32>
    %slice3A_3545 = vector.extract_strided_slice %select_n3A_3539 {offsets = [0, 0], sizes = [8, 4080], strides = [1, 1]} : vector<8x4096xf32> to vector<8x4080xf32>
    %concatenate3A_3546 = tpu.concatenate %slice3A_3544, %slice3A_3545 in 1 : vector<8x16xf32>, vector<8x4080xf32> -> vector<8x4096xf32>
    %slice3A_3547 = vector.extract_strided_slice %select_n3A_3540 {offsets = [0, 16], sizes = [8, 4080], strides = [1, 1]} : vector<8x4096xf32> to vector<8x4080xf32>
    %slice3A_3548 = vector.extract_strided_slice %select_n3A_3540 {offsets = [0, 0], sizes = [8, 16], strides = [1, 1]} : vector<8x4096xf32> to vector<8x16xf32>
    %concatenate3A_3549 = tpu.concatenate %slice3A_3547, %slice3A_3548 in 1 : vector<8x4080xf32>, vector<8x16xf32> -> vector<8x4096xf32>
    %slice3A_3550 = vector.extract_strided_slice %select_n3A_3540 {offsets = [0, 4080], sizes = [8, 16], strides = [1, 1]} : vector<8x4096xf32> to vector<8x16xf32>
    %slice3A_3551 = vector.extract_strided_slice %select_n3A_3540 {offsets = [0, 0], sizes = [8, 4080], strides = [1, 1]} : vector<8x4096xf32> to vector<8x4080xf32>
    %concatenate3A_3552 = tpu.concatenate %slice3A_3550, %slice3A_3551 in 1 : vector<8x16xf32>, vector<8x4080xf32> -> vector<8x4096xf32>
    %and3A_3553 = arith.constant 16 : i32
    %and3A_3554 = vector.broadcast %and3A_3553 : i32 to vector<8x4096xi32>
    %and3A_3555 = arith.andi %add3A_44, %and3A_3554 : vector<8x4096xi32>
    %ne3A_3556 = arith.constant 0 : i32
    %ne3A_3557 = vector.broadcast %ne3A_3556 : i32 to vector<8x4096xi32>
    %ne3A_3558 = arith.cmpi ne, %and3A_3555, %ne3A_3557 : vector<8x4096xi32>
    %and3A_3559 = arith.constant 16384 : i32
    %and3A_3560 = vector.broadcast %and3A_3559 : i32 to vector<8x4096xi32>
    %and3A_3561 = arith.andi %add3A_44, %and3A_3560 : vector<8x4096xi32>
    %ne3A_3562 = arith.constant 0 : i32
    %ne3A_3563 = vector.broadcast %ne3A_3562 : i32 to vector<8x4096xi32>
    %ne3A_3564 = arith.cmpi ne, %and3A_3561, %ne3A_3563 : vector<8x4096xi32>
    %select_n3A_3565 = arith.select %ne3A_3558, %concatenate3A_3546, %concatenate3A_3543 : vector<8x4096xi1>, vector<8x4096xf32>
    %select_n3A_3566 = arith.select %ne3A_3558, %concatenate3A_3552, %concatenate3A_3549 : vector<8x4096xi1>, vector<8x4096xf32>
    %gt3A_3567 = arith.cmpf ogt, %select_n3A_3565, %select_n3A_3539 : vector<8x4096xf32>
    %eq3A_3568 = arith.cmpf oeq, %select_n3A_3565, %select_n3A_3539 : vector<8x4096xf32>
    %lt3A_3569 = arith.cmpf olt, %select_n3A_3566, %select_n3A_3540 : vector<8x4096xf32>
    %and3A_3570 = arith.andi %eq3A_3568, %lt3A_3569 : vector<8x4096xi1>
    %or3A_3571 = arith.ori %gt3A_3567, %and3A_3570 : vector<8x4096xi1>
    %xor3A_3572 = arith.xori %or3A_3571, %ne3A_3558 : vector<8x4096xi1>
    %xor3A_3573 = arith.xori %xor3A_3572, %ne3A_3564 : vector<8x4096xi1>
    %select_n3A_3574 = arith.select %xor3A_3573, %select_n3A_3565, %select_n3A_3539 : vector<8x4096xi1>, vector<8x4096xf32>
    %select_n3A_3575 = arith.select %xor3A_3573, %select_n3A_3566, %select_n3A_3540 : vector<8x4096xi1>, vector<8x4096xf32>
    %slice3A_3576 = vector.extract_strided_slice %select_n3A_3574 {offsets = [0, 8], sizes = [8, 4088], strides = [1, 1]} : vector<8x4096xf32> to vector<8x4088xf32>
    %slice3A_3577 = vector.extract_strided_slice %select_n3A_3574 {offsets = [0, 0], sizes = [8, 8], strides = [1, 1]} : vector<8x4096xf32> to vector<8x8xf32>
    %concatenate3A_3578 = tpu.concatenate %slice3A_3576, %slice3A_3577 in 1 : vector<8x4088xf32>, vector<8x8xf32> -> vector<8x4096xf32>
    %slice3A_3579 = vector.extract_strided_slice %select_n3A_3574 {offsets = [0, 4088], sizes = [8, 8], strides = [1, 1]} : vector<8x4096xf32> to vector<8x8xf32>
    %slice3A_3580 = vector.extract_strided_slice %select_n3A_3574 {offsets = [0, 0], sizes = [8, 4088], strides = [1, 1]} : vector<8x4096xf32> to vector<8x4088xf32>
    %concatenate3A_3581 = tpu.concatenate %slice3A_3579, %slice3A_3580 in 1 : vector<8x8xf32>, vector<8x4088xf32> -> vector<8x4096xf32>
    %slice3A_3582 = vector.extract_strided_slice %select_n3A_3575 {offsets = [0, 8], sizes = [8, 4088], strides = [1, 1]} : vector<8x4096xf32> to vector<8x4088xf32>
    %slice3A_3583 = vector.extract_strided_slice %select_n3A_3575 {offsets = [0, 0], sizes = [8, 8], strides = [1, 1]} : vector<8x4096xf32> to vector<8x8xf32>
    %concatenate3A_3584 = tpu.concatenate %slice3A_3582, %slice3A_3583 in 1 : vector<8x4088xf32>, vector<8x8xf32> -> vector<8x4096xf32>
    %slice3A_3585 = vector.extract_strided_slice %select_n3A_3575 {offsets = [0, 4088], sizes = [8, 8], strides = [1, 1]} : vector<8x4096xf32> to vector<8x8xf32>
    %slice3A_3586 = vector.extract_strided_slice %select_n3A_3575 {offsets = [0, 0], sizes = [8, 4088], strides = [1, 1]} : vector<8x4096xf32> to vector<8x4088xf32>
    %concatenate3A_3587 = tpu.concatenate %slice3A_3585, %slice3A_3586 in 1 : vector<8x8xf32>, vector<8x4088xf32> -> vector<8x4096xf32>
    %and3A_3588 = arith.constant 8 : i32
    %and3A_3589 = vector.broadcast %and3A_3588 : i32 to vector<8x4096xi32>
    %and3A_3590 = arith.andi %add3A_44, %and3A_3589 : vector<8x4096xi32>
    %ne3A_3591 = arith.constant 0 : i32
    %ne3A_3592 = vector.broadcast %ne3A_3591 : i32 to vector<8x4096xi32>
    %ne3A_3593 = arith.cmpi ne, %and3A_3590, %ne3A_3592 : vector<8x4096xi32>
    %and3A_3594 = arith.constant 16384 : i32
    %and3A_3595 = vector.broadcast %and3A_3594 : i32 to vector<8x4096xi32>
    %and3A_3596 = arith.andi %add3A_44, %and3A_3595 : vector<8x4096xi32>
    %ne3A_3597 = arith.constant 0 : i32
    %ne3A_3598 = vector.broadcast %ne3A_3597 : i32 to vector<8x4096xi32>
    %ne3A_3599 = arith.cmpi ne, %and3A_3596, %ne3A_3598 : vector<8x4096xi32>
    %select_n3A_3600 = arith.select %ne3A_3593, %concatenate3A_3581, %concatenate3A_3578 : vector<8x4096xi1>, vector<8x4096xf32>
    %select_n3A_3601 = arith.select %ne3A_3593, %concatenate3A_3587, %concatenate3A_3584 : vector<8x4096xi1>, vector<8x4096xf32>
    %gt3A_3602 = arith.cmpf ogt, %select_n3A_3600, %select_n3A_3574 : vector<8x4096xf32>
    %eq3A_3603 = arith.cmpf oeq, %select_n3A_3600, %select_n3A_3574 : vector<8x4096xf32>
    %lt3A_3604 = arith.cmpf olt, %select_n3A_3601, %select_n3A_3575 : vector<8x4096xf32>
    %and3A_3605 = arith.andi %eq3A_3603, %lt3A_3604 : vector<8x4096xi1>
    %or3A_3606 = arith.ori %gt3A_3602, %and3A_3605 : vector<8x4096xi1>
    %xor3A_3607 = arith.xori %or3A_3606, %ne3A_3593 : vector<8x4096xi1>
    %xor3A_3608 = arith.xori %xor3A_3607, %ne3A_3599 : vector<8x4096xi1>
    %select_n3A_3609 = arith.select %xor3A_3608, %select_n3A_3600, %select_n3A_3574 : vector<8x4096xi1>, vector<8x4096xf32>
    %select_n3A_3610 = arith.select %xor3A_3608, %select_n3A_3601, %select_n3A_3575 : vector<8x4096xi1>, vector<8x4096xf32>
    %slice3A_3611 = vector.extract_strided_slice %select_n3A_3609 {offsets = [0, 4], sizes = [8, 4092], strides = [1, 1]} : vector<8x4096xf32> to vector<8x4092xf32>
    %slice3A_3612 = vector.extract_strided_slice %select_n3A_3609 {offsets = [0, 0], sizes = [8, 4], strides = [1, 1]} : vector<8x4096xf32> to vector<8x4xf32>
    %concatenate3A_3613 = tpu.concatenate %slice3A_3611, %slice3A_3612 in 1 : vector<8x4092xf32>, vector<8x4xf32> -> vector<8x4096xf32>
    %slice3A_3614 = vector.extract_strided_slice %select_n3A_3609 {offsets = [0, 4092], sizes = [8, 4], strides = [1, 1]} : vector<8x4096xf32> to vector<8x4xf32>
    %slice3A_3615 = vector.extract_strided_slice %select_n3A_3609 {offsets = [0, 0], sizes = [8, 4092], strides = [1, 1]} : vector<8x4096xf32> to vector<8x4092xf32>
    %concatenate3A_3616 = tpu.concatenate %slice3A_3614, %slice3A_3615 in 1 : vector<8x4xf32>, vector<8x4092xf32> -> vector<8x4096xf32>
    %slice3A_3617 = vector.extract_strided_slice %select_n3A_3610 {offsets = [0, 4], sizes = [8, 4092], strides = [1, 1]} : vector<8x4096xf32> to vector<8x4092xf32>
    %slice3A_3618 = vector.extract_strided_slice %select_n3A_3610 {offsets = [0, 0], sizes = [8, 4], strides = [1, 1]} : vector<8x4096xf32> to vector<8x4xf32>
    %concatenate3A_3619 = tpu.concatenate %slice3A_3617, %slice3A_3618 in 1 : vector<8x4092xf32>, vector<8x4xf32> -> vector<8x4096xf32>
    %slice3A_3620 = vector.extract_strided_slice %select_n3A_3610 {offsets = [0, 4092], sizes = [8, 4], strides = [1, 1]} : vector<8x4096xf32> to vector<8x4xf32>
    %slice3A_3621 = vector.extract_strided_slice %select_n3A_3610 {offsets = [0, 0], sizes = [8, 4092], strides = [1, 1]} : vector<8x4096xf32> to vector<8x4092xf32>
    %concatenate3A_3622 = tpu.concatenate %slice3A_3620, %slice3A_3621 in 1 : vector<8x4xf32>, vector<8x4092xf32> -> vector<8x4096xf32>
    %and3A_3623 = arith.constant 4 : i32
    %and3A_3624 = vector.broadcast %and3A_3623 : i32 to vector<8x4096xi32>
    %and3A_3625 = arith.andi %add3A_44, %and3A_3624 : vector<8x4096xi32>
    %ne3A_3626 = arith.constant 0 : i32
    %ne3A_3627 = vector.broadcast %ne3A_3626 : i32 to vector<8x4096xi32>
    %ne3A_3628 = arith.cmpi ne, %and3A_3625, %ne3A_3627 : vector<8x4096xi32>
    %and3A_3629 = arith.constant 16384 : i32
    %and3A_3630 = vector.broadcast %and3A_3629 : i32 to vector<8x4096xi32>
    %and3A_3631 = arith.andi %add3A_44, %and3A_3630 : vector<8x4096xi32>
    %ne3A_3632 = arith.constant 0 : i32
    %ne3A_3633 = vector.broadcast %ne3A_3632 : i32 to vector<8x4096xi32>
    %ne3A_3634 = arith.cmpi ne, %and3A_3631, %ne3A_3633 : vector<8x4096xi32>
    %select_n3A_3635 = arith.select %ne3A_3628, %concatenate3A_3616, %concatenate3A_3613 : vector<8x4096xi1>, vector<8x4096xf32>
    %select_n3A_3636 = arith.select %ne3A_3628, %concatenate3A_3622, %concatenate3A_3619 : vector<8x4096xi1>, vector<8x4096xf32>
    %gt3A_3637 = arith.cmpf ogt, %select_n3A_3635, %select_n3A_3609 : vector<8x4096xf32>
    %eq3A_3638 = arith.cmpf oeq, %select_n3A_3635, %select_n3A_3609 : vector<8x4096xf32>
    %lt3A_3639 = arith.cmpf olt, %select_n3A_3636, %select_n3A_3610 : vector<8x4096xf32>
    %and3A_3640 = arith.andi %eq3A_3638, %lt3A_3639 : vector<8x4096xi1>
    %or3A_3641 = arith.ori %gt3A_3637, %and3A_3640 : vector<8x4096xi1>
    %xor3A_3642 = arith.xori %or3A_3641, %ne3A_3628 : vector<8x4096xi1>
    %xor3A_3643 = arith.xori %xor3A_3642, %ne3A_3634 : vector<8x4096xi1>
    %select_n3A_3644 = arith.select %xor3A_3643, %select_n3A_3635, %select_n3A_3609 : vector<8x4096xi1>, vector<8x4096xf32>
    %select_n3A_3645 = arith.select %xor3A_3643, %select_n3A_3636, %select_n3A_3610 : vector<8x4096xi1>, vector<8x4096xf32>
    %slice3A_3646 = vector.extract_strided_slice %select_n3A_3644 {offsets = [0, 2], sizes = [8, 4094], strides = [1, 1]} : vector<8x4096xf32> to vector<8x4094xf32>
    %slice3A_3647 = vector.extract_strided_slice %select_n3A_3644 {offsets = [0, 0], sizes = [8, 2], strides = [1, 1]} : vector<8x4096xf32> to vector<8x2xf32>
    %concatenate3A_3648 = tpu.concatenate %slice3A_3646, %slice3A_3647 in 1 : vector<8x4094xf32>, vector<8x2xf32> -> vector<8x4096xf32>
    %slice3A_3649 = vector.extract_strided_slice %select_n3A_3644 {offsets = [0, 4094], sizes = [8, 2], strides = [1, 1]} : vector<8x4096xf32> to vector<8x2xf32>
    %slice3A_3650 = vector.extract_strided_slice %select_n3A_3644 {offsets = [0, 0], sizes = [8, 4094], strides = [1, 1]} : vector<8x4096xf32> to vector<8x4094xf32>
    %concatenate3A_3651 = tpu.concatenate %slice3A_3649, %slice3A_3650 in 1 : vector<8x2xf32>, vector<8x4094xf32> -> vector<8x4096xf32>
    %slice3A_3652 = vector.extract_strided_slice %select_n3A_3645 {offsets = [0, 2], sizes = [8, 4094], strides = [1, 1]} : vector<8x4096xf32> to vector<8x4094xf32>
    %slice3A_3653 = vector.extract_strided_slice %select_n3A_3645 {offsets = [0, 0], sizes = [8, 2], strides = [1, 1]} : vector<8x4096xf32> to vector<8x2xf32>
    %concatenate3A_3654 = tpu.concatenate %slice3A_3652, %slice3A_3653 in 1 : vector<8x4094xf32>, vector<8x2xf32> -> vector<8x4096xf32>
    %slice3A_3655 = vector.extract_strided_slice %select_n3A_3645 {offsets = [0, 4094], sizes = [8, 2], strides = [1, 1]} : vector<8x4096xf32> to vector<8x2xf32>
    %slice3A_3656 = vector.extract_strided_slice %select_n3A_3645 {offsets = [0, 0], sizes = [8, 4094], strides = [1, 1]} : vector<8x4096xf32> to vector<8x4094xf32>
    %concatenate3A_3657 = tpu.concatenate %slice3A_3655, %slice3A_3656 in 1 : vector<8x2xf32>, vector<8x4094xf32> -> vector<8x4096xf32>
    %and3A_3658 = arith.constant 2 : i32
    %and3A_3659 = vector.broadcast %and3A_3658 : i32 to vector<8x4096xi32>
    %and3A_3660 = arith.andi %add3A_44, %and3A_3659 : vector<8x4096xi32>
    %ne3A_3661 = arith.constant 0 : i32
    %ne3A_3662 = vector.broadcast %ne3A_3661 : i32 to vector<8x4096xi32>
    %ne3A_3663 = arith.cmpi ne, %and3A_3660, %ne3A_3662 : vector<8x4096xi32>
    %and3A_3664 = arith.constant 16384 : i32
    %and3A_3665 = vector.broadcast %and3A_3664 : i32 to vector<8x4096xi32>
    %and3A_3666 = arith.andi %add3A_44, %and3A_3665 : vector<8x4096xi32>
    %ne3A_3667 = arith.constant 0 : i32
    %ne3A_3668 = vector.broadcast %ne3A_3667 : i32 to vector<8x4096xi32>
    %ne3A_3669 = arith.cmpi ne, %and3A_3666, %ne3A_3668 : vector<8x4096xi32>
    %select_n3A_3670 = arith.select %ne3A_3663, %concatenate3A_3651, %concatenate3A_3648 : vector<8x4096xi1>, vector<8x4096xf32>
    %select_n3A_3671 = arith.select %ne3A_3663, %concatenate3A_3657, %concatenate3A_3654 : vector<8x4096xi1>, vector<8x4096xf32>
    %gt3A_3672 = arith.cmpf ogt, %select_n3A_3670, %select_n3A_3644 : vector<8x4096xf32>
    %eq3A_3673 = arith.cmpf oeq, %select_n3A_3670, %select_n3A_3644 : vector<8x4096xf32>
    %lt3A_3674 = arith.cmpf olt, %select_n3A_3671, %select_n3A_3645 : vector<8x4096xf32>
    %and3A_3675 = arith.andi %eq3A_3673, %lt3A_3674 : vector<8x4096xi1>
    %or3A_3676 = arith.ori %gt3A_3672, %and3A_3675 : vector<8x4096xi1>
    %xor3A_3677 = arith.xori %or3A_3676, %ne3A_3663 : vector<8x4096xi1>
    %xor3A_3678 = arith.xori %xor3A_3677, %ne3A_3669 : vector<8x4096xi1>
    %select_n3A_3679 = arith.select %xor3A_3678, %select_n3A_3670, %select_n3A_3644 : vector<8x4096xi1>, vector<8x4096xf32>
    %select_n3A_3680 = arith.select %xor3A_3678, %select_n3A_3671, %select_n3A_3645 : vector<8x4096xi1>, vector<8x4096xf32>
    %slice3A_3681 = vector.extract_strided_slice %select_n3A_3679 {offsets = [0, 1], sizes = [8, 4095], strides = [1, 1]} : vector<8x4096xf32> to vector<8x4095xf32>
    %slice3A_3682 = vector.extract_strided_slice %select_n3A_3679 {offsets = [0, 0], sizes = [8, 1], strides = [1, 1]} : vector<8x4096xf32> to vector<8x1xf32>
    %concatenate3A_3683 = tpu.concatenate %slice3A_3681, %slice3A_3682 in 1 : vector<8x4095xf32>, vector<8x1xf32> -> vector<8x4096xf32>
    %slice3A_3684 = vector.extract_strided_slice %select_n3A_3679 {offsets = [0, 4095], sizes = [8, 1], strides = [1, 1]} : vector<8x4096xf32> to vector<8x1xf32>
    %slice3A_3685 = vector.extract_strided_slice %select_n3A_3679 {offsets = [0, 0], sizes = [8, 4095], strides = [1, 1]} : vector<8x4096xf32> to vector<8x4095xf32>
    %concatenate3A_3686 = tpu.concatenate %slice3A_3684, %slice3A_3685 in 1 : vector<8x1xf32>, vector<8x4095xf32> -> vector<8x4096xf32>
    %slice3A_3687 = vector.extract_strided_slice %select_n3A_3680 {offsets = [0, 1], sizes = [8, 4095], strides = [1, 1]} : vector<8x4096xf32> to vector<8x4095xf32>
    %slice3A_3688 = vector.extract_strided_slice %select_n3A_3680 {offsets = [0, 0], sizes = [8, 1], strides = [1, 1]} : vector<8x4096xf32> to vector<8x1xf32>
    %concatenate3A_3689 = tpu.concatenate %slice3A_3687, %slice3A_3688 in 1 : vector<8x4095xf32>, vector<8x1xf32> -> vector<8x4096xf32>
    %slice3A_3690 = vector.extract_strided_slice %select_n3A_3680 {offsets = [0, 4095], sizes = [8, 1], strides = [1, 1]} : vector<8x4096xf32> to vector<8x1xf32>
    %slice3A_3691 = vector.extract_strided_slice %select_n3A_3680 {offsets = [0, 0], sizes = [8, 4095], strides = [1, 1]} : vector<8x4096xf32> to vector<8x4095xf32>
    %concatenate3A_3692 = tpu.concatenate %slice3A_3690, %slice3A_3691 in 1 : vector<8x1xf32>, vector<8x4095xf32> -> vector<8x4096xf32>
    %and3A_3693 = arith.constant 1 : i32
    %and3A_3694 = vector.broadcast %and3A_3693 : i32 to vector<8x4096xi32>
    %and3A_3695 = arith.andi %add3A_44, %and3A_3694 : vector<8x4096xi32>
    %ne3A_3696 = arith.constant 0 : i32
    %ne3A_3697 = vector.broadcast %ne3A_3696 : i32 to vector<8x4096xi32>
    %ne3A_3698 = arith.cmpi ne, %and3A_3695, %ne3A_3697 : vector<8x4096xi32>
    %and3A_3699 = arith.constant 16384 : i32
    %and3A_3700 = vector.broadcast %and3A_3699 : i32 to vector<8x4096xi32>
    %and3A_3701 = arith.andi %add3A_44, %and3A_3700 : vector<8x4096xi32>
    %ne3A_3702 = arith.constant 0 : i32
    %ne3A_3703 = vector.broadcast %ne3A_3702 : i32 to vector<8x4096xi32>
    %ne3A_3704 = arith.cmpi ne, %and3A_3701, %ne3A_3703 : vector<8x4096xi32>
    %select_n3A_3705 = arith.select %ne3A_3698, %concatenate3A_3686, %concatenate3A_3683 : vector<8x4096xi1>, vector<8x4096xf32>
    %select_n3A_3706 = arith.select %ne3A_3698, %concatenate3A_3692, %concatenate3A_3689 : vector<8x4096xi1>, vector<8x4096xf32>
    %gt3A_3707 = arith.cmpf ogt, %select_n3A_3705, %select_n3A_3679 : vector<8x4096xf32>
    %eq3A_3708 = arith.cmpf oeq, %select_n3A_3705, %select_n3A_3679 : vector<8x4096xf32>
    %lt3A_3709 = arith.cmpf olt, %select_n3A_3706, %select_n3A_3680 : vector<8x4096xf32>
    %and3A_3710 = arith.andi %eq3A_3708, %lt3A_3709 : vector<8x4096xi1>
    %or3A_3711 = arith.ori %gt3A_3707, %and3A_3710 : vector<8x4096xi1>
    %xor3A_3712 = arith.xori %or3A_3711, %ne3A_3698 : vector<8x4096xi1>
    %xor3A_3713 = arith.xori %xor3A_3712, %ne3A_3704 : vector<8x4096xi1>
    %select_n3A_3714 = arith.select %xor3A_3713, %select_n3A_3705, %select_n3A_3679 : vector<8x4096xi1>, vector<8x4096xf32>
    %select_n3A_3715 = arith.select %xor3A_3713, %select_n3A_3706, %select_n3A_3680 : vector<8x4096xi1>, vector<8x4096xf32>
    %slice3A_3716 = vector.extract_strided_slice %select_n3A_3714 {offsets = [4, 0], sizes = [4, 4096], strides = [1, 1]} : vector<8x4096xf32> to vector<4x4096xf32>
    %slice3A_3717 = vector.extract_strided_slice %select_n3A_3714 {offsets = [0, 0], sizes = [4, 4096], strides = [1, 1]} : vector<8x4096xf32> to vector<4x4096xf32>
    %concatenate3A_3718 = tpu.concatenate %slice3A_3716, %slice3A_3717 in 0 : vector<4x4096xf32>, vector<4x4096xf32> -> vector<8x4096xf32>
    %slice3A_3719 = vector.extract_strided_slice %select_n3A_3714 {offsets = [4, 0], sizes = [4, 4096], strides = [1, 1]} : vector<8x4096xf32> to vector<4x4096xf32>
    %slice3A_3720 = vector.extract_strided_slice %select_n3A_3714 {offsets = [0, 0], sizes = [4, 4096], strides = [1, 1]} : vector<8x4096xf32> to vector<4x4096xf32>
    %concatenate3A_3721 = tpu.concatenate %slice3A_3719, %slice3A_3720 in 0 : vector<4x4096xf32>, vector<4x4096xf32> -> vector<8x4096xf32>
    %slice3A_3722 = vector.extract_strided_slice %select_n3A_3715 {offsets = [4, 0], sizes = [4, 4096], strides = [1, 1]} : vector<8x4096xf32> to vector<4x4096xf32>
    %slice3A_3723 = vector.extract_strided_slice %select_n3A_3715 {offsets = [0, 0], sizes = [4, 4096], strides = [1, 1]} : vector<8x4096xf32> to vector<4x4096xf32>
    %concatenate3A_3724 = tpu.concatenate %slice3A_3722, %slice3A_3723 in 0 : vector<4x4096xf32>, vector<4x4096xf32> -> vector<8x4096xf32>
    %slice3A_3725 = vector.extract_strided_slice %select_n3A_3715 {offsets = [4, 0], sizes = [4, 4096], strides = [1, 1]} : vector<8x4096xf32> to vector<4x4096xf32>
    %slice3A_3726 = vector.extract_strided_slice %select_n3A_3715 {offsets = [0, 0], sizes = [4, 4096], strides = [1, 1]} : vector<8x4096xf32> to vector<4x4096xf32>
    %concatenate3A_3727 = tpu.concatenate %slice3A_3725, %slice3A_3726 in 0 : vector<4x4096xf32>, vector<4x4096xf32> -> vector<8x4096xf32>
    %and3A_3728 = arith.constant 16384 : i32
    %and3A_3729 = vector.broadcast %and3A_3728 : i32 to vector<8x4096xi32>
    %and3A_3730 = arith.andi %add3A_44, %and3A_3729 : vector<8x4096xi32>
    %ne3A_3731 = arith.constant 0 : i32
    %ne3A_3732 = vector.broadcast %ne3A_3731 : i32 to vector<8x4096xi32>
    %ne3A_3733 = arith.cmpi ne, %and3A_3730, %ne3A_3732 : vector<8x4096xi32>
    %and3A_3734 = arith.constant 32768 : i32
    %and3A_3735 = vector.broadcast %and3A_3734 : i32 to vector<8x4096xi32>
    %and3A_3736 = arith.andi %add3A_44, %and3A_3735 : vector<8x4096xi32>
    %ne3A_3737 = arith.constant 0 : i32
    %ne3A_3738 = vector.broadcast %ne3A_3737 : i32 to vector<8x4096xi32>
    %ne3A_3739 = arith.cmpi ne, %and3A_3736, %ne3A_3738 : vector<8x4096xi32>
    %select_n3A_3740 = arith.select %ne3A_3733, %concatenate3A_3721, %concatenate3A_3718 : vector<8x4096xi1>, vector<8x4096xf32>
    %select_n3A_3741 = arith.select %ne3A_3733, %concatenate3A_3727, %concatenate3A_3724 : vector<8x4096xi1>, vector<8x4096xf32>
    %gt3A_3742 = arith.cmpf ogt, %select_n3A_3740, %select_n3A_3714 : vector<8x4096xf32>
    %eq3A_3743 = arith.cmpf oeq, %select_n3A_3740, %select_n3A_3714 : vector<8x4096xf32>
    %lt3A_3744 = arith.cmpf olt, %select_n3A_3741, %select_n3A_3715 : vector<8x4096xf32>
    %and3A_3745 = arith.andi %eq3A_3743, %lt3A_3744 : vector<8x4096xi1>
    %or3A_3746 = arith.ori %gt3A_3742, %and3A_3745 : vector<8x4096xi1>
    %xor3A_3747 = arith.xori %or3A_3746, %ne3A_3733 : vector<8x4096xi1>
    %xor3A_3748 = arith.xori %xor3A_3747, %ne3A_3739 : vector<8x4096xi1>
    %select_n3A_3749 = arith.select %xor3A_3748, %select_n3A_3740, %select_n3A_3714 : vector<8x4096xi1>, vector<8x4096xf32>
    %select_n3A_3750 = arith.select %xor3A_3748, %select_n3A_3741, %select_n3A_3715 : vector<8x4096xi1>, vector<8x4096xf32>
    %slice3A_3751 = vector.extract_strided_slice %select_n3A_3749 {offsets = [2, 0], sizes = [6, 4096], strides = [1, 1]} : vector<8x4096xf32> to vector<6x4096xf32>
    %slice3A_3752 = vector.extract_strided_slice %select_n3A_3749 {offsets = [0, 0], sizes = [2, 4096], strides = [1, 1]} : vector<8x4096xf32> to vector<2x4096xf32>
    %concatenate3A_3753 = tpu.concatenate %slice3A_3751, %slice3A_3752 in 0 : vector<6x4096xf32>, vector<2x4096xf32> -> vector<8x4096xf32>
    %slice3A_3754 = vector.extract_strided_slice %select_n3A_3749 {offsets = [6, 0], sizes = [2, 4096], strides = [1, 1]} : vector<8x4096xf32> to vector<2x4096xf32>
    %slice3A_3755 = vector.extract_strided_slice %select_n3A_3749 {offsets = [0, 0], sizes = [6, 4096], strides = [1, 1]} : vector<8x4096xf32> to vector<6x4096xf32>
    %concatenate3A_3756 = tpu.concatenate %slice3A_3754, %slice3A_3755 in 0 : vector<2x4096xf32>, vector<6x4096xf32> -> vector<8x4096xf32>
    %slice3A_3757 = vector.extract_strided_slice %select_n3A_3750 {offsets = [2, 0], sizes = [6, 4096], strides = [1, 1]} : vector<8x4096xf32> to vector<6x4096xf32>
    %slice3A_3758 = vector.extract_strided_slice %select_n3A_3750 {offsets = [0, 0], sizes = [2, 4096], strides = [1, 1]} : vector<8x4096xf32> to vector<2x4096xf32>
    %concatenate3A_3759 = tpu.concatenate %slice3A_3757, %slice3A_3758 in 0 : vector<6x4096xf32>, vector<2x4096xf32> -> vector<8x4096xf32>
    %slice3A_3760 = vector.extract_strided_slice %select_n3A_3750 {offsets = [6, 0], sizes = [2, 4096], strides = [1, 1]} : vector<8x4096xf32> to vector<2x4096xf32>
    %slice3A_3761 = vector.extract_strided_slice %select_n3A_3750 {offsets = [0, 0], sizes = [6, 4096], strides = [1, 1]} : vector<8x4096xf32> to vector<6x4096xf32>
    %concatenate3A_3762 = tpu.concatenate %slice3A_3760, %slice3A_3761 in 0 : vector<2x4096xf32>, vector<6x4096xf32> -> vector<8x4096xf32>
    %and3A_3763 = arith.constant 8192 : i32
    %and3A_3764 = vector.broadcast %and3A_3763 : i32 to vector<8x4096xi32>
    %and3A_3765 = arith.andi %add3A_44, %and3A_3764 : vector<8x4096xi32>
    %ne3A_3766 = arith.constant 0 : i32
    %ne3A_3767 = vector.broadcast %ne3A_3766 : i32 to vector<8x4096xi32>
    %ne3A_3768 = arith.cmpi ne, %and3A_3765, %ne3A_3767 : vector<8x4096xi32>
    %and3A_3769 = arith.constant 32768 : i32
    %and3A_3770 = vector.broadcast %and3A_3769 : i32 to vector<8x4096xi32>
    %and3A_3771 = arith.andi %add3A_44, %and3A_3770 : vector<8x4096xi32>
    %ne3A_3772 = arith.constant 0 : i32
    %ne3A_3773 = vector.broadcast %ne3A_3772 : i32 to vector<8x4096xi32>
    %ne3A_3774 = arith.cmpi ne, %and3A_3771, %ne3A_3773 : vector<8x4096xi32>
    %select_n3A_3775 = arith.select %ne3A_3768, %concatenate3A_3756, %concatenate3A_3753 : vector<8x4096xi1>, vector<8x4096xf32>
    %select_n3A_3776 = arith.select %ne3A_3768, %concatenate3A_3762, %concatenate3A_3759 : vector<8x4096xi1>, vector<8x4096xf32>
    %gt3A_3777 = arith.cmpf ogt, %select_n3A_3775, %select_n3A_3749 : vector<8x4096xf32>
    %eq3A_3778 = arith.cmpf oeq, %select_n3A_3775, %select_n3A_3749 : vector<8x4096xf32>
    %lt3A_3779 = arith.cmpf olt, %select_n3A_3776, %select_n3A_3750 : vector<8x4096xf32>
    %and3A_3780 = arith.andi %eq3A_3778, %lt3A_3779 : vector<8x4096xi1>
    %or3A_3781 = arith.ori %gt3A_3777, %and3A_3780 : vector<8x4096xi1>
    %xor3A_3782 = arith.xori %or3A_3781, %ne3A_3768 : vector<8x4096xi1>
    %xor3A_3783 = arith.xori %xor3A_3782, %ne3A_3774 : vector<8x4096xi1>
    %select_n3A_3784 = arith.select %xor3A_3783, %select_n3A_3775, %select_n3A_3749 : vector<8x4096xi1>, vector<8x4096xf32>
    %select_n3A_3785 = arith.select %xor3A_3783, %select_n3A_3776, %select_n3A_3750 : vector<8x4096xi1>, vector<8x4096xf32>
    %slice3A_3786 = vector.extract_strided_slice %select_n3A_3784 {offsets = [1, 0], sizes = [7, 4096], strides = [1, 1]} : vector<8x4096xf32> to vector<7x4096xf32>
    %slice3A_3787 = vector.extract_strided_slice %select_n3A_3784 {offsets = [0, 0], sizes = [1, 4096], strides = [1, 1]} : vector<8x4096xf32> to vector<1x4096xf32>
    %concatenate3A_3788 = tpu.concatenate %slice3A_3786, %slice3A_3787 in 0 : vector<7x4096xf32>, vector<1x4096xf32> -> vector<8x4096xf32>
    %slice3A_3789 = vector.extract_strided_slice %select_n3A_3784 {offsets = [7, 0], sizes = [1, 4096], strides = [1, 1]} : vector<8x4096xf32> to vector<1x4096xf32>
    %slice3A_3790 = vector.extract_strided_slice %select_n3A_3784 {offsets = [0, 0], sizes = [7, 4096], strides = [1, 1]} : vector<8x4096xf32> to vector<7x4096xf32>
    %concatenate3A_3791 = tpu.concatenate %slice3A_3789, %slice3A_3790 in 0 : vector<1x4096xf32>, vector<7x4096xf32> -> vector<8x4096xf32>
    %slice3A_3792 = vector.extract_strided_slice %select_n3A_3785 {offsets = [1, 0], sizes = [7, 4096], strides = [1, 1]} : vector<8x4096xf32> to vector<7x4096xf32>
    %slice3A_3793 = vector.extract_strided_slice %select_n3A_3785 {offsets = [0, 0], sizes = [1, 4096], strides = [1, 1]} : vector<8x4096xf32> to vector<1x4096xf32>
    %concatenate3A_3794 = tpu.concatenate %slice3A_3792, %slice3A_3793 in 0 : vector<7x4096xf32>, vector<1x4096xf32> -> vector<8x4096xf32>
    %slice3A_3795 = vector.extract_strided_slice %select_n3A_3785 {offsets = [7, 0], sizes = [1, 4096], strides = [1, 1]} : vector<8x4096xf32> to vector<1x4096xf32>
    %slice3A_3796 = vector.extract_strided_slice %select_n3A_3785 {offsets = [0, 0], sizes = [7, 4096], strides = [1, 1]} : vector<8x4096xf32> to vector<7x4096xf32>
    %concatenate3A_3797 = tpu.concatenate %slice3A_3795, %slice3A_3796 in 0 : vector<1x4096xf32>, vector<7x4096xf32> -> vector<8x4096xf32>
    %and3A_3798 = arith.constant 4096 : i32
    %and3A_3799 = vector.broadcast %and3A_3798 : i32 to vector<8x4096xi32>
    %and3A_3800 = arith.andi %add3A_44, %and3A_3799 : vector<8x4096xi32>
    %ne3A_3801 = arith.constant 0 : i32
    %ne3A_3802 = vector.broadcast %ne3A_3801 : i32 to vector<8x4096xi32>
    %ne3A_3803 = arith.cmpi ne, %and3A_3800, %ne3A_3802 : vector<8x4096xi32>
    %and3A_3804 = arith.constant 32768 : i32
    %and3A_3805 = vector.broadcast %and3A_3804 : i32 to vector<8x4096xi32>
    %and3A_3806 = arith.andi %add3A_44, %and3A_3805 : vector<8x4096xi32>
    %ne3A_3807 = arith.constant 0 : i32
    %ne3A_3808 = vector.broadcast %ne3A_3807 : i32 to vector<8x4096xi32>
    %ne3A_3809 = arith.cmpi ne, %and3A_3806, %ne3A_3808 : vector<8x4096xi32>
    %select_n3A_3810 = arith.select %ne3A_3803, %concatenate3A_3791, %concatenate3A_3788 : vector<8x4096xi1>, vector<8x4096xf32>
    %select_n3A_3811 = arith.select %ne3A_3803, %concatenate3A_3797, %concatenate3A_3794 : vector<8x4096xi1>, vector<8x4096xf32>
    %gt3A_3812 = arith.cmpf ogt, %select_n3A_3810, %select_n3A_3784 : vector<8x4096xf32>
    %eq3A_3813 = arith.cmpf oeq, %select_n3A_3810, %select_n3A_3784 : vector<8x4096xf32>
    %lt3A_3814 = arith.cmpf olt, %select_n3A_3811, %select_n3A_3785 : vector<8x4096xf32>
    %and3A_3815 = arith.andi %eq3A_3813, %lt3A_3814 : vector<8x4096xi1>
    %or3A_3816 = arith.ori %gt3A_3812, %and3A_3815 : vector<8x4096xi1>
    %xor3A_3817 = arith.xori %or3A_3816, %ne3A_3803 : vector<8x4096xi1>
    %xor3A_3818 = arith.xori %xor3A_3817, %ne3A_3809 : vector<8x4096xi1>
    %select_n3A_3819 = arith.select %xor3A_3818, %select_n3A_3810, %select_n3A_3784 : vector<8x4096xi1>, vector<8x4096xf32>
    %select_n3A_3820 = arith.select %xor3A_3818, %select_n3A_3811, %select_n3A_3785 : vector<8x4096xi1>, vector<8x4096xf32>
    %slice3A_3821 = vector.extract_strided_slice %select_n3A_3819 {offsets = [0, 2048], sizes = [8, 2048], strides = [1, 1]} : vector<8x4096xf32> to vector<8x2048xf32>
    %slice3A_3822 = vector.extract_strided_slice %select_n3A_3819 {offsets = [0, 0], sizes = [8, 2048], strides = [1, 1]} : vector<8x4096xf32> to vector<8x2048xf32>
    %concatenate3A_3823 = tpu.concatenate %slice3A_3821, %slice3A_3822 in 1 : vector<8x2048xf32>, vector<8x2048xf32> -> vector<8x4096xf32>
    %slice3A_3824 = vector.extract_strided_slice %select_n3A_3819 {offsets = [0, 2048], sizes = [8, 2048], strides = [1, 1]} : vector<8x4096xf32> to vector<8x2048xf32>
    %slice3A_3825 = vector.extract_strided_slice %select_n3A_3819 {offsets = [0, 0], sizes = [8, 2048], strides = [1, 1]} : vector<8x4096xf32> to vector<8x2048xf32>
    %concatenate3A_3826 = tpu.concatenate %slice3A_3824, %slice3A_3825 in 1 : vector<8x2048xf32>, vector<8x2048xf32> -> vector<8x4096xf32>
    %slice3A_3827 = vector.extract_strided_slice %select_n3A_3820 {offsets = [0, 2048], sizes = [8, 2048], strides = [1, 1]} : vector<8x4096xf32> to vector<8x2048xf32>
    %slice3A_3828 = vector.extract_strided_slice %select_n3A_3820 {offsets = [0, 0], sizes = [8, 2048], strides = [1, 1]} : vector<8x4096xf32> to vector<8x2048xf32>
    %concatenate3A_3829 = tpu.concatenate %slice3A_3827, %slice3A_3828 in 1 : vector<8x2048xf32>, vector<8x2048xf32> -> vector<8x4096xf32>
    %slice3A_3830 = vector.extract_strided_slice %select_n3A_3820 {offsets = [0, 2048], sizes = [8, 2048], strides = [1, 1]} : vector<8x4096xf32> to vector<8x2048xf32>
    %slice3A_3831 = vector.extract_strided_slice %select_n3A_3820 {offsets = [0, 0], sizes = [8, 2048], strides = [1, 1]} : vector<8x4096xf32> to vector<8x2048xf32>
    %concatenate3A_3832 = tpu.concatenate %slice3A_3830, %slice3A_3831 in 1 : vector<8x2048xf32>, vector<8x2048xf32> -> vector<8x4096xf32>
    %and3A_3833 = arith.constant 2048 : i32
    %and3A_3834 = vector.broadcast %and3A_3833 : i32 to vector<8x4096xi32>
    %and3A_3835 = arith.andi %add3A_44, %and3A_3834 : vector<8x4096xi32>
    %ne3A_3836 = arith.constant 0 : i32
    %ne3A_3837 = vector.broadcast %ne3A_3836 : i32 to vector<8x4096xi32>
    %ne3A_3838 = arith.cmpi ne, %and3A_3835, %ne3A_3837 : vector<8x4096xi32>
    %and3A_3839 = arith.constant 32768 : i32
    %and3A_3840 = vector.broadcast %and3A_3839 : i32 to vector<8x4096xi32>
    %and3A_3841 = arith.andi %add3A_44, %and3A_3840 : vector<8x4096xi32>
    %ne3A_3842 = arith.constant 0 : i32
    %ne3A_3843 = vector.broadcast %ne3A_3842 : i32 to vector<8x4096xi32>
    %ne3A_3844 = arith.cmpi ne, %and3A_3841, %ne3A_3843 : vector<8x4096xi32>
    %select_n3A_3845 = arith.select %ne3A_3838, %concatenate3A_3826, %concatenate3A_3823 : vector<8x4096xi1>, vector<8x4096xf32>
    %select_n3A_3846 = arith.select %ne3A_3838, %concatenate3A_3832, %concatenate3A_3829 : vector<8x4096xi1>, vector<8x4096xf32>
    %gt3A_3847 = arith.cmpf ogt, %select_n3A_3845, %select_n3A_3819 : vector<8x4096xf32>
    %eq3A_3848 = arith.cmpf oeq, %select_n3A_3845, %select_n3A_3819 : vector<8x4096xf32>
    %lt3A_3849 = arith.cmpf olt, %select_n3A_3846, %select_n3A_3820 : vector<8x4096xf32>
    %and3A_3850 = arith.andi %eq3A_3848, %lt3A_3849 : vector<8x4096xi1>
    %or3A_3851 = arith.ori %gt3A_3847, %and3A_3850 : vector<8x4096xi1>
    %xor3A_3852 = arith.xori %or3A_3851, %ne3A_3838 : vector<8x4096xi1>
    %xor3A_3853 = arith.xori %xor3A_3852, %ne3A_3844 : vector<8x4096xi1>
    %select_n3A_3854 = arith.select %xor3A_3853, %select_n3A_3845, %select_n3A_3819 : vector<8x4096xi1>, vector<8x4096xf32>
    %select_n3A_3855 = arith.select %xor3A_3853, %select_n3A_3846, %select_n3A_3820 : vector<8x4096xi1>, vector<8x4096xf32>
    %slice3A_3856 = vector.extract_strided_slice %select_n3A_3854 {offsets = [0, 1024], sizes = [8, 3072], strides = [1, 1]} : vector<8x4096xf32> to vector<8x3072xf32>
    %slice3A_3857 = vector.extract_strided_slice %select_n3A_3854 {offsets = [0, 0], sizes = [8, 1024], strides = [1, 1]} : vector<8x4096xf32> to vector<8x1024xf32>
    %concatenate3A_3858 = tpu.concatenate %slice3A_3856, %slice3A_3857 in 1 : vector<8x3072xf32>, vector<8x1024xf32> -> vector<8x4096xf32>
    %slice3A_3859 = vector.extract_strided_slice %select_n3A_3854 {offsets = [0, 3072], sizes = [8, 1024], strides = [1, 1]} : vector<8x4096xf32> to vector<8x1024xf32>
    %slice3A_3860 = vector.extract_strided_slice %select_n3A_3854 {offsets = [0, 0], sizes = [8, 3072], strides = [1, 1]} : vector<8x4096xf32> to vector<8x3072xf32>
    %concatenate3A_3861 = tpu.concatenate %slice3A_3859, %slice3A_3860 in 1 : vector<8x1024xf32>, vector<8x3072xf32> -> vector<8x4096xf32>
    %slice3A_3862 = vector.extract_strided_slice %select_n3A_3855 {offsets = [0, 1024], sizes = [8, 3072], strides = [1, 1]} : vector<8x4096xf32> to vector<8x3072xf32>
    %slice3A_3863 = vector.extract_strided_slice %select_n3A_3855 {offsets = [0, 0], sizes = [8, 1024], strides = [1, 1]} : vector<8x4096xf32> to vector<8x1024xf32>
    %concatenate3A_3864 = tpu.concatenate %slice3A_3862, %slice3A_3863 in 1 : vector<8x3072xf32>, vector<8x1024xf32> -> vector<8x4096xf32>
    %slice3A_3865 = vector.extract_strided_slice %select_n3A_3855 {offsets = [0, 3072], sizes = [8, 1024], strides = [1, 1]} : vector<8x4096xf32> to vector<8x1024xf32>
    %slice3A_3866 = vector.extract_strided_slice %select_n3A_3855 {offsets = [0, 0], sizes = [8, 3072], strides = [1, 1]} : vector<8x4096xf32> to vector<8x3072xf32>
    %concatenate3A_3867 = tpu.concatenate %slice3A_3865, %slice3A_3866 in 1 : vector<8x1024xf32>, vector<8x3072xf32> -> vector<8x4096xf32>
    %and3A_3868 = arith.constant 1024 : i32
    %and3A_3869 = vector.broadcast %and3A_3868 : i32 to vector<8x4096xi32>
    %and3A_3870 = arith.andi %add3A_44, %and3A_3869 : vector<8x4096xi32>
    %ne3A_3871 = arith.constant 0 : i32
    %ne3A_3872 = vector.broadcast %ne3A_3871 : i32 to vector<8x4096xi32>
    %ne3A_3873 = arith.cmpi ne, %and3A_3870, %ne3A_3872 : vector<8x4096xi32>
    %and3A_3874 = arith.constant 32768 : i32
    %and3A_3875 = vector.broadcast %and3A_3874 : i32 to vector<8x4096xi32>
    %and3A_3876 = arith.andi %add3A_44, %and3A_3875 : vector<8x4096xi32>
    %ne3A_3877 = arith.constant 0 : i32
    %ne3A_3878 = vector.broadcast %ne3A_3877 : i32 to vector<8x4096xi32>
    %ne3A_3879 = arith.cmpi ne, %and3A_3876, %ne3A_3878 : vector<8x4096xi32>
    %select_n3A_3880 = arith.select %ne3A_3873, %concatenate3A_3861, %concatenate3A_3858 : vector<8x4096xi1>, vector<8x4096xf32>
    %select_n3A_3881 = arith.select %ne3A_3873, %concatenate3A_3867, %concatenate3A_3864 : vector<8x4096xi1>, vector<8x4096xf32>
    %gt3A_3882 = arith.cmpf ogt, %select_n3A_3880, %select_n3A_3854 : vector<8x4096xf32>
    %eq3A_3883 = arith.cmpf oeq, %select_n3A_3880, %select_n3A_3854 : vector<8x4096xf32>
    %lt3A_3884 = arith.cmpf olt, %select_n3A_3881, %select_n3A_3855 : vector<8x4096xf32>
    %and3A_3885 = arith.andi %eq3A_3883, %lt3A_3884 : vector<8x4096xi1>
    %or3A_3886 = arith.ori %gt3A_3882, %and3A_3885 : vector<8x4096xi1>
    %xor3A_3887 = arith.xori %or3A_3886, %ne3A_3873 : vector<8x4096xi1>
    %xor3A_3888 = arith.xori %xor3A_3887, %ne3A_3879 : vector<8x4096xi1>
    %select_n3A_3889 = arith.select %xor3A_3888, %select_n3A_3880, %select_n3A_3854 : vector<8x4096xi1>, vector<8x4096xf32>
    %select_n3A_3890 = arith.select %xor3A_3888, %select_n3A_3881, %select_n3A_3855 : vector<8x4096xi1>, vector<8x4096xf32>
    %slice3A_3891 = vector.extract_strided_slice %select_n3A_3889 {offsets = [0, 512], sizes = [8, 3584], strides = [1, 1]} : vector<8x4096xf32> to vector<8x3584xf32>
    %slice3A_3892 = vector.extract_strided_slice %select_n3A_3889 {offsets = [0, 0], sizes = [8, 512], strides = [1, 1]} : vector<8x4096xf32> to vector<8x512xf32>
    %concatenate3A_3893 = tpu.concatenate %slice3A_3891, %slice3A_3892 in 1 : vector<8x3584xf32>, vector<8x512xf32> -> vector<8x4096xf32>
    %slice3A_3894 = vector.extract_strided_slice %select_n3A_3889 {offsets = [0, 3584], sizes = [8, 512], strides = [1, 1]} : vector<8x4096xf32> to vector<8x512xf32>
    %slice3A_3895 = vector.extract_strided_slice %select_n3A_3889 {offsets = [0, 0], sizes = [8, 3584], strides = [1, 1]} : vector<8x4096xf32> to vector<8x3584xf32>
    %concatenate3A_3896 = tpu.concatenate %slice3A_3894, %slice3A_3895 in 1 : vector<8x512xf32>, vector<8x3584xf32> -> vector<8x4096xf32>
    %slice3A_3897 = vector.extract_strided_slice %select_n3A_3890 {offsets = [0, 512], sizes = [8, 3584], strides = [1, 1]} : vector<8x4096xf32> to vector<8x3584xf32>
    %slice3A_3898 = vector.extract_strided_slice %select_n3A_3890 {offsets = [0, 0], sizes = [8, 512], strides = [1, 1]} : vector<8x4096xf32> to vector<8x512xf32>
    %concatenate3A_3899 = tpu.concatenate %slice3A_3897, %slice3A_3898 in 1 : vector<8x3584xf32>, vector<8x512xf32> -> vector<8x4096xf32>
    %slice3A_3900 = vector.extract_strided_slice %select_n3A_3890 {offsets = [0, 3584], sizes = [8, 512], strides = [1, 1]} : vector<8x4096xf32> to vector<8x512xf32>
    %slice3A_3901 = vector.extract_strided_slice %select_n3A_3890 {offsets = [0, 0], sizes = [8, 3584], strides = [1, 1]} : vector<8x4096xf32> to vector<8x3584xf32>
    %concatenate3A_3902 = tpu.concatenate %slice3A_3900, %slice3A_3901 in 1 : vector<8x512xf32>, vector<8x3584xf32> -> vector<8x4096xf32>
    %and3A_3903 = arith.constant 512 : i32
    %and3A_3904 = vector.broadcast %and3A_3903 : i32 to vector<8x4096xi32>
    %and3A_3905 = arith.andi %add3A_44, %and3A_3904 : vector<8x4096xi32>
    %ne3A_3906 = arith.constant 0 : i32
    %ne3A_3907 = vector.broadcast %ne3A_3906 : i32 to vector<8x4096xi32>
    %ne3A_3908 = arith.cmpi ne, %and3A_3905, %ne3A_3907 : vector<8x4096xi32>
    %and3A_3909 = arith.constant 32768 : i32
    %and3A_3910 = vector.broadcast %and3A_3909 : i32 to vector<8x4096xi32>
    %and3A_3911 = arith.andi %add3A_44, %and3A_3910 : vector<8x4096xi32>
    %ne3A_3912 = arith.constant 0 : i32
    %ne3A_3913 = vector.broadcast %ne3A_3912 : i32 to vector<8x4096xi32>
    %ne3A_3914 = arith.cmpi ne, %and3A_3911, %ne3A_3913 : vector<8x4096xi32>
    %select_n3A_3915 = arith.select %ne3A_3908, %concatenate3A_3896, %concatenate3A_3893 : vector<8x4096xi1>, vector<8x4096xf32>
    %select_n3A_3916 = arith.select %ne3A_3908, %concatenate3A_3902, %concatenate3A_3899 : vector<8x4096xi1>, vector<8x4096xf32>
    %gt3A_3917 = arith.cmpf ogt, %select_n3A_3915, %select_n3A_3889 : vector<8x4096xf32>
    %eq3A_3918 = arith.cmpf oeq, %select_n3A_3915, %select_n3A_3889 : vector<8x4096xf32>
    %lt3A_3919 = arith.cmpf olt, %select_n3A_3916, %select_n3A_3890 : vector<8x4096xf32>
    %and3A_3920 = arith.andi %eq3A_3918, %lt3A_3919 : vector<8x4096xi1>
    %or3A_3921 = arith.ori %gt3A_3917, %and3A_3920 : vector<8x4096xi1>
    %xor3A_3922 = arith.xori %or3A_3921, %ne3A_3908 : vector<8x4096xi1>
    %xor3A_3923 = arith.xori %xor3A_3922, %ne3A_3914 : vector<8x4096xi1>
    %select_n3A_3924 = arith.select %xor3A_3923, %select_n3A_3915, %select_n3A_3889 : vector<8x4096xi1>, vector<8x4096xf32>
    %select_n3A_3925 = arith.select %xor3A_3923, %select_n3A_3916, %select_n3A_3890 : vector<8x4096xi1>, vector<8x4096xf32>
    %slice3A_3926 = vector.extract_strided_slice %select_n3A_3924 {offsets = [0, 256], sizes = [8, 3840], strides = [1, 1]} : vector<8x4096xf32> to vector<8x3840xf32>
    %slice3A_3927 = vector.extract_strided_slice %select_n3A_3924 {offsets = [0, 0], sizes = [8, 256], strides = [1, 1]} : vector<8x4096xf32> to vector<8x256xf32>
    %concatenate3A_3928 = tpu.concatenate %slice3A_3926, %slice3A_3927 in 1 : vector<8x3840xf32>, vector<8x256xf32> -> vector<8x4096xf32>
    %slice3A_3929 = vector.extract_strided_slice %select_n3A_3924 {offsets = [0, 3840], sizes = [8, 256], strides = [1, 1]} : vector<8x4096xf32> to vector<8x256xf32>
    %slice3A_3930 = vector.extract_strided_slice %select_n3A_3924 {offsets = [0, 0], sizes = [8, 3840], strides = [1, 1]} : vector<8x4096xf32> to vector<8x3840xf32>
    %concatenate3A_3931 = tpu.concatenate %slice3A_3929, %slice3A_3930 in 1 : vector<8x256xf32>, vector<8x3840xf32> -> vector<8x4096xf32>
    %slice3A_3932 = vector.extract_strided_slice %select_n3A_3925 {offsets = [0, 256], sizes = [8, 3840], strides = [1, 1]} : vector<8x4096xf32> to vector<8x3840xf32>
    %slice3A_3933 = vector.extract_strided_slice %select_n3A_3925 {offsets = [0, 0], sizes = [8, 256], strides = [1, 1]} : vector<8x4096xf32> to vector<8x256xf32>
    %concatenate3A_3934 = tpu.concatenate %slice3A_3932, %slice3A_3933 in 1 : vector<8x3840xf32>, vector<8x256xf32> -> vector<8x4096xf32>
    %slice3A_3935 = vector.extract_strided_slice %select_n3A_3925 {offsets = [0, 3840], sizes = [8, 256], strides = [1, 1]} : vector<8x4096xf32> to vector<8x256xf32>
    %slice3A_3936 = vector.extract_strided_slice %select_n3A_3925 {offsets = [0, 0], sizes = [8, 3840], strides = [1, 1]} : vector<8x4096xf32> to vector<8x3840xf32>
    %concatenate3A_3937 = tpu.concatenate %slice3A_3935, %slice3A_3936 in 1 : vector<8x256xf32>, vector<8x3840xf32> -> vector<8x4096xf32>
    %and3A_3938 = arith.constant 256 : i32
    %and3A_3939 = vector.broadcast %and3A_3938 : i32 to vector<8x4096xi32>
    %and3A_3940 = arith.andi %add3A_44, %and3A_3939 : vector<8x4096xi32>
    %ne3A_3941 = arith.constant 0 : i32
    %ne3A_3942 = vector.broadcast %ne3A_3941 : i32 to vector<8x4096xi32>
    %ne3A_3943 = arith.cmpi ne, %and3A_3940, %ne3A_3942 : vector<8x4096xi32>
    %and3A_3944 = arith.constant 32768 : i32
    %and3A_3945 = vector.broadcast %and3A_3944 : i32 to vector<8x4096xi32>
    %and3A_3946 = arith.andi %add3A_44, %and3A_3945 : vector<8x4096xi32>
    %ne3A_3947 = arith.constant 0 : i32
    %ne3A_3948 = vector.broadcast %ne3A_3947 : i32 to vector<8x4096xi32>
    %ne3A_3949 = arith.cmpi ne, %and3A_3946, %ne3A_3948 : vector<8x4096xi32>
    %select_n3A_3950 = arith.select %ne3A_3943, %concatenate3A_3931, %concatenate3A_3928 : vector<8x4096xi1>, vector<8x4096xf32>
    %select_n3A_3951 = arith.select %ne3A_3943, %concatenate3A_3937, %concatenate3A_3934 : vector<8x4096xi1>, vector<8x4096xf32>
    %gt3A_3952 = arith.cmpf ogt, %select_n3A_3950, %select_n3A_3924 : vector<8x4096xf32>
    %eq3A_3953 = arith.cmpf oeq, %select_n3A_3950, %select_n3A_3924 : vector<8x4096xf32>
    %lt3A_3954 = arith.cmpf olt, %select_n3A_3951, %select_n3A_3925 : vector<8x4096xf32>
    %and3A_3955 = arith.andi %eq3A_3953, %lt3A_3954 : vector<8x4096xi1>
    %or3A_3956 = arith.ori %gt3A_3952, %and3A_3955 : vector<8x4096xi1>
    %xor3A_3957 = arith.xori %or3A_3956, %ne3A_3943 : vector<8x4096xi1>
    %xor3A_3958 = arith.xori %xor3A_3957, %ne3A_3949 : vector<8x4096xi1>
    %select_n3A_3959 = arith.select %xor3A_3958, %select_n3A_3950, %select_n3A_3924 : vector<8x4096xi1>, vector<8x4096xf32>
    %select_n3A_3960 = arith.select %xor3A_3958, %select_n3A_3951, %select_n3A_3925 : vector<8x4096xi1>, vector<8x4096xf32>
    %slice3A_3961 = vector.extract_strided_slice %select_n3A_3959 {offsets = [0, 128], sizes = [8, 3968], strides = [1, 1]} : vector<8x4096xf32> to vector<8x3968xf32>
    %slice3A_3962 = vector.extract_strided_slice %select_n3A_3959 {offsets = [0, 0], sizes = [8, 128], strides = [1, 1]} : vector<8x4096xf32> to vector<8x128xf32>
    %concatenate3A_3963 = tpu.concatenate %slice3A_3961, %slice3A_3962 in 1 : vector<8x3968xf32>, vector<8x128xf32> -> vector<8x4096xf32>
    %slice3A_3964 = vector.extract_strided_slice %select_n3A_3959 {offsets = [0, 3968], sizes = [8, 128], strides = [1, 1]} : vector<8x4096xf32> to vector<8x128xf32>
    %slice3A_3965 = vector.extract_strided_slice %select_n3A_3959 {offsets = [0, 0], sizes = [8, 3968], strides = [1, 1]} : vector<8x4096xf32> to vector<8x3968xf32>
    %concatenate3A_3966 = tpu.concatenate %slice3A_3964, %slice3A_3965 in 1 : vector<8x128xf32>, vector<8x3968xf32> -> vector<8x4096xf32>
    %slice3A_3967 = vector.extract_strided_slice %select_n3A_3960 {offsets = [0, 128], sizes = [8, 3968], strides = [1, 1]} : vector<8x4096xf32> to vector<8x3968xf32>
    %slice3A_3968 = vector.extract_strided_slice %select_n3A_3960 {offsets = [0, 0], sizes = [8, 128], strides = [1, 1]} : vector<8x4096xf32> to vector<8x128xf32>
    %concatenate3A_3969 = tpu.concatenate %slice3A_3967, %slice3A_3968 in 1 : vector<8x3968xf32>, vector<8x128xf32> -> vector<8x4096xf32>
    %slice3A_3970 = vector.extract_strided_slice %select_n3A_3960 {offsets = [0, 3968], sizes = [8, 128], strides = [1, 1]} : vector<8x4096xf32> to vector<8x128xf32>
    %slice3A_3971 = vector.extract_strided_slice %select_n3A_3960 {offsets = [0, 0], sizes = [8, 3968], strides = [1, 1]} : vector<8x4096xf32> to vector<8x3968xf32>
    %concatenate3A_3972 = tpu.concatenate %slice3A_3970, %slice3A_3971 in 1 : vector<8x128xf32>, vector<8x3968xf32> -> vector<8x4096xf32>
    %and3A_3973 = arith.constant 128 : i32
    %and3A_3974 = vector.broadcast %and3A_3973 : i32 to vector<8x4096xi32>
    %and3A_3975 = arith.andi %add3A_44, %and3A_3974 : vector<8x4096xi32>
    %ne3A_3976 = arith.constant 0 : i32
    %ne3A_3977 = vector.broadcast %ne3A_3976 : i32 to vector<8x4096xi32>
    %ne3A_3978 = arith.cmpi ne, %and3A_3975, %ne3A_3977 : vector<8x4096xi32>
    %and3A_3979 = arith.constant 32768 : i32
    %and3A_3980 = vector.broadcast %and3A_3979 : i32 to vector<8x4096xi32>
    %and3A_3981 = arith.andi %add3A_44, %and3A_3980 : vector<8x4096xi32>
    %ne3A_3982 = arith.constant 0 : i32
    %ne3A_3983 = vector.broadcast %ne3A_3982 : i32 to vector<8x4096xi32>
    %ne3A_3984 = arith.cmpi ne, %and3A_3981, %ne3A_3983 : vector<8x4096xi32>
    %select_n3A_3985 = arith.select %ne3A_3978, %concatenate3A_3966, %concatenate3A_3963 : vector<8x4096xi1>, vector<8x4096xf32>
    %select_n3A_3986 = arith.select %ne3A_3978, %concatenate3A_3972, %concatenate3A_3969 : vector<8x4096xi1>, vector<8x4096xf32>
    %gt3A_3987 = arith.cmpf ogt, %select_n3A_3985, %select_n3A_3959 : vector<8x4096xf32>
    %eq3A_3988 = arith.cmpf oeq, %select_n3A_3985, %select_n3A_3959 : vector<8x4096xf32>
    %lt3A_3989 = arith.cmpf olt, %select_n3A_3986, %select_n3A_3960 : vector<8x4096xf32>
    %and3A_3990 = arith.andi %eq3A_3988, %lt3A_3989 : vector<8x4096xi1>
    %or3A_3991 = arith.ori %gt3A_3987, %and3A_3990 : vector<8x4096xi1>
    %xor3A_3992 = arith.xori %or3A_3991, %ne3A_3978 : vector<8x4096xi1>
    %xor3A_3993 = arith.xori %xor3A_3992, %ne3A_3984 : vector<8x4096xi1>
    %select_n3A_3994 = arith.select %xor3A_3993, %select_n3A_3985, %select_n3A_3959 : vector<8x4096xi1>, vector<8x4096xf32>
    %select_n3A_3995 = arith.select %xor3A_3993, %select_n3A_3986, %select_n3A_3960 : vector<8x4096xi1>, vector<8x4096xf32>
    %slice3A_3996 = vector.extract_strided_slice %select_n3A_3994 {offsets = [0, 64], sizes = [8, 4032], strides = [1, 1]} : vector<8x4096xf32> to vector<8x4032xf32>
    %slice3A_3997 = vector.extract_strided_slice %select_n3A_3994 {offsets = [0, 0], sizes = [8, 64], strides = [1, 1]} : vector<8x4096xf32> to vector<8x64xf32>
    %concatenate3A_3998 = tpu.concatenate %slice3A_3996, %slice3A_3997 in 1 : vector<8x4032xf32>, vector<8x64xf32> -> vector<8x4096xf32>
    %slice3A_3999 = vector.extract_strided_slice %select_n3A_3994 {offsets = [0, 4032], sizes = [8, 64], strides = [1, 1]} : vector<8x4096xf32> to vector<8x64xf32>
    %slice3A_4000 = vector.extract_strided_slice %select_n3A_3994 {offsets = [0, 0], sizes = [8, 4032], strides = [1, 1]} : vector<8x4096xf32> to vector<8x4032xf32>
    %concatenate3A_4001 = tpu.concatenate %slice3A_3999, %slice3A_4000 in 1 : vector<8x64xf32>, vector<8x4032xf32> -> vector<8x4096xf32>
    %slice3A_4002 = vector.extract_strided_slice %select_n3A_3995 {offsets = [0, 64], sizes = [8, 4032], strides = [1, 1]} : vector<8x4096xf32> to vector<8x4032xf32>
    %slice3A_4003 = vector.extract_strided_slice %select_n3A_3995 {offsets = [0, 0], sizes = [8, 64], strides = [1, 1]} : vector<8x4096xf32> to vector<8x64xf32>
    %concatenate3A_4004 = tpu.concatenate %slice3A_4002, %slice3A_4003 in 1 : vector<8x4032xf32>, vector<8x64xf32> -> vector<8x4096xf32>
    %slice3A_4005 = vector.extract_strided_slice %select_n3A_3995 {offsets = [0, 4032], sizes = [8, 64], strides = [1, 1]} : vector<8x4096xf32> to vector<8x64xf32>
    %slice3A_4006 = vector.extract_strided_slice %select_n3A_3995 {offsets = [0, 0], sizes = [8, 4032], strides = [1, 1]} : vector<8x4096xf32> to vector<8x4032xf32>
    %concatenate3A_4007 = tpu.concatenate %slice3A_4005, %slice3A_4006 in 1 : vector<8x64xf32>, vector<8x4032xf32> -> vector<8x4096xf32>
    %and3A_4008 = arith.constant 64 : i32
    %and3A_4009 = vector.broadcast %and3A_4008 : i32 to vector<8x4096xi32>
    %and3A_4010 = arith.andi %add3A_44, %and3A_4009 : vector<8x4096xi32>
    %ne3A_4011 = arith.constant 0 : i32
    %ne3A_4012 = vector.broadcast %ne3A_4011 : i32 to vector<8x4096xi32>
    %ne3A_4013 = arith.cmpi ne, %and3A_4010, %ne3A_4012 : vector<8x4096xi32>
    %and3A_4014 = arith.constant 32768 : i32
    %and3A_4015 = vector.broadcast %and3A_4014 : i32 to vector<8x4096xi32>
    %and3A_4016 = arith.andi %add3A_44, %and3A_4015 : vector<8x4096xi32>
    %ne3A_4017 = arith.constant 0 : i32
    %ne3A_4018 = vector.broadcast %ne3A_4017 : i32 to vector<8x4096xi32>
    %ne3A_4019 = arith.cmpi ne, %and3A_4016, %ne3A_4018 : vector<8x4096xi32>
    %select_n3A_4020 = arith.select %ne3A_4013, %concatenate3A_4001, %concatenate3A_3998 : vector<8x4096xi1>, vector<8x4096xf32>
    %select_n3A_4021 = arith.select %ne3A_4013, %concatenate3A_4007, %concatenate3A_4004 : vector<8x4096xi1>, vector<8x4096xf32>
    %gt3A_4022 = arith.cmpf ogt, %select_n3A_4020, %select_n3A_3994 : vector<8x4096xf32>
    %eq3A_4023 = arith.cmpf oeq, %select_n3A_4020, %select_n3A_3994 : vector<8x4096xf32>
    %lt3A_4024 = arith.cmpf olt, %select_n3A_4021, %select_n3A_3995 : vector<8x4096xf32>
    %and3A_4025 = arith.andi %eq3A_4023, %lt3A_4024 : vector<8x4096xi1>
    %or3A_4026 = arith.ori %gt3A_4022, %and3A_4025 : vector<8x4096xi1>
    %xor3A_4027 = arith.xori %or3A_4026, %ne3A_4013 : vector<8x4096xi1>
    %xor3A_4028 = arith.xori %xor3A_4027, %ne3A_4019 : vector<8x4096xi1>
    %select_n3A_4029 = arith.select %xor3A_4028, %select_n3A_4020, %select_n3A_3994 : vector<8x4096xi1>, vector<8x4096xf32>
    %select_n3A_4030 = arith.select %xor3A_4028, %select_n3A_4021, %select_n3A_3995 : vector<8x4096xi1>, vector<8x4096xf32>
    %slice3A_4031 = vector.extract_strided_slice %select_n3A_4029 {offsets = [0, 32], sizes = [8, 4064], strides = [1, 1]} : vector<8x4096xf32> to vector<8x4064xf32>
    %slice3A_4032 = vector.extract_strided_slice %select_n3A_4029 {offsets = [0, 0], sizes = [8, 32], strides = [1, 1]} : vector<8x4096xf32> to vector<8x32xf32>
    %concatenate3A_4033 = tpu.concatenate %slice3A_4031, %slice3A_4032 in 1 : vector<8x4064xf32>, vector<8x32xf32> -> vector<8x4096xf32>
    %slice3A_4034 = vector.extract_strided_slice %select_n3A_4029 {offsets = [0, 4064], sizes = [8, 32], strides = [1, 1]} : vector<8x4096xf32> to vector<8x32xf32>
    %slice3A_4035 = vector.extract_strided_slice %select_n3A_4029 {offsets = [0, 0], sizes = [8, 4064], strides = [1, 1]} : vector<8x4096xf32> to vector<8x4064xf32>
    %concatenate3A_4036 = tpu.concatenate %slice3A_4034, %slice3A_4035 in 1 : vector<8x32xf32>, vector<8x4064xf32> -> vector<8x4096xf32>
    %slice3A_4037 = vector.extract_strided_slice %select_n3A_4030 {offsets = [0, 32], sizes = [8, 4064], strides = [1, 1]} : vector<8x4096xf32> to vector<8x4064xf32>
    %slice3A_4038 = vector.extract_strided_slice %select_n3A_4030 {offsets = [0, 0], sizes = [8, 32], strides = [1, 1]} : vector<8x4096xf32> to vector<8x32xf32>
    %concatenate3A_4039 = tpu.concatenate %slice3A_4037, %slice3A_4038 in 1 : vector<8x4064xf32>, vector<8x32xf32> -> vector<8x4096xf32>
    %slice3A_4040 = vector.extract_strided_slice %select_n3A_4030 {offsets = [0, 4064], sizes = [8, 32], strides = [1, 1]} : vector<8x4096xf32> to vector<8x32xf32>
    %slice3A_4041 = vector.extract_strided_slice %select_n3A_4030 {offsets = [0, 0], sizes = [8, 4064], strides = [1, 1]} : vector<8x4096xf32> to vector<8x4064xf32>
    %concatenate3A_4042 = tpu.concatenate %slice3A_4040, %slice3A_4041 in 1 : vector<8x32xf32>, vector<8x4064xf32> -> vector<8x4096xf32>
    %and3A_4043 = arith.constant 32 : i32
    %and3A_4044 = vector.broadcast %and3A_4043 : i32 to vector<8x4096xi32>
    %and3A_4045 = arith.andi %add3A_44, %and3A_4044 : vector<8x4096xi32>
    %ne3A_4046 = arith.constant 0 : i32
    %ne3A_4047 = vector.broadcast %ne3A_4046 : i32 to vector<8x4096xi32>
    %ne3A_4048 = arith.cmpi ne, %and3A_4045, %ne3A_4047 : vector<8x4096xi32>
    %and3A_4049 = arith.constant 32768 : i32
    %and3A_4050 = vector.broadcast %and3A_4049 : i32 to vector<8x4096xi32>
    %and3A_4051 = arith.andi %add3A_44, %and3A_4050 : vector<8x4096xi32>
    %ne3A_4052 = arith.constant 0 : i32
    %ne3A_4053 = vector.broadcast %ne3A_4052 : i32 to vector<8x4096xi32>
    %ne3A_4054 = arith.cmpi ne, %and3A_4051, %ne3A_4053 : vector<8x4096xi32>
    %select_n3A_4055 = arith.select %ne3A_4048, %concatenate3A_4036, %concatenate3A_4033 : vector<8x4096xi1>, vector<8x4096xf32>
    %select_n3A_4056 = arith.select %ne3A_4048, %concatenate3A_4042, %concatenate3A_4039 : vector<8x4096xi1>, vector<8x4096xf32>
    %gt3A_4057 = arith.cmpf ogt, %select_n3A_4055, %select_n3A_4029 : vector<8x4096xf32>
    %eq3A_4058 = arith.cmpf oeq, %select_n3A_4055, %select_n3A_4029 : vector<8x4096xf32>
    %lt3A_4059 = arith.cmpf olt, %select_n3A_4056, %select_n3A_4030 : vector<8x4096xf32>
    %and3A_4060 = arith.andi %eq3A_4058, %lt3A_4059 : vector<8x4096xi1>
    %or3A_4061 = arith.ori %gt3A_4057, %and3A_4060 : vector<8x4096xi1>
    %xor3A_4062 = arith.xori %or3A_4061, %ne3A_4048 : vector<8x4096xi1>
    %xor3A_4063 = arith.xori %xor3A_4062, %ne3A_4054 : vector<8x4096xi1>
    %select_n3A_4064 = arith.select %xor3A_4063, %select_n3A_4055, %select_n3A_4029 : vector<8x4096xi1>, vector<8x4096xf32>
    %select_n3A_4065 = arith.select %xor3A_4063, %select_n3A_4056, %select_n3A_4030 : vector<8x4096xi1>, vector<8x4096xf32>
    %slice3A_4066 = vector.extract_strided_slice %select_n3A_4064 {offsets = [0, 16], sizes = [8, 4080], strides = [1, 1]} : vector<8x4096xf32> to vector<8x4080xf32>
    %slice3A_4067 = vector.extract_strided_slice %select_n3A_4064 {offsets = [0, 0], sizes = [8, 16], strides = [1, 1]} : vector<8x4096xf32> to vector<8x16xf32>
    %concatenate3A_4068 = tpu.concatenate %slice3A_4066, %slice3A_4067 in 1 : vector<8x4080xf32>, vector<8x16xf32> -> vector<8x4096xf32>
    %slice3A_4069 = vector.extract_strided_slice %select_n3A_4064 {offsets = [0, 4080], sizes = [8, 16], strides = [1, 1]} : vector<8x4096xf32> to vector<8x16xf32>
    %slice3A_4070 = vector.extract_strided_slice %select_n3A_4064 {offsets = [0, 0], sizes = [8, 4080], strides = [1, 1]} : vector<8x4096xf32> to vector<8x4080xf32>
    %concatenate3A_4071 = tpu.concatenate %slice3A_4069, %slice3A_4070 in 1 : vector<8x16xf32>, vector<8x4080xf32> -> vector<8x4096xf32>
    %slice3A_4072 = vector.extract_strided_slice %select_n3A_4065 {offsets = [0, 16], sizes = [8, 4080], strides = [1, 1]} : vector<8x4096xf32> to vector<8x4080xf32>
    %slice3A_4073 = vector.extract_strided_slice %select_n3A_4065 {offsets = [0, 0], sizes = [8, 16], strides = [1, 1]} : vector<8x4096xf32> to vector<8x16xf32>
    %concatenate3A_4074 = tpu.concatenate %slice3A_4072, %slice3A_4073 in 1 : vector<8x4080xf32>, vector<8x16xf32> -> vector<8x4096xf32>
    %slice3A_4075 = vector.extract_strided_slice %select_n3A_4065 {offsets = [0, 4080], sizes = [8, 16], strides = [1, 1]} : vector<8x4096xf32> to vector<8x16xf32>
    %slice3A_4076 = vector.extract_strided_slice %select_n3A_4065 {offsets = [0, 0], sizes = [8, 4080], strides = [1, 1]} : vector<8x4096xf32> to vector<8x4080xf32>
    %concatenate3A_4077 = tpu.concatenate %slice3A_4075, %slice3A_4076 in 1 : vector<8x16xf32>, vector<8x4080xf32> -> vector<8x4096xf32>
    %and3A_4078 = arith.constant 16 : i32
    %and3A_4079 = vector.broadcast %and3A_4078 : i32 to vector<8x4096xi32>
    %and3A_4080 = arith.andi %add3A_44, %and3A_4079 : vector<8x4096xi32>
    %ne3A_4081 = arith.constant 0 : i32
    %ne3A_4082 = vector.broadcast %ne3A_4081 : i32 to vector<8x4096xi32>
    %ne3A_4083 = arith.cmpi ne, %and3A_4080, %ne3A_4082 : vector<8x4096xi32>
    %and3A_4084 = arith.constant 32768 : i32
    %and3A_4085 = vector.broadcast %and3A_4084 : i32 to vector<8x4096xi32>
    %and3A_4086 = arith.andi %add3A_44, %and3A_4085 : vector<8x4096xi32>
    %ne3A_4087 = arith.constant 0 : i32
    %ne3A_4088 = vector.broadcast %ne3A_4087 : i32 to vector<8x4096xi32>
    %ne3A_4089 = arith.cmpi ne, %and3A_4086, %ne3A_4088 : vector<8x4096xi32>
    %select_n3A_4090 = arith.select %ne3A_4083, %concatenate3A_4071, %concatenate3A_4068 : vector<8x4096xi1>, vector<8x4096xf32>
    %select_n3A_4091 = arith.select %ne3A_4083, %concatenate3A_4077, %concatenate3A_4074 : vector<8x4096xi1>, vector<8x4096xf32>
    %gt3A_4092 = arith.cmpf ogt, %select_n3A_4090, %select_n3A_4064 : vector<8x4096xf32>
    %eq3A_4093 = arith.cmpf oeq, %select_n3A_4090, %select_n3A_4064 : vector<8x4096xf32>
    %lt3A_4094 = arith.cmpf olt, %select_n3A_4091, %select_n3A_4065 : vector<8x4096xf32>
    %and3A_4095 = arith.andi %eq3A_4093, %lt3A_4094 : vector<8x4096xi1>
    %or3A_4096 = arith.ori %gt3A_4092, %and3A_4095 : vector<8x4096xi1>
    %xor3A_4097 = arith.xori %or3A_4096, %ne3A_4083 : vector<8x4096xi1>
    %xor3A_4098 = arith.xori %xor3A_4097, %ne3A_4089 : vector<8x4096xi1>
    %select_n3A_4099 = arith.select %xor3A_4098, %select_n3A_4090, %select_n3A_4064 : vector<8x4096xi1>, vector<8x4096xf32>
    %select_n3A_4100 = arith.select %xor3A_4098, %select_n3A_4091, %select_n3A_4065 : vector<8x4096xi1>, vector<8x4096xf32>
    %slice3A_4101 = vector.extract_strided_slice %select_n3A_4099 {offsets = [0, 8], sizes = [8, 4088], strides = [1, 1]} : vector<8x4096xf32> to vector<8x4088xf32>
    %slice3A_4102 = vector.extract_strided_slice %select_n3A_4099 {offsets = [0, 0], sizes = [8, 8], strides = [1, 1]} : vector<8x4096xf32> to vector<8x8xf32>
    %concatenate3A_4103 = tpu.concatenate %slice3A_4101, %slice3A_4102 in 1 : vector<8x4088xf32>, vector<8x8xf32> -> vector<8x4096xf32>
    %slice3A_4104 = vector.extract_strided_slice %select_n3A_4099 {offsets = [0, 4088], sizes = [8, 8], strides = [1, 1]} : vector<8x4096xf32> to vector<8x8xf32>
    %slice3A_4105 = vector.extract_strided_slice %select_n3A_4099 {offsets = [0, 0], sizes = [8, 4088], strides = [1, 1]} : vector<8x4096xf32> to vector<8x4088xf32>
    %concatenate3A_4106 = tpu.concatenate %slice3A_4104, %slice3A_4105 in 1 : vector<8x8xf32>, vector<8x4088xf32> -> vector<8x4096xf32>
    %slice3A_4107 = vector.extract_strided_slice %select_n3A_4100 {offsets = [0, 8], sizes = [8, 4088], strides = [1, 1]} : vector<8x4096xf32> to vector<8x4088xf32>
    %slice3A_4108 = vector.extract_strided_slice %select_n3A_4100 {offsets = [0, 0], sizes = [8, 8], strides = [1, 1]} : vector<8x4096xf32> to vector<8x8xf32>
    %concatenate3A_4109 = tpu.concatenate %slice3A_4107, %slice3A_4108 in 1 : vector<8x4088xf32>, vector<8x8xf32> -> vector<8x4096xf32>
    %slice3A_4110 = vector.extract_strided_slice %select_n3A_4100 {offsets = [0, 4088], sizes = [8, 8], strides = [1, 1]} : vector<8x4096xf32> to vector<8x8xf32>
    %slice3A_4111 = vector.extract_strided_slice %select_n3A_4100 {offsets = [0, 0], sizes = [8, 4088], strides = [1, 1]} : vector<8x4096xf32> to vector<8x4088xf32>
    %concatenate3A_4112 = tpu.concatenate %slice3A_4110, %slice3A_4111 in 1 : vector<8x8xf32>, vector<8x4088xf32> -> vector<8x4096xf32>
    %and3A_4113 = arith.constant 8 : i32
    %and3A_4114 = vector.broadcast %and3A_4113 : i32 to vector<8x4096xi32>
    %and3A_4115 = arith.andi %add3A_44, %and3A_4114 : vector<8x4096xi32>
    %ne3A_4116 = arith.constant 0 : i32
    %ne3A_4117 = vector.broadcast %ne3A_4116 : i32 to vector<8x4096xi32>
    %ne3A_4118 = arith.cmpi ne, %and3A_4115, %ne3A_4117 : vector<8x4096xi32>
    %and3A_4119 = arith.constant 32768 : i32
    %and3A_4120 = vector.broadcast %and3A_4119 : i32 to vector<8x4096xi32>
    %and3A_4121 = arith.andi %add3A_44, %and3A_4120 : vector<8x4096xi32>
    %ne3A_4122 = arith.constant 0 : i32
    %ne3A_4123 = vector.broadcast %ne3A_4122 : i32 to vector<8x4096xi32>
    %ne3A_4124 = arith.cmpi ne, %and3A_4121, %ne3A_4123 : vector<8x4096xi32>
    %select_n3A_4125 = arith.select %ne3A_4118, %concatenate3A_4106, %concatenate3A_4103 : vector<8x4096xi1>, vector<8x4096xf32>
    %select_n3A_4126 = arith.select %ne3A_4118, %concatenate3A_4112, %concatenate3A_4109 : vector<8x4096xi1>, vector<8x4096xf32>
    %gt3A_4127 = arith.cmpf ogt, %select_n3A_4125, %select_n3A_4099 : vector<8x4096xf32>
    %eq3A_4128 = arith.cmpf oeq, %select_n3A_4125, %select_n3A_4099 : vector<8x4096xf32>
    %lt3A_4129 = arith.cmpf olt, %select_n3A_4126, %select_n3A_4100 : vector<8x4096xf32>
    %and3A_4130 = arith.andi %eq3A_4128, %lt3A_4129 : vector<8x4096xi1>
    %or3A_4131 = arith.ori %gt3A_4127, %and3A_4130 : vector<8x4096xi1>
    %xor3A_4132 = arith.xori %or3A_4131, %ne3A_4118 : vector<8x4096xi1>
    %xor3A_4133 = arith.xori %xor3A_4132, %ne3A_4124 : vector<8x4096xi1>
    %select_n3A_4134 = arith.select %xor3A_4133, %select_n3A_4125, %select_n3A_4099 : vector<8x4096xi1>, vector<8x4096xf32>
    %select_n3A_4135 = arith.select %xor3A_4133, %select_n3A_4126, %select_n3A_4100 : vector<8x4096xi1>, vector<8x4096xf32>
    %slice3A_4136 = vector.extract_strided_slice %select_n3A_4134 {offsets = [0, 4], sizes = [8, 4092], strides = [1, 1]} : vector<8x4096xf32> to vector<8x4092xf32>
    %slice3A_4137 = vector.extract_strided_slice %select_n3A_4134 {offsets = [0, 0], sizes = [8, 4], strides = [1, 1]} : vector<8x4096xf32> to vector<8x4xf32>
    %concatenate3A_4138 = tpu.concatenate %slice3A_4136, %slice3A_4137 in 1 : vector<8x4092xf32>, vector<8x4xf32> -> vector<8x4096xf32>
    %slice3A_4139 = vector.extract_strided_slice %select_n3A_4134 {offsets = [0, 4092], sizes = [8, 4], strides = [1, 1]} : vector<8x4096xf32> to vector<8x4xf32>
    %slice3A_4140 = vector.extract_strided_slice %select_n3A_4134 {offsets = [0, 0], sizes = [8, 4092], strides = [1, 1]} : vector<8x4096xf32> to vector<8x4092xf32>
    %concatenate3A_4141 = tpu.concatenate %slice3A_4139, %slice3A_4140 in 1 : vector<8x4xf32>, vector<8x4092xf32> -> vector<8x4096xf32>
    %slice3A_4142 = vector.extract_strided_slice %select_n3A_4135 {offsets = [0, 4], sizes = [8, 4092], strides = [1, 1]} : vector<8x4096xf32> to vector<8x4092xf32>
    %slice3A_4143 = vector.extract_strided_slice %select_n3A_4135 {offsets = [0, 0], sizes = [8, 4], strides = [1, 1]} : vector<8x4096xf32> to vector<8x4xf32>
    %concatenate3A_4144 = tpu.concatenate %slice3A_4142, %slice3A_4143 in 1 : vector<8x4092xf32>, vector<8x4xf32> -> vector<8x4096xf32>
    %slice3A_4145 = vector.extract_strided_slice %select_n3A_4135 {offsets = [0, 4092], sizes = [8, 4], strides = [1, 1]} : vector<8x4096xf32> to vector<8x4xf32>
    %slice3A_4146 = vector.extract_strided_slice %select_n3A_4135 {offsets = [0, 0], sizes = [8, 4092], strides = [1, 1]} : vector<8x4096xf32> to vector<8x4092xf32>
    %concatenate3A_4147 = tpu.concatenate %slice3A_4145, %slice3A_4146 in 1 : vector<8x4xf32>, vector<8x4092xf32> -> vector<8x4096xf32>
    %and3A_4148 = arith.constant 4 : i32
    %and3A_4149 = vector.broadcast %and3A_4148 : i32 to vector<8x4096xi32>
    %and3A_4150 = arith.andi %add3A_44, %and3A_4149 : vector<8x4096xi32>
    %ne3A_4151 = arith.constant 0 : i32
    %ne3A_4152 = vector.broadcast %ne3A_4151 : i32 to vector<8x4096xi32>
    %ne3A_4153 = arith.cmpi ne, %and3A_4150, %ne3A_4152 : vector<8x4096xi32>
    %and3A_4154 = arith.constant 32768 : i32
    %and3A_4155 = vector.broadcast %and3A_4154 : i32 to vector<8x4096xi32>
    %and3A_4156 = arith.andi %add3A_44, %and3A_4155 : vector<8x4096xi32>
    %ne3A_4157 = arith.constant 0 : i32
    %ne3A_4158 = vector.broadcast %ne3A_4157 : i32 to vector<8x4096xi32>
    %ne3A_4159 = arith.cmpi ne, %and3A_4156, %ne3A_4158 : vector<8x4096xi32>
    %select_n3A_4160 = arith.select %ne3A_4153, %concatenate3A_4141, %concatenate3A_4138 : vector<8x4096xi1>, vector<8x4096xf32>
    %select_n3A_4161 = arith.select %ne3A_4153, %concatenate3A_4147, %concatenate3A_4144 : vector<8x4096xi1>, vector<8x4096xf32>
    %gt3A_4162 = arith.cmpf ogt, %select_n3A_4160, %select_n3A_4134 : vector<8x4096xf32>
    %eq3A_4163 = arith.cmpf oeq, %select_n3A_4160, %select_n3A_4134 : vector<8x4096xf32>
    %lt3A_4164 = arith.cmpf olt, %select_n3A_4161, %select_n3A_4135 : vector<8x4096xf32>
    %and3A_4165 = arith.andi %eq3A_4163, %lt3A_4164 : vector<8x4096xi1>
    %or3A_4166 = arith.ori %gt3A_4162, %and3A_4165 : vector<8x4096xi1>
    %xor3A_4167 = arith.xori %or3A_4166, %ne3A_4153 : vector<8x4096xi1>
    %xor3A_4168 = arith.xori %xor3A_4167, %ne3A_4159 : vector<8x4096xi1>
    %select_n3A_4169 = arith.select %xor3A_4168, %select_n3A_4160, %select_n3A_4134 : vector<8x4096xi1>, vector<8x4096xf32>
    %select_n3A_4170 = arith.select %xor3A_4168, %select_n3A_4161, %select_n3A_4135 : vector<8x4096xi1>, vector<8x4096xf32>
    %slice3A_4171 = vector.extract_strided_slice %select_n3A_4169 {offsets = [0, 2], sizes = [8, 4094], strides = [1, 1]} : vector<8x4096xf32> to vector<8x4094xf32>
    %slice3A_4172 = vector.extract_strided_slice %select_n3A_4169 {offsets = [0, 0], sizes = [8, 2], strides = [1, 1]} : vector<8x4096xf32> to vector<8x2xf32>
    %concatenate3A_4173 = tpu.concatenate %slice3A_4171, %slice3A_4172 in 1 : vector<8x4094xf32>, vector<8x2xf32> -> vector<8x4096xf32>
    %slice3A_4174 = vector.extract_strided_slice %select_n3A_4169 {offsets = [0, 4094], sizes = [8, 2], strides = [1, 1]} : vector<8x4096xf32> to vector<8x2xf32>
    %slice3A_4175 = vector.extract_strided_slice %select_n3A_4169 {offsets = [0, 0], sizes = [8, 4094], strides = [1, 1]} : vector<8x4096xf32> to vector<8x4094xf32>
    %concatenate3A_4176 = tpu.concatenate %slice3A_4174, %slice3A_4175 in 1 : vector<8x2xf32>, vector<8x4094xf32> -> vector<8x4096xf32>
    %slice3A_4177 = vector.extract_strided_slice %select_n3A_4170 {offsets = [0, 2], sizes = [8, 4094], strides = [1, 1]} : vector<8x4096xf32> to vector<8x4094xf32>
    %slice3A_4178 = vector.extract_strided_slice %select_n3A_4170 {offsets = [0, 0], sizes = [8, 2], strides = [1, 1]} : vector<8x4096xf32> to vector<8x2xf32>
    %concatenate3A_4179 = tpu.concatenate %slice3A_4177, %slice3A_4178 in 1 : vector<8x4094xf32>, vector<8x2xf32> -> vector<8x4096xf32>
    %slice3A_4180 = vector.extract_strided_slice %select_n3A_4170 {offsets = [0, 4094], sizes = [8, 2], strides = [1, 1]} : vector<8x4096xf32> to vector<8x2xf32>
    %slice3A_4181 = vector.extract_strided_slice %select_n3A_4170 {offsets = [0, 0], sizes = [8, 4094], strides = [1, 1]} : vector<8x4096xf32> to vector<8x4094xf32>
    %concatenate3A_4182 = tpu.concatenate %slice3A_4180, %slice3A_4181 in 1 : vector<8x2xf32>, vector<8x4094xf32> -> vector<8x4096xf32>
    %and3A_4183 = arith.constant 2 : i32
    %and3A_4184 = vector.broadcast %and3A_4183 : i32 to vector<8x4096xi32>
    %and3A_4185 = arith.andi %add3A_44, %and3A_4184 : vector<8x4096xi32>
    %ne3A_4186 = arith.constant 0 : i32
    %ne3A_4187 = vector.broadcast %ne3A_4186 : i32 to vector<8x4096xi32>
    %ne3A_4188 = arith.cmpi ne, %and3A_4185, %ne3A_4187 : vector<8x4096xi32>
    %and3A_4189 = arith.constant 32768 : i32
    %and3A_4190 = vector.broadcast %and3A_4189 : i32 to vector<8x4096xi32>
    %and3A_4191 = arith.andi %add3A_44, %and3A_4190 : vector<8x4096xi32>
    %ne3A_4192 = arith.constant 0 : i32
    %ne3A_4193 = vector.broadcast %ne3A_4192 : i32 to vector<8x4096xi32>
    %ne3A_4194 = arith.cmpi ne, %and3A_4191, %ne3A_4193 : vector<8x4096xi32>
    %select_n3A_4195 = arith.select %ne3A_4188, %concatenate3A_4176, %concatenate3A_4173 : vector<8x4096xi1>, vector<8x4096xf32>
    %select_n3A_4196 = arith.select %ne3A_4188, %concatenate3A_4182, %concatenate3A_4179 : vector<8x4096xi1>, vector<8x4096xf32>
    %gt3A_4197 = arith.cmpf ogt, %select_n3A_4195, %select_n3A_4169 : vector<8x4096xf32>
    %eq3A_4198 = arith.cmpf oeq, %select_n3A_4195, %select_n3A_4169 : vector<8x4096xf32>
    %lt3A_4199 = arith.cmpf olt, %select_n3A_4196, %select_n3A_4170 : vector<8x4096xf32>
    %and3A_4200 = arith.andi %eq3A_4198, %lt3A_4199 : vector<8x4096xi1>
    %or3A_4201 = arith.ori %gt3A_4197, %and3A_4200 : vector<8x4096xi1>
    %xor3A_4202 = arith.xori %or3A_4201, %ne3A_4188 : vector<8x4096xi1>
    %xor3A_4203 = arith.xori %xor3A_4202, %ne3A_4194 : vector<8x4096xi1>
    %select_n3A_4204 = arith.select %xor3A_4203, %select_n3A_4195, %select_n3A_4169 : vector<8x4096xi1>, vector<8x4096xf32>
    %select_n3A_4205 = arith.select %xor3A_4203, %select_n3A_4196, %select_n3A_4170 : vector<8x4096xi1>, vector<8x4096xf32>
    %slice3A_4206 = vector.extract_strided_slice %select_n3A_4204 {offsets = [0, 1], sizes = [8, 4095], strides = [1, 1]} : vector<8x4096xf32> to vector<8x4095xf32>
    %slice3A_4207 = vector.extract_strided_slice %select_n3A_4204 {offsets = [0, 0], sizes = [8, 1], strides = [1, 1]} : vector<8x4096xf32> to vector<8x1xf32>
    %concatenate3A_4208 = tpu.concatenate %slice3A_4206, %slice3A_4207 in 1 : vector<8x4095xf32>, vector<8x1xf32> -> vector<8x4096xf32>
    %slice3A_4209 = vector.extract_strided_slice %select_n3A_4204 {offsets = [0, 4095], sizes = [8, 1], strides = [1, 1]} : vector<8x4096xf32> to vector<8x1xf32>
    %slice3A_4210 = vector.extract_strided_slice %select_n3A_4204 {offsets = [0, 0], sizes = [8, 4095], strides = [1, 1]} : vector<8x4096xf32> to vector<8x4095xf32>
    %concatenate3A_4211 = tpu.concatenate %slice3A_4209, %slice3A_4210 in 1 : vector<8x1xf32>, vector<8x4095xf32> -> vector<8x4096xf32>
    %slice3A_4212 = vector.extract_strided_slice %select_n3A_4205 {offsets = [0, 1], sizes = [8, 4095], strides = [1, 1]} : vector<8x4096xf32> to vector<8x4095xf32>
    %slice3A_4213 = vector.extract_strided_slice %select_n3A_4205 {offsets = [0, 0], sizes = [8, 1], strides = [1, 1]} : vector<8x4096xf32> to vector<8x1xf32>
    %concatenate3A_4214 = tpu.concatenate %slice3A_4212, %slice3A_4213 in 1 : vector<8x4095xf32>, vector<8x1xf32> -> vector<8x4096xf32>
    %slice3A_4215 = vector.extract_strided_slice %select_n3A_4205 {offsets = [0, 4095], sizes = [8, 1], strides = [1, 1]} : vector<8x4096xf32> to vector<8x1xf32>
    %slice3A_4216 = vector.extract_strided_slice %select_n3A_4205 {offsets = [0, 0], sizes = [8, 4095], strides = [1, 1]} : vector<8x4096xf32> to vector<8x4095xf32>
    %concatenate3A_4217 = tpu.concatenate %slice3A_4215, %slice3A_4216 in 1 : vector<8x1xf32>, vector<8x4095xf32> -> vector<8x4096xf32>
    %and3A_4218 = arith.constant 1 : i32
    %and3A_4219 = vector.broadcast %and3A_4218 : i32 to vector<8x4096xi32>
    %and3A_4220 = arith.andi %add3A_44, %and3A_4219 : vector<8x4096xi32>
    %ne3A_4221 = arith.constant 0 : i32
    %ne3A_4222 = vector.broadcast %ne3A_4221 : i32 to vector<8x4096xi32>
    %ne3A_4223 = arith.cmpi ne, %and3A_4220, %ne3A_4222 : vector<8x4096xi32>
    %and3A_4224 = arith.constant 32768 : i32
    %and3A_4225 = vector.broadcast %and3A_4224 : i32 to vector<8x4096xi32>
    %and3A_4226 = arith.andi %add3A_44, %and3A_4225 : vector<8x4096xi32>
    %ne3A_4227 = arith.constant 0 : i32
    %ne3A_4228 = vector.broadcast %ne3A_4227 : i32 to vector<8x4096xi32>
    %ne3A_4229 = arith.cmpi ne, %and3A_4226, %ne3A_4228 : vector<8x4096xi32>
    %select_n3A_4230 = arith.select %ne3A_4223, %concatenate3A_4211, %concatenate3A_4208 : vector<8x4096xi1>, vector<8x4096xf32>
    %select_n3A_4231 = arith.select %ne3A_4223, %concatenate3A_4217, %concatenate3A_4214 : vector<8x4096xi1>, vector<8x4096xf32>
    %gt3A_4232 = arith.cmpf ogt, %select_n3A_4230, %select_n3A_4204 : vector<8x4096xf32>
    %eq3A_4233 = arith.cmpf oeq, %select_n3A_4230, %select_n3A_4204 : vector<8x4096xf32>
    %lt3A_4234 = arith.cmpf olt, %select_n3A_4231, %select_n3A_4205 : vector<8x4096xf32>
    %and3A_4235 = arith.andi %eq3A_4233, %lt3A_4234 : vector<8x4096xi1>
    %or3A_4236 = arith.ori %gt3A_4232, %and3A_4235 : vector<8x4096xi1>
    %xor3A_4237 = arith.xori %or3A_4236, %ne3A_4223 : vector<8x4096xi1>
    %xor3A_4238 = arith.xori %xor3A_4237, %ne3A_4229 : vector<8x4096xi1>
    %select_n3A_4239 = arith.select %xor3A_4238, %select_n3A_4231, %select_n3A_4205 : vector<8x4096xi1>, vector<8x4096xf32>
    %convert_element_type3A_4240 = arith.fptosi %select_n3A_4239 : vector<8x4096xf32> to vector<8x4096xi32>
    %min3A = arith.constant 19999 : i32
    %min3A_4241 = vector.broadcast %min3A : i32 to vector<8x4096xi32>
    %min3A_4242 = arith.minsi %convert_element_type3A_4240, %min3A_4241 : vector<8x4096xi32>
    %swap3A_4243 = arith.constant 0 : index
    %swap3A_4244 = arith.constant 0 : index
    %swap3A_4245 = vector.load %arg3[%swap3A_4243, %swap3A_4244] : memref<8x4096xi32, #tpu.memory_space<vmem>>, vector<8x4096xi32>
    tpu.vector_store %arg3[%swap3A_4243, %swap3A_4244], %min3A_4242 {strides = array<i32>} : memref<8x4096xi32, #tpu.memory_space<vmem>>, vector<8x4096xi32>,
    return
  }
  func.func @transform_0(%arg0: i32) -> (i32, i32) {
    %c0_i32 = arith.constant 0 : i32
    %c0_i32_0 = arith.constant 0 : i32
    %c0_i32_1 = arith.constant 0 : i32
    return %c0_i32, %c0_i32_0 : i32, i32
  }
  func.func @transform_1(%arg0: i32) -> (i32, i32) {
    %c0_i32 = arith.constant 0 : i32
    %c0_i32_0 = arith.constant 0 : i32
    %c0_i32_1 = arith.constant 0 : i32
    return %c0_i32, %c0_i32_0 : i32, i32
  }
  func.func @transform_2(%arg0: i32) -> (i32, i32) {
    %c0_i32 = arith.constant 0 : i32
    %c0_i32_0 = arith.constant 0 : i32
    %c0_i32_1 = arith.constant 0 : i32
    return %c0_i32, %c0_i32_0 : i32, i32
  }
}

</mosaic_0001>

<sc_bundles>
// kernel: kernel.4.cloned.1.call-start
scs
__scs_entry_jumppad:
0x0: {  	(pc) =	sbr.rel $0x88, $3  }
0x1: {  	(tag) =	ssettag $0x0;
	lr =	simm.s32 $0x1  }
0x2: {  	[smem:$0x3FA0] =	sst lr;
	_ =	strace $0xD0000000  }
0x3: {  	_ = 	snop  }
0x4: {  	_ = 	snop  }
0x5: {  	_ = 	snop  }
0x6: {  	_ = 	snop  }
0x7: {  	_ = 	snop  }
__scs_overlays_trampoline_lowered:
0x8: {  	[smem:$0x3FAF] =	sst s0  }
0x9: {  	[smem:$0x3FB0] =	sst s1  }
0xa: {  	[smem:$0x3FB1] =	sst s2  }
0xb: {  	[smem:$0x3FB2] =	sst s3  }
0xc: {  	[smem:$0x3FB3] =	sst s4  }
0xd: {  	[smem:$0x3FB4] =	sst s5  }
0xe: {  	[smem:$0x3FB5] =	sst s6  }
0xf: {  	[smem:$0x3FB6] =	sst s7  }
0x10: {  	[smem:$0x3FB7] =	sst s8  }
0x11: {  	[smem:$0x3FB8] =	sst s9;
	s0 =	simm.s32 @!p0 $0x0  }
0x12: {  	s1 =	sld [smem:$0x3F9E];
	s0 =	simm.s32 @p0 $0x1  }
0x13: {  	[smem:$0x3FB9] =	sst s0;
	s0 =	simm.s32 @!p1 $0x0  }
0x14: {  	s2 =	sld [smem:$0x3F9D];
	s0 =	simm.s32 @p1 $0x1  }
0x15: {  	[smem:$0x3FBA] =	sst s0;
	s0 =	simm.s32 @!p2 $0x0  }
0x16: {  	s3 =	sld [smem:$0x3FDB];
	s0 =	simm.s32 @p2 $0x1  }
0x17: {  	s4 =	simm.s32 $0x1BF5;
	[smem:$0x3FBC] =	sst s0  }
0x18: {  	s0 =	sld [smem:$0x3F9F];
	_ =	swait.ge [sflag:s4], $0x0  }
0x19: {  	s7 =	sld [smem:$0x3FA0]  }
0x1a: {  	s8 =	sadd.s32 $0xFFFFE003, lr  }
0x1b: {  	s9 =	sadd.s32 $0xFFFFFEF7, lr;
	s5 =	simm.s32 $0xFFFFFFFF;
	p2 =	slt.u32 s8, $0xFFFFF086  }
0x1c: {  	p1 =	slt.u32 s9, $0xF7A;
	s5 =	simm.s32 @!p2 $0x0  }
0x1d: {  	s5 =	simm.s32 @p1 $0x1;
	p0 =	seq.s32 s7, s2  }
0x1e: {  	s7 =	smul.u32 @!p0 $0xF7A, s2;
	p2 =	seq.s32 @!p0 s5, $0x0  }
0x1f: {  	s9 =	smul.u32 $0xF7A, s1;
	s8 =	simm.s32 @!p0 $0x1BF5;
	p2 =	por !p2, p0  }
0x20: {  	[sflag:s8] =	ssyncset.s32 @!p0 $0xFFFFF086;
	s6 =	sadd.s32 @!p0 s3, s7;
	s7 =	simm.s32 @!p0 $0x108  }
0x21: {  	s3 =	sadd.s32 s3, s9;
	s6 =	sadd.s32 @!p0 $0x88, s6;
	s7 =	simm.s32 @p2 $0x1082  }
0x22: {  	[simem:s7], [sflag:s8] =	dma.local @!p0 [hbm:s6], $0xF7A  }
0x23: {  	s9 =	sor.u32 $0xD0000000, s2;
	s6 =	simm.s32 $0x108;
	_ =	swait.ge @!p0 [sflag:s8], $0x0  }
0x24: {  	s3 =	sadd.s32 $0x88, s3;
	s6 =	simm.s32 @!p1 $0x1082;
	[sflag:s4] =	ssyncset.s32 $0xFFFFF086  }
0x25: {  	[simem:s6], [sflag:s4] =	dma.local [hbm:s3], $0xF7A  }
0x26: {  	[smem:$0x3FA0] =	sst s1;
	(tag) =	ssettag s2;
	_ =	strace s9  }
0x27: {  	s1 =	sld [smem:$0x3FB0]  }
0x28: {  	s2 =	sld [smem:$0x3FB1]  }
0x29: {  	s4 =	sld [smem:$0x3FB3]  }
0x2a: {  	p0 =	seq.s32 s5, $0x0;
	s5 =	sld [smem:$0x3FB4]  }
0x2b: {  	s6 =	sld [smem:$0x3FB5]  }
0x2c: {  	s7 =	sld [smem:$0x3FB6]  }
0x2d: {  	s3 =	simm.s32 $0x108;
	s8 =	sld [smem:$0x3FB7]  }
0x2e: {  	s3 =	simm.s32 @!p0 $0x1082;
	s9 =	sld [smem:$0x3FB8]  }
0x2f: {  	lr =	sadd.s32 s0, s3;
	s0 =	sld [smem:$0x3FAF]  }
0x30: {  	s3 =	sld [smem:$0x3FB2]  }
0x31: {  	[smem:$0x3FBB] =	sst s10  }
0x32: {  	s10 =	sld [smem:$0x3FB9];
	_ =	sdelay $0x3  }
0x33: {  	p0 =	seq.s32 s10, $0x1;
	s10 =	sld [smem:$0x3FBB];
	_ =	sdelay $0x3  }
0x34: {  	[smem:$0x3FBB] =	sst s10  }
0x35: {  	s10 =	sld [smem:$0x3FBA];
	_ =	sdelay $0x3  }
0x36: {  	p1 =	seq.s32 s10, $0x1;
	s10 =	sld [smem:$0x3FBB];
	_ =	sdelay $0x3  }
0x37: {  	[smem:$0x3FBB] =	sst s10  }
0x38: {  	s10 =	sld [smem:$0x3FBC]  }
0x39: {  	_ = 	snop;
	(pc) =	sbr.ind lr, $3  }
0x3a: {  	_ = 	snop  }
0x3b: {  	_ = 	snop  }
0x3c: {  	p2 =	seq.s32 s10, $0x1;
	s10 =	sld [smem:$0x3FBB]  }
0x3d: {  	_ =	shalt  }
0x3e: {  	_ =	shalt  }
0x3f: {  	_ =	shalt  }
0x40: {  	_ =	shalt  }
0x41: {  	_ =	shalt  }
0x42: {  	_ =	shalt  }
0x43: {  	_ =	shalt  }
0x44: {  	_ =	shalt  }
0x45: {  	_ =	shalt  }
0x46: {  	_ =	shalt  }
0x47: {  	_ =	shalt  }
0x48: {  	_ =	shalt  }
0x49: {  	_ =	shalt  }
0x4a: {  	_ =	shalt  }
0x4b: {  	_ =	shalt  }
0x4c: {  	_ =	shalt  }
0x4d: {  	_ =	shalt  }
0x4e: {  	_ =	shalt  }
0x4f: {  	_ =	shalt  }
0x50: {  	_ =	shalt  }
0x51: {  	_ =	shalt  }
0x52: {  	_ =	shalt  }
0x53: {  	_ =	shalt  }
0x54: {  	_ =	shalt  }
0x55: {  	_ =	shalt  }
0x56: {  	_ =	shalt  }
0x57: {  	_ =	shalt  }
0x58: {  	_ =	shalt  }
0x59: {  	_ =	shalt  }
0x5a: {  	_ =	shalt  }
0x5b: {  	_ =	shalt  }
0x5c: {  	_ =	shalt  }
0x5d: {  	_ =	shalt  }
0x5e: {  	_ =	shalt  }
0x5f: {  	_ =	shalt  }
0x60: {  	_ =	shalt  }
0x61: {  	_ =	shalt  }
0x62: {  	_ =	shalt  }
0x63: {  	_ =	shalt  }
0x64: {  	_ =	shalt  }
0x65: {  	_ =	shalt  }
0x66: {  	_ =	shalt  }
0x67: {  	_ =	shalt  }
0x68: {  	_ =	shalt  }
0x69: {  	_ =	shalt  }
0x6a: {  	_ =	shalt  }
0x6b: {  	_ =	shalt  }
0x6c: {  	_ =	shalt  }
0x6d: {  	_ =	shalt  }
0x6e: {  	_ =	shalt  }
0x6f: {  	_ =	shalt  }
0x70: {  	_ =	shalt  }
0x71: {  	_ =	shalt  }
0x72: {  	_ =	shalt  }
0x73: {  	_ =	shalt  }
0x74: {  	_ =	shalt  }
0x75: {  	_ =	shalt  }
0x76: {  	_ =	shalt  }
0x77: {  	_ =	shalt  }
0x78: {  	_ =	shalt  }
0x79: {  	_ =	shalt  }
0x7a: {  	_ =	shalt  }
0x7b: {  	_ =	shalt  }
0x7c: {  	_ =	shalt  }
0x7d: {  	_ =	shalt  }
0x7e: {  	_ =	shalt  }
0x7f: {  	_ =	shalt  }
0x80: {  	_ =	shalt  }
0x81: {  	_ =	shalt  }
0x82: {  	_ =	shalt  }
0x83: {  	_ =	shalt  }
0x84: {  	_ =	shalt  }
0x85: {  	_ =	shalt  }
0x86: {  	_ =	shalt  }
0x87: {  	_ =	shalt  }
.Lfunc_end0:
.L_simem_size_0:
called_computation_lowered:
.L_overlay_start_0:
0x88: {  	s2 =	sld [smem:$0x3FD9]  }
0x89: {  	s3 =	sld [smem:$0x3FFE];
	_ =	sdelay $0x1  }
0x8a: {  	s1 =	srdreg.scid  }
0x8b: {  	s0 =	sand.u32 $0x1, s1  }
0x8c: {  	s14 =	sshll.u32 s0, $0xA;
	s2 =	sadd.s32 s3, s2  }
0x8d: {  	s2 =	sadd.s32 s2, s14  }
0x8e: {  	[smem:$0x3FC7] =	sst s2  }
0x8f: {  	_ = 	snop  }
0x90: {  	s2 =	sld [smem:$0x3FD0];
	_ =	sdelay $0x2  }
0x91: {  	s15 =	simm.s32 $0xA;
	s4 =	simm.s32 $0x10  }
0x92: {  	[smem:s4], [sflag:s15] =	dma.local [hbm:s2], $0x1  }
0x93: {  	_ =	swait.eq [sflag:s15], $0x1  }
0x94: {  	[sflag:s15] =	ssyncset.done $0x0  }
0x95: {  	[sflag:s15] =	ssyncadd.s32 $0xFFFFFFFF  }
0x96: {  	s16 =	sld [smem:$0x12];
	(tm) =	ssettm $0x1  }
0x97: {  	s17 =	sld [smem:$0x3FFB];
	_ =	sdelay $0x3  }
0x98: {  	_ =	strace s17  }
0x99: {  	s3 =	sld [smem:$0x3FFC];
	_ =	sdelay $0x3  }
0x9a: {  	_ =	strace s3  }
0x9b: {  	s3 =	sld [smem:$0x3FFD];
	_ =	sdelay $0x3  }
0x9c: {  	_ =	strace s3  }
0x9d: {  	_ =	strace $0x8FFFFFFF  }
0x9e: {  	s18 =	sld [smem:$0x3FDB];
	_ =	sdelay $0x1  }
0x9f: {  	s19 =	simm.s32 $_scs_section_size  }
0xa0: {  	s5 =	simm.s32 $_size__tile_overlayer_lowered;
	s6 =	simm.s32 $_tile_overlayer_lowered  }
0xa1: {  	s22 =	simm.s32 $0x1BFF;
	s21 =	sshll.u32 s6, $0x1;
	s3 =	sadd.s32 s19, s18  }
0xa2: {  	s7 =	simm.s32 $0x0;
	s20 =	sshll.u32 s5, $0x1;
	s5 =	sadd.s32 s21, s3  }
0xa3: {  	[timem:s7], [sflag:s22] =	dma.local [hbm:s5], s20  }
0xa4: {  	_ =	swait.ge [sflag:s22], s20  }
0xa5: {  	s4 =	ssub.s32 $0x0, s20;
	[sflag:s22] =	ssyncset.done $0x0  }
0xa6: {  	[sflag:s22] =	ssyncadd.s32 s4;
	_ =	sdelay $0x1  }
0xa7: {  	s23 =	simm.s32 $0x1B8B  }
0xa8: {  	_ =	swait.ge [sflag:s23], $0x1  }
0xa9: {  	[sflag:s23] =	ssyncset.done $0x0  }
0xaa: {  	s25 =	simm.s32 $0x1B8E;
	s24 =	sld [smem:$0x3FFE];
	[sflag:s23] =	ssyncadd.s32 $0xFFFFFFFF  }
0xab: {  	s26 =	simm.s32 $execute0_lowered;
	[smem:$0x3FD2] =	sst s25  }
0xac: {  	s5 =	sshll.u32 s26, $0x1;
	_ =	strace $0x80000046;
	[dreg:$0x1] =	wrdreg $0xFFFFFFFF  }
0xad: {  	s28 =	simm.s32 $_size_execute0_lowered;
	s3 =	sadd.s32 s3, s5;
	[dreg:$0x0] =	wrdreg $0x0  }
0xae: {  	s5 =	sshll.u32 s28, $0x1;
	[dreg:$0x2] =	wrdreg s3  }
0xaf: {  	[dreg:$0x3] =	wrdreg s5  }
0xb0: {  	[dreg:$0x4] =	wrdreg $0xC0  }
0xb1: {  	_ =	task [dreg:s7], $0x5FFFF  }
0xb2: {  	[dreg:$0x1] =	wrdreg $0xFFFFFFFF  }
0xb3: {  	[dreg:$0x0] =	wrdreg $0x60  }
0xb4: {  	[dreg:$0x2] =	wrdreg s24  }
0xb5: {  	[dreg:$0x3] =	wrdreg s16  }
0xb6: {  	[dreg:$0x4] =	wrdreg $0x9  }
0xb7: {  	_ =	task.clear_ibuf [dreg:s7], $0x5FFFF;
	_ =	strace $0x90000046  }
0xb8: {  	s29 =	simm.s32 $0x9;
	_ =	strace $0x80000048  }
0xb9: {  	_ =	swait.ge [sflag:s29], $0x1  }
0xba: {  	[sflag:s29] =	ssyncadd.s32 $0xFFFFFFFF  }
0xbb: {  	_ =	strace $0x90000048  }
0xbc: {  	_ =	sfence  }
0xbd: {  	s30 =	sld [smem:$0x0];
	_ =	sdelay $0x2  }
0xbe: {  	s31 =	sshll.u32 s1, $0xD;
	s1 =	sshrl.u32 s1, $0x2  }
0xbf: {  	s3 =	sand.u32 $0x4000, s31;
	s1 =	sadd.s32 s1, s30  }
0xc0: {  	s0 =	sor.u32 s3, s0;
	s1 =	sshll.u32 s1, $0x11  }
0xc1: {  	s0 =	sor.u32 s1, s0  }
0xc2: {  	s0 =	sadd.s32 $0x8F2B, s0  }
0xc3: {  	[sflag:s0] =	ssyncadd.remote.s32 $0x1  }
0xc4: {  	_ =	sfence.sel $0xFFFF  }
0xc5: {  	[dreg:$0x0] =	wrdreg $0xFFFFFFFF;
	(pc) =	sbr.abs _section_cstart, $3  }
0xc6: {  	[dreg:$0x1] =	wrdreg $0xFFFFFFFF  }
0xc7: {  	_ =	task.clear_ibuf [dreg:s7], $0x2FFFF;
	_ =	strace $0x9FFFFFFF  }
0xc8: {  	(tm) =	ssettm $0x7FFFFFFF  }
0xc9: {  	_ =	shalt  }
tec
execute0_lowered:
.L_overlay_start_1:
0x0: {  	(tag) =	ssettag $0x1  }
0x1: {  	s1 =	srdreg.scid;
	s0 =	stileid.u32  }
0x2: {  	s8 =	rddreg [dreg:$0x0];
	s16 =	sand.u32 $0x1, s1;
	s25 =	sshll.u32 s0, $0x1  }
0x3: {  	s15 =	rddreg [dreg:$0x1];
	s9 =	sor.u32 s16, s25  }
0x4: {  	s2 =	simm.s32 $0x0;
	s1 =	rddreg [dreg:$0x2];
	s3 =	smul.u32 $0x50, s9  }
0x5: {  	[smem:$0x7FF] =	sst s2  }
0x6: {  	_ =	strace $0x80000047;
	s4 =	sadd.s32 s15, s3;
	s3 =	simm.s32 $0x2  }
0x7: {  	[tilespmem:s2], [sflag:$0x2] =	stream.linear.gather [hbm4b:s4+s2], $0x80, $0x38;
	[tilespmem:$0x880] =	vst v63  }
0x8: {  	_ =	swait.ge [sflag:s3], $0x80  }
0x9: {  	s6 =	simm.s32 $0x80;
	[sflag:s3] =	ssyncset.done $0x0  }
0xa: {  	s7 =	simm.s32 $0x1;
	s5 =	sadd.s32 $0x200, s8;
	[sflag:s3] =	ssyncadd.s32 $0xFFFFFF80  }
0xb: {  	[tilespmem:s6], [sflag:$0x1] =	stream.indirect.gather [hbm4b:s5+s6], $0x10, s2, s6, $0xb8;
	[tilespmem:$0x880] =	vst v63  }
0xc: {  	s10 =	smul.u32 $0x500, s9;
	_ =	swait.ge [sflag:s7], $0x800  }
0xd: {  	s17 =	sadd.s32 $0xA000, s8;
	[sflag:s7] =	ssyncset.done $0x0  }
0xe: {  	s18 =	smul.u32 $0x280, s9;
	s8 =	sadd.s32 s17, s10;
	[sflag:s7] =	ssyncadd.s32 $0xFFFFF800  }
0xf: {  	[hbm4b:s8+s2] =	stream.linear.scatter [tilespmem:s6], [sflag:$0x2], $0x800, $0x38;
	[tilespmem:$0x880] =	vst v63  }
0x10: {  	s26 =	sadd.s32 $0x80, s18;
	_ =	swait.ge [sflag:s3], $0x800  }
0x11: {  	s28 =	sshrl.u32 s26, $0x3;
	[sflag:s3] =	ssyncset.done $0x0  }
0x12: {  	s9 =	sadd.s32 s15, s28;
	[sflag:s3] =	ssyncadd.s32 $0xFFFFF800  }
0x13: {  	[tilespmem:s2], [sflag:$0x2] =	stream.linear.gather [hbm4b:s9+s2], $0x80, $0x38;
	[tilespmem:$0x880] =	vst v63  }
0x14: {  	_ =	swait.ge [sflag:s3], $0x80  }
0x15: {  	[sflag:s3] =	ssyncset.done $0x0  }
0x16: {  	[sflag:s3] =	ssyncadd.s32 $0xFFFFFF80  }
0x17: {  	[tilespmem:s6], [sflag:$0x1] =	stream.indirect.gather [hbm4b:s5+s6], $0x10, s2, s6, $0xb8;
	[tilespmem:$0x880] =	vst v63  }
0x18: {  	_ =	swait.ge [sflag:s7], $0x800  }
0x19: {  	s10 =	sshll.u32 s26, $0x1;
	[sflag:s7] =	ssyncset.done $0x0  }
0x1a: {  	s10 =	sadd.s32 s17, s10;
	[sflag:s7] =	ssyncadd.s32 $0xFFFFF800  }
0x1b: {  	[hbm4b:s10+s2] =	stream.linear.scatter [tilespmem:s6], [sflag:$0x2], $0x800, $0x38;
	[tilespmem:$0x880] =	vst v63  }
0x1c: {  	s12 =	sadd.s32 $0x100, s18;
	_ =	swait.ge [sflag:s3], $0x800  }
0x1d: {  	s11 =	sshrl.u32 s12, $0x3;
	[sflag:s3] =	ssyncset.done $0x0  }
0x1e: {  	s11 =	sadd.s32 s15, s11;
	[sflag:s3] =	ssyncadd.s32 $0xFFFFF800  }
0x1f: {  	[tilespmem:s2], [sflag:$0x2] =	stream.linear.gather [hbm4b:s11+s2], $0x80, $0x38;
	[tilespmem:$0x880] =	vst v63  }
0x20: {  	_ =	swait.ge [sflag:s3], $0x80  }
0x21: {  	[sflag:s3] =	ssyncset.done $0x0  }
0x22: {  	[sflag:s3] =	ssyncadd.s32 $0xFFFFFF80  }
0x23: {  	[tilespmem:s6], [sflag:$0x1] =	stream.indirect.gather [hbm4b:s5+s6], $0x10, s2, s6, $0xb8;
	[tilespmem:$0x880] =	vst v63  }
0x24: {  	_ =	swait.ge [sflag:s7], $0x800  }
0x25: {  	s12 =	sshll.u32 s12, $0x1;
	[sflag:s7] =	ssyncset.done $0x0  }
0x26: {  	s12 =	sadd.s32 s17, s12;
	[sflag:s7] =	ssyncadd.s32 $0xFFFFF800  }
0x27: {  	[hbm4b:s12+s2] =	stream.linear.scatter [tilespmem:s6], [sflag:$0x2], $0x800, $0x38;
	[tilespmem:$0x880] =	vst v63  }
0x28: {  	s14 =	sadd.s32 $0x180, s18;
	_ =	swait.ge [sflag:s3], $0x800  }
0x29: {  	s13 =	sshrl.u32 s14, $0x3;
	[sflag:s3] =	ssyncset.done $0x0  }
0x2a: {  	s13 =	sadd.s32 s15, s13;
	[sflag:s3] =	ssyncadd.s32 $0xFFFFF800  }
0x2b: {  	[tilespmem:s2], [sflag:$0x2] =	stream.linear.gather [hbm4b:s13+s2], $0x80, $0x38;
	[tilespmem:$0x880] =	vst v63  }
0x2c: {  	_ =	swait.ge [sflag:s3], $0x80  }
0x2d: {  	[sflag:s3] =	ssyncset.done $0x0  }
0x2e: {  	[sflag:s3] =	ssyncadd.s32 $0xFFFFFF80  }
0x2f: {  	[tilespmem:s6], [sflag:$0x1] =	stream.indirect.gather [hbm4b:s5+s6], $0x10, s2, s6, $0xb8;
	[tilespmem:$0x880] =	vst v63  }
0x30: {  	_ =	swait.ge [sflag:s7], $0x800  }
0x31: {  	s14 =	sshll.u32 s14, $0x1;
	[sflag:s7] =	ssyncset.done $0x0  }
0x32: {  	s14 =	sadd.s32 s17, s14;
	[sflag:s7] =	ssyncadd.s32 $0xFFFFF800  }
0x33: {  	[hbm4b:s14+s2] =	stream.linear.scatter [tilespmem:s6], [sflag:$0x2], $0x800, $0x38;
	[tilespmem:$0x880] =	vst v63  }
0x34: {  	s18 =	sadd.s32 $0x200, s18;
	_ =	swait.ge [sflag:s3], $0x800  }
0x35: {  	s19 =	sshrl.u32 s18, $0x3;
	[sflag:s3] =	ssyncset.done $0x0  }
0x36: {  	s16 =	ssub.s32 $0x2, s16;
	s15 =	sadd.s32 s15, s19;
	[sflag:s3] =	ssyncadd.s32 $0xFFFFF800  }
0x37: {  	[tilespmem:s2], [sflag:$0x2] =	stream.linear.gather [hbm4b:s15+s2], $0x80, $0x38;
	[tilespmem:$0x880] =	vst v63  }
0x38: {  	s29 =	sshrl.u32 s16, $0x1;
	_ =	swait.ge [sflag:s3], $0x80  }
0x39: {  	s19 =	ssub.s32 s16, s29;
	[sflag:s3] =	ssyncset.done $0x0  }
0x3a: {  	s31 =	smax.u32 s19, $0x1;
	[sflag:s3] =	ssyncadd.s32 $0xFFFFFF80  }
0x3b: {  	[tilespmem:s6], [sflag:$0x1] =	stream.indirect.gather [hbm4b:s5+s6], $0x10, s2, s6, $0xb8;
	[tilespmem:$0x880] =	vst v63  }
0x3c: {  	p0 =	sne.s32 s31, $0x1;
	_ =	swait.ge [sflag:s7], $0x800  }
.Ltmp0:
0x3d: {  	s30 =	sshll.u32 s18, $0x1;
	[sflag:s7] =	ssyncset.done $0x0;
	(pc) =	sbr.rel @!p0 .LBB2_2-.Ltmp0, $4  }
0x3e: {  	s16 =	sadd.s32 s17, s30;
	[sflag:s7] =	ssyncadd.s32 $0xFFFFF800  }
0x3f: {  	[hbm4b:s16+s2] =	stream.linear.scatter [tilespmem:s6], [sflag:$0x2], $0x800, $0x38;
	[tilespmem:$0x880] =	vst v63  }
0x40: {  	_ =	swait.ge [sflag:s3], $0x800  }
0x41: {  	s17 =	sadd.s32 $0xFFFFFFFF, s31;
	[sflag:s3] =	ssyncset.done $0x0  }
.LBB2_1:
0x42: {  	p0 =	sne.s32 s17, $0x1;
	s17 =	sadd.s32 $0xFFFFFFFF, s17;
	[sflag:s3] =	ssyncadd.s32 $0xFFFFF800  }
0x43: {  	[tilespmem:s2], [sflag:$0x2] =	stream.linear.gather [hbm4b:s4+s2], $0x80, $0x38;
	[tilespmem:$0x880] =	vst v63  }
0x44: {  	_ =	swait.ge [sflag:s3], $0x80  }
0x45: {  	[sflag:s3] =	ssyncset.done $0x0  }
0x46: {  	[sflag:s3] =	ssyncadd.s32 $0xFFFFFF80  }
0x47: {  	[tilespmem:s6], [sflag:$0x1] =	stream.indirect.gather [hbm4b:s5+s6], $0x10, s2, s6, $0xb8;
	[tilespmem:$0x880] =	vst v63  }
0x48: {  	_ =	swait.ge [sflag:s7], $0x800  }
0x49: {  	[sflag:s7] =	ssyncset.done $0x0  }
0x4a: {  	[sflag:s7] =	ssyncadd.s32 $0xFFFFF800  }
0x4b: {  	[hbm4b:s8+s2] =	stream.linear.scatter [tilespmem:s6], [sflag:$0x2], $0x800, $0x38;
	[tilespmem:$0x880] =	vst v63  }
0x4c: {  	_ =	swait.ge [sflag:s3], $0x800  }
0x4d: {  	[sflag:s3] =	ssyncset.done $0x0  }
0x4e: {  	[sflag:s3] =	ssyncadd.s32 $0xFFFFF800  }
0x4f: {  	[tilespmem:s2], [sflag:$0x2] =	stream.linear.gather [hbm4b:s9+s2], $0x80, $0x38;
	[tilespmem:$0x880] =	vst v63  }
0x50: {  	_ =	swait.ge [sflag:s3], $0x80  }
0x51: {  	[sflag:s3] =	ssyncset.done $0x0  }
0x52: {  	[sflag:s3] =	ssyncadd.s32 $0xFFFFFF80  }
0x53: {  	[tilespmem:s6], [sflag:$0x1] =	stream.indirect.gather [hbm4b:s5+s6], $0x10, s2, s6, $0xb8;
	[tilespmem:$0x880] =	vst v63  }
0x54: {  	_ =	swait.ge [sflag:s7], $0x800  }
0x55: {  	[sflag:s7] =	ssyncset.done $0x0  }
0x56: {  	[sflag:s7] =	ssyncadd.s32 $0xFFFFF800  }
0x57: {  	[hbm4b:s10+s2] =	stream.linear.scatter [tilespmem:s6], [sflag:$0x2], $0x800, $0x38;
	[tilespmem:$0x880] =	vst v63  }
0x58: {  	_ =	swait.ge [sflag:s3], $0x800  }
0x59: {  	[sflag:s3] =	ssyncset.done $0x0  }
0x5a: {  	[sflag:s3] =	ssyncadd.s32 $0xFFFFF800  }
0x5b: {  	[tilespmem:s2], [sflag:$0x2] =	stream.linear.gather [hbm4b:s11+s2], $0x80, $0x38;
	[tilespmem:$0x880] =	vst v63  }
0x5c: {  	_ =	swait.ge [sflag:s3], $0x80  }
0x5d: {  	[sflag:s3] =	ssyncset.done $0x0  }
0x5e: {  	[sflag:s3] =	ssyncadd.s32 $0xFFFFFF80  }
0x5f: {  	[tilespmem:s6], [sflag:$0x1] =	stream.indirect.gather [hbm4b:s5+s6], $0x10, s2, s6, $0xb8;
	[tilespmem:$0x880] =	vst v63  }
0x60: {  	_ =	swait.ge [sflag:s7], $0x800  }
0x61: {  	[sflag:s7] =	ssyncset.done $0x0  }
0x62: {  	[sflag:s7] =	ssyncadd.s32 $0xFFFFF800  }
0x63: {  	[hbm4b:s12+s2] =	stream.linear.scatter [tilespmem:s6], [sflag:$0x2], $0x800, $0x38;
	[tilespmem:$0x880] =	vst v63  }
0x64: {  	_ =	swait.ge [sflag:s3], $0x800  }
0x65: {  	[sflag:s3] =	ssyncset.done $0x0  }
0x66: {  	[sflag:s3] =	ssyncadd.s32 $0xFFFFF800  }
0x67: {  	[tilespmem:s2], [sflag:$0x2] =	stream.linear.gather [hbm4b:s13+s2], $0x80, $0x38;
	[tilespmem:$0x880] =	vst v63  }
0x68: {  	_ =	swait.ge [sflag:s3], $0x80  }
0x69: {  	[sflag:s3] =	ssyncset.done $0x0  }
0x6a: {  	[sflag:s3] =	ssyncadd.s32 $0xFFFFFF80  }
0x6b: {  	[tilespmem:s6], [sflag:$0x1] =	stream.indirect.gather [hbm4b:s5+s6], $0x10, s2, s6, $0xb8;
	[tilespmem:$0x880] =	vst v63  }
0x6c: {  	_ =	swait.ge [sflag:s7], $0x800  }
0x6d: {  	[sflag:s7] =	ssyncset.done $0x0  }
0x6e: {  	[sflag:s7] =	ssyncadd.s32 $0xFFFFF800  }
0x6f: {  	[hbm4b:s14+s2] =	stream.linear.scatter [tilespmem:s6], [sflag:$0x2], $0x800, $0x38;
	[tilespmem:$0x880] =	vst v63  }
0x70: {  	_ =	swait.ge [sflag:s3], $0x800  }
0x71: {  	[sflag:s3] =	ssyncset.done $0x0  }
0x72: {  	[sflag:s3] =	ssyncadd.s32 $0xFFFFF800  }
0x73: {  	[tilespmem:s2], [sflag:$0x2] =	stream.linear.gather [hbm4b:s15+s2], $0x80, $0x38;
	[tilespmem:$0x880] =	vst v63  }
0x74: {  	_ =	swait.ge [sflag:s3], $0x80  }
0x75: {  	[sflag:s3] =	ssyncset.done $0x0  }
0x76: {  	[sflag:s3] =	ssyncadd.s32 $0xFFFFFF80  }
0x77: {  	[tilespmem:s6], [sflag:$0x1] =	stream.indirect.gather [hbm4b:s5+s6], $0x10, s2, s6, $0xb8;
	[tilespmem:$0x880] =	vst v63  }
0x78: {  	_ =	swait.ge [sflag:s7], $0x800  }
.Ltmp1:
0x79: {  	[sflag:s7] =	ssyncset.done $0x0;
	(pc) =	sbr.rel @p0 .LBB2_1-.Ltmp1, $4  }
0x7a: {  	[sflag:s7] =	ssyncadd.s32 $0xFFFFF800  }
0x7b: {  	[hbm4b:s16+s2] =	stream.linear.scatter [tilespmem:s6], [sflag:$0x2], $0x800, $0x38;
	[tilespmem:$0x880] =	vst v63  }
0x7c: {  	_ =	swait.ge [sflag:s3], $0x800  }
0x7d: {  	[sflag:s3] =	ssyncset.done $0x0  }
.LBB2_2:
0x7e: {  	[sflag:s3] =	ssyncadd.s32 $0xFFFFF800  }
0x7f: {  	_ =	sfence.sel $0x180000  }
0x80: {  	[bflag:$0x0] =	sbarrier.arrive $0xFFFF  }
0x81: {  	p0 =	sne.s32 s0, $0x0;
	_ =	strace $0x90000047  }
0x82: {  	s0 =	sadd.s32 @!p0 $0x100000, s1;
	[bflag:$0x2] =	sbarrier.arrive $0xFFFF  }
0x83: {  	[sflag:s0] =	ssyncadd.tile.s32 @!p0 $0x1;
	_ =	shalt  }
.Lfunc_end2:
_tile_overlayer_lowered:
.L_overlay_start_2:
0x84: {  	(tag) =	ssettag $0x2  }
0x85: {  	s0 =	rddreg [dreg:$0x0];
	s2 =	stileid.u32  }
0x86: {  	s1 =	rddreg [dreg:$0x1];
	p0 =	sne.s32 s2, $0x0  }
0x87: {  	s3 =	rddreg [dreg:$0x2];
	[bflag:$0x3] =	sbarrier.arrive $0xFFFF;
	s2 =	simm.s32 @!p0 $0x1C02  }
0x88: {  	[timem:s3], [sflag:s2] =	dma.local @!p0 [hbm:s0], s1  }
0x89: {  	s0 =	simm.s32 @!p0 $0x2  }
0x8a: {  	_ =	swait.ge @!p0 [sflag:s0], s1  }
0x8b: {  	s1 =	ssub.s32 @!p0 $0x0, s1;
	[sflag:s0] =	ssyncset.done @!p0 $0x0  }
0x8c: {  	[sflag:s0] =	ssyncadd.s32 @!p0 s1  }
0x8d: {  	[bflag:$0x3] =	sbarrier.arrive $0xFFFF  }
0x8e: {  	_ =	shalt  }

</sc_bundles>
